<compile_context>
chip_gen: v7x
topology: tpu7x:2x2x1
jax: 0.10.2.dev20260603
libtpu: 0.0.44.dev20260713+nightly
codegen_flags: <defaults>
</compile_context>

<pallas_src>
import functools

import jax
import jax.numpy as jnp
from jax import lax
from jax.experimental import pallas as pl
from jax.experimental.pallas import tpu as pltpu
from jax.experimental.pallas import tpu_sc as plsc

N = 10000
E = 320000
FEAT = 128
H1 = 256
H2 = 128
OUT = 64

NC = 2
NS = 16
C = 128
CHUNKS = E // C
CHUNKS_PER_W = -(-CHUNKS // (NC * NS))
BLK = 200
NBLK = N // BLK
BLK_PER_SUB = -(-NBLK // NS)
ZR = 40

_HIGH = lax.Precision.HIGHEST


def _dot(a, b):
    return jnp.dot(a, b, precision=_HIGH)


def _gelu(x):
    return 0.5 * x * (1.0 + lax.erf(x * 0.7071067811865476))



EP = 2560 * C
CPW = EP // C // (NC * NS)
CH = CPW // 2
NPAD = N + 16


def _make_segsum(d):
    out_type = jax.ShapeDtypeStruct((NC, N, d), jnp.float32)
    scratch = [
        pltpu.VMEM((CH, C), jnp.int32),
        pltpu.VMEM((CH, C), jnp.int32),
        pltpu.VMEM((C, d), jnp.float32),
        pltpu.VMEM((C, d), jnp.float32),
        pltpu.VMEM((ZR, d), jnp.float32),
        pltpu.VMEM_SHARED((NPAD, d), jnp.float32),
        pltpu.SemaphoreType.DMA,
        pltpu.SemaphoreType.DMA,
    ]
    mesh = plsc.VectorSubcoreMesh(core_axis_name="c", subcore_axis_name="s")

    @functools.partial(pl.kernel, mesh=mesh, out_type=out_type,
                       scratch_types=scratch)
    def k(x_hbm, src_hbm, dst_hbm, out_hbm, idx_s, idx_d, rows0, rows1,
          zbuf, acc, sem0, sem1):
        cid = lax.axis_index("c")
        sid = lax.axis_index("s")
        wid = sid * NC + cid

        zero16 = jnp.zeros((16,), jnp.float32)

        @pl.loop(0, ZR)
        def _(r):
            for j in range(0, d, 16):
                zbuf[r, pl.ds(j, 16)] = zero16

        @pl.loop(0, BLK_PER_SUB)
        def _(t):
            b = sid + NS * t

            @pl.when(b < NBLK)
            def _():
                for kk in range(BLK // ZR):
                    r0 = b * BLK + kk * ZR
                    pltpu.sync_copy(zbuf, acc.at[pl.ds(r0, ZR)])

        plsc.subcore_barrier()

        for half in range(2):
            h0 = wid * CPW + half * CH
            pltpu.sync_copy(src_hbm.at[pl.ds(h0, CH)], idx_s)
            pltpu.sync_copy(dst_hbm.at[pl.ds(h0, CH)], idx_d)
            pltpu.async_copy(x_hbm.at[idx_s.at[0]], rows0, sem0)
            pltpu.async_copy(x_hbm.at[idx_s.at[1]], rows1, sem1)

            @pl.loop(0, CH // 2 - 1)
            def _(kk):
                j = 2 * kk
                pltpu.make_async_copy(x_hbm.at[idx_s.at[j]], rows0,
                                      sem0).wait()
                pltpu.sync_copy(rows0, acc.at[idx_d.at[j]], add=True)
                pltpu.async_copy(x_hbm.at[idx_s.at[j + 2]], rows0, sem0)
                pltpu.make_async_copy(x_hbm.at[idx_s.at[j + 1]], rows1,
                                      sem1).wait()
                pltpu.sync_copy(rows1, acc.at[idx_d.at[j + 1]], add=True)
                pltpu.async_copy(x_hbm.at[idx_s.at[j + 3]], rows1, sem1)

            pltpu.make_async_copy(x_hbm.at[idx_s.at[CH - 2]], rows0,
                                  sem0).wait()
            pltpu.sync_copy(rows0, acc.at[idx_d.at[CH - 2]], add=True)
            pltpu.make_async_copy(x_hbm.at[idx_s.at[CH - 1]], rows1,
                                  sem1).wait()
            pltpu.sync_copy(rows1, acc.at[idx_d.at[CH - 1]], add=True)

        plsc.subcore_barrier()

        @pl.loop(0, BLK_PER_SUB)
        def _(t):
            b = sid + NS * t

            @pl.when(b < NBLK)
            def _():
                r0 = b * BLK
                pltpu.sync_copy(acc.at[pl.ds(r0, BLK)],
                                out_hbm.at[cid, pl.ds(r0, BLK)])

    return k


def _make_deg():
    out_type = jax.ShapeDtypeStruct((NC, N, FEAT), jnp.float32)
    scratch = [
        pltpu.VMEM((C,), jnp.int32),
        pltpu.VMEM((C, FEAT), jnp.float32),
        pltpu.VMEM((ZR, FEAT), jnp.float32),
        pltpu.VMEM_SHARED((N, FEAT), jnp.float32),
        pltpu.SemaphoreType.DMA,
    ]
    mesh = plsc.VectorSubcoreMesh(core_axis_name="c", subcore_axis_name="s")

    @functools.partial(pl.kernel, mesh=mesh, out_type=out_type,
                       scratch_types=scratch)
    def k(dst_hbm, deg_hbm, idx_d, ones, zbuf16, dacc, sem):
        cid = lax.axis_index("c")
        sid = lax.axis_index("s")
        wid = sid * NC + cid

        zero16 = jnp.zeros((16,), jnp.float32)
        one16 = jnp.full((16,), 1.0, jnp.float32)

        @pl.loop(0, C)
        def _(r):
            for j in range(0, FEAT, 16):
                ones[r, pl.ds(j, 16)] = one16

        @pl.loop(0, ZR)
        def _(r):
            for j in range(0, FEAT, 16):
                zbuf16[r, pl.ds(j, 16)] = zero16

        @pl.loop(0, BLK_PER_SUB)
        def _(t):
            b = sid + NS * t

            @pl.when(b < NBLK)
            def _():
                for kk in range(BLK // ZR):
                    pltpu.sync_copy(zbuf16,
                                    dacc.at[pl.ds(b * BLK + kk * ZR, ZR)])

        plsc.subcore_barrier()

        @pl.loop(0, CHUNKS_PER_W)
        def _(t):
            c = wid + (NC * NS) * t

            @pl.when(c < CHUNKS)
            def _():
                pltpu.sync_copy(dst_hbm.at[pl.ds(c * C, C)], idx_d)
                pltpu.sync_copy(ones, dacc.at[idx_d], add=True)

        plsc.subcore_barrier()

        @pl.loop(0, BLK_PER_SUB)
        def _(t):
            b = sid + NS * t

            @pl.when(b < NBLK)
            def _():
                r0 = b * BLK
                pltpu.sync_copy(dacc.at[pl.ds(r0, BLK)],
                                deg_hbm.at[cid, pl.ds(r0, BLK)])

    return k


_segsum_128 = _make_segsum(FEAT)
_deg_count = _make_deg()



R = 1000
GRID = N // R


def _k1_body(xb, a1b, dgb, Wl1, Wr1, b1, Wl2, Wr2, b2,
             p2o, q2o, invo):
    deg = jnp.maximum(dgb[0][:, :1] + dgb[1][:, :1], 1.0)
    inv = 1.0 / deg
    agg = (a1b[0] + a1b[1]) * inv
    h = _gelu(_dot(agg, Wl1[...]) + _dot(xb[...], Wr1[...]) + b1[...])
    p2o[...] = _dot(h, Wl2[...])
    q2o[...] = _dot(h, Wr2[...]) + b2[...]
    invo[...] = jnp.broadcast_to(inv, invo.shape)


def _k2_body(a2b, q2b, invb, h2o):
    agg = (a2b[0] + a2b[1]) * invb[:, :1]
    h2o[...] = _gelu(agg + q2b[...])


def _k3_body(a3b, h2b, invb, w1b, Wl3, Wr3, b3, W2, out, accsc):
    i = pl.program_id(0)
    agg = (a3b[0] + a3b[1]) * invb[:, :1]
    h = _dot(agg, Wl3[...]) + _dot(h2b[...], Wr3[...]) + b3[...]
    m = jnp.max(h, axis=1, keepdims=True)
    lse = jnp.log(jnp.sum(jnp.exp(h - m), axis=1, keepdims=True)) + m
    u = h - lse
    part = jnp.sum(u * w1b[...], axis=0, keepdims=True)

    @pl.when(i == 0)
    def _():
        accsc[...] = part

    @pl.when(i > 0)
    def _():
        accsc[...] += part

    @pl.when(i == pl.num_programs(0) - 1)
    def _():
        out[...] = _dot(accsc[...], W2[...])


def _full(shape):
    nd = len(shape)
    return pl.BlockSpec(shape, lambda i: (0,) * nd)


def _rows(d):
    return pl.BlockSpec((R, d), lambda i: (i, 0))


def _parts(d):
    return pl.BlockSpec((NC, R, d), lambda i: (0, i, 0))


def _k1(x, a1p, dgp, Wl1, Wr1, b1, Wl2, Wr2, b2):
    return pl.pallas_call(
        _k1_body,
        grid=(GRID,),
        in_specs=[_rows(FEAT), _parts(FEAT), _parts(FEAT),
                  _full((FEAT, H1)), _full((FEAT, H1)), _full((H1,)),
                  _full((H1, H2)), _full((H1, H2)), _full((H2,))],
        out_specs=[_rows(H2), _rows(H2), _rows(16)],
        out_shape=[jax.ShapeDtypeStruct((N, H2), jnp.float32),
                   jax.ShapeDtypeStruct((N, H2), jnp.float32),
                   jax.ShapeDtypeStruct((N, 16), jnp.float32)],
    )(x, a1p, dgp, Wl1, Wr1, b1, Wl2, Wr2, b2)


def _k2(a2p, q2, inv):
    return pl.pallas_call(
        _k2_body,
        grid=(GRID,),
        in_specs=[_parts(H2), _rows(H2), _rows(16)],
        out_specs=_rows(H2),
        out_shape=jax.ShapeDtypeStruct((N, H2), jnp.float32),
    )(a2p, q2, inv)


def _k3(a3p, h2, inv, w1col, Wl3, Wr3, b3, W2):
    return pl.pallas_call(
        _k3_body,
        grid=(GRID,),
        in_specs=[_parts(H2), _rows(H2), _rows(16), _rows(1),
                  _full((H2, OUT)), _full((H2, OUT)), _full((OUT,)),
                  _full((OUT, OUT))],
        out_specs=pl.BlockSpec((1, OUT), lambda i: (0, 0)),
        out_shape=jax.ShapeDtypeStruct((1, OUT), jnp.float32),
        scratch_shapes=[pltpu.VMEM((1, OUT), jnp.float32)],
    )(a3p, h2, inv, w1col, Wl3, Wr3, b3, W2)


def kernel(features, edges, Wl1, Wr1, b1, Wl2, Wr2, b2, Wl3, Wr3, b3,
           weight1, weight2):
    src = edges[0]
    dst = edges[1]
    pad = EP - E
    src2d = jnp.concatenate([src, jnp.zeros((pad,), jnp.int32)])
    src2d = src2d.reshape(EP // C, C)
    dst2d = jnp.concatenate([dst, jnp.full((pad,), N, jnp.int32)])
    dst2d = dst2d.reshape(EP // C, C)

    dgp = _deg_count(dst)
    a1p = _segsum_128(features, src2d, dst2d)
    p2, q2, inv = _k1(features, a1p, dgp, Wl1, Wr1, b1, Wl2, Wr2, b2)

    a2p = _segsum_128(p2, src2d, dst2d)
    h2 = _k2(a2p, q2, inv)

    a3p = _segsum_128(h2, src2d, dst2d)
    w1col = weight1.reshape(N, 1)
    return _k3(a3p, h2, inv, w1col, Wl3, Wr3, b3, weight2)

# --- scband reference (transcript-rebuilt; emitter-appended) ---
"""Pipeline reference for scband-graph-sage-996432413288 (READ-ONLY COPY).

The authoritative reference and input builder live on the scoring server;
editing this copy changes nothing except your own understanding.
"""

import jax, jax.numpy as jnp
import numpy as np

N = 10000
E = 320000
FEAT = 128
H1 = 256
H2 = 128
OUT = 64


def glorot(key, shape):
    limit = np.sqrt(6.0 / (shape[0] + shape[1]))
    return jax.random.uniform(key, shape, minval=-limit, maxval=limit, dtype=jnp.float32)


def setup_inputs(seed: int = 0):
    key = jax.random.key(seed)
    ks = jax.random.split(key, 16)
    features = jax.random.normal(ks[0], (N, FEAT), dtype=jnp.float32)
    edges = jax.random.randint(ks[1], (2, E), 0, N, dtype=jnp.int32)
    Wl1 = glorot(ks[2], (FEAT, H1)); Wr1 = glorot(ks[3], (FEAT, H1)); b1 = jnp.zeros((H1,), jnp.float32)
    Wl2 = glorot(ks[4], (H1, H2)); Wr2 = glorot(ks[5], (H1, H2)); b2 = jnp.zeros((H2,), jnp.float32)
    Wl3 = glorot(ks[6], (H2, OUT)); Wr3 = glorot(ks[7], (H2, OUT)); b3 = jnp.zeros((OUT,), jnp.float32)
    weight1 = glorot(ks[8], (1, N))
    weight2 = glorot(ks[9], (OUT, 64))
    return {"features": features, "edges": edges,
            "Wl1": Wl1, "Wr1": Wr1, "b1": b1,
            "Wl2": Wl2, "Wr2": Wr2, "b2": b2,
            "Wl3": Wl3, "Wr3": Wr3, "b3": b3,
            "weight1": weight1, "weight2": weight2}


def sage_conv(x, src, dst, Wl, Wr, b):
    # PyG SAGEConv (mean aggregation): out = lin_l(mean_{j in N(i)} x_j) + lin_r(x_i) + bias
    msgs = jnp.take(x, src, axis=0)
    agg = jax.ops.segment_sum(msgs, dst, num_segments=N)
    deg = jax.ops.segment_sum(jnp.ones((src.shape[0],), jnp.float32), dst, num_segments=N)
    agg = agg / jnp.clip(deg, 1.0, None)[:, None]
    return agg @ Wl + x @ Wr + b


def reference(features, edges, Wl1, Wr1, b1, Wl2, Wr2, b2, Wl3, Wr3, b3, weight1, weight2):
    src = edges[0]
    dst = edges[1]
    h = sage_conv(features, src, dst, Wl1, Wr1, b1)
    h = jax.nn.gelu(h, approximate=False)
    # dropout is identity in eval mode
    h = sage_conv(h, src, dst, Wl2, Wr2, b2)
    h = jax.nn.gelu(h, approximate=False)
    h = sage_conv(h, src, dst, Wl3, Wr3, b3)
    h = jax.nn.log_softmax(h, axis=1)
    # squeeze(0) is a no-op on [N, OUT] with N > 1
    readout = weight1 @ h
    readout = readout @ weight2
    return readout

if __name__ == "__main__":
    import jax
    _d = setup_inputs()
    print(jax.jit(kernel)(*tuple(_d.values())))

</pallas_src>

<mosaic_0001>
#map = affine_map<(d0, d1) -> (0)>
#map1 = affine_map<(d0, d1) -> (0, 0, 0)>
module attributes {stable_mosaic.version = 14 : i64} {
  func.func @k(%arg0: i32, %arg1: i32, %arg2: memref<320000xi32, #tpu.memory_space<hbm>>, %arg3: memref<2x10000x128xf32, #tpu.memory_space<hbm>>, %arg4: memref<128xi32, #tpu.memory_space<vmem>>, %arg5: memref<128x128xf32, #tpu.memory_space<vmem>>, %arg6: memref<40x128xf32, #tpu.memory_space<vmem>>, %arg7: memref<10000x128xf32, #tpu.memory_space<vmem_shared>>, %arg8: memref<!tpu.dma_semaphore, #tpu.memory_space<semaphore_mem>>) attributes {dimension_semantics = [#tpu.dimension_semantics<core_parallel>, #tpu.dimension_semantics<subcore_parallel>], iteration_bounds = array<i64: 2, 16>, scalar_prefetch = 0 : i64, scratch_operands = 5 : i64, tpu.core_type = #tpu.core_type<sc_vector_subcore>, window_params = [{transform_indices = #map}, {transform_indices = #map1}]} {
    %mul3A = arith.constant 2 : i32
    %mul3A_0 = arith.muli %arg1, %mul3A : i32
    %add3A = arith.addi %mul3A_0, %arg0 : i32
    %broadcast_in_dim3A = arith.constant 0.000000e+00 : f32
    %broadcast_in_dim3A_1 = vector.broadcast %broadcast_in_dim3A : f32 to vector<16xf32>
    %broadcast_in_dim3A_2 = arith.constant 1.000000e+00 : f32
    %broadcast_in_dim3A_3 = vector.broadcast %broadcast_in_dim3A_2 : f32 to vector<16xf32>
    %scan3A = arith.constant 0 : i32
    %scan3A_4 = arith.constant 128 : i32
    %scan3A_5 = arith.addi %scan3A, %scan3A_4 : i32
    %scan3A_6 = arith.constant 1 : i32
    scf.for %scan3A_29 = %scan3A to %scan3A_5 step %scan3A_6  : i32 {
      %mul3A_30 = arith.constant 1 : i32
      %mul3A_31 = arith.muli %scan3A_29, %mul3A_30 : i32
      %add3A_32 = arith.constant 0 : i32
      %add3A_33 = arith.addi %add3A_32, %mul3A_31 : i32
      %swap3A = arith.index_cast %add3A_33 : i32 to index
      %swap3A_34 = arith.constant 0 : index
      %swap3A_35 = tpu.vector_load %arg5[%swap3A, %swap3A_34] {strides = array<i32>} : memref<128x128xf32, #tpu.memory_space<vmem>>, vector<1x16xf32>,
      %swap3A_36 = vector.shape_cast %swap3A_35 : vector<1x16xf32> to vector<16xf32>
      %swap3A_37 = vector.shape_cast %broadcast_in_dim3A_3 : vector<16xf32> to vector<1x16xf32>
      tpu.vector_store %arg5[%swap3A, %swap3A_34], %swap3A_37 {strides = array<i32>} : memref<128x128xf32, #tpu.memory_space<vmem>>, vector<1x16xf32>,
      %swap3A_38 = arith.index_cast %add3A_33 : i32 to index
      %swap3A_39 = arith.constant 16 : index
      %swap3A_40 = tpu.vector_load %arg5[%swap3A_38, %swap3A_39] {strides = array<i32>} : memref<128x128xf32, #tpu.memory_space<vmem>>, vector<1x16xf32>,
      %swap3A_41 = vector.shape_cast %swap3A_40 : vector<1x16xf32> to vector<16xf32>
      %swap3A_42 = vector.shape_cast %broadcast_in_dim3A_3 : vector<16xf32> to vector<1x16xf32>
      tpu.vector_store %arg5[%swap3A_38, %swap3A_39], %swap3A_42 {strides = array<i32>} : memref<128x128xf32, #tpu.memory_space<vmem>>, vector<1x16xf32>,
      %swap3A_43 = arith.index_cast %add3A_33 : i32 to index
      %swap3A_44 = arith.constant 32 : index
      %swap3A_45 = tpu.vector_load %arg5[%swap3A_43, %swap3A_44] {strides = array<i32>} : memref<128x128xf32, #tpu.memory_space<vmem>>, vector<1x16xf32>,
      %swap3A_46 = vector.shape_cast %swap3A_45 : vector<1x16xf32> to vector<16xf32>
      %swap3A_47 = vector.shape_cast %broadcast_in_dim3A_3 : vector<16xf32> to vector<1x16xf32>
      tpu.vector_store %arg5[%swap3A_43, %swap3A_44], %swap3A_47 {strides = array<i32>} : memref<128x128xf32, #tpu.memory_space<vmem>>, vector<1x16xf32>,
      %swap3A_48 = arith.index_cast %add3A_33 : i32 to index
      %swap3A_49 = arith.constant 48 : index
      %swap3A_50 = tpu.vector_load %arg5[%swap3A_48, %swap3A_49] {strides = array<i32>} : memref<128x128xf32, #tpu.memory_space<vmem>>, vector<1x16xf32>,
      %swap3A_51 = vector.shape_cast %swap3A_50 : vector<1x16xf32> to vector<16xf32>
      %swap3A_52 = vector.shape_cast %broadcast_in_dim3A_3 : vector<16xf32> to vector<1x16xf32>
      tpu.vector_store %arg5[%swap3A_48, %swap3A_49], %swap3A_52 {strides = array<i32>} : memref<128x128xf32, #tpu.memory_space<vmem>>, vector<1x16xf32>,
      %swap3A_53 = arith.index_cast %add3A_33 : i32 to index
      %swap3A_54 = arith.constant 64 : index
      %swap3A_55 = tpu.vector_load %arg5[%swap3A_53, %swap3A_54] {strides = array<i32>} : memref<128x128xf32, #tpu.memory_space<vmem>>, vector<1x16xf32>,
      %swap3A_56 = vector.shape_cast %swap3A_55 : vector<1x16xf32> to vector<16xf32>
      %swap3A_57 = vector.shape_cast %broadcast_in_dim3A_3 : vector<16xf32> to vector<1x16xf32>
      tpu.vector_store %arg5[%swap3A_53, %swap3A_54], %swap3A_57 {strides = array<i32>} : memref<128x128xf32, #tpu.memory_space<vmem>>, vector<1x16xf32>,
      %swap3A_58 = arith.index_cast %add3A_33 : i32 to index
      %swap3A_59 = arith.constant 80 : index
      %swap3A_60 = tpu.vector_load %arg5[%swap3A_58, %swap3A_59] {strides = array<i32>} : memref<128x128xf32, #tpu.memory_space<vmem>>, vector<1x16xf32>,
      %swap3A_61 = vector.shape_cast %swap3A_60 : vector<1x16xf32> to vector<16xf32>
      %swap3A_62 = vector.shape_cast %broadcast_in_dim3A_3 : vector<16xf32> to vector<1x16xf32>
      tpu.vector_store %arg5[%swap3A_58, %swap3A_59], %swap3A_62 {strides = array<i32>} : memref<128x128xf32, #tpu.memory_space<vmem>>, vector<1x16xf32>,
      %swap3A_63 = arith.index_cast %add3A_33 : i32 to index
      %swap3A_64 = arith.constant 96 : index
      %swap3A_65 = tpu.vector_load %arg5[%swap3A_63, %swap3A_64] {strides = array<i32>} : memref<128x128xf32, #tpu.memory_space<vmem>>, vector<1x16xf32>,
      %swap3A_66 = vector.shape_cast %swap3A_65 : vector<1x16xf32> to vector<16xf32>
      %swap3A_67 = vector.shape_cast %broadcast_in_dim3A_3 : vector<16xf32> to vector<1x16xf32>
      tpu.vector_store %arg5[%swap3A_63, %swap3A_64], %swap3A_67 {strides = array<i32>} : memref<128x128xf32, #tpu.memory_space<vmem>>, vector<1x16xf32>,
      %swap3A_68 = arith.index_cast %add3A_33 : i32 to index
      %swap3A_69 = arith.constant 112 : index
      %swap3A_70 = tpu.vector_load %arg5[%swap3A_68, %swap3A_69] {strides = array<i32>} : memref<128x128xf32, #tpu.memory_space<vmem>>, vector<1x16xf32>,
      %swap3A_71 = vector.shape_cast %swap3A_70 : vector<1x16xf32> to vector<16xf32>
      %swap3A_72 = vector.shape_cast %broadcast_in_dim3A_3 : vector<16xf32> to vector<1x16xf32>
      tpu.vector_store %arg5[%swap3A_68, %swap3A_69], %swap3A_72 {strides = array<i32>} : memref<128x128xf32, #tpu.memory_space<vmem>>, vector<1x16xf32>,
    }
    %scan3A_7 = arith.constant 128 : i32
    %scan3A_8 = arith.constant 0 : i32
    %scan3A_9 = arith.constant 40 : i32
    %scan3A_10 = arith.addi %scan3A_8, %scan3A_9 : i32
    %scan3A_11 = arith.constant 1 : i32
    scf.for %scan3A_29 = %scan3A_8 to %scan3A_10 step %scan3A_11  : i32 {
      %mul3A_30 = arith.constant 1 : i32
      %mul3A_31 = arith.muli %scan3A_29, %mul3A_30 : i32
      %add3A_32 = arith.constant 0 : i32
      %add3A_33 = arith.addi %add3A_32, %mul3A_31 : i32
      %swap3A = arith.index_cast %add3A_33 : i32 to index
      %swap3A_34 = arith.constant 0 : index
      %swap3A_35 = tpu.vector_load %arg6[%swap3A, %swap3A_34] {strides = array<i32>} : memref<40x128xf32, #tpu.memory_space<vmem>>, vector<1x16xf32>,
      %swap3A_36 = vector.shape_cast %swap3A_35 : vector<1x16xf32> to vector<16xf32>
      %swap3A_37 = vector.shape_cast %broadcast_in_dim3A_1 : vector<16xf32> to vector<1x16xf32>
      tpu.vector_store %arg6[%swap3A, %swap3A_34], %swap3A_37 {strides = array<i32>} : memref<40x128xf32, #tpu.memory_space<vmem>>, vector<1x16xf32>,
      %swap3A_38 = arith.index_cast %add3A_33 : i32 to index
      %swap3A_39 = arith.constant 16 : index
      %swap3A_40 = tpu.vector_load %arg6[%swap3A_38, %swap3A_39] {strides = array<i32>} : memref<40x128xf32, #tpu.memory_space<vmem>>, vector<1x16xf32>,
      %swap3A_41 = vector.shape_cast %swap3A_40 : vector<1x16xf32> to vector<16xf32>
      %swap3A_42 = vector.shape_cast %broadcast_in_dim3A_1 : vector<16xf32> to vector<1x16xf32>
      tpu.vector_store %arg6[%swap3A_38, %swap3A_39], %swap3A_42 {strides = array<i32>} : memref<40x128xf32, #tpu.memory_space<vmem>>, vector<1x16xf32>,
      %swap3A_43 = arith.index_cast %add3A_33 : i32 to index
      %swap3A_44 = arith.constant 32 : index
      %swap3A_45 = tpu.vector_load %arg6[%swap3A_43, %swap3A_44] {strides = array<i32>} : memref<40x128xf32, #tpu.memory_space<vmem>>, vector<1x16xf32>,
      %swap3A_46 = vector.shape_cast %swap3A_45 : vector<1x16xf32> to vector<16xf32>
      %swap3A_47 = vector.shape_cast %broadcast_in_dim3A_1 : vector<16xf32> to vector<1x16xf32>
      tpu.vector_store %arg6[%swap3A_43, %swap3A_44], %swap3A_47 {strides = array<i32>} : memref<40x128xf32, #tpu.memory_space<vmem>>, vector<1x16xf32>,
      %swap3A_48 = arith.index_cast %add3A_33 : i32 to index
      %swap3A_49 = arith.constant 48 : index
      %swap3A_50 = tpu.vector_load %arg6[%swap3A_48, %swap3A_49] {strides = array<i32>} : memref<40x128xf32, #tpu.memory_space<vmem>>, vector<1x16xf32>,
      %swap3A_51 = vector.shape_cast %swap3A_50 : vector<1x16xf32> to vector<16xf32>
      %swap3A_52 = vector.shape_cast %broadcast_in_dim3A_1 : vector<16xf32> to vector<1x16xf32>
      tpu.vector_store %arg6[%swap3A_48, %swap3A_49], %swap3A_52 {strides = array<i32>} : memref<40x128xf32, #tpu.memory_space<vmem>>, vector<1x16xf32>,
      %swap3A_53 = arith.index_cast %add3A_33 : i32 to index
      %swap3A_54 = arith.constant 64 : index
      %swap3A_55 = tpu.vector_load %arg6[%swap3A_53, %swap3A_54] {strides = array<i32>} : memref<40x128xf32, #tpu.memory_space<vmem>>, vector<1x16xf32>,
      %swap3A_56 = vector.shape_cast %swap3A_55 : vector<1x16xf32> to vector<16xf32>
      %swap3A_57 = vector.shape_cast %broadcast_in_dim3A_1 : vector<16xf32> to vector<1x16xf32>
      tpu.vector_store %arg6[%swap3A_53, %swap3A_54], %swap3A_57 {strides = array<i32>} : memref<40x128xf32, #tpu.memory_space<vmem>>, vector<1x16xf32>,
      %swap3A_58 = arith.index_cast %add3A_33 : i32 to index
      %swap3A_59 = arith.constant 80 : index
      %swap3A_60 = tpu.vector_load %arg6[%swap3A_58, %swap3A_59] {strides = array<i32>} : memref<40x128xf32, #tpu.memory_space<vmem>>, vector<1x16xf32>,
      %swap3A_61 = vector.shape_cast %swap3A_60 : vector<1x16xf32> to vector<16xf32>
      %swap3A_62 = vector.shape_cast %broadcast_in_dim3A_1 : vector<16xf32> to vector<1x16xf32>
      tpu.vector_store %arg6[%swap3A_58, %swap3A_59], %swap3A_62 {strides = array<i32>} : memref<40x128xf32, #tpu.memory_space<vmem>>, vector<1x16xf32>,
      %swap3A_63 = arith.index_cast %add3A_33 : i32 to index
      %swap3A_64 = arith.constant 96 : index
      %swap3A_65 = tpu.vector_load %arg6[%swap3A_63, %swap3A_64] {strides = array<i32>} : memref<40x128xf32, #tpu.memory_space<vmem>>, vector<1x16xf32>,
      %swap3A_66 = vector.shape_cast %swap3A_65 : vector<1x16xf32> to vector<16xf32>
      %swap3A_67 = vector.shape_cast %broadcast_in_dim3A_1 : vector<16xf32> to vector<1x16xf32>
      tpu.vector_store %arg6[%swap3A_63, %swap3A_64], %swap3A_67 {strides = array<i32>} : memref<40x128xf32, #tpu.memory_space<vmem>>, vector<1x16xf32>,
      %swap3A_68 = arith.index_cast %add3A_33 : i32 to index
      %swap3A_69 = arith.constant 112 : index
      %swap3A_70 = tpu.vector_load %arg6[%swap3A_68, %swap3A_69] {strides = array<i32>} : memref<40x128xf32, #tpu.memory_space<vmem>>, vector<1x16xf32>,
      %swap3A_71 = vector.shape_cast %swap3A_70 : vector<1x16xf32> to vector<16xf32>
      %swap3A_72 = vector.shape_cast %broadcast_in_dim3A_1 : vector<16xf32> to vector<1x16xf32>
      tpu.vector_store %arg6[%swap3A_68, %swap3A_69], %swap3A_72 {strides = array<i32>} : memref<40x128xf32, #tpu.memory_space<vmem>>, vector<1x16xf32>,
    }
    %scan3A_12 = arith.constant 40 : i32
    %scan3A_13 = arith.constant 0 : i32
    %scan3A_14 = arith.constant 4 : i32
    %scan3A_15 = arith.addi %scan3A_13, %scan3A_14 : i32
    %scan3A_16 = arith.constant 1 : i32
    scf.for %scan3A_29 = %scan3A_13 to %scan3A_15 step %scan3A_16  : i32 {
      %mul3A_30 = arith.constant 1 : i32
      %mul3A_31 = arith.muli %scan3A_29, %mul3A_30 : i32
      %add3A_32 = arith.constant 0 : i32
      %add3A_33 = arith.addi %add3A_32, %mul3A_31 : i32
      %mul3A_34 = arith.constant 16 : i32
      %mul3A_35 = arith.muli %mul3A_34, %add3A_33 : i32
      %add3A_36 = arith.addi %arg1, %mul3A_35 : i32
      %lt3A = arith.constant 50 : i32
      %lt3A_37 = arith.cmpi slt, %add3A_36, %lt3A : i32
      %convert_element_type3A = arith.extui %lt3A_37 : i1 to i32
      %cond3A = arith.constant 0 : i32
      %cond3A_38 = arith.cmpi ne, %convert_element_type3A, %cond3A : i32
      scf.if %cond3A_38 {
        %mul3A_39 = arith.constant 200 : i32
        %mul3A_40 = arith.muli %add3A_36, %mul3A_39 : i32
        %add3A_41 = arith.constant 0 : i32
        %add3A_42 = arith.addi %mul3A_40, %add3A_41 : i32
        "tpu.region"() ({
          %run_scoped3A = tpu.sem_alloc : memref<!tpu.dma_semaphore, #tpu.memory_space<semaphore_mem>>
          %dma_start3A = arith.constant 0 : i32
          %dma_start3A_59 = tpu.memref_slice %arg7[%add3A_42, %dma_start3A] : memref<10000x128xf32, #tpu.memory_space<vmem_shared>> -> memref<40x128xf32, #tpu.memory_space<vmem_shared>>
          %dma_start3A_60 = arith.constant 0 : i32
          %dma_start3A_61 = tpu.memref_slice %arg7[%add3A_42, %dma_start3A_60] : memref<10000x128xf32, #tpu.memory_space<vmem_shared>> -> memref<40x128xf32, #tpu.memory_space<vmem_shared>>
          tpu.enqueue_dma source(%arg6 : memref<40x128xf32, #tpu.memory_space<vmem>>) target(%dma_start3A_61 : memref<40x128xf32, #tpu.memory_space<vmem_shared>>) target_semaphore(%run_scoped3A : memref<!tpu.dma_semaphore, #tpu.memory_space<semaphore_mem>>)
          %dma_wait3A = arith.constant 0 : i32
          %dma_wait3A_62 = tpu.memref_slice %arg7[%add3A_42, %dma_wait3A] : memref<10000x128xf32, #tpu.memory_space<vmem_shared>> -> memref<40x128xf32, #tpu.memory_space<vmem_shared>>
          %dma_wait3A_63 = arith.constant 0 : i32
          %dma_wait3A_64 = tpu.memref_slice %arg7[%add3A_42, %dma_wait3A_63] : memref<10000x128xf32, #tpu.memory_space<vmem_shared>> -> memref<40x128xf32, #tpu.memory_space<vmem_shared>>
          tpu.wait_dma2 semaphore(%run_scoped3A : memref<!tpu.dma_semaphore, #tpu.memory_space<semaphore_mem>>) src(%arg6 : memref<40x128xf32, #tpu.memory_space<vmem>>) dst(%dma_wait3A_64 : memref<40x128xf32, #tpu.memory_space<vmem_shared>>)
          tpu.yield
        }) : () -> ()
        %mul3A_43 = arith.constant 200 : i32
        %mul3A_44 = arith.muli %add3A_36, %mul3A_43 : i32
        %add3A_45 = arith.constant 40 : i32
        %add3A_46 = arith.addi %mul3A_44, %add3A_45 : i32
        "tpu.region"() ({
          %run_scoped3A = tpu.sem_alloc : memref<!tpu.dma_semaphore, #tpu.memory_space<semaphore_mem>>
          %dma_start3A = arith.constant 0 : i32
          %dma_start3A_59 = tpu.memref_slice %arg7[%add3A_46, %dma_start3A] : memref<10000x128xf32, #tpu.memory_space<vmem_shared>> -> memref<40x128xf32, #tpu.memory_space<vmem_shared>>
          %dma_start3A_60 = arith.constant 0 : i32
          %dma_start3A_61 = tpu.memref_slice %arg7[%add3A_46, %dma_start3A_60] : memref<10000x128xf32, #tpu.memory_space<vmem_shared>> -> memref<40x128xf32, #tpu.memory_space<vmem_shared>>
          tpu.enqueue_dma source(%arg6 : memref<40x128xf32, #tpu.memory_space<vmem>>) target(%dma_start3A_61 : memref<40x128xf32, #tpu.memory_space<vmem_shared>>) target_semaphore(%run_scoped3A : memref<!tpu.dma_semaphore, #tpu.memory_space<semaphore_mem>>)
          %dma_wait3A = arith.constant 0 : i32
          %dma_wait3A_62 = tpu.memref_slice %arg7[%add3A_46, %dma_wait3A] : memref<10000x128xf32, #tpu.memory_space<vmem_shared>> -> memref<40x128xf32, #tpu.memory_space<vmem_shared>>
          %dma_wait3A_63 = arith.constant 0 : i32
          %dma_wait3A_64 = tpu.memref_slice %arg7[%add3A_46, %dma_wait3A_63] : memref<10000x128xf32, #tpu.memory_space<vmem_shared>> -> memref<40x128xf32, #tpu.memory_space<vmem_shared>>
          tpu.wait_dma2 semaphore(%run_scoped3A : memref<!tpu.dma_semaphore, #tpu.memory_space<semaphore_mem>>) src(%arg6 : memref<40x128xf32, #tpu.memory_space<vmem>>) dst(%dma_wait3A_64 : memref<40x128xf32, #tpu.memory_space<vmem_shared>>)
          tpu.yield
        }) : () -> ()
        %mul3A_47 = arith.constant 200 : i32
        %mul3A_48 = arith.muli %add3A_36, %mul3A_47 : i32
        %add3A_49 = arith.constant 80 : i32
        %add3A_50 = arith.addi %mul3A_48, %add3A_49 : i32
        "tpu.region"() ({
          %run_scoped3A = tpu.sem_alloc : memref<!tpu.dma_semaphore, #tpu.memory_space<semaphore_mem>>
          %dma_start3A = arith.constant 0 : i32
          %dma_start3A_59 = tpu.memref_slice %arg7[%add3A_50, %dma_start3A] : memref<10000x128xf32, #tpu.memory_space<vmem_shared>> -> memref<40x128xf32, #tpu.memory_space<vmem_shared>>
          %dma_start3A_60 = arith.constant 0 : i32
          %dma_start3A_61 = tpu.memref_slice %arg7[%add3A_50, %dma_start3A_60] : memref<10000x128xf32, #tpu.memory_space<vmem_shared>> -> memref<40x128xf32, #tpu.memory_space<vmem_shared>>
          tpu.enqueue_dma source(%arg6 : memref<40x128xf32, #tpu.memory_space<vmem>>) target(%dma_start3A_61 : memref<40x128xf32, #tpu.memory_space<vmem_shared>>) target_semaphore(%run_scoped3A : memref<!tpu.dma_semaphore, #tpu.memory_space<semaphore_mem>>)
          %dma_wait3A = arith.constant 0 : i32
          %dma_wait3A_62 = tpu.memref_slice %arg7[%add3A_50, %dma_wait3A] : memref<10000x128xf32, #tpu.memory_space<vmem_shared>> -> memref<40x128xf32, #tpu.memory_space<vmem_shared>>
          %dma_wait3A_63 = arith.constant 0 : i32
          %dma_wait3A_64 = tpu.memref_slice %arg7[%add3A_50, %dma_wait3A_63] : memref<10000x128xf32, #tpu.memory_space<vmem_shared>> -> memref<40x128xf32, #tpu.memory_space<vmem_shared>>
          tpu.wait_dma2 semaphore(%run_scoped3A : memref<!tpu.dma_semaphore, #tpu.memory_space<semaphore_mem>>) src(%arg6 : memref<40x128xf32, #tpu.memory_space<vmem>>) dst(%dma_wait3A_64 : memref<40x128xf32, #tpu.memory_space<vmem_shared>>)
          tpu.yield
        }) : () -> ()
        %mul3A_51 = arith.constant 200 : i32
        %mul3A_52 = arith.muli %add3A_36, %mul3A_51 : i32
        %add3A_53 = arith.constant 120 : i32
        %add3A_54 = arith.addi %mul3A_52, %add3A_53 : i32
        "tpu.region"() ({
          %run_scoped3A = tpu.sem_alloc : memref<!tpu.dma_semaphore, #tpu.memory_space<semaphore_mem>>
          %dma_start3A = arith.constant 0 : i32
          %dma_start3A_59 = tpu.memref_slice %arg7[%add3A_54, %dma_start3A] : memref<10000x128xf32, #tpu.memory_space<vmem_shared>> -> memref<40x128xf32, #tpu.memory_space<vmem_shared>>
          %dma_start3A_60 = arith.constant 0 : i32
          %dma_start3A_61 = tpu.memref_slice %arg7[%add3A_54, %dma_start3A_60] : memref<10000x128xf32, #tpu.memory_space<vmem_shared>> -> memref<40x128xf32, #tpu.memory_space<vmem_shared>>
          tpu.enqueue_dma source(%arg6 : memref<40x128xf32, #tpu.memory_space<vmem>>) target(%dma_start3A_61 : memref<40x128xf32, #tpu.memory_space<vmem_shared>>) target_semaphore(%run_scoped3A : memref<!tpu.dma_semaphore, #tpu.memory_space<semaphore_mem>>)
          %dma_wait3A = arith.constant 0 : i32
          %dma_wait3A_62 = tpu.memref_slice %arg7[%add3A_54, %dma_wait3A] : memref<10000x128xf32, #tpu.memory_space<vmem_shared>> -> memref<40x128xf32, #tpu.memory_space<vmem_shared>>
          %dma_wait3A_63 = arith.constant 0 : i32
          %dma_wait3A_64 = tpu.memref_slice %arg7[%add3A_54, %dma_wait3A_63] : memref<10000x128xf32, #tpu.memory_space<vmem_shared>> -> memref<40x128xf32, #tpu.memory_space<vmem_shared>>
          tpu.wait_dma2 semaphore(%run_scoped3A : memref<!tpu.dma_semaphore, #tpu.memory_space<semaphore_mem>>) src(%arg6 : memref<40x128xf32, #tpu.memory_space<vmem>>) dst(%dma_wait3A_64 : memref<40x128xf32, #tpu.memory_space<vmem_shared>>)
          tpu.yield
        }) : () -> ()
        %mul3A_55 = arith.constant 200 : i32
        %mul3A_56 = arith.muli %add3A_36, %mul3A_55 : i32
        %add3A_57 = arith.constant 160 : i32
        %add3A_58 = arith.addi %mul3A_56, %add3A_57 : i32
        "tpu.region"() ({
          %run_scoped3A = tpu.sem_alloc : memref<!tpu.dma_semaphore, #tpu.memory_space<semaphore_mem>>
          %dma_start3A = arith.constant 0 : i32
          %dma_start3A_59 = tpu.memref_slice %arg7[%add3A_58, %dma_start3A] : memref<10000x128xf32, #tpu.memory_space<vmem_shared>> -> memref<40x128xf32, #tpu.memory_space<vmem_shared>>
          %dma_start3A_60 = arith.constant 0 : i32
          %dma_start3A_61 = tpu.memref_slice %arg7[%add3A_58, %dma_start3A_60] : memref<10000x128xf32, #tpu.memory_space<vmem_shared>> -> memref<40x128xf32, #tpu.memory_space<vmem_shared>>
          tpu.enqueue_dma source(%arg6 : memref<40x128xf32, #tpu.memory_space<vmem>>) target(%dma_start3A_61 : memref<40x128xf32, #tpu.memory_space<vmem_shared>>) target_semaphore(%run_scoped3A : memref<!tpu.dma_semaphore, #tpu.memory_space<semaphore_mem>>)
          %dma_wait3A = arith.constant 0 : i32
          %dma_wait3A_62 = tpu.memref_slice %arg7[%add3A_58, %dma_wait3A] : memref<10000x128xf32, #tpu.memory_space<vmem_shared>> -> memref<40x128xf32, #tpu.memory_space<vmem_shared>>
          %dma_wait3A_63 = arith.constant 0 : i32
          %dma_wait3A_64 = tpu.memref_slice %arg7[%add3A_58, %dma_wait3A_63] : memref<10000x128xf32, #tpu.memory_space<vmem_shared>> -> memref<40x128xf32, #tpu.memory_space<vmem_shared>>
          tpu.wait_dma2 semaphore(%run_scoped3A : memref<!tpu.dma_semaphore, #tpu.memory_space<semaphore_mem>>) src(%arg6 : memref<40x128xf32, #tpu.memory_space<vmem>>) dst(%dma_wait3A_64 : memref<40x128xf32, #tpu.memory_space<vmem_shared>>)
          tpu.yield
        }) : () -> ()
      } else {
      }
    }
    %scan3A_17 = arith.constant 4 : i32
    %barrier3A = arith.constant 0 : index
    tpu.barrier barrier_id(%barrier3A)
    %scan3A_18 = arith.constant 0 : i32
    %scan3A_19 = arith.constant 79 : i32
    %scan3A_20 = arith.addi %scan3A_18, %scan3A_19 : i32
    %scan3A_21 = arith.constant 1 : i32
    scf.for %scan3A_29 = %scan3A_18 to %scan3A_20 step %scan3A_21  : i32 {
      %mul3A_30 = arith.constant 1 : i32
      %mul3A_31 = arith.muli %scan3A_29, %mul3A_30 : i32
      %add3A_32 = arith.constant 0 : i32
      %add3A_33 = arith.addi %add3A_32, %mul3A_31 : i32
      %mul3A_34 = arith.constant 32 : i32
      %mul3A_35 = arith.muli %mul3A_34, %add3A_33 : i32
      %add3A_36 = arith.addi %add3A, %mul3A_35 : i32
      %lt3A = arith.constant 2500 : i32
      %lt3A_37 = arith.cmpi slt, %add3A_36, %lt3A : i32
      %convert_element_type3A = arith.extui %lt3A_37 : i1 to i32
      %cond3A = arith.constant 0 : i32
      %cond3A_38 = arith.cmpi ne, %convert_element_type3A, %cond3A : i32
      scf.if %cond3A_38 {
        %mul3A_39 = arith.constant 128 : i32
        %mul3A_40 = arith.muli %add3A_36, %mul3A_39 : i32
        "tpu.region"() ({
          %run_scoped3A = tpu.sem_alloc : memref<!tpu.dma_semaphore, #tpu.memory_space<semaphore_mem>>
          %dma_start3A = tpu.memref_slice %arg2[%mul3A_40] : memref<320000xi32, #tpu.memory_space<hbm>> -> memref<128xi32, #tpu.memory_space<hbm>>
          %dma_start3A_41 = tpu.memref_slice %arg2[%mul3A_40] : memref<320000xi32, #tpu.memory_space<hbm>> -> memref<128xi32, #tpu.memory_space<hbm>>
          tpu.enqueue_dma source(%dma_start3A_41 : memref<128xi32, #tpu.memory_space<hbm>>) target(%arg4 : memref<128xi32, #tpu.memory_space<vmem>>) target_semaphore(%run_scoped3A : memref<!tpu.dma_semaphore, #tpu.memory_space<semaphore_mem>>)
          %dma_wait3A = tpu.memref_slice %arg2[%mul3A_40] : memref<320000xi32, #tpu.memory_space<hbm>> -> memref<128xi32, #tpu.memory_space<hbm>>
          %dma_wait3A_42 = tpu.memref_slice %arg2[%mul3A_40] : memref<320000xi32, #tpu.memory_space<hbm>> -> memref<128xi32, #tpu.memory_space<hbm>>
          tpu.wait_dma2 semaphore(%run_scoped3A : memref<!tpu.dma_semaphore, #tpu.memory_space<semaphore_mem>>) src(%dma_wait3A_42 : memref<128xi32, #tpu.memory_space<hbm>>) dst(%arg4 : memref<128xi32, #tpu.memory_space<vmem>>)
          tpu.yield
        }) : () -> ()
        "tpu.region"() ({
          %run_scoped3A = tpu.sem_alloc : memref<!tpu.dma_semaphore, #tpu.memory_space<semaphore_mem>>
          %dma_start3A = arith.constant 0 : i32
          %dma_start3A_41 = arith.constant 0 : i32
          %dma_start3A_42 = tpu.memref_slice %arg7[%dma_start3A, %dma_start3A_41] : memref<10000x128xf32, #tpu.memory_space<vmem_shared>> -> memref<10000x128xf32, #tpu.memory_space<vmem_shared>>
          tpu.enqueue_indirect_dma source(%arg5 : memref<128x128xf32, #tpu.memory_space<vmem>>) target(%dma_start3A_42 : memref<10000x128xf32, #tpu.memory_space<vmem_shared>>) offsets(%arg4 : memref<128xi32, #tpu.memory_space<vmem>>) semaphore(%run_scoped3A : memref<!tpu.dma_semaphore, #tpu.memory_space<semaphore_mem>>) {add = true}
          %dma_wait3A = arith.constant 0 : i32
          %dma_wait3A_43 = arith.constant 0 : i32
          %dma_wait3A_44 = tpu.memref_slice %arg7[%dma_wait3A, %dma_wait3A_43] : memref<10000x128xf32, #tpu.memory_space<vmem_shared>> -> memref<10000x128xf32, #tpu.memory_space<vmem_shared>>
          tpu.wait_indirect_dma semaphore(%run_scoped3A : memref<!tpu.dma_semaphore, #tpu.memory_space<semaphore_mem>>) src(%arg5 : memref<128x128xf32, #tpu.memory_space<vmem>>) dst(%dma_wait3A_44 : memref<10000x128xf32, #tpu.memory_space<vmem_shared>>)
          tpu.yield
        }) : () -> ()
      } else {
      }
    }
    %scan3A_22 = arith.constant 79 : i32
    %barrier3A_23 = arith.constant 0 : index
    tpu.barrier barrier_id(%barrier3A_23)
    %scan3A_24 = arith.constant 0 : i32
    %scan3A_25 = arith.constant 4 : i32
    %scan3A_26 = arith.addi %scan3A_24, %scan3A_25 : i32
    %scan3A_27 = arith.constant 1 : i32
    scf.for %scan3A_29 = %scan3A_24 to %scan3A_26 step %scan3A_27  : i32 {
      %mul3A_30 = arith.constant 1 : i32
      %mul3A_31 = arith.muli %scan3A_29, %mul3A_30 : i32
      %add3A_32 = arith.constant 0 : i32
      %add3A_33 = arith.addi %add3A_32, %mul3A_31 : i32
      %mul3A_34 = arith.constant 16 : i32
      %mul3A_35 = arith.muli %mul3A_34, %add3A_33 : i32
      %add3A_36 = arith.addi %arg1, %mul3A_35 : i32
      %lt3A = arith.constant 50 : i32
      %lt3A_37 = arith.cmpi slt, %add3A_36, %lt3A : i32
      %convert_element_type3A = arith.extui %lt3A_37 : i1 to i32
      %cond3A = arith.constant 0 : i32
      %cond3A_38 = arith.cmpi ne, %convert_element_type3A, %cond3A : i32
      scf.if %cond3A_38 {
        %mul3A_39 = arith.constant 200 : i32
        %mul3A_40 = arith.muli %add3A_36, %mul3A_39 : i32
        "tpu.region"() ({
          %run_scoped3A = tpu.sem_alloc : memref<!tpu.dma_semaphore, #tpu.memory_space<semaphore_mem>>
          %dma_start3A = arith.constant 0 : i32
          %dma_start3A_41 = tpu.memref_slice %arg3[%arg0, %mul3A_40, %dma_start3A] : memref<2x10000x128xf32, #tpu.memory_space<hbm>> -> memref<1x200x128xf32, #tpu.memory_space<hbm>>
          %dma_start3A_42 = tpu.memref_squeeze %dma_start3A_41 : memref<1x200x128xf32, #tpu.memory_space<hbm>> -> memref<200x128xf32, #tpu.memory_space<hbm>>
          %dma_start3A_43 = arith.constant 0 : i32
          %dma_start3A_44 = tpu.memref_slice %arg7[%mul3A_40, %dma_start3A_43] : memref<10000x128xf32, #tpu.memory_space<vmem_shared>> -> memref<200x128xf32, #tpu.memory_space<vmem_shared>>
          tpu.enqueue_dma source(%dma_start3A_44 : memref<200x128xf32, #tpu.memory_space<vmem_shared>>) target(%dma_start3A_42 : memref<200x128xf32, #tpu.memory_space<hbm>>) target_semaphore(%run_scoped3A : memref<!tpu.dma_semaphore, #tpu.memory_space<semaphore_mem>>)
          %dma_wait3A = arith.constant 0 : i32
          %dma_wait3A_45 = tpu.memref_slice %arg3[%arg0, %mul3A_40, %dma_wait3A] : memref<2x10000x128xf32, #tpu.memory_space<hbm>> -> memref<1x200x128xf32, #tpu.memory_space<hbm>>
          %dma_wait3A_46 = tpu.memref_squeeze %dma_wait3A_45 : memref<1x200x128xf32, #tpu.memory_space<hbm>> -> memref<200x128xf32, #tpu.memory_space<hbm>>
          %dma_wait3A_47 = arith.constant 0 : i32
          %dma_wait3A_48 = tpu.memref_slice %arg7[%mul3A_40, %dma_wait3A_47] : memref<10000x128xf32, #tpu.memory_space<vmem_shared>> -> memref<200x128xf32, #tpu.memory_space<vmem_shared>>
          tpu.wait_dma2 semaphore(%run_scoped3A : memref<!tpu.dma_semaphore, #tpu.memory_space<semaphore_mem>>) src(%dma_wait3A_48 : memref<200x128xf32, #tpu.memory_space<vmem_shared>>) dst(%dma_wait3A_46 : memref<200x128xf32, #tpu.memory_space<hbm>>)
          tpu.yield
        }) : () -> ()
      } else {
      }
    }
    %scan3A_28 = arith.constant 4 : i32
    return
  }
}

#map = affine_map<(d0, d1) -> (0, 0)>
#map1 = affine_map<(d0, d1) -> (0, 0, 0)>
module attributes {stable_mosaic.version = 14 : i64} {
  func.func @k(%arg0: i32, %arg1: i32, %arg2: memref<10000x128xf32, #tpu.memory_space<hbm>>, %arg3: memref<2560x128xi32, #tpu.memory_space<hbm>>, %arg4: memref<2560x128xi32, #tpu.memory_space<hbm>>, %arg5: memref<2x10000x128xf32, #tpu.memory_space<hbm>>, %arg6: memref<40x128xi32, #tpu.memory_space<vmem>>, %arg7: memref<40x128xi32, #tpu.memory_space<vmem>>, %arg8: memref<128x128xf32, #tpu.memory_space<vmem>>, %arg9: memref<128x128xf32, #tpu.memory_space<vmem>>, %arg10: memref<40x128xf32, #tpu.memory_space<vmem>>, %arg11: memref<10016x128xf32, #tpu.memory_space<vmem_shared>>, %arg12: memref<!tpu.dma_semaphore, #tpu.memory_space<semaphore_mem>>, %arg13: memref<!tpu.dma_semaphore, #tpu.memory_space<semaphore_mem>>) attributes {dimension_semantics = [#tpu.dimension_semantics<core_parallel>, #tpu.dimension_semantics<subcore_parallel>], iteration_bounds = array<i64: 2, 16>, scalar_prefetch = 0 : i64, scratch_operands = 8 : i64, tpu.core_type = #tpu.core_type<sc_vector_subcore>, window_params = [{transform_indices = #map}, {transform_indices = #map}, {transform_indices = #map}, {transform_indices = #map1}]} {
    %mul3A = arith.constant 2 : i32
    %mul3A_0 = arith.muli %arg1, %mul3A : i32
    %add3A = arith.addi %mul3A_0, %arg0 : i32
    %broadcast_in_dim3A = arith.constant 0.000000e+00 : f32
    %broadcast_in_dim3A_1 = vector.broadcast %broadcast_in_dim3A : f32 to vector<16xf32>
    %scan3A = arith.constant 0 : i32
    %scan3A_2 = arith.constant 40 : i32
    %scan3A_3 = arith.addi %scan3A, %scan3A_2 : i32
    %scan3A_4 = arith.constant 1 : i32
    scf.for %scan3A_92 = %scan3A to %scan3A_3 step %scan3A_4  : i32 {
      %mul3A_93 = arith.constant 1 : i32
      %mul3A_94 = arith.muli %scan3A_92, %mul3A_93 : i32
      %add3A_95 = arith.constant 0 : i32
      %add3A_96 = arith.addi %add3A_95, %mul3A_94 : i32
      %swap3A = arith.index_cast %add3A_96 : i32 to index
      %swap3A_97 = arith.constant 0 : index
      %swap3A_98 = tpu.vector_load %arg10[%swap3A, %swap3A_97] {strides = array<i32>} : memref<40x128xf32, #tpu.memory_space<vmem>>, vector<1x16xf32>,
      %swap3A_99 = vector.shape_cast %swap3A_98 : vector<1x16xf32> to vector<16xf32>
      %swap3A_100 = vector.shape_cast %broadcast_in_dim3A_1 : vector<16xf32> to vector<1x16xf32>
      tpu.vector_store %arg10[%swap3A, %swap3A_97], %swap3A_100 {strides = array<i32>} : memref<40x128xf32, #tpu.memory_space<vmem>>, vector<1x16xf32>,
      %swap3A_101 = arith.index_cast %add3A_96 : i32 to index
      %swap3A_102 = arith.constant 16 : index
      %swap3A_103 = tpu.vector_load %arg10[%swap3A_101, %swap3A_102] {strides = array<i32>} : memref<40x128xf32, #tpu.memory_space<vmem>>, vector<1x16xf32>,
      %swap3A_104 = vector.shape_cast %swap3A_103 : vector<1x16xf32> to vector<16xf32>
      %swap3A_105 = vector.shape_cast %broadcast_in_dim3A_1 : vector<16xf32> to vector<1x16xf32>
      tpu.vector_store %arg10[%swap3A_101, %swap3A_102], %swap3A_105 {strides = array<i32>} : memref<40x128xf32, #tpu.memory_space<vmem>>, vector<1x16xf32>,
      %swap3A_106 = arith.index_cast %add3A_96 : i32 to index
      %swap3A_107 = arith.constant 32 : index
      %swap3A_108 = tpu.vector_load %arg10[%swap3A_106, %swap3A_107] {strides = array<i32>} : memref<40x128xf32, #tpu.memory_space<vmem>>, vector<1x16xf32>,
      %swap3A_109 = vector.shape_cast %swap3A_108 : vector<1x16xf32> to vector<16xf32>
      %swap3A_110 = vector.shape_cast %broadcast_in_dim3A_1 : vector<16xf32> to vector<1x16xf32>
      tpu.vector_store %arg10[%swap3A_106, %swap3A_107], %swap3A_110 {strides = array<i32>} : memref<40x128xf32, #tpu.memory_space<vmem>>, vector<1x16xf32>,
      %swap3A_111 = arith.index_cast %add3A_96 : i32 to index
      %swap3A_112 = arith.constant 48 : index
      %swap3A_113 = tpu.vector_load %arg10[%swap3A_111, %swap3A_112] {strides = array<i32>} : memref<40x128xf32, #tpu.memory_space<vmem>>, vector<1x16xf32>,
      %swap3A_114 = vector.shape_cast %swap3A_113 : vector<1x16xf32> to vector<16xf32>
      %swap3A_115 = vector.shape_cast %broadcast_in_dim3A_1 : vector<16xf32> to vector<1x16xf32>
      tpu.vector_store %arg10[%swap3A_111, %swap3A_112], %swap3A_115 {strides = array<i32>} : memref<40x128xf32, #tpu.memory_space<vmem>>, vector<1x16xf32>,
      %swap3A_116 = arith.index_cast %add3A_96 : i32 to index
      %swap3A_117 = arith.constant 64 : index
      %swap3A_118 = tpu.vector_load %arg10[%swap3A_116, %swap3A_117] {strides = array<i32>} : memref<40x128xf32, #tpu.memory_space<vmem>>, vector<1x16xf32>,
      %swap3A_119 = vector.shape_cast %swap3A_118 : vector<1x16xf32> to vector<16xf32>
      %swap3A_120 = vector.shape_cast %broadcast_in_dim3A_1 : vector<16xf32> to vector<1x16xf32>
      tpu.vector_store %arg10[%swap3A_116, %swap3A_117], %swap3A_120 {strides = array<i32>} : memref<40x128xf32, #tpu.memory_space<vmem>>, vector<1x16xf32>,
      %swap3A_121 = arith.index_cast %add3A_96 : i32 to index
      %swap3A_122 = arith.constant 80 : index
      %swap3A_123 = tpu.vector_load %arg10[%swap3A_121, %swap3A_122] {strides = array<i32>} : memref<40x128xf32, #tpu.memory_space<vmem>>, vector<1x16xf32>,
      %swap3A_124 = vector.shape_cast %swap3A_123 : vector<1x16xf32> to vector<16xf32>
      %swap3A_125 = vector.shape_cast %broadcast_in_dim3A_1 : vector<16xf32> to vector<1x16xf32>
      tpu.vector_store %arg10[%swap3A_121, %swap3A_122], %swap3A_125 {strides = array<i32>} : memref<40x128xf32, #tpu.memory_space<vmem>>, vector<1x16xf32>,
      %swap3A_126 = arith.index_cast %add3A_96 : i32 to index
      %swap3A_127 = arith.constant 96 : index
      %swap3A_128 = tpu.vector_load %arg10[%swap3A_126, %swap3A_127] {strides = array<i32>} : memref<40x128xf32, #tpu.memory_space<vmem>>, vector<1x16xf32>,
      %swap3A_129 = vector.shape_cast %swap3A_128 : vector<1x16xf32> to vector<16xf32>
      %swap3A_130 = vector.shape_cast %broadcast_in_dim3A_1 : vector<16xf32> to vector<1x16xf32>
      tpu.vector_store %arg10[%swap3A_126, %swap3A_127], %swap3A_130 {strides = array<i32>} : memref<40x128xf32, #tpu.memory_space<vmem>>, vector<1x16xf32>,
      %swap3A_131 = arith.index_cast %add3A_96 : i32 to index
      %swap3A_132 = arith.constant 112 : index
      %swap3A_133 = tpu.vector_load %arg10[%swap3A_131, %swap3A_132] {strides = array<i32>} : memref<40x128xf32, #tpu.memory_space<vmem>>, vector<1x16xf32>,
      %swap3A_134 = vector.shape_cast %swap3A_133 : vector<1x16xf32> to vector<16xf32>
      %swap3A_135 = vector.shape_cast %broadcast_in_dim3A_1 : vector<16xf32> to vector<1x16xf32>
      tpu.vector_store %arg10[%swap3A_131, %swap3A_132], %swap3A_135 {strides = array<i32>} : memref<40x128xf32, #tpu.memory_space<vmem>>, vector<1x16xf32>,
    }
    %scan3A_5 = arith.constant 40 : i32
    %scan3A_6 = arith.constant 0 : i32
    %scan3A_7 = arith.constant 4 : i32
    %scan3A_8 = arith.addi %scan3A_6, %scan3A_7 : i32
    %scan3A_9 = arith.constant 1 : i32
    scf.for %scan3A_92 = %scan3A_6 to %scan3A_8 step %scan3A_9  : i32 {
      %mul3A_93 = arith.constant 1 : i32
      %mul3A_94 = arith.muli %scan3A_92, %mul3A_93 : i32
      %add3A_95 = arith.constant 0 : i32
      %add3A_96 = arith.addi %add3A_95, %mul3A_94 : i32
      %mul3A_97 = arith.constant 16 : i32
      %mul3A_98 = arith.muli %mul3A_97, %add3A_96 : i32
      %add3A_99 = arith.addi %arg1, %mul3A_98 : i32
      %lt3A = arith.constant 50 : i32
      %lt3A_100 = arith.cmpi slt, %add3A_99, %lt3A : i32
      %convert_element_type3A = arith.extui %lt3A_100 : i1 to i32
      %cond3A = arith.constant 0 : i32
      %cond3A_101 = arith.cmpi ne, %convert_element_type3A, %cond3A : i32
      scf.if %cond3A_101 {
        %mul3A_102 = arith.constant 200 : i32
        %mul3A_103 = arith.muli %add3A_99, %mul3A_102 : i32
        %add3A_104 = arith.constant 0 : i32
        %add3A_105 = arith.addi %mul3A_103, %add3A_104 : i32
        "tpu.region"() ({
          %run_scoped3A_122 = tpu.sem_alloc : memref<!tpu.dma_semaphore, #tpu.memory_space<semaphore_mem>>
          %dma_start3A_123 = arith.constant 0 : i32
          %dma_start3A_124 = tpu.memref_slice %arg11[%add3A_105, %dma_start3A_123] : memref<10016x128xf32, #tpu.memory_space<vmem_shared>> -> memref<40x128xf32, #tpu.memory_space<vmem_shared>>
          %dma_start3A_125 = arith.constant 0 : i32
          %dma_start3A_126 = tpu.memref_slice %arg11[%add3A_105, %dma_start3A_125] : memref<10016x128xf32, #tpu.memory_space<vmem_shared>> -> memref<40x128xf32, #tpu.memory_space<vmem_shared>>
          tpu.enqueue_dma source(%arg10 : memref<40x128xf32, #tpu.memory_space<vmem>>) target(%dma_start3A_126 : memref<40x128xf32, #tpu.memory_space<vmem_shared>>) target_semaphore(%run_scoped3A_122 : memref<!tpu.dma_semaphore, #tpu.memory_space<semaphore_mem>>)
          %dma_wait3A_127 = arith.constant 0 : i32
          %dma_wait3A_128 = tpu.memref_slice %arg11[%add3A_105, %dma_wait3A_127] : memref<10016x128xf32, #tpu.memory_space<vmem_shared>> -> memref<40x128xf32, #tpu.memory_space<vmem_shared>>
          %dma_wait3A_129 = arith.constant 0 : i32
          %dma_wait3A_130 = tpu.memref_slice %arg11[%add3A_105, %dma_wait3A_129] : memref<10016x128xf32, #tpu.memory_space<vmem_shared>> -> memref<40x128xf32, #tpu.memory_space<vmem_shared>>
          tpu.wait_dma2 semaphore(%run_scoped3A_122 : memref<!tpu.dma_semaphore, #tpu.memory_space<semaphore_mem>>) src(%arg10 : memref<40x128xf32, #tpu.memory_space<vmem>>) dst(%dma_wait3A_130 : memref<40x128xf32, #tpu.memory_space<vmem_shared>>)
          tpu.yield
        }) : () -> ()
        %mul3A_106 = arith.constant 200 : i32
        %mul3A_107 = arith.muli %add3A_99, %mul3A_106 : i32
        %add3A_108 = arith.constant 40 : i32
        %add3A_109 = arith.addi %mul3A_107, %add3A_108 : i32
        "tpu.region"() ({
          %run_scoped3A_122 = tpu.sem_alloc : memref<!tpu.dma_semaphore, #tpu.memory_space<semaphore_mem>>
          %dma_start3A_123 = arith.constant 0 : i32
          %dma_start3A_124 = tpu.memref_slice %arg11[%add3A_109, %dma_start3A_123] : memref<10016x128xf32, #tpu.memory_space<vmem_shared>> -> memref<40x128xf32, #tpu.memory_space<vmem_shared>>
          %dma_start3A_125 = arith.constant 0 : i32
          %dma_start3A_126 = tpu.memref_slice %arg11[%add3A_109, %dma_start3A_125] : memref<10016x128xf32, #tpu.memory_space<vmem_shared>> -> memref<40x128xf32, #tpu.memory_space<vmem_shared>>
          tpu.enqueue_dma source(%arg10 : memref<40x128xf32, #tpu.memory_space<vmem>>) target(%dma_start3A_126 : memref<40x128xf32, #tpu.memory_space<vmem_shared>>) target_semaphore(%run_scoped3A_122 : memref<!tpu.dma_semaphore, #tpu.memory_space<semaphore_mem>>)
          %dma_wait3A_127 = arith.constant 0 : i32
          %dma_wait3A_128 = tpu.memref_slice %arg11[%add3A_109, %dma_wait3A_127] : memref<10016x128xf32, #tpu.memory_space<vmem_shared>> -> memref<40x128xf32, #tpu.memory_space<vmem_shared>>
          %dma_wait3A_129 = arith.constant 0 : i32
          %dma_wait3A_130 = tpu.memref_slice %arg11[%add3A_109, %dma_wait3A_129] : memref<10016x128xf32, #tpu.memory_space<vmem_shared>> -> memref<40x128xf32, #tpu.memory_space<vmem_shared>>
          tpu.wait_dma2 semaphore(%run_scoped3A_122 : memref<!tpu.dma_semaphore, #tpu.memory_space<semaphore_mem>>) src(%arg10 : memref<40x128xf32, #tpu.memory_space<vmem>>) dst(%dma_wait3A_130 : memref<40x128xf32, #tpu.memory_space<vmem_shared>>)
          tpu.yield
        }) : () -> ()
        %mul3A_110 = arith.constant 200 : i32
        %mul3A_111 = arith.muli %add3A_99, %mul3A_110 : i32
        %add3A_112 = arith.constant 80 : i32
        %add3A_113 = arith.addi %mul3A_111, %add3A_112 : i32
        "tpu.region"() ({
          %run_scoped3A_122 = tpu.sem_alloc : memref<!tpu.dma_semaphore, #tpu.memory_space<semaphore_mem>>
          %dma_start3A_123 = arith.constant 0 : i32
          %dma_start3A_124 = tpu.memref_slice %arg11[%add3A_113, %dma_start3A_123] : memref<10016x128xf32, #tpu.memory_space<vmem_shared>> -> memref<40x128xf32, #tpu.memory_space<vmem_shared>>
          %dma_start3A_125 = arith.constant 0 : i32
          %dma_start3A_126 = tpu.memref_slice %arg11[%add3A_113, %dma_start3A_125] : memref<10016x128xf32, #tpu.memory_space<vmem_shared>> -> memref<40x128xf32, #tpu.memory_space<vmem_shared>>
          tpu.enqueue_dma source(%arg10 : memref<40x128xf32, #tpu.memory_space<vmem>>) target(%dma_start3A_126 : memref<40x128xf32, #tpu.memory_space<vmem_shared>>) target_semaphore(%run_scoped3A_122 : memref<!tpu.dma_semaphore, #tpu.memory_space<semaphore_mem>>)
          %dma_wait3A_127 = arith.constant 0 : i32
          %dma_wait3A_128 = tpu.memref_slice %arg11[%add3A_113, %dma_wait3A_127] : memref<10016x128xf32, #tpu.memory_space<vmem_shared>> -> memref<40x128xf32, #tpu.memory_space<vmem_shared>>
          %dma_wait3A_129 = arith.constant 0 : i32
          %dma_wait3A_130 = tpu.memref_slice %arg11[%add3A_113, %dma_wait3A_129] : memref<10016x128xf32, #tpu.memory_space<vmem_shared>> -> memref<40x128xf32, #tpu.memory_space<vmem_shared>>
          tpu.wait_dma2 semaphore(%run_scoped3A_122 : memref<!tpu.dma_semaphore, #tpu.memory_space<semaphore_mem>>) src(%arg10 : memref<40x128xf32, #tpu.memory_space<vmem>>) dst(%dma_wait3A_130 : memref<40x128xf32, #tpu.memory_space<vmem_shared>>)
          tpu.yield
        }) : () -> ()
        %mul3A_114 = arith.constant 200 : i32
        %mul3A_115 = arith.muli %add3A_99, %mul3A_114 : i32
        %add3A_116 = arith.constant 120 : i32
        %add3A_117 = arith.addi %mul3A_115, %add3A_116 : i32
        "tpu.region"() ({
          %run_scoped3A_122 = tpu.sem_alloc : memref<!tpu.dma_semaphore, #tpu.memory_space<semaphore_mem>>
          %dma_start3A_123 = arith.constant 0 : i32
          %dma_start3A_124 = tpu.memref_slice %arg11[%add3A_117, %dma_start3A_123] : memref<10016x128xf32, #tpu.memory_space<vmem_shared>> -> memref<40x128xf32, #tpu.memory_space<vmem_shared>>
          %dma_start3A_125 = arith.constant 0 : i32
          %dma_start3A_126 = tpu.memref_slice %arg11[%add3A_117, %dma_start3A_125] : memref<10016x128xf32, #tpu.memory_space<vmem_shared>> -> memref<40x128xf32, #tpu.memory_space<vmem_shared>>
          tpu.enqueue_dma source(%arg10 : memref<40x128xf32, #tpu.memory_space<vmem>>) target(%dma_start3A_126 : memref<40x128xf32, #tpu.memory_space<vmem_shared>>) target_semaphore(%run_scoped3A_122 : memref<!tpu.dma_semaphore, #tpu.memory_space<semaphore_mem>>)
          %dma_wait3A_127 = arith.constant 0 : i32
          %dma_wait3A_128 = tpu.memref_slice %arg11[%add3A_117, %dma_wait3A_127] : memref<10016x128xf32, #tpu.memory_space<vmem_shared>> -> memref<40x128xf32, #tpu.memory_space<vmem_shared>>
          %dma_wait3A_129 = arith.constant 0 : i32
          %dma_wait3A_130 = tpu.memref_slice %arg11[%add3A_117, %dma_wait3A_129] : memref<10016x128xf32, #tpu.memory_space<vmem_shared>> -> memref<40x128xf32, #tpu.memory_space<vmem_shared>>
          tpu.wait_dma2 semaphore(%run_scoped3A_122 : memref<!tpu.dma_semaphore, #tpu.memory_space<semaphore_mem>>) src(%arg10 : memref<40x128xf32, #tpu.memory_space<vmem>>) dst(%dma_wait3A_130 : memref<40x128xf32, #tpu.memory_space<vmem_shared>>)
          tpu.yield
        }) : () -> ()
        %mul3A_118 = arith.constant 200 : i32
        %mul3A_119 = arith.muli %add3A_99, %mul3A_118 : i32
        %add3A_120 = arith.constant 160 : i32
        %add3A_121 = arith.addi %mul3A_119, %add3A_120 : i32
        "tpu.region"() ({
          %run_scoped3A_122 = tpu.sem_alloc : memref<!tpu.dma_semaphore, #tpu.memory_space<semaphore_mem>>
          %dma_start3A_123 = arith.constant 0 : i32
          %dma_start3A_124 = tpu.memref_slice %arg11[%add3A_121, %dma_start3A_123] : memref<10016x128xf32, #tpu.memory_space<vmem_shared>> -> memref<40x128xf32, #tpu.memory_space<vmem_shared>>
          %dma_start3A_125 = arith.constant 0 : i32
          %dma_start3A_126 = tpu.memref_slice %arg11[%add3A_121, %dma_start3A_125] : memref<10016x128xf32, #tpu.memory_space<vmem_shared>> -> memref<40x128xf32, #tpu.memory_space<vmem_shared>>
          tpu.enqueue_dma source(%arg10 : memref<40x128xf32, #tpu.memory_space<vmem>>) target(%dma_start3A_126 : memref<40x128xf32, #tpu.memory_space<vmem_shared>>) target_semaphore(%run_scoped3A_122 : memref<!tpu.dma_semaphore, #tpu.memory_space<semaphore_mem>>)
          %dma_wait3A_127 = arith.constant 0 : i32
          %dma_wait3A_128 = tpu.memref_slice %arg11[%add3A_121, %dma_wait3A_127] : memref<10016x128xf32, #tpu.memory_space<vmem_shared>> -> memref<40x128xf32, #tpu.memory_space<vmem_shared>>
          %dma_wait3A_129 = arith.constant 0 : i32
          %dma_wait3A_130 = tpu.memref_slice %arg11[%add3A_121, %dma_wait3A_129] : memref<10016x128xf32, #tpu.memory_space<vmem_shared>> -> memref<40x128xf32, #tpu.memory_space<vmem_shared>>
          tpu.wait_dma2 semaphore(%run_scoped3A_122 : memref<!tpu.dma_semaphore, #tpu.memory_space<semaphore_mem>>) src(%arg10 : memref<40x128xf32, #tpu.memory_space<vmem>>) dst(%dma_wait3A_130 : memref<40x128xf32, #tpu.memory_space<vmem_shared>>)
          tpu.yield
        }) : () -> ()
      } else {
      }
    }
    %scan3A_10 = arith.constant 4 : i32
    %barrier3A = arith.constant 0 : index
    tpu.barrier barrier_id(%barrier3A)
    %mul3A_11 = arith.constant 80 : i32
    %mul3A_12 = arith.muli %add3A, %mul3A_11 : i32
    %add3A_13 = arith.constant 0 : i32
    %add3A_14 = arith.addi %mul3A_12, %add3A_13 : i32
    "tpu.region"() ({
      %run_scoped3A_92 = tpu.sem_alloc : memref<!tpu.dma_semaphore, #tpu.memory_space<semaphore_mem>>
      %dma_start3A_93 = arith.constant 0 : i32
      %dma_start3A_94 = tpu.memref_slice %arg3[%add3A_14, %dma_start3A_93] : memref<2560x128xi32, #tpu.memory_space<hbm>> -> memref<40x128xi32, #tpu.memory_space<hbm>>
      %dma_start3A_95 = arith.constant 0 : i32
      %dma_start3A_96 = tpu.memref_slice %arg3[%add3A_14, %dma_start3A_95] : memref<2560x128xi32, #tpu.memory_space<hbm>> -> memref<40x128xi32, #tpu.memory_space<hbm>>
      tpu.enqueue_dma source(%dma_start3A_96 : memref<40x128xi32, #tpu.memory_space<hbm>>) target(%arg6 : memref<40x128xi32, #tpu.memory_space<vmem>>) target_semaphore(%run_scoped3A_92 : memref<!tpu.dma_semaphore, #tpu.memory_space<semaphore_mem>>)
      %dma_wait3A_97 = arith.constant 0 : i32
      %dma_wait3A_98 = tpu.memref_slice %arg3[%add3A_14, %dma_wait3A_97] : memref<2560x128xi32, #tpu.memory_space<hbm>> -> memref<40x128xi32, #tpu.memory_space<hbm>>
      %dma_wait3A_99 = arith.constant 0 : i32
      %dma_wait3A_100 = tpu.memref_slice %arg3[%add3A_14, %dma_wait3A_99] : memref<2560x128xi32, #tpu.memory_space<hbm>> -> memref<40x128xi32, #tpu.memory_space<hbm>>
      tpu.wait_dma2 semaphore(%run_scoped3A_92 : memref<!tpu.dma_semaphore, #tpu.memory_space<semaphore_mem>>) src(%dma_wait3A_100 : memref<40x128xi32, #tpu.memory_space<hbm>>) dst(%arg6 : memref<40x128xi32, #tpu.memory_space<vmem>>)
      tpu.yield
    }) : () -> ()
    "tpu.region"() ({
      %run_scoped3A_92 = tpu.sem_alloc : memref<!tpu.dma_semaphore, #tpu.memory_space<semaphore_mem>>
      %dma_start3A_93 = arith.constant 0 : i32
      %dma_start3A_94 = tpu.memref_slice %arg4[%add3A_14, %dma_start3A_93] : memref<2560x128xi32, #tpu.memory_space<hbm>> -> memref<40x128xi32, #tpu.memory_space<hbm>>
      %dma_start3A_95 = arith.constant 0 : i32
      %dma_start3A_96 = tpu.memref_slice %arg4[%add3A_14, %dma_start3A_95] : memref<2560x128xi32, #tpu.memory_space<hbm>> -> memref<40x128xi32, #tpu.memory_space<hbm>>
      tpu.enqueue_dma source(%dma_start3A_96 : memref<40x128xi32, #tpu.memory_space<hbm>>) target(%arg7 : memref<40x128xi32, #tpu.memory_space<vmem>>) target_semaphore(%run_scoped3A_92 : memref<!tpu.dma_semaphore, #tpu.memory_space<semaphore_mem>>)
      %dma_wait3A_97 = arith.constant 0 : i32
      %dma_wait3A_98 = tpu.memref_slice %arg4[%add3A_14, %dma_wait3A_97] : memref<2560x128xi32, #tpu.memory_space<hbm>> -> memref<40x128xi32, #tpu.memory_space<hbm>>
      %dma_wait3A_99 = arith.constant 0 : i32
      %dma_wait3A_100 = tpu.memref_slice %arg4[%add3A_14, %dma_wait3A_99] : memref<2560x128xi32, #tpu.memory_space<hbm>> -> memref<40x128xi32, #tpu.memory_space<hbm>>
      tpu.wait_dma2 semaphore(%run_scoped3A_92 : memref<!tpu.dma_semaphore, #tpu.memory_space<semaphore_mem>>) src(%dma_wait3A_100 : memref<40x128xi32, #tpu.memory_space<hbm>>) dst(%arg7 : memref<40x128xi32, #tpu.memory_space<vmem>>)
      tpu.yield
    }) : () -> ()
    %dma_start3A = arith.constant 0 : i32
    %dma_start3A_15 = arith.constant 0 : i32
    %dma_start3A_16 = tpu.memref_slice %arg6[%dma_start3A, %dma_start3A_15] : memref<40x128xi32, #tpu.memory_space<vmem>> -> memref<1x128xi32, #tpu.memory_space<vmem>>
    %dma_start3A_17 = tpu.memref_squeeze %dma_start3A_16 : memref<1x128xi32, #tpu.memory_space<vmem>> -> memref<128xi32, #tpu.memory_space<vmem>>
    %dma_start3A_18 = arith.constant 0 : i32
    %dma_start3A_19 = arith.constant 0 : i32
    %dma_start3A_20 = tpu.memref_slice %arg2[%dma_start3A_18, %dma_start3A_19] : memref<10000x128xf32, #tpu.memory_space<hbm>> -> memref<10000x128xf32, #tpu.memory_space<hbm>>
    tpu.enqueue_indirect_dma source(%dma_start3A_20 : memref<10000x128xf32, #tpu.memory_space<hbm>>) target(%arg8 : memref<128x128xf32, #tpu.memory_space<vmem>>) offsets(%dma_start3A_17 : memref<128xi32, #tpu.memory_space<vmem>>) semaphore(%arg12 : memref<!tpu.dma_semaphore, #tpu.memory_space<semaphore_mem>>)
    %dma_start3A_21 = arith.constant 1 : i32
    %dma_start3A_22 = arith.constant 0 : i32
    %dma_start3A_23 = tpu.memref_slice %arg6[%dma_start3A_21, %dma_start3A_22] : memref<40x128xi32, #tpu.memory_space<vmem>> -> memref<1x128xi32, #tpu.memory_space<vmem>>
    %dma_start3A_24 = tpu.memref_squeeze %dma_start3A_23 : memref<1x128xi32, #tpu.memory_space<vmem>> -> memref<128xi32, #tpu.memory_space<vmem>>
    %dma_start3A_25 = arith.constant 0 : i32
    %dma_start3A_26 = arith.constant 0 : i32
    %dma_start3A_27 = tpu.memref_slice %arg2[%dma_start3A_25, %dma_start3A_26] : memref<10000x128xf32, #tpu.memory_space<hbm>> -> memref<10000x128xf32, #tpu.memory_space<hbm>>
    tpu.enqueue_indirect_dma source(%dma_start3A_27 : memref<10000x128xf32, #tpu.memory_space<hbm>>) target(%arg9 : memref<128x128xf32, #tpu.memory_space<vmem>>) offsets(%dma_start3A_24 : memref<128xi32, #tpu.memory_space<vmem>>) semaphore(%arg13 : memref<!tpu.dma_semaphore, #tpu.memory_space<semaphore_mem>>)
    %scan3A_28 = arith.constant 0 : i32
    %scan3A_29 = arith.constant 19 : i32
    %scan3A_30 = arith.addi %scan3A_28, %scan3A_29 : i32
    %scan3A_31 = arith.constant 1 : i32
    scf.for %scan3A_92 = %scan3A_28 to %scan3A_30 step %scan3A_31  : i32 {
      %mul3A_93 = arith.constant 1 : i32
      %mul3A_94 = arith.muli %scan3A_92, %mul3A_93 : i32
      %add3A_95 = arith.constant 0 : i32
      %add3A_96 = arith.addi %add3A_95, %mul3A_94 : i32
      %mul3A_97 = arith.constant 2 : i32
      %mul3A_98 = arith.muli %mul3A_97, %add3A_96 : i32
      %dma_wait3A_99 = arith.constant 0 : i32
      %dma_wait3A_100 = tpu.memref_slice %arg6[%mul3A_98, %dma_wait3A_99] : memref<40x128xi32, #tpu.memory_space<vmem>> -> memref<1x128xi32, #tpu.memory_space<vmem>>
      %dma_wait3A_101 = tpu.memref_squeeze %dma_wait3A_100 : memref<1x128xi32, #tpu.memory_space<vmem>> -> memref<128xi32, #tpu.memory_space<vmem>>
      %dma_wait3A_102 = arith.constant 0 : i32
      %dma_wait3A_103 = arith.constant 0 : i32
      %dma_wait3A_104 = tpu.memref_slice %arg2[%dma_wait3A_102, %dma_wait3A_103] : memref<10000x128xf32, #tpu.memory_space<hbm>> -> memref<10000x128xf32, #tpu.memory_space<hbm>>
      tpu.wait_indirect_dma semaphore(%arg12 : memref<!tpu.dma_semaphore, #tpu.memory_space<semaphore_mem>>) src(%dma_wait3A_104 : memref<10000x128xf32, #tpu.memory_space<hbm>>) dst(%arg8 : memref<128x128xf32, #tpu.memory_space<vmem>>)
      "tpu.region"() ({
        %run_scoped3A_131 = tpu.sem_alloc : memref<!tpu.dma_semaphore, #tpu.memory_space<semaphore_mem>>
        %dma_start3A_132 = arith.constant 0 : i32
        %dma_start3A_133 = tpu.memref_slice %arg7[%mul3A_98, %dma_start3A_132] : memref<40x128xi32, #tpu.memory_space<vmem>> -> memref<1x128xi32, #tpu.memory_space<vmem>>
        %dma_start3A_134 = tpu.memref_squeeze %dma_start3A_133 : memref<1x128xi32, #tpu.memory_space<vmem>> -> memref<128xi32, #tpu.memory_space<vmem>>
        %dma_start3A_135 = arith.constant 0 : i32
        %dma_start3A_136 = arith.constant 0 : i32
        %dma_start3A_137 = tpu.memref_slice %arg11[%dma_start3A_135, %dma_start3A_136] : memref<10016x128xf32, #tpu.memory_space<vmem_shared>> -> memref<10016x128xf32, #tpu.memory_space<vmem_shared>>
        tpu.enqueue_indirect_dma source(%arg8 : memref<128x128xf32, #tpu.memory_space<vmem>>) target(%dma_start3A_137 : memref<10016x128xf32, #tpu.memory_space<vmem_shared>>) offsets(%dma_start3A_134 : memref<128xi32, #tpu.memory_space<vmem>>) semaphore(%run_scoped3A_131 : memref<!tpu.dma_semaphore, #tpu.memory_space<semaphore_mem>>) {add = true}
        %dma_wait3A_138 = arith.constant 0 : i32
        %dma_wait3A_139 = tpu.memref_slice %arg7[%mul3A_98, %dma_wait3A_138] : memref<40x128xi32, #tpu.memory_space<vmem>> -> memref<1x128xi32, #tpu.memory_space<vmem>>
        %dma_wait3A_140 = tpu.memref_squeeze %dma_wait3A_139 : memref<1x128xi32, #tpu.memory_space<vmem>> -> memref<128xi32, #tpu.memory_space<vmem>>
        %dma_wait3A_141 = arith.constant 0 : i32
        %dma_wait3A_142 = arith.constant 0 : i32
        %dma_wait3A_143 = tpu.memref_slice %arg11[%dma_wait3A_141, %dma_wait3A_142] : memref<10016x128xf32, #tpu.memory_space<vmem_shared>> -> memref<10016x128xf32, #tpu.memory_space<vmem_shared>>
        tpu.wait_indirect_dma semaphore(%run_scoped3A_131 : memref<!tpu.dma_semaphore, #tpu.memory_space<semaphore_mem>>) src(%arg8 : memref<128x128xf32, #tpu.memory_space<vmem>>) dst(%dma_wait3A_143 : memref<10016x128xf32, #tpu.memory_space<vmem_shared>>)
        tpu.yield
      }) : () -> ()
      %add3A_105 = arith.constant 2 : i32
      %add3A_106 = arith.addi %mul3A_98, %add3A_105 : i32
      %dma_start3A_107 = arith.constant 0 : i32
      %dma_start3A_108 = tpu.memref_slice %arg6[%add3A_106, %dma_start3A_107] : memref<40x128xi32, #tpu.memory_space<vmem>> -> memref<1x128xi32, #tpu.memory_space<vmem>>
      %dma_start3A_109 = tpu.memref_squeeze %dma_start3A_108 : memref<1x128xi32, #tpu.memory_space<vmem>> -> memref<128xi32, #tpu.memory_space<vmem>>
      %dma_start3A_110 = arith.constant 0 : i32
      %dma_start3A_111 = arith.constant 0 : i32
      %dma_start3A_112 = tpu.memref_slice %arg2[%dma_start3A_110, %dma_start3A_111] : memref<10000x128xf32, #tpu.memory_space<hbm>> -> memref<10000x128xf32, #tpu.memory_space<hbm>>
      tpu.enqueue_indirect_dma source(%dma_start3A_112 : memref<10000x128xf32, #tpu.memory_space<hbm>>) target(%arg8 : memref<128x128xf32, #tpu.memory_space<vmem>>) offsets(%dma_start3A_109 : memref<128xi32, #tpu.memory_space<vmem>>) semaphore(%arg12 : memref<!tpu.dma_semaphore, #tpu.memory_space<semaphore_mem>>)
      %add3A_113 = arith.constant 1 : i32
      %add3A_114 = arith.addi %mul3A_98, %add3A_113 : i32
      %dma_wait3A_115 = arith.constant 0 : i32
      %dma_wait3A_116 = tpu.memref_slice %arg6[%add3A_114, %dma_wait3A_115] : memref<40x128xi32, #tpu.memory_space<vmem>> -> memref<1x128xi32, #tpu.memory_space<vmem>>
      %dma_wait3A_117 = tpu.memref_squeeze %dma_wait3A_116 : memref<1x128xi32, #tpu.memory_space<vmem>> -> memref<128xi32, #tpu.memory_space<vmem>>
      %dma_wait3A_118 = arith.constant 0 : i32
      %dma_wait3A_119 = arith.constant 0 : i32
      %dma_wait3A_120 = tpu.memref_slice %arg2[%dma_wait3A_118, %dma_wait3A_119] : memref<10000x128xf32, #tpu.memory_space<hbm>> -> memref<10000x128xf32, #tpu.memory_space<hbm>>
      tpu.wait_indirect_dma semaphore(%arg13 : memref<!tpu.dma_semaphore, #tpu.memory_space<semaphore_mem>>) src(%dma_wait3A_120 : memref<10000x128xf32, #tpu.memory_space<hbm>>) dst(%arg9 : memref<128x128xf32, #tpu.memory_space<vmem>>)
      %add3A_121 = arith.constant 1 : i32
      %add3A_122 = arith.addi %mul3A_98, %add3A_121 : i32
      "tpu.region"() ({
        %run_scoped3A_131 = tpu.sem_alloc : memref<!tpu.dma_semaphore, #tpu.memory_space<semaphore_mem>>
        %dma_start3A_132 = arith.constant 0 : i32
        %dma_start3A_133 = tpu.memref_slice %arg7[%add3A_122, %dma_start3A_132] : memref<40x128xi32, #tpu.memory_space<vmem>> -> memref<1x128xi32, #tpu.memory_space<vmem>>
        %dma_start3A_134 = tpu.memref_squeeze %dma_start3A_133 : memref<1x128xi32, #tpu.memory_space<vmem>> -> memref<128xi32, #tpu.memory_space<vmem>>
        %dma_start3A_135 = arith.constant 0 : i32
        %dma_start3A_136 = arith.constant 0 : i32
        %dma_start3A_137 = tpu.memref_slice %arg11[%dma_start3A_135, %dma_start3A_136] : memref<10016x128xf32, #tpu.memory_space<vmem_shared>> -> memref<10016x128xf32, #tpu.memory_space<vmem_shared>>
        tpu.enqueue_indirect_dma source(%arg9 : memref<128x128xf32, #tpu.memory_space<vmem>>) target(%dma_start3A_137 : memref<10016x128xf32, #tpu.memory_space<vmem_shared>>) offsets(%dma_start3A_134 : memref<128xi32, #tpu.memory_space<vmem>>) semaphore(%run_scoped3A_131 : memref<!tpu.dma_semaphore, #tpu.memory_space<semaphore_mem>>) {add = true}
        %dma_wait3A_138 = arith.constant 0 : i32
        %dma_wait3A_139 = tpu.memref_slice %arg7[%add3A_122, %dma_wait3A_138] : memref<40x128xi32, #tpu.memory_space<vmem>> -> memref<1x128xi32, #tpu.memory_space<vmem>>
        %dma_wait3A_140 = tpu.memref_squeeze %dma_wait3A_139 : memref<1x128xi32, #tpu.memory_space<vmem>> -> memref<128xi32, #tpu.memory_space<vmem>>
        %dma_wait3A_141 = arith.constant 0 : i32
        %dma_wait3A_142 = arith.constant 0 : i32
        %dma_wait3A_143 = tpu.memref_slice %arg11[%dma_wait3A_141, %dma_wait3A_142] : memref<10016x128xf32, #tpu.memory_space<vmem_shared>> -> memref<10016x128xf32, #tpu.memory_space<vmem_shared>>
        tpu.wait_indirect_dma semaphore(%run_scoped3A_131 : memref<!tpu.dma_semaphore, #tpu.memory_space<semaphore_mem>>) src(%arg9 : memref<128x128xf32, #tpu.memory_space<vmem>>) dst(%dma_wait3A_143 : memref<10016x128xf32, #tpu.memory_space<vmem_shared>>)
        tpu.yield
      }) : () -> ()
      %add3A_123 = arith.constant 3 : i32
      %add3A_124 = arith.addi %mul3A_98, %add3A_123 : i32
      %dma_start3A_125 = arith.constant 0 : i32
      %dma_start3A_126 = tpu.memref_slice %arg6[%add3A_124, %dma_start3A_125] : memref<40x128xi32, #tpu.memory_space<vmem>> -> memref<1x128xi32, #tpu.memory_space<vmem>>
      %dma_start3A_127 = tpu.memref_squeeze %dma_start3A_126 : memref<1x128xi32, #tpu.memory_space<vmem>> -> memref<128xi32, #tpu.memory_space<vmem>>
      %dma_start3A_128 = arith.constant 0 : i32
      %dma_start3A_129 = arith.constant 0 : i32
      %dma_start3A_130 = tpu.memref_slice %arg2[%dma_start3A_128, %dma_start3A_129] : memref<10000x128xf32, #tpu.memory_space<hbm>> -> memref<10000x128xf32, #tpu.memory_space<hbm>>
      tpu.enqueue_indirect_dma source(%dma_start3A_130 : memref<10000x128xf32, #tpu.memory_space<hbm>>) target(%arg9 : memref<128x128xf32, #tpu.memory_space<vmem>>) offsets(%dma_start3A_127 : memref<128xi32, #tpu.memory_space<vmem>>) semaphore(%arg13 : memref<!tpu.dma_semaphore, #tpu.memory_space<semaphore_mem>>)
    }
    %scan3A_32 = arith.constant 19 : i32
    %dma_wait3A = arith.constant 38 : i32
    %dma_wait3A_33 = arith.constant 0 : i32
    %dma_wait3A_34 = tpu.memref_slice %arg6[%dma_wait3A, %dma_wait3A_33] : memref<40x128xi32, #tpu.memory_space<vmem>> -> memref<1x128xi32, #tpu.memory_space<vmem>>
    %dma_wait3A_35 = tpu.memref_squeeze %dma_wait3A_34 : memref<1x128xi32, #tpu.memory_space<vmem>> -> memref<128xi32, #tpu.memory_space<vmem>>
    %dma_wait3A_36 = arith.constant 0 : i32
    %dma_wait3A_37 = arith.constant 0 : i32
    %dma_wait3A_38 = tpu.memref_slice %arg2[%dma_wait3A_36, %dma_wait3A_37] : memref<10000x128xf32, #tpu.memory_space<hbm>> -> memref<10000x128xf32, #tpu.memory_space<hbm>>
    tpu.wait_indirect_dma semaphore(%arg12 : memref<!tpu.dma_semaphore, #tpu.memory_space<semaphore_mem>>) src(%dma_wait3A_38 : memref<10000x128xf32, #tpu.memory_space<hbm>>) dst(%arg8 : memref<128x128xf32, #tpu.memory_space<vmem>>)
    %run_scoped3A = arith.constant 38 : i32
    "tpu.region"() ({
      %run_scoped3A_92 = tpu.sem_alloc : memref<!tpu.dma_semaphore, #tpu.memory_space<semaphore_mem>>
      %dma_start3A_93 = arith.constant 0 : i32
      %dma_start3A_94 = tpu.memref_slice %arg7[%run_scoped3A, %dma_start3A_93] : memref<40x128xi32, #tpu.memory_space<vmem>> -> memref<1x128xi32, #tpu.memory_space<vmem>>
      %dma_start3A_95 = tpu.memref_squeeze %dma_start3A_94 : memref<1x128xi32, #tpu.memory_space<vmem>> -> memref<128xi32, #tpu.memory_space<vmem>>
      %dma_start3A_96 = arith.constant 0 : i32
      %dma_start3A_97 = arith.constant 0 : i32
      %dma_start3A_98 = tpu.memref_slice %arg11[%dma_start3A_96, %dma_start3A_97] : memref<10016x128xf32, #tpu.memory_space<vmem_shared>> -> memref<10016x128xf32, #tpu.memory_space<vmem_shared>>
      tpu.enqueue_indirect_dma source(%arg8 : memref<128x128xf32, #tpu.memory_space<vmem>>) target(%dma_start3A_98 : memref<10016x128xf32, #tpu.memory_space<vmem_shared>>) offsets(%dma_start3A_95 : memref<128xi32, #tpu.memory_space<vmem>>) semaphore(%run_scoped3A_92 : memref<!tpu.dma_semaphore, #tpu.memory_space<semaphore_mem>>) {add = true}
      %dma_wait3A_99 = arith.constant 0 : i32
      %dma_wait3A_100 = tpu.memref_slice %arg7[%run_scoped3A, %dma_wait3A_99] : memref<40x128xi32, #tpu.memory_space<vmem>> -> memref<1x128xi32, #tpu.memory_space<vmem>>
      %dma_wait3A_101 = tpu.memref_squeeze %dma_wait3A_100 : memref<1x128xi32, #tpu.memory_space<vmem>> -> memref<128xi32, #tpu.memory_space<vmem>>
      %dma_wait3A_102 = arith.constant 0 : i32
      %dma_wait3A_103 = arith.constant 0 : i32
      %dma_wait3A_104 = tpu.memref_slice %arg11[%dma_wait3A_102, %dma_wait3A_103] : memref<10016x128xf32, #tpu.memory_space<vmem_shared>> -> memref<10016x128xf32, #tpu.memory_space<vmem_shared>>
      tpu.wait_indirect_dma semaphore(%run_scoped3A_92 : memref<!tpu.dma_semaphore, #tpu.memory_space<semaphore_mem>>) src(%arg8 : memref<128x128xf32, #tpu.memory_space<vmem>>) dst(%dma_wait3A_104 : memref<10016x128xf32, #tpu.memory_space<vmem_shared>>)
      tpu.yield
    }) : () -> ()
    %dma_wait3A_39 = arith.constant 39 : i32
    %dma_wait3A_40 = arith.constant 0 : i32
    %dma_wait3A_41 = tpu.memref_slice %arg6[%dma_wait3A_39, %dma_wait3A_40] : memref<40x128xi32, #tpu.memory_space<vmem>> -> memref<1x128xi32, #tpu.memory_space<vmem>>
    %dma_wait3A_42 = tpu.memref_squeeze %dma_wait3A_41 : memref<1x128xi32, #tpu.memory_space<vmem>> -> memref<128xi32, #tpu.memory_space<vmem>>
    %dma_wait3A_43 = arith.constant 0 : i32
    %dma_wait3A_44 = arith.constant 0 : i32
    %dma_wait3A_45 = tpu.memref_slice %arg2[%dma_wait3A_43, %dma_wait3A_44] : memref<10000x128xf32, #tpu.memory_space<hbm>> -> memref<10000x128xf32, #tpu.memory_space<hbm>>
    tpu.wait_indirect_dma semaphore(%arg13 : memref<!tpu.dma_semaphore, #tpu.memory_space<semaphore_mem>>) src(%dma_wait3A_45 : memref<10000x128xf32, #tpu.memory_space<hbm>>) dst(%arg9 : memref<128x128xf32, #tpu.memory_space<vmem>>)
    %run_scoped3A_46 = arith.constant 39 : i32
    "tpu.region"() ({
      %run_scoped3A_92 = tpu.sem_alloc : memref<!tpu.dma_semaphore, #tpu.memory_space<semaphore_mem>>
      %dma_start3A_93 = arith.constant 0 : i32
      %dma_start3A_94 = tpu.memref_slice %arg7[%run_scoped3A_46, %dma_start3A_93] : memref<40x128xi32, #tpu.memory_space<vmem>> -> memref<1x128xi32, #tpu.memory_space<vmem>>
      %dma_start3A_95 = tpu.memref_squeeze %dma_start3A_94 : memref<1x128xi32, #tpu.memory_space<vmem>> -> memref<128xi32, #tpu.memory_space<vmem>>
      %dma_start3A_96 = arith.constant 0 : i32
      %dma_start3A_97 = arith.constant 0 : i32
      %dma_start3A_98 = tpu.memref_slice %arg11[%dma_start3A_96, %dma_start3A_97] : memref<10016x128xf32, #tpu.memory_space<vmem_shared>> -> memref<10016x128xf32, #tpu.memory_space<vmem_shared>>
      tpu.enqueue_indirect_dma source(%arg9 : memref<128x128xf32, #tpu.memory_space<vmem>>) target(%dma_start3A_98 : memref<10016x128xf32, #tpu.memory_space<vmem_shared>>) offsets(%dma_start3A_95 : memref<128xi32, #tpu.memory_space<vmem>>) semaphore(%run_scoped3A_92 : memref<!tpu.dma_semaphore, #tpu.memory_space<semaphore_mem>>) {add = true}
      %dma_wait3A_99 = arith.constant 0 : i32
      %dma_wait3A_100 = tpu.memref_slice %arg7[%run_scoped3A_46, %dma_wait3A_99] : memref<40x128xi32, #tpu.memory_space<vmem>> -> memref<1x128xi32, #tpu.memory_space<vmem>>
      %dma_wait3A_101 = tpu.memref_squeeze %dma_wait3A_100 : memref<1x128xi32, #tpu.memory_space<vmem>> -> memref<128xi32, #tpu.memory_space<vmem>>
      %dma_wait3A_102 = arith.constant 0 : i32
      %dma_wait3A_103 = arith.constant 0 : i32
      %dma_wait3A_104 = tpu.memref_slice %arg11[%dma_wait3A_102, %dma_wait3A_103] : memref<10016x128xf32, #tpu.memory_space<vmem_shared>> -> memref<10016x128xf32, #tpu.memory_space<vmem_shared>>
      tpu.wait_indirect_dma semaphore(%run_scoped3A_92 : memref<!tpu.dma_semaphore, #tpu.memory_space<semaphore_mem>>) src(%arg9 : memref<128x128xf32, #tpu.memory_space<vmem>>) dst(%dma_wait3A_104 : memref<10016x128xf32, #tpu.memory_space<vmem_shared>>)
      tpu.yield
    }) : () -> ()
    %mul3A_47 = arith.constant 80 : i32
    %mul3A_48 = arith.muli %add3A, %mul3A_47 : i32
    %add3A_49 = arith.constant 40 : i32
    %add3A_50 = arith.addi %mul3A_48, %add3A_49 : i32
    "tpu.region"() ({
      %run_scoped3A_92 = tpu.sem_alloc : memref<!tpu.dma_semaphore, #tpu.memory_space<semaphore_mem>>
      %dma_start3A_93 = arith.constant 0 : i32
      %dma_start3A_94 = tpu.memref_slice %arg3[%add3A_50, %dma_start3A_93] : memref<2560x128xi32, #tpu.memory_space<hbm>> -> memref<40x128xi32, #tpu.memory_space<hbm>>
      %dma_start3A_95 = arith.constant 0 : i32
      %dma_start3A_96 = tpu.memref_slice %arg3[%add3A_50, %dma_start3A_95] : memref<2560x128xi32, #tpu.memory_space<hbm>> -> memref<40x128xi32, #tpu.memory_space<hbm>>
      tpu.enqueue_dma source(%dma_start3A_96 : memref<40x128xi32, #tpu.memory_space<hbm>>) target(%arg6 : memref<40x128xi32, #tpu.memory_space<vmem>>) target_semaphore(%run_scoped3A_92 : memref<!tpu.dma_semaphore, #tpu.memory_space<semaphore_mem>>)
      %dma_wait3A_97 = arith.constant 0 : i32
      %dma_wait3A_98 = tpu.memref_slice %arg3[%add3A_50, %dma_wait3A_97] : memref<2560x128xi32, #tpu.memory_space<hbm>> -> memref<40x128xi32, #tpu.memory_space<hbm>>
      %dma_wait3A_99 = arith.constant 0 : i32
      %dma_wait3A_100 = tpu.memref_slice %arg3[%add3A_50, %dma_wait3A_99] : memref<2560x128xi32, #tpu.memory_space<hbm>> -> memref<40x128xi32, #tpu.memory_space<hbm>>
      tpu.wait_dma2 semaphore(%run_scoped3A_92 : memref<!tpu.dma_semaphore, #tpu.memory_space<semaphore_mem>>) src(%dma_wait3A_100 : memref<40x128xi32, #tpu.memory_space<hbm>>) dst(%arg6 : memref<40x128xi32, #tpu.memory_space<vmem>>)
      tpu.yield
    }) : () -> ()
    "tpu.region"() ({
      %run_scoped3A_92 = tpu.sem_alloc : memref<!tpu.dma_semaphore, #tpu.memory_space<semaphore_mem>>
      %dma_start3A_93 = arith.constant 0 : i32
      %dma_start3A_94 = tpu.memref_slice %arg4[%add3A_50, %dma_start3A_93] : memref<2560x128xi32, #tpu.memory_space<hbm>> -> memref<40x128xi32, #tpu.memory_space<hbm>>
      %dma_start3A_95 = arith.constant 0 : i32
      %dma_start3A_96 = tpu.memref_slice %arg4[%add3A_50, %dma_start3A_95] : memref<2560x128xi32, #tpu.memory_space<hbm>> -> memref<40x128xi32, #tpu.memory_space<hbm>>
      tpu.enqueue_dma source(%dma_start3A_96 : memref<40x128xi32, #tpu.memory_space<hbm>>) target(%arg7 : memref<40x128xi32, #tpu.memory_space<vmem>>) target_semaphore(%run_scoped3A_92 : memref<!tpu.dma_semaphore, #tpu.memory_space<semaphore_mem>>)
      %dma_wait3A_97 = arith.constant 0 : i32
      %dma_wait3A_98 = tpu.memref_slice %arg4[%add3A_50, %dma_wait3A_97] : memref<2560x128xi32, #tpu.memory_space<hbm>> -> memref<40x128xi32, #tpu.memory_space<hbm>>
      %dma_wait3A_99 = arith.constant 0 : i32
      %dma_wait3A_100 = tpu.memref_slice %arg4[%add3A_50, %dma_wait3A_99] : memref<2560x128xi32, #tpu.memory_space<hbm>> -> memref<40x128xi32, #tpu.memory_space<hbm>>
      tpu.wait_dma2 semaphore(%run_scoped3A_92 : memref<!tpu.dma_semaphore, #tpu.memory_space<semaphore_mem>>) src(%dma_wait3A_100 : memref<40x128xi32, #tpu.memory_space<hbm>>) dst(%arg7 : memref<40x128xi32, #tpu.memory_space<vmem>>)
      tpu.yield
    }) : () -> ()
    %dma_start3A_51 = arith.constant 0 : i32
    %dma_start3A_52 = arith.constant 0 : i32
    %dma_start3A_53 = tpu.memref_slice %arg6[%dma_start3A_51, %dma_start3A_52] : memref<40x128xi32, #tpu.memory_space<vmem>> -> memref<1x128xi32, #tpu.memory_space<vmem>>
    %dma_start3A_54 = tpu.memref_squeeze %dma_start3A_53 : memref<1x128xi32, #tpu.memory_space<vmem>> -> memref<128xi32, #tpu.memory_space<vmem>>
    %dma_start3A_55 = arith.constant 0 : i32
    %dma_start3A_56 = arith.constant 0 : i32
    %dma_start3A_57 = tpu.memref_slice %arg2[%dma_start3A_55, %dma_start3A_56] : memref<10000x128xf32, #tpu.memory_space<hbm>> -> memref<10000x128xf32, #tpu.memory_space<hbm>>
    tpu.enqueue_indirect_dma source(%dma_start3A_57 : memref<10000x128xf32, #tpu.memory_space<hbm>>) target(%arg8 : memref<128x128xf32, #tpu.memory_space<vmem>>) offsets(%dma_start3A_54 : memref<128xi32, #tpu.memory_space<vmem>>) semaphore(%arg12 : memref<!tpu.dma_semaphore, #tpu.memory_space<semaphore_mem>>)
    %dma_start3A_58 = arith.constant 1 : i32
    %dma_start3A_59 = arith.constant 0 : i32
    %dma_start3A_60 = tpu.memref_slice %arg6[%dma_start3A_58, %dma_start3A_59] : memref<40x128xi32, #tpu.memory_space<vmem>> -> memref<1x128xi32, #tpu.memory_space<vmem>>
    %dma_start3A_61 = tpu.memref_squeeze %dma_start3A_60 : memref<1x128xi32, #tpu.memory_space<vmem>> -> memref<128xi32, #tpu.memory_space<vmem>>
    %dma_start3A_62 = arith.constant 0 : i32
    %dma_start3A_63 = arith.constant 0 : i32
    %dma_start3A_64 = tpu.memref_slice %arg2[%dma_start3A_62, %dma_start3A_63] : memref<10000x128xf32, #tpu.memory_space<hbm>> -> memref<10000x128xf32, #tpu.memory_space<hbm>>
    tpu.enqueue_indirect_dma source(%dma_start3A_64 : memref<10000x128xf32, #tpu.memory_space<hbm>>) target(%arg9 : memref<128x128xf32, #tpu.memory_space<vmem>>) offsets(%dma_start3A_61 : memref<128xi32, #tpu.memory_space<vmem>>) semaphore(%arg13 : memref<!tpu.dma_semaphore, #tpu.memory_space<semaphore_mem>>)
    %scan3A_65 = arith.constant 0 : i32
    %scan3A_66 = arith.constant 19 : i32
    %scan3A_67 = arith.addi %scan3A_65, %scan3A_66 : i32
    %scan3A_68 = arith.constant 1 : i32
    scf.for %scan3A_92 = %scan3A_65 to %scan3A_67 step %scan3A_68  : i32 {
      %mul3A_93 = arith.constant 1 : i32
      %mul3A_94 = arith.muli %scan3A_92, %mul3A_93 : i32
      %add3A_95 = arith.constant 0 : i32
      %add3A_96 = arith.addi %add3A_95, %mul3A_94 : i32
      %mul3A_97 = arith.constant 2 : i32
      %mul3A_98 = arith.muli %mul3A_97, %add3A_96 : i32
      %dma_wait3A_99 = arith.constant 0 : i32
      %dma_wait3A_100 = tpu.memref_slice %arg6[%mul3A_98, %dma_wait3A_99] : memref<40x128xi32, #tpu.memory_space<vmem>> -> memref<1x128xi32, #tpu.memory_space<vmem>>
      %dma_wait3A_101 = tpu.memref_squeeze %dma_wait3A_100 : memref<1x128xi32, #tpu.memory_space<vmem>> -> memref<128xi32, #tpu.memory_space<vmem>>
      %dma_wait3A_102 = arith.constant 0 : i32
      %dma_wait3A_103 = arith.constant 0 : i32
      %dma_wait3A_104 = tpu.memref_slice %arg2[%dma_wait3A_102, %dma_wait3A_103] : memref<10000x128xf32, #tpu.memory_space<hbm>> -> memref<10000x128xf32, #tpu.memory_space<hbm>>
      tpu.wait_indirect_dma semaphore(%arg12 : memref<!tpu.dma_semaphore, #tpu.memory_space<semaphore_mem>>) src(%dma_wait3A_104 : memref<10000x128xf32, #tpu.memory_space<hbm>>) dst(%arg8 : memref<128x128xf32, #tpu.memory_space<vmem>>)
      "tpu.region"() ({
        %run_scoped3A_131 = tpu.sem_alloc : memref<!tpu.dma_semaphore, #tpu.memory_space<semaphore_mem>>
        %dma_start3A_132 = arith.constant 0 : i32
        %dma_start3A_133 = tpu.memref_slice %arg7[%mul3A_98, %dma_start3A_132] : memref<40x128xi32, #tpu.memory_space<vmem>> -> memref<1x128xi32, #tpu.memory_space<vmem>>
        %dma_start3A_134 = tpu.memref_squeeze %dma_start3A_133 : memref<1x128xi32, #tpu.memory_space<vmem>> -> memref<128xi32, #tpu.memory_space<vmem>>
        %dma_start3A_135 = arith.constant 0 : i32
        %dma_start3A_136 = arith.constant 0 : i32
        %dma_start3A_137 = tpu.memref_slice %arg11[%dma_start3A_135, %dma_start3A_136] : memref<10016x128xf32, #tpu.memory_space<vmem_shared>> -> memref<10016x128xf32, #tpu.memory_space<vmem_shared>>
        tpu.enqueue_indirect_dma source(%arg8 : memref<128x128xf32, #tpu.memory_space<vmem>>) target(%dma_start3A_137 : memref<10016x128xf32, #tpu.memory_space<vmem_shared>>) offsets(%dma_start3A_134 : memref<128xi32, #tpu.memory_space<vmem>>) semaphore(%run_scoped3A_131 : memref<!tpu.dma_semaphore, #tpu.memory_space<semaphore_mem>>) {add = true}
        %dma_wait3A_138 = arith.constant 0 : i32
        %dma_wait3A_139 = tpu.memref_slice %arg7[%mul3A_98, %dma_wait3A_138] : memref<40x128xi32, #tpu.memory_space<vmem>> -> memref<1x128xi32, #tpu.memory_space<vmem>>
        %dma_wait3A_140 = tpu.memref_squeeze %dma_wait3A_139 : memref<1x128xi32, #tpu.memory_space<vmem>> -> memref<128xi32, #tpu.memory_space<vmem>>
        %dma_wait3A_141 = arith.constant 0 : i32
        %dma_wait3A_142 = arith.constant 0 : i32
        %dma_wait3A_143 = tpu.memref_slice %arg11[%dma_wait3A_141, %dma_wait3A_142] : memref<10016x128xf32, #tpu.memory_space<vmem_shared>> -> memref<10016x128xf32, #tpu.memory_space<vmem_shared>>
        tpu.wait_indirect_dma semaphore(%run_scoped3A_131 : memref<!tpu.dma_semaphore, #tpu.memory_space<semaphore_mem>>) src(%arg8 : memref<128x128xf32, #tpu.memory_space<vmem>>) dst(%dma_wait3A_143 : memref<10016x128xf32, #tpu.memory_space<vmem_shared>>)
        tpu.yield
      }) : () -> ()
      %add3A_105 = arith.constant 2 : i32
      %add3A_106 = arith.addi %mul3A_98, %add3A_105 : i32
      %dma_start3A_107 = arith.constant 0 : i32
      %dma_start3A_108 = tpu.memref_slice %arg6[%add3A_106, %dma_start3A_107] : memref<40x128xi32, #tpu.memory_space<vmem>> -> memref<1x128xi32, #tpu.memory_space<vmem>>
      %dma_start3A_109 = tpu.memref_squeeze %dma_start3A_108 : memref<1x128xi32, #tpu.memory_space<vmem>> -> memref<128xi32, #tpu.memory_space<vmem>>
      %dma_start3A_110 = arith.constant 0 : i32
      %dma_start3A_111 = arith.constant 0 : i32
      %dma_start3A_112 = tpu.memref_slice %arg2[%dma_start3A_110, %dma_start3A_111] : memref<10000x128xf32, #tpu.memory_space<hbm>> -> memref<10000x128xf32, #tpu.memory_space<hbm>>
      tpu.enqueue_indirect_dma source(%dma_start3A_112 : memref<10000x128xf32, #tpu.memory_space<hbm>>) target(%arg8 : memref<128x128xf32, #tpu.memory_space<vmem>>) offsets(%dma_start3A_109 : memref<128xi32, #tpu.memory_space<vmem>>) semaphore(%arg12 : memref<!tpu.dma_semaphore, #tpu.memory_space<semaphore_mem>>)
      %add3A_113 = arith.constant 1 : i32
      %add3A_114 = arith.addi %mul3A_98, %add3A_113 : i32
      %dma_wait3A_115 = arith.constant 0 : i32
      %dma_wait3A_116 = tpu.memref_slice %arg6[%add3A_114, %dma_wait3A_115] : memref<40x128xi32, #tpu.memory_space<vmem>> -> memref<1x128xi32, #tpu.memory_space<vmem>>
      %dma_wait3A_117 = tpu.memref_squeeze %dma_wait3A_116 : memref<1x128xi32, #tpu.memory_space<vmem>> -> memref<128xi32, #tpu.memory_space<vmem>>
      %dma_wait3A_118 = arith.constant 0 : i32
      %dma_wait3A_119 = arith.constant 0 : i32
      %dma_wait3A_120 = tpu.memref_slice %arg2[%dma_wait3A_118, %dma_wait3A_119] : memref<10000x128xf32, #tpu.memory_space<hbm>> -> memref<10000x128xf32, #tpu.memory_space<hbm>>
      tpu.wait_indirect_dma semaphore(%arg13 : memref<!tpu.dma_semaphore, #tpu.memory_space<semaphore_mem>>) src(%dma_wait3A_120 : memref<10000x128xf32, #tpu.memory_space<hbm>>) dst(%arg9 : memref<128x128xf32, #tpu.memory_space<vmem>>)
      %add3A_121 = arith.constant 1 : i32
      %add3A_122 = arith.addi %mul3A_98, %add3A_121 : i32
      "tpu.region"() ({
        %run_scoped3A_131 = tpu.sem_alloc : memref<!tpu.dma_semaphore, #tpu.memory_space<semaphore_mem>>
        %dma_start3A_132 = arith.constant 0 : i32
        %dma_start3A_133 = tpu.memref_slice %arg7[%add3A_122, %dma_start3A_132] : memref<40x128xi32, #tpu.memory_space<vmem>> -> memref<1x128xi32, #tpu.memory_space<vmem>>
        %dma_start3A_134 = tpu.memref_squeeze %dma_start3A_133 : memref<1x128xi32, #tpu.memory_space<vmem>> -> memref<128xi32, #tpu.memory_space<vmem>>
        %dma_start3A_135 = arith.constant 0 : i32
        %dma_start3A_136 = arith.constant 0 : i32
        %dma_start3A_137 = tpu.memref_slice %arg11[%dma_start3A_135, %dma_start3A_136] : memref<10016x128xf32, #tpu.memory_space<vmem_shared>> -> memref<10016x128xf32, #tpu.memory_space<vmem_shared>>
        tpu.enqueue_indirect_dma source(%arg9 : memref<128x128xf32, #tpu.memory_space<vmem>>) target(%dma_start3A_137 : memref<10016x128xf32, #tpu.memory_space<vmem_shared>>) offsets(%dma_start3A_134 : memref<128xi32, #tpu.memory_space<vmem>>) semaphore(%run_scoped3A_131 : memref<!tpu.dma_semaphore, #tpu.memory_space<semaphore_mem>>) {add = true}
        %dma_wait3A_138 = arith.constant 0 : i32
        %dma_wait3A_139 = tpu.memref_slice %arg7[%add3A_122, %dma_wait3A_138] : memref<40x128xi32, #tpu.memory_space<vmem>> -> memref<1x128xi32, #tpu.memory_space<vmem>>
        %dma_wait3A_140 = tpu.memref_squeeze %dma_wait3A_139 : memref<1x128xi32, #tpu.memory_space<vmem>> -> memref<128xi32, #tpu.memory_space<vmem>>
        %dma_wait3A_141 = arith.constant 0 : i32
        %dma_wait3A_142 = arith.constant 0 : i32
        %dma_wait3A_143 = tpu.memref_slice %arg11[%dma_wait3A_141, %dma_wait3A_142] : memref<10016x128xf32, #tpu.memory_space<vmem_shared>> -> memref<10016x128xf32, #tpu.memory_space<vmem_shared>>
        tpu.wait_indirect_dma semaphore(%run_scoped3A_131 : memref<!tpu.dma_semaphore, #tpu.memory_space<semaphore_mem>>) src(%arg9 : memref<128x128xf32, #tpu.memory_space<vmem>>) dst(%dma_wait3A_143 : memref<10016x128xf32, #tpu.memory_space<vmem_shared>>)
        tpu.yield
      }) : () -> ()
      %add3A_123 = arith.constant 3 : i32
      %add3A_124 = arith.addi %mul3A_98, %add3A_123 : i32
      %dma_start3A_125 = arith.constant 0 : i32
      %dma_start3A_126 = tpu.memref_slice %arg6[%add3A_124, %dma_start3A_125] : memref<40x128xi32, #tpu.memory_space<vmem>> -> memref<1x128xi32, #tpu.memory_space<vmem>>
      %dma_start3A_127 = tpu.memref_squeeze %dma_start3A_126 : memref<1x128xi32, #tpu.memory_space<vmem>> -> memref<128xi32, #tpu.memory_space<vmem>>
      %dma_start3A_128 = arith.constant 0 : i32
      %dma_start3A_129 = arith.constant 0 : i32
      %dma_start3A_130 = tpu.memref_slice %arg2[%dma_start3A_128, %dma_start3A_129] : memref<10000x128xf32, #tpu.memory_space<hbm>> -> memref<10000x128xf32, #tpu.memory_space<hbm>>
      tpu.enqueue_indirect_dma source(%dma_start3A_130 : memref<10000x128xf32, #tpu.memory_space<hbm>>) target(%arg9 : memref<128x128xf32, #tpu.memory_space<vmem>>) offsets(%dma_start3A_127 : memref<128xi32, #tpu.memory_space<vmem>>) semaphore(%arg13 : memref<!tpu.dma_semaphore, #tpu.memory_space<semaphore_mem>>)
    }
    %scan3A_69 = arith.constant 19 : i32
    %dma_wait3A_70 = arith.constant 38 : i32
    %dma_wait3A_71 = arith.constant 0 : i32
    %dma_wait3A_72 = tpu.memref_slice %arg6[%dma_wait3A_70, %dma_wait3A_71] : memref<40x128xi32, #tpu.memory_space<vmem>> -> memref<1x128xi32, #tpu.memory_space<vmem>>
    %dma_wait3A_73 = tpu.memref_squeeze %dma_wait3A_72 : memref<1x128xi32, #tpu.memory_space<vmem>> -> memref<128xi32, #tpu.memory_space<vmem>>
    %dma_wait3A_74 = arith.constant 0 : i32
    %dma_wait3A_75 = arith.constant 0 : i32
    %dma_wait3A_76 = tpu.memref_slice %arg2[%dma_wait3A_74, %dma_wait3A_75] : memref<10000x128xf32, #tpu.memory_space<hbm>> -> memref<10000x128xf32, #tpu.memory_space<hbm>>
    tpu.wait_indirect_dma semaphore(%arg12 : memref<!tpu.dma_semaphore, #tpu.memory_space<semaphore_mem>>) src(%dma_wait3A_76 : memref<10000x128xf32, #tpu.memory_space<hbm>>) dst(%arg8 : memref<128x128xf32, #tpu.memory_space<vmem>>)
    %run_scoped3A_77 = arith.constant 38 : i32
    "tpu.region"() ({
      %run_scoped3A_92 = tpu.sem_alloc : memref<!tpu.dma_semaphore, #tpu.memory_space<semaphore_mem>>
      %dma_start3A_93 = arith.constant 0 : i32
      %dma_start3A_94 = tpu.memref_slice %arg7[%run_scoped3A_77, %dma_start3A_93] : memref<40x128xi32, #tpu.memory_space<vmem>> -> memref<1x128xi32, #tpu.memory_space<vmem>>
      %dma_start3A_95 = tpu.memref_squeeze %dma_start3A_94 : memref<1x128xi32, #tpu.memory_space<vmem>> -> memref<128xi32, #tpu.memory_space<vmem>>
      %dma_start3A_96 = arith.constant 0 : i32
      %dma_start3A_97 = arith.constant 0 : i32
      %dma_start3A_98 = tpu.memref_slice %arg11[%dma_start3A_96, %dma_start3A_97] : memref<10016x128xf32, #tpu.memory_space<vmem_shared>> -> memref<10016x128xf32, #tpu.memory_space<vmem_shared>>
      tpu.enqueue_indirect_dma source(%arg8 : memref<128x128xf32, #tpu.memory_space<vmem>>) target(%dma_start3A_98 : memref<10016x128xf32, #tpu.memory_space<vmem_shared>>) offsets(%dma_start3A_95 : memref<128xi32, #tpu.memory_space<vmem>>) semaphore(%run_scoped3A_92 : memref<!tpu.dma_semaphore, #tpu.memory_space<semaphore_mem>>) {add = true}
      %dma_wait3A_99 = arith.constant 0 : i32
      %dma_wait3A_100 = tpu.memref_slice %arg7[%run_scoped3A_77, %dma_wait3A_99] : memref<40x128xi32, #tpu.memory_space<vmem>> -> memref<1x128xi32, #tpu.memory_space<vmem>>
      %dma_wait3A_101 = tpu.memref_squeeze %dma_wait3A_100 : memref<1x128xi32, #tpu.memory_space<vmem>> -> memref<128xi32, #tpu.memory_space<vmem>>
      %dma_wait3A_102 = arith.constant 0 : i32
      %dma_wait3A_103 = arith.constant 0 : i32
      %dma_wait3A_104 = tpu.memref_slice %arg11[%dma_wait3A_102, %dma_wait3A_103] : memref<10016x128xf32, #tpu.memory_space<vmem_shared>> -> memref<10016x128xf32, #tpu.memory_space<vmem_shared>>
      tpu.wait_indirect_dma semaphore(%run_scoped3A_92 : memref<!tpu.dma_semaphore, #tpu.memory_space<semaphore_mem>>) src(%arg8 : memref<128x128xf32, #tpu.memory_space<vmem>>) dst(%dma_wait3A_104 : memref<10016x128xf32, #tpu.memory_space<vmem_shared>>)
      tpu.yield
    }) : () -> ()
    %dma_wait3A_78 = arith.constant 39 : i32
    %dma_wait3A_79 = arith.constant 0 : i32
    %dma_wait3A_80 = tpu.memref_slice %arg6[%dma_wait3A_78, %dma_wait3A_79] : memref<40x128xi32, #tpu.memory_space<vmem>> -> memref<1x128xi32, #tpu.memory_space<vmem>>
    %dma_wait3A_81 = tpu.memref_squeeze %dma_wait3A_80 : memref<1x128xi32, #tpu.memory_space<vmem>> -> memref<128xi32, #tpu.memory_space<vmem>>
    %dma_wait3A_82 = arith.constant 0 : i32
    %dma_wait3A_83 = arith.constant 0 : i32
    %dma_wait3A_84 = tpu.memref_slice %arg2[%dma_wait3A_82, %dma_wait3A_83] : memref<10000x128xf32, #tpu.memory_space<hbm>> -> memref<10000x128xf32, #tpu.memory_space<hbm>>
    tpu.wait_indirect_dma semaphore(%arg13 : memref<!tpu.dma_semaphore, #tpu.memory_space<semaphore_mem>>) src(%dma_wait3A_84 : memref<10000x128xf32, #tpu.memory_space<hbm>>) dst(%arg9 : memref<128x128xf32, #tpu.memory_space<vmem>>)
    %run_scoped3A_85 = arith.constant 39 : i32
    "tpu.region"() ({
      %run_scoped3A_92 = tpu.sem_alloc : memref<!tpu.dma_semaphore, #tpu.memory_space<semaphore_mem>>
      %dma_start3A_93 = arith.constant 0 : i32
      %dma_start3A_94 = tpu.memref_slice %arg7[%run_scoped3A_85, %dma_start3A_93] : memref<40x128xi32, #tpu.memory_space<vmem>> -> memref<1x128xi32, #tpu.memory_space<vmem>>
      %dma_start3A_95 = tpu.memref_squeeze %dma_start3A_94 : memref<1x128xi32, #tpu.memory_space<vmem>> -> memref<128xi32, #tpu.memory_space<vmem>>
      %dma_start3A_96 = arith.constant 0 : i32
      %dma_start3A_97 = arith.constant 0 : i32
      %dma_start3A_98 = tpu.memref_slice %arg11[%dma_start3A_96, %dma_start3A_97] : memref<10016x128xf32, #tpu.memory_space<vmem_shared>> -> memref<10016x128xf32, #tpu.memory_space<vmem_shared>>
      tpu.enqueue_indirect_dma source(%arg9 : memref<128x128xf32, #tpu.memory_space<vmem>>) target(%dma_start3A_98 : memref<10016x128xf32, #tpu.memory_space<vmem_shared>>) offsets(%dma_start3A_95 : memref<128xi32, #tpu.memory_space<vmem>>) semaphore(%run_scoped3A_92 : memref<!tpu.dma_semaphore, #tpu.memory_space<semaphore_mem>>) {add = true}
      %dma_wait3A_99 = arith.constant 0 : i32
      %dma_wait3A_100 = tpu.memref_slice %arg7[%run_scoped3A_85, %dma_wait3A_99] : memref<40x128xi32, #tpu.memory_space<vmem>> -> memref<1x128xi32, #tpu.memory_space<vmem>>
      %dma_wait3A_101 = tpu.memref_squeeze %dma_wait3A_100 : memref<1x128xi32, #tpu.memory_space<vmem>> -> memref<128xi32, #tpu.memory_space<vmem>>
      %dma_wait3A_102 = arith.constant 0 : i32
      %dma_wait3A_103 = arith.constant 0 : i32
      %dma_wait3A_104 = tpu.memref_slice %arg11[%dma_wait3A_102, %dma_wait3A_103] : memref<10016x128xf32, #tpu.memory_space<vmem_shared>> -> memref<10016x128xf32, #tpu.memory_space<vmem_shared>>
      tpu.wait_indirect_dma semaphore(%run_scoped3A_92 : memref<!tpu.dma_semaphore, #tpu.memory_space<semaphore_mem>>) src(%arg9 : memref<128x128xf32, #tpu.memory_space<vmem>>) dst(%dma_wait3A_104 : memref<10016x128xf32, #tpu.memory_space<vmem_shared>>)
      tpu.yield
    }) : () -> ()
    %barrier3A_86 = arith.constant 0 : index
    tpu.barrier barrier_id(%barrier3A_86)
    %scan3A_87 = arith.constant 0 : i32
    %scan3A_88 = arith.constant 4 : i32
    %scan3A_89 = arith.addi %scan3A_87, %scan3A_88 : i32
    %scan3A_90 = arith.constant 1 : i32
    scf.for %scan3A_92 = %scan3A_87 to %scan3A_89 step %scan3A_90  : i32 {
      %mul3A_93 = arith.constant 1 : i32
      %mul3A_94 = arith.muli %scan3A_92, %mul3A_93 : i32
      %add3A_95 = arith.constant 0 : i32
      %add3A_96 = arith.addi %add3A_95, %mul3A_94 : i32
      %mul3A_97 = arith.constant 16 : i32
      %mul3A_98 = arith.muli %mul3A_97, %add3A_96 : i32
      %add3A_99 = arith.addi %arg1, %mul3A_98 : i32
      %lt3A = arith.constant 50 : i32
      %lt3A_100 = arith.cmpi slt, %add3A_99, %lt3A : i32
      %convert_element_type3A = arith.extui %lt3A_100 : i1 to i32
      %cond3A = arith.constant 0 : i32
      %cond3A_101 = arith.cmpi ne, %convert_element_type3A, %cond3A : i32
      scf.if %cond3A_101 {
        %mul3A_102 = arith.constant 200 : i32
        %mul3A_103 = arith.muli %add3A_99, %mul3A_102 : i32
        "tpu.region"() ({
          %run_scoped3A_104 = tpu.sem_alloc : memref<!tpu.dma_semaphore, #tpu.memory_space<semaphore_mem>>
          %dma_start3A_105 = arith.constant 0 : i32
          %dma_start3A_106 = tpu.memref_slice %arg5[%arg0, %mul3A_103, %dma_start3A_105] : memref<2x10000x128xf32, #tpu.memory_space<hbm>> -> memref<1x200x128xf32, #tpu.memory_space<hbm>>
          %dma_start3A_107 = tpu.memref_squeeze %dma_start3A_106 : memref<1x200x128xf32, #tpu.memory_space<hbm>> -> memref<200x128xf32, #tpu.memory_space<hbm>>
          %dma_start3A_108 = arith.constant 0 : i32
          %dma_start3A_109 = tpu.memref_slice %arg11[%mul3A_103, %dma_start3A_108] : memref<10016x128xf32, #tpu.memory_space<vmem_shared>> -> memref<200x128xf32, #tpu.memory_space<vmem_shared>>
          tpu.enqueue_dma source(%dma_start3A_109 : memref<200x128xf32, #tpu.memory_space<vmem_shared>>) target(%dma_start3A_107 : memref<200x128xf32, #tpu.memory_space<hbm>>) target_semaphore(%run_scoped3A_104 : memref<!tpu.dma_semaphore, #tpu.memory_space<semaphore_mem>>)
          %dma_wait3A_110 = arith.constant 0 : i32
          %dma_wait3A_111 = tpu.memref_slice %arg5[%arg0, %mul3A_103, %dma_wait3A_110] : memref<2x10000x128xf32, #tpu.memory_space<hbm>> -> memref<1x200x128xf32, #tpu.memory_space<hbm>>
          %dma_wait3A_112 = tpu.memref_squeeze %dma_wait3A_111 : memref<1x200x128xf32, #tpu.memory_space<hbm>> -> memref<200x128xf32, #tpu.memory_space<hbm>>
          %dma_wait3A_113 = arith.constant 0 : i32
          %dma_wait3A_114 = tpu.memref_slice %arg11[%mul3A_103, %dma_wait3A_113] : memref<10016x128xf32, #tpu.memory_space<vmem_shared>> -> memref<200x128xf32, #tpu.memory_space<vmem_shared>>
          tpu.wait_dma2 semaphore(%run_scoped3A_104 : memref<!tpu.dma_semaphore, #tpu.memory_space<semaphore_mem>>) src(%dma_wait3A_114 : memref<200x128xf32, #tpu.memory_space<vmem_shared>>) dst(%dma_wait3A_112 : memref<200x128xf32, #tpu.memory_space<hbm>>)
          tpu.yield
        }) : () -> ()
      } else {
      }
    }
    %scan3A_91 = arith.constant 4 : i32
    return
  }
}

#map = affine_map<(d0, d1) -> (0, 0)>
#map1 = affine_map<(d0, d1) -> (0, 0, 0)>
module attributes {stable_mosaic.version = 14 : i64} {
  func.func @k(%arg0: i32, %arg1: i32, %arg2: memref<10000x128xf32, #tpu.memory_space<hbm>>, %arg3: memref<2560x128xi32, #tpu.memory_space<hbm>>, %arg4: memref<2560x128xi32, #tpu.memory_space<hbm>>, %arg5: memref<2x10000x128xf32, #tpu.memory_space<hbm>>, %arg6: memref<40x128xi32, #tpu.memory_space<vmem>>, %arg7: memref<40x128xi32, #tpu.memory_space<vmem>>, %arg8: memref<128x128xf32, #tpu.memory_space<vmem>>, %arg9: memref<128x128xf32, #tpu.memory_space<vmem>>, %arg10: memref<40x128xf32, #tpu.memory_space<vmem>>, %arg11: memref<10016x128xf32, #tpu.memory_space<vmem_shared>>, %arg12: memref<!tpu.dma_semaphore, #tpu.memory_space<semaphore_mem>>, %arg13: memref<!tpu.dma_semaphore, #tpu.memory_space<semaphore_mem>>) attributes {dimension_semantics = [#tpu.dimension_semantics<core_parallel>, #tpu.dimension_semantics<subcore_parallel>], iteration_bounds = array<i64: 2, 16>, scalar_prefetch = 0 : i64, scratch_operands = 8 : i64, tpu.core_type = #tpu.core_type<sc_vector_subcore>, window_params = [{transform_indices = #map}, {transform_indices = #map}, {transform_indices = #map}, {transform_indices = #map1}]} {
    %mul3A = arith.constant 2 : i32
    %mul3A_0 = arith.muli %arg1, %mul3A : i32
    %add3A = arith.addi %mul3A_0, %arg0 : i32
    %broadcast_in_dim3A = arith.constant 0.000000e+00 : f32
    %broadcast_in_dim3A_1 = vector.broadcast %broadcast_in_dim3A : f32 to vector<16xf32>
    %scan3A = arith.constant 0 : i32
    %scan3A_2 = arith.constant 40 : i32
    %scan3A_3 = arith.addi %scan3A, %scan3A_2 : i32
    %scan3A_4 = arith.constant 1 : i32
    scf.for %scan3A_92 = %scan3A to %scan3A_3 step %scan3A_4  : i32 {
      %mul3A_93 = arith.constant 1 : i32
      %mul3A_94 = arith.muli %scan3A_92, %mul3A_93 : i32
      %add3A_95 = arith.constant 0 : i32
      %add3A_96 = arith.addi %add3A_95, %mul3A_94 : i32
      %swap3A = arith.index_cast %add3A_96 : i32 to index
      %swap3A_97 = arith.constant 0 : index
      %swap3A_98 = tpu.vector_load %arg10[%swap3A, %swap3A_97] {strides = array<i32>} : memref<40x128xf32, #tpu.memory_space<vmem>>, vector<1x16xf32>,
      %swap3A_99 = vector.shape_cast %swap3A_98 : vector<1x16xf32> to vector<16xf32>
      %swap3A_100 = vector.shape_cast %broadcast_in_dim3A_1 : vector<16xf32> to vector<1x16xf32>
      tpu.vector_store %arg10[%swap3A, %swap3A_97], %swap3A_100 {strides = array<i32>} : memref<40x128xf32, #tpu.memory_space<vmem>>, vector<1x16xf32>,
      %swap3A_101 = arith.index_cast %add3A_96 : i32 to index
      %swap3A_102 = arith.constant 16 : index
      %swap3A_103 = tpu.vector_load %arg10[%swap3A_101, %swap3A_102] {strides = array<i32>} : memref<40x128xf32, #tpu.memory_space<vmem>>, vector<1x16xf32>,
      %swap3A_104 = vector.shape_cast %swap3A_103 : vector<1x16xf32> to vector<16xf32>
      %swap3A_105 = vector.shape_cast %broadcast_in_dim3A_1 : vector<16xf32> to vector<1x16xf32>
      tpu.vector_store %arg10[%swap3A_101, %swap3A_102], %swap3A_105 {strides = array<i32>} : memref<40x128xf32, #tpu.memory_space<vmem>>, vector<1x16xf32>,
      %swap3A_106 = arith.index_cast %add3A_96 : i32 to index
      %swap3A_107 = arith.constant 32 : index
      %swap3A_108 = tpu.vector_load %arg10[%swap3A_106, %swap3A_107] {strides = array<i32>} : memref<40x128xf32, #tpu.memory_space<vmem>>, vector<1x16xf32>,
      %swap3A_109 = vector.shape_cast %swap3A_108 : vector<1x16xf32> to vector<16xf32>
      %swap3A_110 = vector.shape_cast %broadcast_in_dim3A_1 : vector<16xf32> to vector<1x16xf32>
      tpu.vector_store %arg10[%swap3A_106, %swap3A_107], %swap3A_110 {strides = array<i32>} : memref<40x128xf32, #tpu.memory_space<vmem>>, vector<1x16xf32>,
      %swap3A_111 = arith.index_cast %add3A_96 : i32 to index
      %swap3A_112 = arith.constant 48 : index
      %swap3A_113 = tpu.vector_load %arg10[%swap3A_111, %swap3A_112] {strides = array<i32>} : memref<40x128xf32, #tpu.memory_space<vmem>>, vector<1x16xf32>,
      %swap3A_114 = vector.shape_cast %swap3A_113 : vector<1x16xf32> to vector<16xf32>
      %swap3A_115 = vector.shape_cast %broadcast_in_dim3A_1 : vector<16xf32> to vector<1x16xf32>
      tpu.vector_store %arg10[%swap3A_111, %swap3A_112], %swap3A_115 {strides = array<i32>} : memref<40x128xf32, #tpu.memory_space<vmem>>, vector<1x16xf32>,
      %swap3A_116 = arith.index_cast %add3A_96 : i32 to index
      %swap3A_117 = arith.constant 64 : index
      %swap3A_118 = tpu.vector_load %arg10[%swap3A_116, %swap3A_117] {strides = array<i32>} : memref<40x128xf32, #tpu.memory_space<vmem>>, vector<1x16xf32>,
      %swap3A_119 = vector.shape_cast %swap3A_118 : vector<1x16xf32> to vector<16xf32>
      %swap3A_120 = vector.shape_cast %broadcast_in_dim3A_1 : vector<16xf32> to vector<1x16xf32>
      tpu.vector_store %arg10[%swap3A_116, %swap3A_117], %swap3A_120 {strides = array<i32>} : memref<40x128xf32, #tpu.memory_space<vmem>>, vector<1x16xf32>,
      %swap3A_121 = arith.index_cast %add3A_96 : i32 to index
      %swap3A_122 = arith.constant 80 : index
      %swap3A_123 = tpu.vector_load %arg10[%swap3A_121, %swap3A_122] {strides = array<i32>} : memref<40x128xf32, #tpu.memory_space<vmem>>, vector<1x16xf32>,
      %swap3A_124 = vector.shape_cast %swap3A_123 : vector<1x16xf32> to vector<16xf32>
      %swap3A_125 = vector.shape_cast %broadcast_in_dim3A_1 : vector<16xf32> to vector<1x16xf32>
      tpu.vector_store %arg10[%swap3A_121, %swap3A_122], %swap3A_125 {strides = array<i32>} : memref<40x128xf32, #tpu.memory_space<vmem>>, vector<1x16xf32>,
      %swap3A_126 = arith.index_cast %add3A_96 : i32 to index
      %swap3A_127 = arith.constant 96 : index
      %swap3A_128 = tpu.vector_load %arg10[%swap3A_126, %swap3A_127] {strides = array<i32>} : memref<40x128xf32, #tpu.memory_space<vmem>>, vector<1x16xf32>,
      %swap3A_129 = vector.shape_cast %swap3A_128 : vector<1x16xf32> to vector<16xf32>
      %swap3A_130 = vector.shape_cast %broadcast_in_dim3A_1 : vector<16xf32> to vector<1x16xf32>
      tpu.vector_store %arg10[%swap3A_126, %swap3A_127], %swap3A_130 {strides = array<i32>} : memref<40x128xf32, #tpu.memory_space<vmem>>, vector<1x16xf32>,
      %swap3A_131 = arith.index_cast %add3A_96 : i32 to index
      %swap3A_132 = arith.constant 112 : index
      %swap3A_133 = tpu.vector_load %arg10[%swap3A_131, %swap3A_132] {strides = array<i32>} : memref<40x128xf32, #tpu.memory_space<vmem>>, vector<1x16xf32>,
      %swap3A_134 = vector.shape_cast %swap3A_133 : vector<1x16xf32> to vector<16xf32>
      %swap3A_135 = vector.shape_cast %broadcast_in_dim3A_1 : vector<16xf32> to vector<1x16xf32>
      tpu.vector_store %arg10[%swap3A_131, %swap3A_132], %swap3A_135 {strides = array<i32>} : memref<40x128xf32, #tpu.memory_space<vmem>>, vector<1x16xf32>,
    }
    %scan3A_5 = arith.constant 40 : i32
    %scan3A_6 = arith.constant 0 : i32
    %scan3A_7 = arith.constant 4 : i32
    %scan3A_8 = arith.addi %scan3A_6, %scan3A_7 : i32
    %scan3A_9 = arith.constant 1 : i32
    scf.for %scan3A_92 = %scan3A_6 to %scan3A_8 step %scan3A_9  : i32 {
      %mul3A_93 = arith.constant 1 : i32
      %mul3A_94 = arith.muli %scan3A_92, %mul3A_93 : i32
      %add3A_95 = arith.constant 0 : i32
      %add3A_96 = arith.addi %add3A_95, %mul3A_94 : i32
      %mul3A_97 = arith.constant 16 : i32
      %mul3A_98 = arith.muli %mul3A_97, %add3A_96 : i32
      %add3A_99 = arith.addi %arg1, %mul3A_98 : i32
      %lt3A = arith.constant 50 : i32
      %lt3A_100 = arith.cmpi slt, %add3A_99, %lt3A : i32
      %convert_element_type3A = arith.extui %lt3A_100 : i1 to i32
      %cond3A = arith.constant 0 : i32
      %cond3A_101 = arith.cmpi ne, %convert_element_type3A, %cond3A : i32
      scf.if %cond3A_101 {
        %mul3A_102 = arith.constant 200 : i32
        %mul3A_103 = arith.muli %add3A_99, %mul3A_102 : i32
        %add3A_104 = arith.constant 0 : i32
        %add3A_105 = arith.addi %mul3A_103, %add3A_104 : i32
        "tpu.region"() ({
          %run_scoped3A_122 = tpu.sem_alloc : memref<!tpu.dma_semaphore, #tpu.memory_space<semaphore_mem>>
          %dma_start3A_123 = arith.constant 0 : i32
          %dma_start3A_124 = tpu.memref_slice %arg11[%add3A_105, %dma_start3A_123] : memref<10016x128xf32, #tpu.memory_space<vmem_shared>> -> memref<40x128xf32, #tpu.memory_space<vmem_shared>>
          %dma_start3A_125 = arith.constant 0 : i32
          %dma_start3A_126 = tpu.memref_slice %arg11[%add3A_105, %dma_start3A_125] : memref<10016x128xf32, #tpu.memory_space<vmem_shared>> -> memref<40x128xf32, #tpu.memory_space<vmem_shared>>
          tpu.enqueue_dma source(%arg10 : memref<40x128xf32, #tpu.memory_space<vmem>>) target(%dma_start3A_126 : memref<40x128xf32, #tpu.memory_space<vmem_shared>>) target_semaphore(%run_scoped3A_122 : memref<!tpu.dma_semaphore, #tpu.memory_space<semaphore_mem>>)
          %dma_wait3A_127 = arith.constant 0 : i32
          %dma_wait3A_128 = tpu.memref_slice %arg11[%add3A_105, %dma_wait3A_127] : memref<10016x128xf32, #tpu.memory_space<vmem_shared>> -> memref<40x128xf32, #tpu.memory_space<vmem_shared>>
          %dma_wait3A_129 = arith.constant 0 : i32
          %dma_wait3A_130 = tpu.memref_slice %arg11[%add3A_105, %dma_wait3A_129] : memref<10016x128xf32, #tpu.memory_space<vmem_shared>> -> memref<40x128xf32, #tpu.memory_space<vmem_shared>>
          tpu.wait_dma2 semaphore(%run_scoped3A_122 : memref<!tpu.dma_semaphore, #tpu.memory_space<semaphore_mem>>) src(%arg10 : memref<40x128xf32, #tpu.memory_space<vmem>>) dst(%dma_wait3A_130 : memref<40x128xf32, #tpu.memory_space<vmem_shared>>)
          tpu.yield
        }) : () -> ()
        %mul3A_106 = arith.constant 200 : i32
        %mul3A_107 = arith.muli %add3A_99, %mul3A_106 : i32
        %add3A_108 = arith.constant 40 : i32
        %add3A_109 = arith.addi %mul3A_107, %add3A_108 : i32
        "tpu.region"() ({
          %run_scoped3A_122 = tpu.sem_alloc : memref<!tpu.dma_semaphore, #tpu.memory_space<semaphore_mem>>
          %dma_start3A_123 = arith.constant 0 : i32
          %dma_start3A_124 = tpu.memref_slice %arg11[%add3A_109, %dma_start3A_123] : memref<10016x128xf32, #tpu.memory_space<vmem_shared>> -> memref<40x128xf32, #tpu.memory_space<vmem_shared>>
          %dma_start3A_125 = arith.constant 0 : i32
          %dma_start3A_126 = tpu.memref_slice %arg11[%add3A_109, %dma_start3A_125] : memref<10016x128xf32, #tpu.memory_space<vmem_shared>> -> memref<40x128xf32, #tpu.memory_space<vmem_shared>>
          tpu.enqueue_dma source(%arg10 : memref<40x128xf32, #tpu.memory_space<vmem>>) target(%dma_start3A_126 : memref<40x128xf32, #tpu.memory_space<vmem_shared>>) target_semaphore(%run_scoped3A_122 : memref<!tpu.dma_semaphore, #tpu.memory_space<semaphore_mem>>)
          %dma_wait3A_127 = arith.constant 0 : i32
          %dma_wait3A_128 = tpu.memref_slice %arg11[%add3A_109, %dma_wait3A_127] : memref<10016x128xf32, #tpu.memory_space<vmem_shared>> -> memref<40x128xf32, #tpu.memory_space<vmem_shared>>
          %dma_wait3A_129 = arith.constant 0 : i32
          %dma_wait3A_130 = tpu.memref_slice %arg11[%add3A_109, %dma_wait3A_129] : memref<10016x128xf32, #tpu.memory_space<vmem_shared>> -> memref<40x128xf32, #tpu.memory_space<vmem_shared>>
          tpu.wait_dma2 semaphore(%run_scoped3A_122 : memref<!tpu.dma_semaphore, #tpu.memory_space<semaphore_mem>>) src(%arg10 : memref<40x128xf32, #tpu.memory_space<vmem>>) dst(%dma_wait3A_130 : memref<40x128xf32, #tpu.memory_space<vmem_shared>>)
          tpu.yield
        }) : () -> ()
        %mul3A_110 = arith.constant 200 : i32
        %mul3A_111 = arith.muli %add3A_99, %mul3A_110 : i32
        %add3A_112 = arith.constant 80 : i32
        %add3A_113 = arith.addi %mul3A_111, %add3A_112 : i32
        "tpu.region"() ({
          %run_scoped3A_122 = tpu.sem_alloc : memref<!tpu.dma_semaphore, #tpu.memory_space<semaphore_mem>>
          %dma_start3A_123 = arith.constant 0 : i32
          %dma_start3A_124 = tpu.memref_slice %arg11[%add3A_113, %dma_start3A_123] : memref<10016x128xf32, #tpu.memory_space<vmem_shared>> -> memref<40x128xf32, #tpu.memory_space<vmem_shared>>
          %dma_start3A_125 = arith.constant 0 : i32
          %dma_start3A_126 = tpu.memref_slice %arg11[%add3A_113, %dma_start3A_125] : memref<10016x128xf32, #tpu.memory_space<vmem_shared>> -> memref<40x128xf32, #tpu.memory_space<vmem_shared>>
          tpu.enqueue_dma source(%arg10 : memref<40x128xf32, #tpu.memory_space<vmem>>) target(%dma_start3A_126 : memref<40x128xf32, #tpu.memory_space<vmem_shared>>) target_semaphore(%run_scoped3A_122 : memref<!tpu.dma_semaphore, #tpu.memory_space<semaphore_mem>>)
          %dma_wait3A_127 = arith.constant 0 : i32
          %dma_wait3A_128 = tpu.memref_slice %arg11[%add3A_113, %dma_wait3A_127] : memref<10016x128xf32, #tpu.memory_space<vmem_shared>> -> memref<40x128xf32, #tpu.memory_space<vmem_shared>>
          %dma_wait3A_129 = arith.constant 0 : i32
          %dma_wait3A_130 = tpu.memref_slice %arg11[%add3A_113, %dma_wait3A_129] : memref<10016x128xf32, #tpu.memory_space<vmem_shared>> -> memref<40x128xf32, #tpu.memory_space<vmem_shared>>
          tpu.wait_dma2 semaphore(%run_scoped3A_122 : memref<!tpu.dma_semaphore, #tpu.memory_space<semaphore_mem>>) src(%arg10 : memref<40x128xf32, #tpu.memory_space<vmem>>) dst(%dma_wait3A_130 : memref<40x128xf32, #tpu.memory_space<vmem_shared>>)
          tpu.yield
        }) : () -> ()
        %mul3A_114 = arith.constant 200 : i32
        %mul3A_115 = arith.muli %add3A_99, %mul3A_114 : i32
        %add3A_116 = arith.constant 120 : i32
        %add3A_117 = arith.addi %mul3A_115, %add3A_116 : i32
        "tpu.region"() ({
          %run_scoped3A_122 = tpu.sem_alloc : memref<!tpu.dma_semaphore, #tpu.memory_space<semaphore_mem>>
          %dma_start3A_123 = arith.constant 0 : i32
          %dma_start3A_124 = tpu.memref_slice %arg11[%add3A_117, %dma_start3A_123] : memref<10016x128xf32, #tpu.memory_space<vmem_shared>> -> memref<40x128xf32, #tpu.memory_space<vmem_shared>>
          %dma_start3A_125 = arith.constant 0 : i32
          %dma_start3A_126 = tpu.memref_slice %arg11[%add3A_117, %dma_start3A_125] : memref<10016x128xf32, #tpu.memory_space<vmem_shared>> -> memref<40x128xf32, #tpu.memory_space<vmem_shared>>
          tpu.enqueue_dma source(%arg10 : memref<40x128xf32, #tpu.memory_space<vmem>>) target(%dma_start3A_126 : memref<40x128xf32, #tpu.memory_space<vmem_shared>>) target_semaphore(%run_scoped3A_122 : memref<!tpu.dma_semaphore, #tpu.memory_space<semaphore_mem>>)
          %dma_wait3A_127 = arith.constant 0 : i32
          %dma_wait3A_128 = tpu.memref_slice %arg11[%add3A_117, %dma_wait3A_127] : memref<10016x128xf32, #tpu.memory_space<vmem_shared>> -> memref<40x128xf32, #tpu.memory_space<vmem_shared>>
          %dma_wait3A_129 = arith.constant 0 : i32
          %dma_wait3A_130 = tpu.memref_slice %arg11[%add3A_117, %dma_wait3A_129] : memref<10016x128xf32, #tpu.memory_space<vmem_shared>> -> memref<40x128xf32, #tpu.memory_space<vmem_shared>>
          tpu.wait_dma2 semaphore(%run_scoped3A_122 : memref<!tpu.dma_semaphore, #tpu.memory_space<semaphore_mem>>) src(%arg10 : memref<40x128xf32, #tpu.memory_space<vmem>>) dst(%dma_wait3A_130 : memref<40x128xf32, #tpu.memory_space<vmem_shared>>)
          tpu.yield
        }) : () -> ()
        %mul3A_118 = arith.constant 200 : i32
        %mul3A_119 = arith.muli %add3A_99, %mul3A_118 : i32
        %add3A_120 = arith.constant 160 : i32
        %add3A_121 = arith.addi %mul3A_119, %add3A_120 : i32
        "tpu.region"() ({
          %run_scoped3A_122 = tpu.sem_alloc : memref<!tpu.dma_semaphore, #tpu.memory_space<semaphore_mem>>
          %dma_start3A_123 = arith.constant 0 : i32
          %dma_start3A_124 = tpu.memref_slice %arg11[%add3A_121, %dma_start3A_123] : memref<10016x128xf32, #tpu.memory_space<vmem_shared>> -> memref<40x128xf32, #tpu.memory_space<vmem_shared>>
          %dma_start3A_125 = arith.constant 0 : i32
          %dma_start3A_126 = tpu.memref_slice %arg11[%add3A_121, %dma_start3A_125] : memref<10016x128xf32, #tpu.memory_space<vmem_shared>> -> memref<40x128xf32, #tpu.memory_space<vmem_shared>>
          tpu.enqueue_dma source(%arg10 : memref<40x128xf32, #tpu.memory_space<vmem>>) target(%dma_start3A_126 : memref<40x128xf32, #tpu.memory_space<vmem_shared>>) target_semaphore(%run_scoped3A_122 : memref<!tpu.dma_semaphore, #tpu.memory_space<semaphore_mem>>)
          %dma_wait3A_127 = arith.constant 0 : i32
          %dma_wait3A_128 = tpu.memref_slice %arg11[%add3A_121, %dma_wait3A_127] : memref<10016x128xf32, #tpu.memory_space<vmem_shared>> -> memref<40x128xf32, #tpu.memory_space<vmem_shared>>
          %dma_wait3A_129 = arith.constant 0 : i32
          %dma_wait3A_130 = tpu.memref_slice %arg11[%add3A_121, %dma_wait3A_129] : memref<10016x128xf32, #tpu.memory_space<vmem_shared>> -> memref<40x128xf32, #tpu.memory_space<vmem_shared>>
          tpu.wait_dma2 semaphore(%run_scoped3A_122 : memref<!tpu.dma_semaphore, #tpu.memory_space<semaphore_mem>>) src(%arg10 : memref<40x128xf32, #tpu.memory_space<vmem>>) dst(%dma_wait3A_130 : memref<40x128xf32, #tpu.memory_space<vmem_shared>>)
          tpu.yield
        }) : () -> ()
      } else {
      }
    }
    %scan3A_10 = arith.constant 4 : i32
    %barrier3A = arith.constant 0 : index
    tpu.barrier barrier_id(%barrier3A)
    %mul3A_11 = arith.constant 80 : i32
    %mul3A_12 = arith.muli %add3A, %mul3A_11 : i32
    %add3A_13 = arith.constant 0 : i32
    %add3A_14 = arith.addi %mul3A_12, %add3A_13 : i32
    "tpu.region"() ({
      %run_scoped3A_92 = tpu.sem_alloc : memref<!tpu.dma_semaphore, #tpu.memory_space<semaphore_mem>>
      %dma_start3A_93 = arith.constant 0 : i32
      %dma_start3A_94 = tpu.memref_slice %arg3[%add3A_14, %dma_start3A_93] : memref<2560x128xi32, #tpu.memory_space<hbm>> -> memref<40x128xi32, #tpu.memory_space<hbm>>
      %dma_start3A_95 = arith.constant 0 : i32
      %dma_start3A_96 = tpu.memref_slice %arg3[%add3A_14, %dma_start3A_95] : memref<2560x128xi32, #tpu.memory_space<hbm>> -> memref<40x128xi32, #tpu.memory_space<hbm>>
      tpu.enqueue_dma source(%dma_start3A_96 : memref<40x128xi32, #tpu.memory_space<hbm>>) target(%arg6 : memref<40x128xi32, #tpu.memory_space<vmem>>) target_semaphore(%run_scoped3A_92 : memref<!tpu.dma_semaphore, #tpu.memory_space<semaphore_mem>>)
      %dma_wait3A_97 = arith.constant 0 : i32
      %dma_wait3A_98 = tpu.memref_slice %arg3[%add3A_14, %dma_wait3A_97] : memref<2560x128xi32, #tpu.memory_space<hbm>> -> memref<40x128xi32, #tpu.memory_space<hbm>>
      %dma_wait3A_99 = arith.constant 0 : i32
      %dma_wait3A_100 = tpu.memref_slice %arg3[%add3A_14, %dma_wait3A_99] : memref<2560x128xi32, #tpu.memory_space<hbm>> -> memref<40x128xi32, #tpu.memory_space<hbm>>
      tpu.wait_dma2 semaphore(%run_scoped3A_92 : memref<!tpu.dma_semaphore, #tpu.memory_space<semaphore_mem>>) src(%dma_wait3A_100 : memref<40x128xi32, #tpu.memory_space<hbm>>) dst(%arg6 : memref<40x128xi32, #tpu.memory_space<vmem>>)
      tpu.yield
    }) : () -> ()
    "tpu.region"() ({
      %run_scoped3A_92 = tpu.sem_alloc : memref<!tpu.dma_semaphore, #tpu.memory_space<semaphore_mem>>
      %dma_start3A_93 = arith.constant 0 : i32
      %dma_start3A_94 = tpu.memref_slice %arg4[%add3A_14, %dma_start3A_93] : memref<2560x128xi32, #tpu.memory_space<hbm>> -> memref<40x128xi32, #tpu.memory_space<hbm>>
      %dma_start3A_95 = arith.constant 0 : i32
      %dma_start3A_96 = tpu.memref_slice %arg4[%add3A_14, %dma_start3A_95] : memref<2560x128xi32, #tpu.memory_space<hbm>> -> memref<40x128xi32, #tpu.memory_space<hbm>>
      tpu.enqueue_dma source(%dma_start3A_96 : memref<40x128xi32, #tpu.memory_space<hbm>>) target(%arg7 : memref<40x128xi32, #tpu.memory_space<vmem>>) target_semaphore(%run_scoped3A_92 : memref<!tpu.dma_semaphore, #tpu.memory_space<semaphore_mem>>)
      %dma_wait3A_97 = arith.constant 0 : i32
      %dma_wait3A_98 = tpu.memref_slice %arg4[%add3A_14, %dma_wait3A_97] : memref<2560x128xi32, #tpu.memory_space<hbm>> -> memref<40x128xi32, #tpu.memory_space<hbm>>
      %dma_wait3A_99 = arith.constant 0 : i32
      %dma_wait3A_100 = tpu.memref_slice %arg4[%add3A_14, %dma_wait3A_99] : memref<2560x128xi32, #tpu.memory_space<hbm>> -> memref<40x128xi32, #tpu.memory_space<hbm>>
      tpu.wait_dma2 semaphore(%run_scoped3A_92 : memref<!tpu.dma_semaphore, #tpu.memory_space<semaphore_mem>>) src(%dma_wait3A_100 : memref<40x128xi32, #tpu.memory_space<hbm>>) dst(%arg7 : memref<40x128xi32, #tpu.memory_space<vmem>>)
      tpu.yield
    }) : () -> ()
    %dma_start3A = arith.constant 0 : i32
    %dma_start3A_15 = arith.constant 0 : i32
    %dma_start3A_16 = tpu.memref_slice %arg6[%dma_start3A, %dma_start3A_15] : memref<40x128xi32, #tpu.memory_space<vmem>> -> memref<1x128xi32, #tpu.memory_space<vmem>>
    %dma_start3A_17 = tpu.memref_squeeze %dma_start3A_16 : memref<1x128xi32, #tpu.memory_space<vmem>> -> memref<128xi32, #tpu.memory_space<vmem>>
    %dma_start3A_18 = arith.constant 0 : i32
    %dma_start3A_19 = arith.constant 0 : i32
    %dma_start3A_20 = tpu.memref_slice %arg2[%dma_start3A_18, %dma_start3A_19] : memref<10000x128xf32, #tpu.memory_space<hbm>> -> memref<10000x128xf32, #tpu.memory_space<hbm>>
    tpu.enqueue_indirect_dma source(%dma_start3A_20 : memref<10000x128xf32, #tpu.memory_space<hbm>>) target(%arg8 : memref<128x128xf32, #tpu.memory_space<vmem>>) offsets(%dma_start3A_17 : memref<128xi32, #tpu.memory_space<vmem>>) semaphore(%arg12 : memref<!tpu.dma_semaphore, #tpu.memory_space<semaphore_mem>>)
    %dma_start3A_21 = arith.constant 1 : i32
    %dma_start3A_22 = arith.constant 0 : i32
    %dma_start3A_23 = tpu.memref_slice %arg6[%dma_start3A_21, %dma_start3A_22] : memref<40x128xi32, #tpu.memory_space<vmem>> -> memref<1x128xi32, #tpu.memory_space<vmem>>
    %dma_start3A_24 = tpu.memref_squeeze %dma_start3A_23 : memref<1x128xi32, #tpu.memory_space<vmem>> -> memref<128xi32, #tpu.memory_space<vmem>>
    %dma_start3A_25 = arith.constant 0 : i32
    %dma_start3A_26 = arith.constant 0 : i32
    %dma_start3A_27 = tpu.memref_slice %arg2[%dma_start3A_25, %dma_start3A_26] : memref<10000x128xf32, #tpu.memory_space<hbm>> -> memref<10000x128xf32, #tpu.memory_space<hbm>>
    tpu.enqueue_indirect_dma source(%dma_start3A_27 : memref<10000x128xf32, #tpu.memory_space<hbm>>) target(%arg9 : memref<128x128xf32, #tpu.memory_space<vmem>>) offsets(%dma_start3A_24 : memref<128xi32, #tpu.memory_space<vmem>>) semaphore(%arg13 : memref<!tpu.dma_semaphore, #tpu.memory_space<semaphore_mem>>)
    %scan3A_28 = arith.constant 0 : i32
    %scan3A_29 = arith.constant 19 : i32
    %scan3A_30 = arith.addi %scan3A_28, %scan3A_29 : i32
    %scan3A_31 = arith.constant 1 : i32
    scf.for %scan3A_92 = %scan3A_28 to %scan3A_30 step %scan3A_31  : i32 {
      %mul3A_93 = arith.constant 1 : i32
      %mul3A_94 = arith.muli %scan3A_92, %mul3A_93 : i32
      %add3A_95 = arith.constant 0 : i32
      %add3A_96 = arith.addi %add3A_95, %mul3A_94 : i32
      %mul3A_97 = arith.constant 2 : i32
      %mul3A_98 = arith.muli %mul3A_97, %add3A_96 : i32
      %dma_wait3A_99 = arith.constant 0 : i32
      %dma_wait3A_100 = tpu.memref_slice %arg6[%mul3A_98, %dma_wait3A_99] : memref<40x128xi32, #tpu.memory_space<vmem>> -> memref<1x128xi32, #tpu.memory_space<vmem>>
      %dma_wait3A_101 = tpu.memref_squeeze %dma_wait3A_100 : memref<1x128xi32, #tpu.memory_space<vmem>> -> memref<128xi32, #tpu.memory_space<vmem>>
      %dma_wait3A_102 = arith.constant 0 : i32
      %dma_wait3A_103 = arith.constant 0 : i32
      %dma_wait3A_104 = tpu.memref_slice %arg2[%dma_wait3A_102, %dma_wait3A_103] : memref<10000x128xf32, #tpu.memory_space<hbm>> -> memref<10000x128xf32, #tpu.memory_space<hbm>>
      tpu.wait_indirect_dma semaphore(%arg12 : memref<!tpu.dma_semaphore, #tpu.memory_space<semaphore_mem>>) src(%dma_wait3A_104 : memref<10000x128xf32, #tpu.memory_space<hbm>>) dst(%arg8 : memref<128x128xf32, #tpu.memory_space<vmem>>)
      "tpu.region"() ({
        %run_scoped3A_131 = tpu.sem_alloc : memref<!tpu.dma_semaphore, #tpu.memory_space<semaphore_mem>>
        %dma_start3A_132 = arith.constant 0 : i32
        %dma_start3A_133 = tpu.memref_slice %arg7[%mul3A_98, %dma_start3A_132] : memref<40x128xi32, #tpu.memory_space<vmem>> -> memref<1x128xi32, #tpu.memory_space<vmem>>
        %dma_start3A_134 = tpu.memref_squeeze %dma_start3A_133 : memref<1x128xi32, #tpu.memory_space<vmem>> -> memref<128xi32, #tpu.memory_space<vmem>>
        %dma_start3A_135 = arith.constant 0 : i32
        %dma_start3A_136 = arith.constant 0 : i32
        %dma_start3A_137 = tpu.memref_slice %arg11[%dma_start3A_135, %dma_start3A_136] : memref<10016x128xf32, #tpu.memory_space<vmem_shared>> -> memref<10016x128xf32, #tpu.memory_space<vmem_shared>>
        tpu.enqueue_indirect_dma source(%arg8 : memref<128x128xf32, #tpu.memory_space<vmem>>) target(%dma_start3A_137 : memref<10016x128xf32, #tpu.memory_space<vmem_shared>>) offsets(%dma_start3A_134 : memref<128xi32, #tpu.memory_space<vmem>>) semaphore(%run_scoped3A_131 : memref<!tpu.dma_semaphore, #tpu.memory_space<semaphore_mem>>) {add = true}
        %dma_wait3A_138 = arith.constant 0 : i32
        %dma_wait3A_139 = tpu.memref_slice %arg7[%mul3A_98, %dma_wait3A_138] : memref<40x128xi32, #tpu.memory_space<vmem>> -> memref<1x128xi32, #tpu.memory_space<vmem>>
        %dma_wait3A_140 = tpu.memref_squeeze %dma_wait3A_139 : memref<1x128xi32, #tpu.memory_space<vmem>> -> memref<128xi32, #tpu.memory_space<vmem>>
        %dma_wait3A_141 = arith.constant 0 : i32
        %dma_wait3A_142 = arith.constant 0 : i32
        %dma_wait3A_143 = tpu.memref_slice %arg11[%dma_wait3A_141, %dma_wait3A_142] : memref<10016x128xf32, #tpu.memory_space<vmem_shared>> -> memref<10016x128xf32, #tpu.memory_space<vmem_shared>>
        tpu.wait_indirect_dma semaphore(%run_scoped3A_131 : memref<!tpu.dma_semaphore, #tpu.memory_space<semaphore_mem>>) src(%arg8 : memref<128x128xf32, #tpu.memory_space<vmem>>) dst(%dma_wait3A_143 : memref<10016x128xf32, #tpu.memory_space<vmem_shared>>)
        tpu.yield
      }) : () -> ()
      %add3A_105 = arith.constant 2 : i32
      %add3A_106 = arith.addi %mul3A_98, %add3A_105 : i32
      %dma_start3A_107 = arith.constant 0 : i32
      %dma_start3A_108 = tpu.memref_slice %arg6[%add3A_106, %dma_start3A_107] : memref<40x128xi32, #tpu.memory_space<vmem>> -> memref<1x128xi32, #tpu.memory_space<vmem>>
      %dma_start3A_109 = tpu.memref_squeeze %dma_start3A_108 : memref<1x128xi32, #tpu.memory_space<vmem>> -> memref<128xi32, #tpu.memory_space<vmem>>
      %dma_start3A_110 = arith.constant 0 : i32
      %dma_start3A_111 = arith.constant 0 : i32
      %dma_start3A_112 = tpu.memref_slice %arg2[%dma_start3A_110, %dma_start3A_111] : memref<10000x128xf32, #tpu.memory_space<hbm>> -> memref<10000x128xf32, #tpu.memory_space<hbm>>
      tpu.enqueue_indirect_dma source(%dma_start3A_112 : memref<10000x128xf32, #tpu.memory_space<hbm>>) target(%arg8 : memref<128x128xf32, #tpu.memory_space<vmem>>) offsets(%dma_start3A_109 : memref<128xi32, #tpu.memory_space<vmem>>) semaphore(%arg12 : memref<!tpu.dma_semaphore, #tpu.memory_space<semaphore_mem>>)
      %add3A_113 = arith.constant 1 : i32
      %add3A_114 = arith.addi %mul3A_98, %add3A_113 : i32
      %dma_wait3A_115 = arith.constant 0 : i32
      %dma_wait3A_116 = tpu.memref_slice %arg6[%add3A_114, %dma_wait3A_115] : memref<40x128xi32, #tpu.memory_space<vmem>> -> memref<1x128xi32, #tpu.memory_space<vmem>>
      %dma_wait3A_117 = tpu.memref_squeeze %dma_wait3A_116 : memref<1x128xi32, #tpu.memory_space<vmem>> -> memref<128xi32, #tpu.memory_space<vmem>>
      %dma_wait3A_118 = arith.constant 0 : i32
      %dma_wait3A_119 = arith.constant 0 : i32
      %dma_wait3A_120 = tpu.memref_slice %arg2[%dma_wait3A_118, %dma_wait3A_119] : memref<10000x128xf32, #tpu.memory_space<hbm>> -> memref<10000x128xf32, #tpu.memory_space<hbm>>
      tpu.wait_indirect_dma semaphore(%arg13 : memref<!tpu.dma_semaphore, #tpu.memory_space<semaphore_mem>>) src(%dma_wait3A_120 : memref<10000x128xf32, #tpu.memory_space<hbm>>) dst(%arg9 : memref<128x128xf32, #tpu.memory_space<vmem>>)
      %add3A_121 = arith.constant 1 : i32
      %add3A_122 = arith.addi %mul3A_98, %add3A_121 : i32
      "tpu.region"() ({
        %run_scoped3A_131 = tpu.sem_alloc : memref<!tpu.dma_semaphore, #tpu.memory_space<semaphore_mem>>
        %dma_start3A_132 = arith.constant 0 : i32
        %dma_start3A_133 = tpu.memref_slice %arg7[%add3A_122, %dma_start3A_132] : memref<40x128xi32, #tpu.memory_space<vmem>> -> memref<1x128xi32, #tpu.memory_space<vmem>>
        %dma_start3A_134 = tpu.memref_squeeze %dma_start3A_133 : memref<1x128xi32, #tpu.memory_space<vmem>> -> memref<128xi32, #tpu.memory_space<vmem>>
        %dma_start3A_135 = arith.constant 0 : i32
        %dma_start3A_136 = arith.constant 0 : i32
        %dma_start3A_137 = tpu.memref_slice %arg11[%dma_start3A_135, %dma_start3A_136] : memref<10016x128xf32, #tpu.memory_space<vmem_shared>> -> memref<10016x128xf32, #tpu.memory_space<vmem_shared>>
        tpu.enqueue_indirect_dma source(%arg9 : memref<128x128xf32, #tpu.memory_space<vmem>>) target(%dma_start3A_137 : memref<10016x128xf32, #tpu.memory_space<vmem_shared>>) offsets(%dma_start3A_134 : memref<128xi32, #tpu.memory_space<vmem>>) semaphore(%run_scoped3A_131 : memref<!tpu.dma_semaphore, #tpu.memory_space<semaphore_mem>>) {add = true}
        %dma_wait3A_138 = arith.constant 0 : i32
        %dma_wait3A_139 = tpu.memref_slice %arg7[%add3A_122, %dma_wait3A_138] : memref<40x128xi32, #tpu.memory_space<vmem>> -> memref<1x128xi32, #tpu.memory_space<vmem>>
        %dma_wait3A_140 = tpu.memref_squeeze %dma_wait3A_139 : memref<1x128xi32, #tpu.memory_space<vmem>> -> memref<128xi32, #tpu.memory_space<vmem>>
        %dma_wait3A_141 = arith.constant 0 : i32
        %dma_wait3A_142 = arith.constant 0 : i32
        %dma_wait3A_143 = tpu.memref_slice %arg11[%dma_wait3A_141, %dma_wait3A_142] : memref<10016x128xf32, #tpu.memory_space<vmem_shared>> -> memref<10016x128xf32, #tpu.memory_space<vmem_shared>>
        tpu.wait_indirect_dma semaphore(%run_scoped3A_131 : memref<!tpu.dma_semaphore, #tpu.memory_space<semaphore_mem>>) src(%arg9 : memref<128x128xf32, #tpu.memory_space<vmem>>) dst(%dma_wait3A_143 : memref<10016x128xf32, #tpu.memory_space<vmem_shared>>)
        tpu.yield
      }) : () -> ()
      %add3A_123 = arith.constant 3 : i32
      %add3A_124 = arith.addi %mul3A_98, %add3A_123 : i32
      %dma_start3A_125 = arith.constant 0 : i32
      %dma_start3A_126 = tpu.memref_slice %arg6[%add3A_124, %dma_start3A_125] : memref<40x128xi32, #tpu.memory_space<vmem>> -> memref<1x128xi32, #tpu.memory_space<vmem>>
      %dma_start3A_127 = tpu.memref_squeeze %dma_start3A_126 : memref<1x128xi32, #tpu.memory_space<vmem>> -> memref<128xi32, #tpu.memory_space<vmem>>
      %dma_start3A_128 = arith.constant 0 : i32
      %dma_start3A_129 = arith.constant 0 : i32
      %dma_start3A_130 = tpu.memref_slice %arg2[%dma_start3A_128, %dma_start3A_129] : memref<10000x128xf32, #tpu.memory_space<hbm>> -> memref<10000x128xf32, #tpu.memory_space<hbm>>
      tpu.enqueue_indirect_dma source(%dma_start3A_130 : memref<10000x128xf32, #tpu.memory_space<hbm>>) target(%arg9 : memref<128x128xf32, #tpu.memory_space<vmem>>) offsets(%dma_start3A_127 : memref<128xi32, #tpu.memory_space<vmem>>) semaphore(%arg13 : memref<!tpu.dma_semaphore, #tpu.memory_space<semaphore_mem>>)
    }
    %scan3A_32 = arith.constant 19 : i32
    %dma_wait3A = arith.constant 38 : i32
    %dma_wait3A_33 = arith.constant 0 : i32
    %dma_wait3A_34 = tpu.memref_slice %arg6[%dma_wait3A, %dma_wait3A_33] : memref<40x128xi32, #tpu.memory_space<vmem>> -> memref<1x128xi32, #tpu.memory_space<vmem>>
    %dma_wait3A_35 = tpu.memref_squeeze %dma_wait3A_34 : memref<1x128xi32, #tpu.memory_space<vmem>> -> memref<128xi32, #tpu.memory_space<vmem>>
    %dma_wait3A_36 = arith.constant 0 : i32
    %dma_wait3A_37 = arith.constant 0 : i32
    %dma_wait3A_38 = tpu.memref_slice %arg2[%dma_wait3A_36, %dma_wait3A_37] : memref<10000x128xf32, #tpu.memory_space<hbm>> -> memref<10000x128xf32, #tpu.memory_space<hbm>>
    tpu.wait_indirect_dma semaphore(%arg12 : memref<!tpu.dma_semaphore, #tpu.memory_space<semaphore_mem>>) src(%dma_wait3A_38 : memref<10000x128xf32, #tpu.memory_space<hbm>>) dst(%arg8 : memref<128x128xf32, #tpu.memory_space<vmem>>)
    %run_scoped3A = arith.constant 38 : i32
    "tpu.region"() ({
      %run_scoped3A_92 = tpu.sem_alloc : memref<!tpu.dma_semaphore, #tpu.memory_space<semaphore_mem>>
      %dma_start3A_93 = arith.constant 0 : i32
      %dma_start3A_94 = tpu.memref_slice %arg7[%run_scoped3A, %dma_start3A_93] : memref<40x128xi32, #tpu.memory_space<vmem>> -> memref<1x128xi32, #tpu.memory_space<vmem>>
      %dma_start3A_95 = tpu.memref_squeeze %dma_start3A_94 : memref<1x128xi32, #tpu.memory_space<vmem>> -> memref<128xi32, #tpu.memory_space<vmem>>
      %dma_start3A_96 = arith.constant 0 : i32
      %dma_start3A_97 = arith.constant 0 : i32
      %dma_start3A_98 = tpu.memref_slice %arg11[%dma_start3A_96, %dma_start3A_97] : memref<10016x128xf32, #tpu.memory_space<vmem_shared>> -> memref<10016x128xf32, #tpu.memory_space<vmem_shared>>
      tpu.enqueue_indirect_dma source(%arg8 : memref<128x128xf32, #tpu.memory_space<vmem>>) target(%dma_start3A_98 : memref<10016x128xf32, #tpu.memory_space<vmem_shared>>) offsets(%dma_start3A_95 : memref<128xi32, #tpu.memory_space<vmem>>) semaphore(%run_scoped3A_92 : memref<!tpu.dma_semaphore, #tpu.memory_space<semaphore_mem>>) {add = true}
      %dma_wait3A_99 = arith.constant 0 : i32
      %dma_wait3A_100 = tpu.memref_slice %arg7[%run_scoped3A, %dma_wait3A_99] : memref<40x128xi32, #tpu.memory_space<vmem>> -> memref<1x128xi32, #tpu.memory_space<vmem>>
      %dma_wait3A_101 = tpu.memref_squeeze %dma_wait3A_100 : memref<1x128xi32, #tpu.memory_space<vmem>> -> memref<128xi32, #tpu.memory_space<vmem>>
      %dma_wait3A_102 = arith.constant 0 : i32
      %dma_wait3A_103 = arith.constant 0 : i32
      %dma_wait3A_104 = tpu.memref_slice %arg11[%dma_wait3A_102, %dma_wait3A_103] : memref<10016x128xf32, #tpu.memory_space<vmem_shared>> -> memref<10016x128xf32, #tpu.memory_space<vmem_shared>>
      tpu.wait_indirect_dma semaphore(%run_scoped3A_92 : memref<!tpu.dma_semaphore, #tpu.memory_space<semaphore_mem>>) src(%arg8 : memref<128x128xf32, #tpu.memory_space<vmem>>) dst(%dma_wait3A_104 : memref<10016x128xf32, #tpu.memory_space<vmem_shared>>)
      tpu.yield
    }) : () -> ()
    %dma_wait3A_39 = arith.constant 39 : i32
    %dma_wait3A_40 = arith.constant 0 : i32
    %dma_wait3A_41 = tpu.memref_slice %arg6[%dma_wait3A_39, %dma_wait3A_40] : memref<40x128xi32, #tpu.memory_space<vmem>> -> memref<1x128xi32, #tpu.memory_space<vmem>>
    %dma_wait3A_42 = tpu.memref_squeeze %dma_wait3A_41 : memref<1x128xi32, #tpu.memory_space<vmem>> -> memref<128xi32, #tpu.memory_space<vmem>>
    %dma_wait3A_43 = arith.constant 0 : i32
    %dma_wait3A_44 = arith.constant 0 : i32
    %dma_wait3A_45 = tpu.memref_slice %arg2[%dma_wait3A_43, %dma_wait3A_44] : memref<10000x128xf32, #tpu.memory_space<hbm>> -> memref<10000x128xf32, #tpu.memory_space<hbm>>
    tpu.wait_indirect_dma semaphore(%arg13 : memref<!tpu.dma_semaphore, #tpu.memory_space<semaphore_mem>>) src(%dma_wait3A_45 : memref<10000x128xf32, #tpu.memory_space<hbm>>) dst(%arg9 : memref<128x128xf32, #tpu.memory_space<vmem>>)
    %run_scoped3A_46 = arith.constant 39 : i32
    "tpu.region"() ({
      %run_scoped3A_92 = tpu.sem_alloc : memref<!tpu.dma_semaphore, #tpu.memory_space<semaphore_mem>>
      %dma_start3A_93 = arith.constant 0 : i32
      %dma_start3A_94 = tpu.memref_slice %arg7[%run_scoped3A_46, %dma_start3A_93] : memref<40x128xi32, #tpu.memory_space<vmem>> -> memref<1x128xi32, #tpu.memory_space<vmem>>
      %dma_start3A_95 = tpu.memref_squeeze %dma_start3A_94 : memref<1x128xi32, #tpu.memory_space<vmem>> -> memref<128xi32, #tpu.memory_space<vmem>>
      %dma_start3A_96 = arith.constant 0 : i32
      %dma_start3A_97 = arith.constant 0 : i32
      %dma_start3A_98 = tpu.memref_slice %arg11[%dma_start3A_96, %dma_start3A_97] : memref<10016x128xf32, #tpu.memory_space<vmem_shared>> -> memref<10016x128xf32, #tpu.memory_space<vmem_shared>>
      tpu.enqueue_indirect_dma source(%arg9 : memref<128x128xf32, #tpu.memory_space<vmem>>) target(%dma_start3A_98 : memref<10016x128xf32, #tpu.memory_space<vmem_shared>>) offsets(%dma_start3A_95 : memref<128xi32, #tpu.memory_space<vmem>>) semaphore(%run_scoped3A_92 : memref<!tpu.dma_semaphore, #tpu.memory_space<semaphore_mem>>) {add = true}
      %dma_wait3A_99 = arith.constant 0 : i32
      %dma_wait3A_100 = tpu.memref_slice %arg7[%run_scoped3A_46, %dma_wait3A_99] : memref<40x128xi32, #tpu.memory_space<vmem>> -> memref<1x128xi32, #tpu.memory_space<vmem>>
      %dma_wait3A_101 = tpu.memref_squeeze %dma_wait3A_100 : memref<1x128xi32, #tpu.memory_space<vmem>> -> memref<128xi32, #tpu.memory_space<vmem>>
      %dma_wait3A_102 = arith.constant 0 : i32
      %dma_wait3A_103 = arith.constant 0 : i32
      %dma_wait3A_104 = tpu.memref_slice %arg11[%dma_wait3A_102, %dma_wait3A_103] : memref<10016x128xf32, #tpu.memory_space<vmem_shared>> -> memref<10016x128xf32, #tpu.memory_space<vmem_shared>>
      tpu.wait_indirect_dma semaphore(%run_scoped3A_92 : memref<!tpu.dma_semaphore, #tpu.memory_space<semaphore_mem>>) src(%arg9 : memref<128x128xf32, #tpu.memory_space<vmem>>) dst(%dma_wait3A_104 : memref<10016x128xf32, #tpu.memory_space<vmem_shared>>)
      tpu.yield
    }) : () -> ()
    %mul3A_47 = arith.constant 80 : i32
    %mul3A_48 = arith.muli %add3A, %mul3A_47 : i32
    %add3A_49 = arith.constant 40 : i32
    %add3A_50 = arith.addi %mul3A_48, %add3A_49 : i32
    "tpu.region"() ({
      %run_scoped3A_92 = tpu.sem_alloc : memref<!tpu.dma_semaphore, #tpu.memory_space<semaphore_mem>>
      %dma_start3A_93 = arith.constant 0 : i32
      %dma_start3A_94 = tpu.memref_slice %arg3[%add3A_50, %dma_start3A_93] : memref<2560x128xi32, #tpu.memory_space<hbm>> -> memref<40x128xi32, #tpu.memory_space<hbm>>
      %dma_start3A_95 = arith.constant 0 : i32
      %dma_start3A_96 = tpu.memref_slice %arg3[%add3A_50, %dma_start3A_95] : memref<2560x128xi32, #tpu.memory_space<hbm>> -> memref<40x128xi32, #tpu.memory_space<hbm>>
      tpu.enqueue_dma source(%dma_start3A_96 : memref<40x128xi32, #tpu.memory_space<hbm>>) target(%arg6 : memref<40x128xi32, #tpu.memory_space<vmem>>) target_semaphore(%run_scoped3A_92 : memref<!tpu.dma_semaphore, #tpu.memory_space<semaphore_mem>>)
      %dma_wait3A_97 = arith.constant 0 : i32
      %dma_wait3A_98 = tpu.memref_slice %arg3[%add3A_50, %dma_wait3A_97] : memref<2560x128xi32, #tpu.memory_space<hbm>> -> memref<40x128xi32, #tpu.memory_space<hbm>>
      %dma_wait3A_99 = arith.constant 0 : i32
      %dma_wait3A_100 = tpu.memref_slice %arg3[%add3A_50, %dma_wait3A_99] : memref<2560x128xi32, #tpu.memory_space<hbm>> -> memref<40x128xi32, #tpu.memory_space<hbm>>
      tpu.wait_dma2 semaphore(%run_scoped3A_92 : memref<!tpu.dma_semaphore, #tpu.memory_space<semaphore_mem>>) src(%dma_wait3A_100 : memref<40x128xi32, #tpu.memory_space<hbm>>) dst(%arg6 : memref<40x128xi32, #tpu.memory_space<vmem>>)
      tpu.yield
    }) : () -> ()
    "tpu.region"() ({
      %run_scoped3A_92 = tpu.sem_alloc : memref<!tpu.dma_semaphore, #tpu.memory_space<semaphore_mem>>
      %dma_start3A_93 = arith.constant 0 : i32
      %dma_start3A_94 = tpu.memref_slice %arg4[%add3A_50, %dma_start3A_93] : memref<2560x128xi32, #tpu.memory_space<hbm>> -> memref<40x128xi32, #tpu.memory_space<hbm>>
      %dma_start3A_95 = arith.constant 0 : i32
      %dma_start3A_96 = tpu.memref_slice %arg4[%add3A_50, %dma_start3A_95] : memref<2560x128xi32, #tpu.memory_space<hbm>> -> memref<40x128xi32, #tpu.memory_space<hbm>>
      tpu.enqueue_dma source(%dma_start3A_96 : memref<40x128xi32, #tpu.memory_space<hbm>>) target(%arg7 : memref<40x128xi32, #tpu.memory_space<vmem>>) target_semaphore(%run_scoped3A_92 : memref<!tpu.dma_semaphore, #tpu.memory_space<semaphore_mem>>)
      %dma_wait3A_97 = arith.constant 0 : i32
      %dma_wait3A_98 = tpu.memref_slice %arg4[%add3A_50, %dma_wait3A_97] : memref<2560x128xi32, #tpu.memory_space<hbm>> -> memref<40x128xi32, #tpu.memory_space<hbm>>
      %dma_wait3A_99 = arith.constant 0 : i32
      %dma_wait3A_100 = tpu.memref_slice %arg4[%add3A_50, %dma_wait3A_99] : memref<2560x128xi32, #tpu.memory_space<hbm>> -> memref<40x128xi32, #tpu.memory_space<hbm>>
      tpu.wait_dma2 semaphore(%run_scoped3A_92 : memref<!tpu.dma_semaphore, #tpu.memory_space<semaphore_mem>>) src(%dma_wait3A_100 : memref<40x128xi32, #tpu.memory_space<hbm>>) dst(%arg7 : memref<40x128xi32, #tpu.memory_space<vmem>>)
      tpu.yield
    }) : () -> ()
    %dma_start3A_51 = arith.constant 0 : i32
    %dma_start3A_52 = arith.constant 0 : i32
    %dma_start3A_53 = tpu.memref_slice %arg6[%dma_start3A_51, %dma_start3A_52] : memref<40x128xi32, #tpu.memory_space<vmem>> -> memref<1x128xi32, #tpu.memory_space<vmem>>
    %dma_start3A_54 = tpu.memref_squeeze %dma_start3A_53 : memref<1x128xi32, #tpu.memory_space<vmem>> -> memref<128xi32, #tpu.memory_space<vmem>>
    %dma_start3A_55 = arith.constant 0 : i32
    %dma_start3A_56 = arith.constant 0 : i32
    %dma_start3A_57 = tpu.memref_slice %arg2[%dma_start3A_55, %dma_start3A_56] : memref<10000x128xf32, #tpu.memory_space<hbm>> -> memref<10000x128xf32, #tpu.memory_space<hbm>>
    tpu.enqueue_indirect_dma source(%dma_start3A_57 : memref<10000x128xf32, #tpu.memory_space<hbm>>) target(%arg8 : memref<128x128xf32, #tpu.memory_space<vmem>>) offsets(%dma_start3A_54 : memref<128xi32, #tpu.memory_space<vmem>>) semaphore(%arg12 : memref<!tpu.dma_semaphore, #tpu.memory_space<semaphore_mem>>)
    %dma_start3A_58 = arith.constant 1 : i32
    %dma_start3A_59 = arith.constant 0 : i32
    %dma_start3A_60 = tpu.memref_slice %arg6[%dma_start3A_58, %dma_start3A_59] : memref<40x128xi32, #tpu.memory_space<vmem>> -> memref<1x128xi32, #tpu.memory_space<vmem>>
    %dma_start3A_61 = tpu.memref_squeeze %dma_start3A_60 : memref<1x128xi32, #tpu.memory_space<vmem>> -> memref<128xi32, #tpu.memory_space<vmem>>
    %dma_start3A_62 = arith.constant 0 : i32
    %dma_start3A_63 = arith.constant 0 : i32
    %dma_start3A_64 = tpu.memref_slice %arg2[%dma_start3A_62, %dma_start3A_63] : memref<10000x128xf32, #tpu.memory_space<hbm>> -> memref<10000x128xf32, #tpu.memory_space<hbm>>
    tpu.enqueue_indirect_dma source(%dma_start3A_64 : memref<10000x128xf32, #tpu.memory_space<hbm>>) target(%arg9 : memref<128x128xf32, #tpu.memory_space<vmem>>) offsets(%dma_start3A_61 : memref<128xi32, #tpu.memory_space<vmem>>) semaphore(%arg13 : memref<!tpu.dma_semaphore, #tpu.memory_space<semaphore_mem>>)
    %scan3A_65 = arith.constant 0 : i32
    %scan3A_66 = arith.constant 19 : i32
    %scan3A_67 = arith.addi %scan3A_65, %scan3A_66 : i32
    %scan3A_68 = arith.constant 1 : i32
    scf.for %scan3A_92 = %scan3A_65 to %scan3A_67 step %scan3A_68  : i32 {
      %mul3A_93 = arith.constant 1 : i32
      %mul3A_94 = arith.muli %scan3A_92, %mul3A_93 : i32
      %add3A_95 = arith.constant 0 : i32
      %add3A_96 = arith.addi %add3A_95, %mul3A_94 : i32
      %mul3A_97 = arith.constant 2 : i32
      %mul3A_98 = arith.muli %mul3A_97, %add3A_96 : i32
      %dma_wait3A_99 = arith.constant 0 : i32
      %dma_wait3A_100 = tpu.memref_slice %arg6[%mul3A_98, %dma_wait3A_99] : memref<40x128xi32, #tpu.memory_space<vmem>> -> memref<1x128xi32, #tpu.memory_space<vmem>>
      %dma_wait3A_101 = tpu.memref_squeeze %dma_wait3A_100 : memref<1x128xi32, #tpu.memory_space<vmem>> -> memref<128xi32, #tpu.memory_space<vmem>>
      %dma_wait3A_102 = arith.constant 0 : i32
      %dma_wait3A_103 = arith.constant 0 : i32
      %dma_wait3A_104 = tpu.memref_slice %arg2[%dma_wait3A_102, %dma_wait3A_103] : memref<10000x128xf32, #tpu.memory_space<hbm>> -> memref<10000x128xf32, #tpu.memory_space<hbm>>
      tpu.wait_indirect_dma semaphore(%arg12 : memref<!tpu.dma_semaphore, #tpu.memory_space<semaphore_mem>>) src(%dma_wait3A_104 : memref<10000x128xf32, #tpu.memory_space<hbm>>) dst(%arg8 : memref<128x128xf32, #tpu.memory_space<vmem>>)
      "tpu.region"() ({
        %run_scoped3A_131 = tpu.sem_alloc : memref<!tpu.dma_semaphore, #tpu.memory_space<semaphore_mem>>
        %dma_start3A_132 = arith.constant 0 : i32
        %dma_start3A_133 = tpu.memref_slice %arg7[%mul3A_98, %dma_start3A_132] : memref<40x128xi32, #tpu.memory_space<vmem>> -> memref<1x128xi32, #tpu.memory_space<vmem>>
        %dma_start3A_134 = tpu.memref_squeeze %dma_start3A_133 : memref<1x128xi32, #tpu.memory_space<vmem>> -> memref<128xi32, #tpu.memory_space<vmem>>
        %dma_start3A_135 = arith.constant 0 : i32
        %dma_start3A_136 = arith.constant 0 : i32
        %dma_start3A_137 = tpu.memref_slice %arg11[%dma_start3A_135, %dma_start3A_136] : memref<10016x128xf32, #tpu.memory_space<vmem_shared>> -> memref<10016x128xf32, #tpu.memory_space<vmem_shared>>
        tpu.enqueue_indirect_dma source(%arg8 : memref<128x128xf32, #tpu.memory_space<vmem>>) target(%dma_start3A_137 : memref<10016x128xf32, #tpu.memory_space<vmem_shared>>) offsets(%dma_start3A_134 : memref<128xi32, #tpu.memory_space<vmem>>) semaphore(%run_scoped3A_131 : memref<!tpu.dma_semaphore, #tpu.memory_space<semaphore_mem>>) {add = true}
        %dma_wait3A_138 = arith.constant 0 : i32
        %dma_wait3A_139 = tpu.memref_slice %arg7[%mul3A_98, %dma_wait3A_138] : memref<40x128xi32, #tpu.memory_space<vmem>> -> memref<1x128xi32, #tpu.memory_space<vmem>>
        %dma_wait3A_140 = tpu.memref_squeeze %dma_wait3A_139 : memref<1x128xi32, #tpu.memory_space<vmem>> -> memref<128xi32, #tpu.memory_space<vmem>>
        %dma_wait3A_141 = arith.constant 0 : i32
        %dma_wait3A_142 = arith.constant 0 : i32
        %dma_wait3A_143 = tpu.memref_slice %arg11[%dma_wait3A_141, %dma_wait3A_142] : memref<10016x128xf32, #tpu.memory_space<vmem_shared>> -> memref<10016x128xf32, #tpu.memory_space<vmem_shared>>
        tpu.wait_indirect_dma semaphore(%run_scoped3A_131 : memref<!tpu.dma_semaphore, #tpu.memory_space<semaphore_mem>>) src(%arg8 : memref<128x128xf32, #tpu.memory_space<vmem>>) dst(%dma_wait3A_143 : memref<10016x128xf32, #tpu.memory_space<vmem_shared>>)
        tpu.yield
      }) : () -> ()
      %add3A_105 = arith.constant 2 : i32
      %add3A_106 = arith.addi %mul3A_98, %add3A_105 : i32
      %dma_start3A_107 = arith.constant 0 : i32
      %dma_start3A_108 = tpu.memref_slice %arg6[%add3A_106, %dma_start3A_107] : memref<40x128xi32, #tpu.memory_space<vmem>> -> memref<1x128xi32, #tpu.memory_space<vmem>>
      %dma_start3A_109 = tpu.memref_squeeze %dma_start3A_108 : memref<1x128xi32, #tpu.memory_space<vmem>> -> memref<128xi32, #tpu.memory_space<vmem>>
      %dma_start3A_110 = arith.constant 0 : i32
      %dma_start3A_111 = arith.constant 0 : i32
      %dma_start3A_112 = tpu.memref_slice %arg2[%dma_start3A_110, %dma_start3A_111] : memref<10000x128xf32, #tpu.memory_space<hbm>> -> memref<10000x128xf32, #tpu.memory_space<hbm>>
      tpu.enqueue_indirect_dma source(%dma_start3A_112 : memref<10000x128xf32, #tpu.memory_space<hbm>>) target(%arg8 : memref<128x128xf32, #tpu.memory_space<vmem>>) offsets(%dma_start3A_109 : memref<128xi32, #tpu.memory_space<vmem>>) semaphore(%arg12 : memref<!tpu.dma_semaphore, #tpu.memory_space<semaphore_mem>>)
      %add3A_113 = arith.constant 1 : i32
      %add3A_114 = arith.addi %mul3A_98, %add3A_113 : i32
      %dma_wait3A_115 = arith.constant 0 : i32
      %dma_wait3A_116 = tpu.memref_slice %arg6[%add3A_114, %dma_wait3A_115] : memref<40x128xi32, #tpu.memory_space<vmem>> -> memref<1x128xi32, #tpu.memory_space<vmem>>
      %dma_wait3A_117 = tpu.memref_squeeze %dma_wait3A_116 : memref<1x128xi32, #tpu.memory_space<vmem>> -> memref<128xi32, #tpu.memory_space<vmem>>
      %dma_wait3A_118 = arith.constant 0 : i32
      %dma_wait3A_119 = arith.constant 0 : i32
      %dma_wait3A_120 = tpu.memref_slice %arg2[%dma_wait3A_118, %dma_wait3A_119] : memref<10000x128xf32, #tpu.memory_space<hbm>> -> memref<10000x128xf32, #tpu.memory_space<hbm>>
      tpu.wait_indirect_dma semaphore(%arg13 : memref<!tpu.dma_semaphore, #tpu.memory_space<semaphore_mem>>) src(%dma_wait3A_120 : memref<10000x128xf32, #tpu.memory_space<hbm>>) dst(%arg9 : memref<128x128xf32, #tpu.memory_space<vmem>>)
      %add3A_121 = arith.constant 1 : i32
      %add3A_122 = arith.addi %mul3A_98, %add3A_121 : i32
      "tpu.region"() ({
        %run_scoped3A_131 = tpu.sem_alloc : memref<!tpu.dma_semaphore, #tpu.memory_space<semaphore_mem>>
        %dma_start3A_132 = arith.constant 0 : i32
        %dma_start3A_133 = tpu.memref_slice %arg7[%add3A_122, %dma_start3A_132] : memref<40x128xi32, #tpu.memory_space<vmem>> -> memref<1x128xi32, #tpu.memory_space<vmem>>
        %dma_start3A_134 = tpu.memref_squeeze %dma_start3A_133 : memref<1x128xi32, #tpu.memory_space<vmem>> -> memref<128xi32, #tpu.memory_space<vmem>>
        %dma_start3A_135 = arith.constant 0 : i32
        %dma_start3A_136 = arith.constant 0 : i32
        %dma_start3A_137 = tpu.memref_slice %arg11[%dma_start3A_135, %dma_start3A_136] : memref<10016x128xf32, #tpu.memory_space<vmem_shared>> -> memref<10016x128xf32, #tpu.memory_space<vmem_shared>>
        tpu.enqueue_indirect_dma source(%arg9 : memref<128x128xf32, #tpu.memory_space<vmem>>) target(%dma_start3A_137 : memref<10016x128xf32, #tpu.memory_space<vmem_shared>>) offsets(%dma_start3A_134 : memref<128xi32, #tpu.memory_space<vmem>>) semaphore(%run_scoped3A_131 : memref<!tpu.dma_semaphore, #tpu.memory_space<semaphore_mem>>) {add = true}
        %dma_wait3A_138 = arith.constant 0 : i32
        %dma_wait3A_139 = tpu.memref_slice %arg7[%add3A_122, %dma_wait3A_138] : memref<40x128xi32, #tpu.memory_space<vmem>> -> memref<1x128xi32, #tpu.memory_space<vmem>>
        %dma_wait3A_140 = tpu.memref_squeeze %dma_wait3A_139 : memref<1x128xi32, #tpu.memory_space<vmem>> -> memref<128xi32, #tpu.memory_space<vmem>>
        %dma_wait3A_141 = arith.constant 0 : i32
        %dma_wait3A_142 = arith.constant 0 : i32
        %dma_wait3A_143 = tpu.memref_slice %arg11[%dma_wait3A_141, %dma_wait3A_142] : memref<10016x128xf32, #tpu.memory_space<vmem_shared>> -> memref<10016x128xf32, #tpu.memory_space<vmem_shared>>
        tpu.wait_indirect_dma semaphore(%run_scoped3A_131 : memref<!tpu.dma_semaphore, #tpu.memory_space<semaphore_mem>>) src(%arg9 : memref<128x128xf32, #tpu.memory_space<vmem>>) dst(%dma_wait3A_143 : memref<10016x128xf32, #tpu.memory_space<vmem_shared>>)
        tpu.yield
      }) : () -> ()
      %add3A_123 = arith.constant 3 : i32
      %add3A_124 = arith.addi %mul3A_98, %add3A_123 : i32
      %dma_start3A_125 = arith.constant 0 : i32
      %dma_start3A_126 = tpu.memref_slice %arg6[%add3A_124, %dma_start3A_125] : memref<40x128xi32, #tpu.memory_space<vmem>> -> memref<1x128xi32, #tpu.memory_space<vmem>>
      %dma_start3A_127 = tpu.memref_squeeze %dma_start3A_126 : memref<1x128xi32, #tpu.memory_space<vmem>> -> memref<128xi32, #tpu.memory_space<vmem>>
      %dma_start3A_128 = arith.constant 0 : i32
      %dma_start3A_129 = arith.constant 0 : i32
      %dma_start3A_130 = tpu.memref_slice %arg2[%dma_start3A_128, %dma_start3A_129] : memref<10000x128xf32, #tpu.memory_space<hbm>> -> memref<10000x128xf32, #tpu.memory_space<hbm>>
      tpu.enqueue_indirect_dma source(%dma_start3A_130 : memref<10000x128xf32, #tpu.memory_space<hbm>>) target(%arg9 : memref<128x128xf32, #tpu.memory_space<vmem>>) offsets(%dma_start3A_127 : memref<128xi32, #tpu.memory_space<vmem>>) semaphore(%arg13 : memref<!tpu.dma_semaphore, #tpu.memory_space<semaphore_mem>>)
    }
    %scan3A_69 = arith.constant 19 : i32
    %dma_wait3A_70 = arith.constant 38 : i32
    %dma_wait3A_71 = arith.constant 0 : i32
    %dma_wait3A_72 = tpu.memref_slice %arg6[%dma_wait3A_70, %dma_wait3A_71] : memref<40x128xi32, #tpu.memory_space<vmem>> -> memref<1x128xi32, #tpu.memory_space<vmem>>
    %dma_wait3A_73 = tpu.memref_squeeze %dma_wait3A_72 : memref<1x128xi32, #tpu.memory_space<vmem>> -> memref<128xi32, #tpu.memory_space<vmem>>
    %dma_wait3A_74 = arith.constant 0 : i32
    %dma_wait3A_75 = arith.constant 0 : i32
    %dma_wait3A_76 = tpu.memref_slice %arg2[%dma_wait3A_74, %dma_wait3A_75] : memref<10000x128xf32, #tpu.memory_space<hbm>> -> memref<10000x128xf32, #tpu.memory_space<hbm>>
    tpu.wait_indirect_dma semaphore(%arg12 : memref<!tpu.dma_semaphore, #tpu.memory_space<semaphore_mem>>) src(%dma_wait3A_76 : memref<10000x128xf32, #tpu.memory_space<hbm>>) dst(%arg8 : memref<128x128xf32, #tpu.memory_space<vmem>>)
    %run_scoped3A_77 = arith.constant 38 : i32
    "tpu.region"() ({
      %run_scoped3A_92 = tpu.sem_alloc : memref<!tpu.dma_semaphore, #tpu.memory_space<semaphore_mem>>
      %dma_start3A_93 = arith.constant 0 : i32
      %dma_start3A_94 = tpu.memref_slice %arg7[%run_scoped3A_77, %dma_start3A_93] : memref<40x128xi32, #tpu.memory_space<vmem>> -> memref<1x128xi32, #tpu.memory_space<vmem>>
      %dma_start3A_95 = tpu.memref_squeeze %dma_start3A_94 : memref<1x128xi32, #tpu.memory_space<vmem>> -> memref<128xi32, #tpu.memory_space<vmem>>
      %dma_start3A_96 = arith.constant 0 : i32
      %dma_start3A_97 = arith.constant 0 : i32
      %dma_start3A_98 = tpu.memref_slice %arg11[%dma_start3A_96, %dma_start3A_97] : memref<10016x128xf32, #tpu.memory_space<vmem_shared>> -> memref<10016x128xf32, #tpu.memory_space<vmem_shared>>
      tpu.enqueue_indirect_dma source(%arg8 : memref<128x128xf32, #tpu.memory_space<vmem>>) target(%dma_start3A_98 : memref<10016x128xf32, #tpu.memory_space<vmem_shared>>) offsets(%dma_start3A_95 : memref<128xi32, #tpu.memory_space<vmem>>) semaphore(%run_scoped3A_92 : memref<!tpu.dma_semaphore, #tpu.memory_space<semaphore_mem>>) {add = true}
      %dma_wait3A_99 = arith.constant 0 : i32
      %dma_wait3A_100 = tpu.memref_slice %arg7[%run_scoped3A_77, %dma_wait3A_99] : memref<40x128xi32, #tpu.memory_space<vmem>> -> memref<1x128xi32, #tpu.memory_space<vmem>>
      %dma_wait3A_101 = tpu.memref_squeeze %dma_wait3A_100 : memref<1x128xi32, #tpu.memory_space<vmem>> -> memref<128xi32, #tpu.memory_space<vmem>>
      %dma_wait3A_102 = arith.constant 0 : i32
      %dma_wait3A_103 = arith.constant 0 : i32
      %dma_wait3A_104 = tpu.memref_slice %arg11[%dma_wait3A_102, %dma_wait3A_103] : memref<10016x128xf32, #tpu.memory_space<vmem_shared>> -> memref<10016x128xf32, #tpu.memory_space<vmem_shared>>
      tpu.wait_indirect_dma semaphore(%run_scoped3A_92 : memref<!tpu.dma_semaphore, #tpu.memory_space<semaphore_mem>>) src(%arg8 : memref<128x128xf32, #tpu.memory_space<vmem>>) dst(%dma_wait3A_104 : memref<10016x128xf32, #tpu.memory_space<vmem_shared>>)
      tpu.yield
    }) : () -> ()
    %dma_wait3A_78 = arith.constant 39 : i32
    %dma_wait3A_79 = arith.constant 0 : i32
    %dma_wait3A_80 = tpu.memref_slice %arg6[%dma_wait3A_78, %dma_wait3A_79] : memref<40x128xi32, #tpu.memory_space<vmem>> -> memref<1x128xi32, #tpu.memory_space<vmem>>
    %dma_wait3A_81 = tpu.memref_squeeze %dma_wait3A_80 : memref<1x128xi32, #tpu.memory_space<vmem>> -> memref<128xi32, #tpu.memory_space<vmem>>
    %dma_wait3A_82 = arith.constant 0 : i32
    %dma_wait3A_83 = arith.constant 0 : i32
    %dma_wait3A_84 = tpu.memref_slice %arg2[%dma_wait3A_82, %dma_wait3A_83] : memref<10000x128xf32, #tpu.memory_space<hbm>> -> memref<10000x128xf32, #tpu.memory_space<hbm>>
    tpu.wait_indirect_dma semaphore(%arg13 : memref<!tpu.dma_semaphore, #tpu.memory_space<semaphore_mem>>) src(%dma_wait3A_84 : memref<10000x128xf32, #tpu.memory_space<hbm>>) dst(%arg9 : memref<128x128xf32, #tpu.memory_space<vmem>>)
    %run_scoped3A_85 = arith.constant 39 : i32
    "tpu.region"() ({
      %run_scoped3A_92 = tpu.sem_alloc : memref<!tpu.dma_semaphore, #tpu.memory_space<semaphore_mem>>
      %dma_start3A_93 = arith.constant 0 : i32
      %dma_start3A_94 = tpu.memref_slice %arg7[%run_scoped3A_85, %dma_start3A_93] : memref<40x128xi32, #tpu.memory_space<vmem>> -> memref<1x128xi32, #tpu.memory_space<vmem>>
      %dma_start3A_95 = tpu.memref_squeeze %dma_start3A_94 : memref<1x128xi32, #tpu.memory_space<vmem>> -> memref<128xi32, #tpu.memory_space<vmem>>
      %dma_start3A_96 = arith.constant 0 : i32
      %dma_start3A_97 = arith.constant 0 : i32
      %dma_start3A_98 = tpu.memref_slice %arg11[%dma_start3A_96, %dma_start3A_97] : memref<10016x128xf32, #tpu.memory_space<vmem_shared>> -> memref<10016x128xf32, #tpu.memory_space<vmem_shared>>
      tpu.enqueue_indirect_dma source(%arg9 : memref<128x128xf32, #tpu.memory_space<vmem>>) target(%dma_start3A_98 : memref<10016x128xf32, #tpu.memory_space<vmem_shared>>) offsets(%dma_start3A_95 : memref<128xi32, #tpu.memory_space<vmem>>) semaphore(%run_scoped3A_92 : memref<!tpu.dma_semaphore, #tpu.memory_space<semaphore_mem>>) {add = true}
      %dma_wait3A_99 = arith.constant 0 : i32
      %dma_wait3A_100 = tpu.memref_slice %arg7[%run_scoped3A_85, %dma_wait3A_99] : memref<40x128xi32, #tpu.memory_space<vmem>> -> memref<1x128xi32, #tpu.memory_space<vmem>>
      %dma_wait3A_101 = tpu.memref_squeeze %dma_wait3A_100 : memref<1x128xi32, #tpu.memory_space<vmem>> -> memref<128xi32, #tpu.memory_space<vmem>>
      %dma_wait3A_102 = arith.constant 0 : i32
      %dma_wait3A_103 = arith.constant 0 : i32
      %dma_wait3A_104 = tpu.memref_slice %arg11[%dma_wait3A_102, %dma_wait3A_103] : memref<10016x128xf32, #tpu.memory_space<vmem_shared>> -> memref<10016x128xf32, #tpu.memory_space<vmem_shared>>
      tpu.wait_indirect_dma semaphore(%run_scoped3A_92 : memref<!tpu.dma_semaphore, #tpu.memory_space<semaphore_mem>>) src(%arg9 : memref<128x128xf32, #tpu.memory_space<vmem>>) dst(%dma_wait3A_104 : memref<10016x128xf32, #tpu.memory_space<vmem_shared>>)
      tpu.yield
    }) : () -> ()
    %barrier3A_86 = arith.constant 0 : index
    tpu.barrier barrier_id(%barrier3A_86)
    %scan3A_87 = arith.constant 0 : i32
    %scan3A_88 = arith.constant 4 : i32
    %scan3A_89 = arith.addi %scan3A_87, %scan3A_88 : i32
    %scan3A_90 = arith.constant 1 : i32
    scf.for %scan3A_92 = %scan3A_87 to %scan3A_89 step %scan3A_90  : i32 {
      %mul3A_93 = arith.constant 1 : i32
      %mul3A_94 = arith.muli %scan3A_92, %mul3A_93 : i32
      %add3A_95 = arith.constant 0 : i32
      %add3A_96 = arith.addi %add3A_95, %mul3A_94 : i32
      %mul3A_97 = arith.constant 16 : i32
      %mul3A_98 = arith.muli %mul3A_97, %add3A_96 : i32
      %add3A_99 = arith.addi %arg1, %mul3A_98 : i32
      %lt3A = arith.constant 50 : i32
      %lt3A_100 = arith.cmpi slt, %add3A_99, %lt3A : i32
      %convert_element_type3A = arith.extui %lt3A_100 : i1 to i32
      %cond3A = arith.constant 0 : i32
      %cond3A_101 = arith.cmpi ne, %convert_element_type3A, %cond3A : i32
      scf.if %cond3A_101 {
        %mul3A_102 = arith.constant 200 : i32
        %mul3A_103 = arith.muli %add3A_99, %mul3A_102 : i32
        "tpu.region"() ({
          %run_scoped3A_104 = tpu.sem_alloc : memref<!tpu.dma_semaphore, #tpu.memory_space<semaphore_mem>>
          %dma_start3A_105 = arith.constant 0 : i32
          %dma_start3A_106 = tpu.memref_slice %arg5[%arg0, %mul3A_103, %dma_start3A_105] : memref<2x10000x128xf32, #tpu.memory_space<hbm>> -> memref<1x200x128xf32, #tpu.memory_space<hbm>>
          %dma_start3A_107 = tpu.memref_squeeze %dma_start3A_106 : memref<1x200x128xf32, #tpu.memory_space<hbm>> -> memref<200x128xf32, #tpu.memory_space<hbm>>
          %dma_start3A_108 = arith.constant 0 : i32
          %dma_start3A_109 = tpu.memref_slice %arg11[%mul3A_103, %dma_start3A_108] : memref<10016x128xf32, #tpu.memory_space<vmem_shared>> -> memref<200x128xf32, #tpu.memory_space<vmem_shared>>
          tpu.enqueue_dma source(%dma_start3A_109 : memref<200x128xf32, #tpu.memory_space<vmem_shared>>) target(%dma_start3A_107 : memref<200x128xf32, #tpu.memory_space<hbm>>) target_semaphore(%run_scoped3A_104 : memref<!tpu.dma_semaphore, #tpu.memory_space<semaphore_mem>>)
          %dma_wait3A_110 = arith.constant 0 : i32
          %dma_wait3A_111 = tpu.memref_slice %arg5[%arg0, %mul3A_103, %dma_wait3A_110] : memref<2x10000x128xf32, #tpu.memory_space<hbm>> -> memref<1x200x128xf32, #tpu.memory_space<hbm>>
          %dma_wait3A_112 = tpu.memref_squeeze %dma_wait3A_111 : memref<1x200x128xf32, #tpu.memory_space<hbm>> -> memref<200x128xf32, #tpu.memory_space<hbm>>
          %dma_wait3A_113 = arith.constant 0 : i32
          %dma_wait3A_114 = tpu.memref_slice %arg11[%mul3A_103, %dma_wait3A_113] : memref<10016x128xf32, #tpu.memory_space<vmem_shared>> -> memref<200x128xf32, #tpu.memory_space<vmem_shared>>
          tpu.wait_dma2 semaphore(%run_scoped3A_104 : memref<!tpu.dma_semaphore, #tpu.memory_space<semaphore_mem>>) src(%dma_wait3A_114 : memref<200x128xf32, #tpu.memory_space<vmem_shared>>) dst(%dma_wait3A_112 : memref<200x128xf32, #tpu.memory_space<hbm>>)
          tpu.yield
        }) : () -> ()
      } else {
      }
    }
    %scan3A_91 = arith.constant 4 : i32
    return
  }
}

#map = affine_map<(d0, d1) -> (0, 0)>
#map1 = affine_map<(d0, d1) -> (0, 0, 0)>
module attributes {stable_mosaic.version = 14 : i64} {
  func.func @k(%arg0: i32, %arg1: i32, %arg2: memref<10000x128xf32, #tpu.memory_space<hbm>>, %arg3: memref<2560x128xi32, #tpu.memory_space<hbm>>, %arg4: memref<2560x128xi32, #tpu.memory_space<hbm>>, %arg5: memref<2x10000x128xf32, #tpu.memory_space<hbm>>, %arg6: memref<40x128xi32, #tpu.memory_space<vmem>>, %arg7: memref<40x128xi32, #tpu.memory_space<vmem>>, %arg8: memref<128x128xf32, #tpu.memory_space<vmem>>, %arg9: memref<128x128xf32, #tpu.memory_space<vmem>>, %arg10: memref<40x128xf32, #tpu.memory_space<vmem>>, %arg11: memref<10016x128xf32, #tpu.memory_space<vmem_shared>>, %arg12: memref<!tpu.dma_semaphore, #tpu.memory_space<semaphore_mem>>, %arg13: memref<!tpu.dma_semaphore, #tpu.memory_space<semaphore_mem>>) attributes {dimension_semantics = [#tpu.dimension_semantics<core_parallel>, #tpu.dimension_semantics<subcore_parallel>], iteration_bounds = array<i64: 2, 16>, scalar_prefetch = 0 : i64, scratch_operands = 8 : i64, tpu.core_type = #tpu.core_type<sc_vector_subcore>, window_params = [{transform_indices = #map}, {transform_indices = #map}, {transform_indices = #map}, {transform_indices = #map1}]} {
    %mul3A = arith.constant 2 : i32
    %mul3A_0 = arith.muli %arg1, %mul3A : i32
    %add3A = arith.addi %mul3A_0, %arg0 : i32
    %broadcast_in_dim3A = arith.constant 0.000000e+00 : f32
    %broadcast_in_dim3A_1 = vector.broadcast %broadcast_in_dim3A : f32 to vector<16xf32>
    %scan3A = arith.constant 0 : i32
    %scan3A_2 = arith.constant 40 : i32
    %scan3A_3 = arith.addi %scan3A, %scan3A_2 : i32
    %scan3A_4 = arith.constant 1 : i32
    scf.for %scan3A_92 = %scan3A to %scan3A_3 step %scan3A_4  : i32 {
      %mul3A_93 = arith.constant 1 : i32
      %mul3A_94 = arith.muli %scan3A_92, %mul3A_93 : i32
      %add3A_95 = arith.constant 0 : i32
      %add3A_96 = arith.addi %add3A_95, %mul3A_94 : i32
      %swap3A = arith.index_cast %add3A_96 : i32 to index
      %swap3A_97 = arith.constant 0 : index
      %swap3A_98 = tpu.vector_load %arg10[%swap3A, %swap3A_97] {strides = array<i32>} : memref<40x128xf32, #tpu.memory_space<vmem>>, vector<1x16xf32>,
      %swap3A_99 = vector.shape_cast %swap3A_98 : vector<1x16xf32> to vector<16xf32>
      %swap3A_100 = vector.shape_cast %broadcast_in_dim3A_1 : vector<16xf32> to vector<1x16xf32>
      tpu.vector_store %arg10[%swap3A, %swap3A_97], %swap3A_100 {strides = array<i32>} : memref<40x128xf32, #tpu.memory_space<vmem>>, vector<1x16xf32>,
      %swap3A_101 = arith.index_cast %add3A_96 : i32 to index
      %swap3A_102 = arith.constant 16 : index
      %swap3A_103 = tpu.vector_load %arg10[%swap3A_101, %swap3A_102] {strides = array<i32>} : memref<40x128xf32, #tpu.memory_space<vmem>>, vector<1x16xf32>,
      %swap3A_104 = vector.shape_cast %swap3A_103 : vector<1x16xf32> to vector<16xf32>
      %swap3A_105 = vector.shape_cast %broadcast_in_dim3A_1 : vector<16xf32> to vector<1x16xf32>
      tpu.vector_store %arg10[%swap3A_101, %swap3A_102], %swap3A_105 {strides = array<i32>} : memref<40x128xf32, #tpu.memory_space<vmem>>, vector<1x16xf32>,
      %swap3A_106 = arith.index_cast %add3A_96 : i32 to index
      %swap3A_107 = arith.constant 32 : index
      %swap3A_108 = tpu.vector_load %arg10[%swap3A_106, %swap3A_107] {strides = array<i32>} : memref<40x128xf32, #tpu.memory_space<vmem>>, vector<1x16xf32>,
      %swap3A_109 = vector.shape_cast %swap3A_108 : vector<1x16xf32> to vector<16xf32>
      %swap3A_110 = vector.shape_cast %broadcast_in_dim3A_1 : vector<16xf32> to vector<1x16xf32>
      tpu.vector_store %arg10[%swap3A_106, %swap3A_107], %swap3A_110 {strides = array<i32>} : memref<40x128xf32, #tpu.memory_space<vmem>>, vector<1x16xf32>,
      %swap3A_111 = arith.index_cast %add3A_96 : i32 to index
      %swap3A_112 = arith.constant 48 : index
      %swap3A_113 = tpu.vector_load %arg10[%swap3A_111, %swap3A_112] {strides = array<i32>} : memref<40x128xf32, #tpu.memory_space<vmem>>, vector<1x16xf32>,
      %swap3A_114 = vector.shape_cast %swap3A_113 : vector<1x16xf32> to vector<16xf32>
      %swap3A_115 = vector.shape_cast %broadcast_in_dim3A_1 : vector<16xf32> to vector<1x16xf32>
      tpu.vector_store %arg10[%swap3A_111, %swap3A_112], %swap3A_115 {strides = array<i32>} : memref<40x128xf32, #tpu.memory_space<vmem>>, vector<1x16xf32>,
      %swap3A_116 = arith.index_cast %add3A_96 : i32 to index
      %swap3A_117 = arith.constant 64 : index
      %swap3A_118 = tpu.vector_load %arg10[%swap3A_116, %swap3A_117] {strides = array<i32>} : memref<40x128xf32, #tpu.memory_space<vmem>>, vector<1x16xf32>,
      %swap3A_119 = vector.shape_cast %swap3A_118 : vector<1x16xf32> to vector<16xf32>
      %swap3A_120 = vector.shape_cast %broadcast_in_dim3A_1 : vector<16xf32> to vector<1x16xf32>
      tpu.vector_store %arg10[%swap3A_116, %swap3A_117], %swap3A_120 {strides = array<i32>} : memref<40x128xf32, #tpu.memory_space<vmem>>, vector<1x16xf32>,
      %swap3A_121 = arith.index_cast %add3A_96 : i32 to index
      %swap3A_122 = arith.constant 80 : index
      %swap3A_123 = tpu.vector_load %arg10[%swap3A_121, %swap3A_122] {strides = array<i32>} : memref<40x128xf32, #tpu.memory_space<vmem>>, vector<1x16xf32>,
      %swap3A_124 = vector.shape_cast %swap3A_123 : vector<1x16xf32> to vector<16xf32>
      %swap3A_125 = vector.shape_cast %broadcast_in_dim3A_1 : vector<16xf32> to vector<1x16xf32>
      tpu.vector_store %arg10[%swap3A_121, %swap3A_122], %swap3A_125 {strides = array<i32>} : memref<40x128xf32, #tpu.memory_space<vmem>>, vector<1x16xf32>,
      %swap3A_126 = arith.index_cast %add3A_96 : i32 to index
      %swap3A_127 = arith.constant 96 : index
      %swap3A_128 = tpu.vector_load %arg10[%swap3A_126, %swap3A_127] {strides = array<i32>} : memref<40x128xf32, #tpu.memory_space<vmem>>, vector<1x16xf32>,
      %swap3A_129 = vector.shape_cast %swap3A_128 : vector<1x16xf32> to vector<16xf32>
      %swap3A_130 = vector.shape_cast %broadcast_in_dim3A_1 : vector<16xf32> to vector<1x16xf32>
      tpu.vector_store %arg10[%swap3A_126, %swap3A_127], %swap3A_130 {strides = array<i32>} : memref<40x128xf32, #tpu.memory_space<vmem>>, vector<1x16xf32>,
      %swap3A_131 = arith.index_cast %add3A_96 : i32 to index
      %swap3A_132 = arith.constant 112 : index
      %swap3A_133 = tpu.vector_load %arg10[%swap3A_131, %swap3A_132] {strides = array<i32>} : memref<40x128xf32, #tpu.memory_space<vmem>>, vector<1x16xf32>,
      %swap3A_134 = vector.shape_cast %swap3A_133 : vector<1x16xf32> to vector<16xf32>
      %swap3A_135 = vector.shape_cast %broadcast_in_dim3A_1 : vector<16xf32> to vector<1x16xf32>
      tpu.vector_store %arg10[%swap3A_131, %swap3A_132], %swap3A_135 {strides = array<i32>} : memref<40x128xf32, #tpu.memory_space<vmem>>, vector<1x16xf32>,
    }
    %scan3A_5 = arith.constant 40 : i32
    %scan3A_6 = arith.constant 0 : i32
    %scan3A_7 = arith.constant 4 : i32
    %scan3A_8 = arith.addi %scan3A_6, %scan3A_7 : i32
    %scan3A_9 = arith.constant 1 : i32
    scf.for %scan3A_92 = %scan3A_6 to %scan3A_8 step %scan3A_9  : i32 {
      %mul3A_93 = arith.constant 1 : i32
      %mul3A_94 = arith.muli %scan3A_92, %mul3A_93 : i32
      %add3A_95 = arith.constant 0 : i32
      %add3A_96 = arith.addi %add3A_95, %mul3A_94 : i32
      %mul3A_97 = arith.constant 16 : i32
      %mul3A_98 = arith.muli %mul3A_97, %add3A_96 : i32
      %add3A_99 = arith.addi %arg1, %mul3A_98 : i32
      %lt3A = arith.constant 50 : i32
      %lt3A_100 = arith.cmpi slt, %add3A_99, %lt3A : i32
      %convert_element_type3A = arith.extui %lt3A_100 : i1 to i32
      %cond3A = arith.constant 0 : i32
      %cond3A_101 = arith.cmpi ne, %convert_element_type3A, %cond3A : i32
      scf.if %cond3A_101 {
        %mul3A_102 = arith.constant 200 : i32
        %mul3A_103 = arith.muli %add3A_99, %mul3A_102 : i32
        %add3A_104 = arith.constant 0 : i32
        %add3A_105 = arith.addi %mul3A_103, %add3A_104 : i32
        "tpu.region"() ({
          %run_scoped3A_122 = tpu.sem_alloc : memref<!tpu.dma_semaphore, #tpu.memory_space<semaphore_mem>>
          %dma_start3A_123 = arith.constant 0 : i32
          %dma_start3A_124 = tpu.memref_slice %arg11[%add3A_105, %dma_start3A_123] : memref<10016x128xf32, #tpu.memory_space<vmem_shared>> -> memref<40x128xf32, #tpu.memory_space<vmem_shared>>
          %dma_start3A_125 = arith.constant 0 : i32
          %dma_start3A_126 = tpu.memref_slice %arg11[%add3A_105, %dma_start3A_125] : memref<10016x128xf32, #tpu.memory_space<vmem_shared>> -> memref<40x128xf32, #tpu.memory_space<vmem_shared>>
          tpu.enqueue_dma source(%arg10 : memref<40x128xf32, #tpu.memory_space<vmem>>) target(%dma_start3A_126 : memref<40x128xf32, #tpu.memory_space<vmem_shared>>) target_semaphore(%run_scoped3A_122 : memref<!tpu.dma_semaphore, #tpu.memory_space<semaphore_mem>>)
          %dma_wait3A_127 = arith.constant 0 : i32
          %dma_wait3A_128 = tpu.memref_slice %arg11[%add3A_105, %dma_wait3A_127] : memref<10016x128xf32, #tpu.memory_space<vmem_shared>> -> memref<40x128xf32, #tpu.memory_space<vmem_shared>>
          %dma_wait3A_129 = arith.constant 0 : i32
          %dma_wait3A_130 = tpu.memref_slice %arg11[%add3A_105, %dma_wait3A_129] : memref<10016x128xf32, #tpu.memory_space<vmem_shared>> -> memref<40x128xf32, #tpu.memory_space<vmem_shared>>
          tpu.wait_dma2 semaphore(%run_scoped3A_122 : memref<!tpu.dma_semaphore, #tpu.memory_space<semaphore_mem>>) src(%arg10 : memref<40x128xf32, #tpu.memory_space<vmem>>) dst(%dma_wait3A_130 : memref<40x128xf32, #tpu.memory_space<vmem_shared>>)
          tpu.yield
        }) : () -> ()
        %mul3A_106 = arith.constant 200 : i32
        %mul3A_107 = arith.muli %add3A_99, %mul3A_106 : i32
        %add3A_108 = arith.constant 40 : i32
        %add3A_109 = arith.addi %mul3A_107, %add3A_108 : i32
        "tpu.region"() ({
          %run_scoped3A_122 = tpu.sem_alloc : memref<!tpu.dma_semaphore, #tpu.memory_space<semaphore_mem>>
          %dma_start3A_123 = arith.constant 0 : i32
          %dma_start3A_124 = tpu.memref_slice %arg11[%add3A_109, %dma_start3A_123] : memref<10016x128xf32, #tpu.memory_space<vmem_shared>> -> memref<40x128xf32, #tpu.memory_space<vmem_shared>>
          %dma_start3A_125 = arith.constant 0 : i32
          %dma_start3A_126 = tpu.memref_slice %arg11[%add3A_109, %dma_start3A_125] : memref<10016x128xf32, #tpu.memory_space<vmem_shared>> -> memref<40x128xf32, #tpu.memory_space<vmem_shared>>
          tpu.enqueue_dma source(%arg10 : memref<40x128xf32, #tpu.memory_space<vmem>>) target(%dma_start3A_126 : memref<40x128xf32, #tpu.memory_space<vmem_shared>>) target_semaphore(%run_scoped3A_122 : memref<!tpu.dma_semaphore, #tpu.memory_space<semaphore_mem>>)
          %dma_wait3A_127 = arith.constant 0 : i32
          %dma_wait3A_128 = tpu.memref_slice %arg11[%add3A_109, %dma_wait3A_127] : memref<10016x128xf32, #tpu.memory_space<vmem_shared>> -> memref<40x128xf32, #tpu.memory_space<vmem_shared>>
          %dma_wait3A_129 = arith.constant 0 : i32
          %dma_wait3A_130 = tpu.memref_slice %arg11[%add3A_109, %dma_wait3A_129] : memref<10016x128xf32, #tpu.memory_space<vmem_shared>> -> memref<40x128xf32, #tpu.memory_space<vmem_shared>>
          tpu.wait_dma2 semaphore(%run_scoped3A_122 : memref<!tpu.dma_semaphore, #tpu.memory_space<semaphore_mem>>) src(%arg10 : memref<40x128xf32, #tpu.memory_space<vmem>>) dst(%dma_wait3A_130 : memref<40x128xf32, #tpu.memory_space<vmem_shared>>)
          tpu.yield
        }) : () -> ()
        %mul3A_110 = arith.constant 200 : i32
        %mul3A_111 = arith.muli %add3A_99, %mul3A_110 : i32
        %add3A_112 = arith.constant 80 : i32
        %add3A_113 = arith.addi %mul3A_111, %add3A_112 : i32
        "tpu.region"() ({
          %run_scoped3A_122 = tpu.sem_alloc : memref<!tpu.dma_semaphore, #tpu.memory_space<semaphore_mem>>
          %dma_start3A_123 = arith.constant 0 : i32
          %dma_start3A_124 = tpu.memref_slice %arg11[%add3A_113, %dma_start3A_123] : memref<10016x128xf32, #tpu.memory_space<vmem_shared>> -> memref<40x128xf32, #tpu.memory_space<vmem_shared>>
          %dma_start3A_125 = arith.constant 0 : i32
          %dma_start3A_126 = tpu.memref_slice %arg11[%add3A_113, %dma_start3A_125] : memref<10016x128xf32, #tpu.memory_space<vmem_shared>> -> memref<40x128xf32, #tpu.memory_space<vmem_shared>>
          tpu.enqueue_dma source(%arg10 : memref<40x128xf32, #tpu.memory_space<vmem>>) target(%dma_start3A_126 : memref<40x128xf32, #tpu.memory_space<vmem_shared>>) target_semaphore(%run_scoped3A_122 : memref<!tpu.dma_semaphore, #tpu.memory_space<semaphore_mem>>)
          %dma_wait3A_127 = arith.constant 0 : i32
          %dma_wait3A_128 = tpu.memref_slice %arg11[%add3A_113, %dma_wait3A_127] : memref<10016x128xf32, #tpu.memory_space<vmem_shared>> -> memref<40x128xf32, #tpu.memory_space<vmem_shared>>
          %dma_wait3A_129 = arith.constant 0 : i32
          %dma_wait3A_130 = tpu.memref_slice %arg11[%add3A_113, %dma_wait3A_129] : memref<10016x128xf32, #tpu.memory_space<vmem_shared>> -> memref<40x128xf32, #tpu.memory_space<vmem_shared>>
          tpu.wait_dma2 semaphore(%run_scoped3A_122 : memref<!tpu.dma_semaphore, #tpu.memory_space<semaphore_mem>>) src(%arg10 : memref<40x128xf32, #tpu.memory_space<vmem>>) dst(%dma_wait3A_130 : memref<40x128xf32, #tpu.memory_space<vmem_shared>>)
          tpu.yield
        }) : () -> ()
        %mul3A_114 = arith.constant 200 : i32
        %mul3A_115 = arith.muli %add3A_99, %mul3A_114 : i32
        %add3A_116 = arith.constant 120 : i32
        %add3A_117 = arith.addi %mul3A_115, %add3A_116 : i32
        "tpu.region"() ({
          %run_scoped3A_122 = tpu.sem_alloc : memref<!tpu.dma_semaphore, #tpu.memory_space<semaphore_mem>>
          %dma_start3A_123 = arith.constant 0 : i32
          %dma_start3A_124 = tpu.memref_slice %arg11[%add3A_117, %dma_start3A_123] : memref<10016x128xf32, #tpu.memory_space<vmem_shared>> -> memref<40x128xf32, #tpu.memory_space<vmem_shared>>
          %dma_start3A_125 = arith.constant 0 : i32
          %dma_start3A_126 = tpu.memref_slice %arg11[%add3A_117, %dma_start3A_125] : memref<10016x128xf32, #tpu.memory_space<vmem_shared>> -> memref<40x128xf32, #tpu.memory_space<vmem_shared>>
          tpu.enqueue_dma source(%arg10 : memref<40x128xf32, #tpu.memory_space<vmem>>) target(%dma_start3A_126 : memref<40x128xf32, #tpu.memory_space<vmem_shared>>) target_semaphore(%run_scoped3A_122 : memref<!tpu.dma_semaphore, #tpu.memory_space<semaphore_mem>>)
          %dma_wait3A_127 = arith.constant 0 : i32
          %dma_wait3A_128 = tpu.memref_slice %arg11[%add3A_117, %dma_wait3A_127] : memref<10016x128xf32, #tpu.memory_space<vmem_shared>> -> memref<40x128xf32, #tpu.memory_space<vmem_shared>>
          %dma_wait3A_129 = arith.constant 0 : i32
          %dma_wait3A_130 = tpu.memref_slice %arg11[%add3A_117, %dma_wait3A_129] : memref<10016x128xf32, #tpu.memory_space<vmem_shared>> -> memref<40x128xf32, #tpu.memory_space<vmem_shared>>
          tpu.wait_dma2 semaphore(%run_scoped3A_122 : memref<!tpu.dma_semaphore, #tpu.memory_space<semaphore_mem>>) src(%arg10 : memref<40x128xf32, #tpu.memory_space<vmem>>) dst(%dma_wait3A_130 : memref<40x128xf32, #tpu.memory_space<vmem_shared>>)
          tpu.yield
        }) : () -> ()
        %mul3A_118 = arith.constant 200 : i32
        %mul3A_119 = arith.muli %add3A_99, %mul3A_118 : i32
        %add3A_120 = arith.constant 160 : i32
        %add3A_121 = arith.addi %mul3A_119, %add3A_120 : i32
        "tpu.region"() ({
          %run_scoped3A_122 = tpu.sem_alloc : memref<!tpu.dma_semaphore, #tpu.memory_space<semaphore_mem>>
          %dma_start3A_123 = arith.constant 0 : i32
          %dma_start3A_124 = tpu.memref_slice %arg11[%add3A_121, %dma_start3A_123] : memref<10016x128xf32, #tpu.memory_space<vmem_shared>> -> memref<40x128xf32, #tpu.memory_space<vmem_shared>>
          %dma_start3A_125 = arith.constant 0 : i32
          %dma_start3A_126 = tpu.memref_slice %arg11[%add3A_121, %dma_start3A_125] : memref<10016x128xf32, #tpu.memory_space<vmem_shared>> -> memref<40x128xf32, #tpu.memory_space<vmem_shared>>
          tpu.enqueue_dma source(%arg10 : memref<40x128xf32, #tpu.memory_space<vmem>>) target(%dma_start3A_126 : memref<40x128xf32, #tpu.memory_space<vmem_shared>>) target_semaphore(%run_scoped3A_122 : memref<!tpu.dma_semaphore, #tpu.memory_space<semaphore_mem>>)
          %dma_wait3A_127 = arith.constant 0 : i32
          %dma_wait3A_128 = tpu.memref_slice %arg11[%add3A_121, %dma_wait3A_127] : memref<10016x128xf32, #tpu.memory_space<vmem_shared>> -> memref<40x128xf32, #tpu.memory_space<vmem_shared>>
          %dma_wait3A_129 = arith.constant 0 : i32
          %dma_wait3A_130 = tpu.memref_slice %arg11[%add3A_121, %dma_wait3A_129] : memref<10016x128xf32, #tpu.memory_space<vmem_shared>> -> memref<40x128xf32, #tpu.memory_space<vmem_shared>>
          tpu.wait_dma2 semaphore(%run_scoped3A_122 : memref<!tpu.dma_semaphore, #tpu.memory_space<semaphore_mem>>) src(%arg10 : memref<40x128xf32, #tpu.memory_space<vmem>>) dst(%dma_wait3A_130 : memref<40x128xf32, #tpu.memory_space<vmem_shared>>)
          tpu.yield
        }) : () -> ()
      } else {
      }
    }
    %scan3A_10 = arith.constant 4 : i32
    %barrier3A = arith.constant 0 : index
    tpu.barrier barrier_id(%barrier3A)
    %mul3A_11 = arith.constant 80 : i32
    %mul3A_12 = arith.muli %add3A, %mul3A_11 : i32
    %add3A_13 = arith.constant 0 : i32
    %add3A_14 = arith.addi %mul3A_12, %add3A_13 : i32
    "tpu.region"() ({
      %run_scoped3A_92 = tpu.sem_alloc : memref<!tpu.dma_semaphore, #tpu.memory_space<semaphore_mem>>
      %dma_start3A_93 = arith.constant 0 : i32
      %dma_start3A_94 = tpu.memref_slice %arg3[%add3A_14, %dma_start3A_93] : memref<2560x128xi32, #tpu.memory_space<hbm>> -> memref<40x128xi32, #tpu.memory_space<hbm>>
      %dma_start3A_95 = arith.constant 0 : i32
      %dma_start3A_96 = tpu.memref_slice %arg3[%add3A_14, %dma_start3A_95] : memref<2560x128xi32, #tpu.memory_space<hbm>> -> memref<40x128xi32, #tpu.memory_space<hbm>>
      tpu.enqueue_dma source(%dma_start3A_96 : memref<40x128xi32, #tpu.memory_space<hbm>>) target(%arg6 : memref<40x128xi32, #tpu.memory_space<vmem>>) target_semaphore(%run_scoped3A_92 : memref<!tpu.dma_semaphore, #tpu.memory_space<semaphore_mem>>)
      %dma_wait3A_97 = arith.constant 0 : i32
      %dma_wait3A_98 = tpu.memref_slice %arg3[%add3A_14, %dma_wait3A_97] : memref<2560x128xi32, #tpu.memory_space<hbm>> -> memref<40x128xi32, #tpu.memory_space<hbm>>
      %dma_wait3A_99 = arith.constant 0 : i32
      %dma_wait3A_100 = tpu.memref_slice %arg3[%add3A_14, %dma_wait3A_99] : memref<2560x128xi32, #tpu.memory_space<hbm>> -> memref<40x128xi32, #tpu.memory_space<hbm>>
      tpu.wait_dma2 semaphore(%run_scoped3A_92 : memref<!tpu.dma_semaphore, #tpu.memory_space<semaphore_mem>>) src(%dma_wait3A_100 : memref<40x128xi32, #tpu.memory_space<hbm>>) dst(%arg6 : memref<40x128xi32, #tpu.memory_space<vmem>>)
      tpu.yield
    }) : () -> ()
    "tpu.region"() ({
      %run_scoped3A_92 = tpu.sem_alloc : memref<!tpu.dma_semaphore, #tpu.memory_space<semaphore_mem>>
      %dma_start3A_93 = arith.constant 0 : i32
      %dma_start3A_94 = tpu.memref_slice %arg4[%add3A_14, %dma_start3A_93] : memref<2560x128xi32, #tpu.memory_space<hbm>> -> memref<40x128xi32, #tpu.memory_space<hbm>>
      %dma_start3A_95 = arith.constant 0 : i32
      %dma_start3A_96 = tpu.memref_slice %arg4[%add3A_14, %dma_start3A_95] : memref<2560x128xi32, #tpu.memory_space<hbm>> -> memref<40x128xi32, #tpu.memory_space<hbm>>
      tpu.enqueue_dma source(%dma_start3A_96 : memref<40x128xi32, #tpu.memory_space<hbm>>) target(%arg7 : memref<40x128xi32, #tpu.memory_space<vmem>>) target_semaphore(%run_scoped3A_92 : memref<!tpu.dma_semaphore, #tpu.memory_space<semaphore_mem>>)
      %dma_wait3A_97 = arith.constant 0 : i32
      %dma_wait3A_98 = tpu.memref_slice %arg4[%add3A_14, %dma_wait3A_97] : memref<2560x128xi32, #tpu.memory_space<hbm>> -> memref<40x128xi32, #tpu.memory_space<hbm>>
      %dma_wait3A_99 = arith.constant 0 : i32
      %dma_wait3A_100 = tpu.memref_slice %arg4[%add3A_14, %dma_wait3A_99] : memref<2560x128xi32, #tpu.memory_space<hbm>> -> memref<40x128xi32, #tpu.memory_space<hbm>>
      tpu.wait_dma2 semaphore(%run_scoped3A_92 : memref<!tpu.dma_semaphore, #tpu.memory_space<semaphore_mem>>) src(%dma_wait3A_100 : memref<40x128xi32, #tpu.memory_space<hbm>>) dst(%arg7 : memref<40x128xi32, #tpu.memory_space<vmem>>)
      tpu.yield
    }) : () -> ()
    %dma_start3A = arith.constant 0 : i32
    %dma_start3A_15 = arith.constant 0 : i32
    %dma_start3A_16 = tpu.memref_slice %arg6[%dma_start3A, %dma_start3A_15] : memref<40x128xi32, #tpu.memory_space<vmem>> -> memref<1x128xi32, #tpu.memory_space<vmem>>
    %dma_start3A_17 = tpu.memref_squeeze %dma_start3A_16 : memref<1x128xi32, #tpu.memory_space<vmem>> -> memref<128xi32, #tpu.memory_space<vmem>>
    %dma_start3A_18 = arith.constant 0 : i32
    %dma_start3A_19 = arith.constant 0 : i32
    %dma_start3A_20 = tpu.memref_slice %arg2[%dma_start3A_18, %dma_start3A_19] : memref<10000x128xf32, #tpu.memory_space<hbm>> -> memref<10000x128xf32, #tpu.memory_space<hbm>>
    tpu.enqueue_indirect_dma source(%dma_start3A_20 : memref<10000x128xf32, #tpu.memory_space<hbm>>) target(%arg8 : memref<128x128xf32, #tpu.memory_space<vmem>>) offsets(%dma_start3A_17 : memref<128xi32, #tpu.memory_space<vmem>>) semaphore(%arg12 : memref<!tpu.dma_semaphore, #tpu.memory_space<semaphore_mem>>)
    %dma_start3A_21 = arith.constant 1 : i32
    %dma_start3A_22 = arith.constant 0 : i32
    %dma_start3A_23 = tpu.memref_slice %arg6[%dma_start3A_21, %dma_start3A_22] : memref<40x128xi32, #tpu.memory_space<vmem>> -> memref<1x128xi32, #tpu.memory_space<vmem>>
    %dma_start3A_24 = tpu.memref_squeeze %dma_start3A_23 : memref<1x128xi32, #tpu.memory_space<vmem>> -> memref<128xi32, #tpu.memory_space<vmem>>
    %dma_start3A_25 = arith.constant 0 : i32
    %dma_start3A_26 = arith.constant 0 : i32
    %dma_start3A_27 = tpu.memref_slice %arg2[%dma_start3A_25, %dma_start3A_26] : memref<10000x128xf32, #tpu.memory_space<hbm>> -> memref<10000x128xf32, #tpu.memory_space<hbm>>
    tpu.enqueue_indirect_dma source(%dma_start3A_27 : memref<10000x128xf32, #tpu.memory_space<hbm>>) target(%arg9 : memref<128x128xf32, #tpu.memory_space<vmem>>) offsets(%dma_start3A_24 : memref<128xi32, #tpu.memory_space<vmem>>) semaphore(%arg13 : memref<!tpu.dma_semaphore, #tpu.memory_space<semaphore_mem>>)
    %scan3A_28 = arith.constant 0 : i32
    %scan3A_29 = arith.constant 19 : i32
    %scan3A_30 = arith.addi %scan3A_28, %scan3A_29 : i32
    %scan3A_31 = arith.constant 1 : i32
    scf.for %scan3A_92 = %scan3A_28 to %scan3A_30 step %scan3A_31  : i32 {
      %mul3A_93 = arith.constant 1 : i32
      %mul3A_94 = arith.muli %scan3A_92, %mul3A_93 : i32
      %add3A_95 = arith.constant 0 : i32
      %add3A_96 = arith.addi %add3A_95, %mul3A_94 : i32
      %mul3A_97 = arith.constant 2 : i32
      %mul3A_98 = arith.muli %mul3A_97, %add3A_96 : i32
      %dma_wait3A_99 = arith.constant 0 : i32
      %dma_wait3A_100 = tpu.memref_slice %arg6[%mul3A_98, %dma_wait3A_99] : memref<40x128xi32, #tpu.memory_space<vmem>> -> memref<1x128xi32, #tpu.memory_space<vmem>>
      %dma_wait3A_101 = tpu.memref_squeeze %dma_wait3A_100 : memref<1x128xi32, #tpu.memory_space<vmem>> -> memref<128xi32, #tpu.memory_space<vmem>>
      %dma_wait3A_102 = arith.constant 0 : i32
      %dma_wait3A_103 = arith.constant 0 : i32
      %dma_wait3A_104 = tpu.memref_slice %arg2[%dma_wait3A_102, %dma_wait3A_103] : memref<10000x128xf32, #tpu.memory_space<hbm>> -> memref<10000x128xf32, #tpu.memory_space<hbm>>
      tpu.wait_indirect_dma semaphore(%arg12 : memref<!tpu.dma_semaphore, #tpu.memory_space<semaphore_mem>>) src(%dma_wait3A_104 : memref<10000x128xf32, #tpu.memory_space<hbm>>) dst(%arg8 : memref<128x128xf32, #tpu.memory_space<vmem>>)
      "tpu.region"() ({
        %run_scoped3A_131 = tpu.sem_alloc : memref<!tpu.dma_semaphore, #tpu.memory_space<semaphore_mem>>
        %dma_start3A_132 = arith.constant 0 : i32
        %dma_start3A_133 = tpu.memref_slice %arg7[%mul3A_98, %dma_start3A_132] : memref<40x128xi32, #tpu.memory_space<vmem>> -> memref<1x128xi32, #tpu.memory_space<vmem>>
        %dma_start3A_134 = tpu.memref_squeeze %dma_start3A_133 : memref<1x128xi32, #tpu.memory_space<vmem>> -> memref<128xi32, #tpu.memory_space<vmem>>
        %dma_start3A_135 = arith.constant 0 : i32
        %dma_start3A_136 = arith.constant 0 : i32
        %dma_start3A_137 = tpu.memref_slice %arg11[%dma_start3A_135, %dma_start3A_136] : memref<10016x128xf32, #tpu.memory_space<vmem_shared>> -> memref<10016x128xf32, #tpu.memory_space<vmem_shared>>
        tpu.enqueue_indirect_dma source(%arg8 : memref<128x128xf32, #tpu.memory_space<vmem>>) target(%dma_start3A_137 : memref<10016x128xf32, #tpu.memory_space<vmem_shared>>) offsets(%dma_start3A_134 : memref<128xi32, #tpu.memory_space<vmem>>) semaphore(%run_scoped3A_131 : memref<!tpu.dma_semaphore, #tpu.memory_space<semaphore_mem>>) {add = true}
        %dma_wait3A_138 = arith.constant 0 : i32
        %dma_wait3A_139 = tpu.memref_slice %arg7[%mul3A_98, %dma_wait3A_138] : memref<40x128xi32, #tpu.memory_space<vmem>> -> memref<1x128xi32, #tpu.memory_space<vmem>>
        %dma_wait3A_140 = tpu.memref_squeeze %dma_wait3A_139 : memref<1x128xi32, #tpu.memory_space<vmem>> -> memref<128xi32, #tpu.memory_space<vmem>>
        %dma_wait3A_141 = arith.constant 0 : i32
        %dma_wait3A_142 = arith.constant 0 : i32
        %dma_wait3A_143 = tpu.memref_slice %arg11[%dma_wait3A_141, %dma_wait3A_142] : memref<10016x128xf32, #tpu.memory_space<vmem_shared>> -> memref<10016x128xf32, #tpu.memory_space<vmem_shared>>
        tpu.wait_indirect_dma semaphore(%run_scoped3A_131 : memref<!tpu.dma_semaphore, #tpu.memory_space<semaphore_mem>>) src(%arg8 : memref<128x128xf32, #tpu.memory_space<vmem>>) dst(%dma_wait3A_143 : memref<10016x128xf32, #tpu.memory_space<vmem_shared>>)
        tpu.yield
      }) : () -> ()
      %add3A_105 = arith.constant 2 : i32
      %add3A_106 = arith.addi %mul3A_98, %add3A_105 : i32
      %dma_start3A_107 = arith.constant 0 : i32
      %dma_start3A_108 = tpu.memref_slice %arg6[%add3A_106, %dma_start3A_107] : memref<40x128xi32, #tpu.memory_space<vmem>> -> memref<1x128xi32, #tpu.memory_space<vmem>>
      %dma_start3A_109 = tpu.memref_squeeze %dma_start3A_108 : memref<1x128xi32, #tpu.memory_space<vmem>> -> memref<128xi32, #tpu.memory_space<vmem>>
      %dma_start3A_110 = arith.constant 0 : i32
      %dma_start3A_111 = arith.constant 0 : i32
      %dma_start3A_112 = tpu.memref_slice %arg2[%dma_start3A_110, %dma_start3A_111] : memref<10000x128xf32, #tpu.memory_space<hbm>> -> memref<10000x128xf32, #tpu.memory_space<hbm>>
      tpu.enqueue_indirect_dma source(%dma_start3A_112 : memref<10000x128xf32, #tpu.memory_space<hbm>>) target(%arg8 : memref<128x128xf32, #tpu.memory_space<vmem>>) offsets(%dma_start3A_109 : memref<128xi32, #tpu.memory_space<vmem>>) semaphore(%arg12 : memref<!tpu.dma_semaphore, #tpu.memory_space<semaphore_mem>>)
      %add3A_113 = arith.constant 1 : i32
      %add3A_114 = arith.addi %mul3A_98, %add3A_113 : i32
      %dma_wait3A_115 = arith.constant 0 : i32
      %dma_wait3A_116 = tpu.memref_slice %arg6[%add3A_114, %dma_wait3A_115] : memref<40x128xi32, #tpu.memory_space<vmem>> -> memref<1x128xi32, #tpu.memory_space<vmem>>
      %dma_wait3A_117 = tpu.memref_squeeze %dma_wait3A_116 : memref<1x128xi32, #tpu.memory_space<vmem>> -> memref<128xi32, #tpu.memory_space<vmem>>
      %dma_wait3A_118 = arith.constant 0 : i32
      %dma_wait3A_119 = arith.constant 0 : i32
      %dma_wait3A_120 = tpu.memref_slice %arg2[%dma_wait3A_118, %dma_wait3A_119] : memref<10000x128xf32, #tpu.memory_space<hbm>> -> memref<10000x128xf32, #tpu.memory_space<hbm>>
      tpu.wait_indirect_dma semaphore(%arg13 : memref<!tpu.dma_semaphore, #tpu.memory_space<semaphore_mem>>) src(%dma_wait3A_120 : memref<10000x128xf32, #tpu.memory_space<hbm>>) dst(%arg9 : memref<128x128xf32, #tpu.memory_space<vmem>>)
      %add3A_121 = arith.constant 1 : i32
      %add3A_122 = arith.addi %mul3A_98, %add3A_121 : i32
      "tpu.region"() ({
        %run_scoped3A_131 = tpu.sem_alloc : memref<!tpu.dma_semaphore, #tpu.memory_space<semaphore_mem>>
        %dma_start3A_132 = arith.constant 0 : i32
        %dma_start3A_133 = tpu.memref_slice %arg7[%add3A_122, %dma_start3A_132] : memref<40x128xi32, #tpu.memory_space<vmem>> -> memref<1x128xi32, #tpu.memory_space<vmem>>
        %dma_start3A_134 = tpu.memref_squeeze %dma_start3A_133 : memref<1x128xi32, #tpu.memory_space<vmem>> -> memref<128xi32, #tpu.memory_space<vmem>>
        %dma_start3A_135 = arith.constant 0 : i32
        %dma_start3A_136 = arith.constant 0 : i32
        %dma_start3A_137 = tpu.memref_slice %arg11[%dma_start3A_135, %dma_start3A_136] : memref<10016x128xf32, #tpu.memory_space<vmem_shared>> -> memref<10016x128xf32, #tpu.memory_space<vmem_shared>>
        tpu.enqueue_indirect_dma source(%arg9 : memref<128x128xf32, #tpu.memory_space<vmem>>) target(%dma_start3A_137 : memref<10016x128xf32, #tpu.memory_space<vmem_shared>>) offsets(%dma_start3A_134 : memref<128xi32, #tpu.memory_space<vmem>>) semaphore(%run_scoped3A_131 : memref<!tpu.dma_semaphore, #tpu.memory_space<semaphore_mem>>) {add = true}
        %dma_wait3A_138 = arith.constant 0 : i32
        %dma_wait3A_139 = tpu.memref_slice %arg7[%add3A_122, %dma_wait3A_138] : memref<40x128xi32, #tpu.memory_space<vmem>> -> memref<1x128xi32, #tpu.memory_space<vmem>>
        %dma_wait3A_140 = tpu.memref_squeeze %dma_wait3A_139 : memref<1x128xi32, #tpu.memory_space<vmem>> -> memref<128xi32, #tpu.memory_space<vmem>>
        %dma_wait3A_141 = arith.constant 0 : i32
        %dma_wait3A_142 = arith.constant 0 : i32
        %dma_wait3A_143 = tpu.memref_slice %arg11[%dma_wait3A_141, %dma_wait3A_142] : memref<10016x128xf32, #tpu.memory_space<vmem_shared>> -> memref<10016x128xf32, #tpu.memory_space<vmem_shared>>
        tpu.wait_indirect_dma semaphore(%run_scoped3A_131 : memref<!tpu.dma_semaphore, #tpu.memory_space<semaphore_mem>>) src(%arg9 : memref<128x128xf32, #tpu.memory_space<vmem>>) dst(%dma_wait3A_143 : memref<10016x128xf32, #tpu.memory_space<vmem_shared>>)
        tpu.yield
      }) : () -> ()
      %add3A_123 = arith.constant 3 : i32
      %add3A_124 = arith.addi %mul3A_98, %add3A_123 : i32
      %dma_start3A_125 = arith.constant 0 : i32
      %dma_start3A_126 = tpu.memref_slice %arg6[%add3A_124, %dma_start3A_125] : memref<40x128xi32, #tpu.memory_space<vmem>> -> memref<1x128xi32, #tpu.memory_space<vmem>>
      %dma_start3A_127 = tpu.memref_squeeze %dma_start3A_126 : memref<1x128xi32, #tpu.memory_space<vmem>> -> memref<128xi32, #tpu.memory_space<vmem>>
      %dma_start3A_128 = arith.constant 0 : i32
      %dma_start3A_129 = arith.constant 0 : i32
      %dma_start3A_130 = tpu.memref_slice %arg2[%dma_start3A_128, %dma_start3A_129] : memref<10000x128xf32, #tpu.memory_space<hbm>> -> memref<10000x128xf32, #tpu.memory_space<hbm>>
      tpu.enqueue_indirect_dma source(%dma_start3A_130 : memref<10000x128xf32, #tpu.memory_space<hbm>>) target(%arg9 : memref<128x128xf32, #tpu.memory_space<vmem>>) offsets(%dma_start3A_127 : memref<128xi32, #tpu.memory_space<vmem>>) semaphore(%arg13 : memref<!tpu.dma_semaphore, #tpu.memory_space<semaphore_mem>>)
    }
    %scan3A_32 = arith.constant 19 : i32
    %dma_wait3A = arith.constant 38 : i32
    %dma_wait3A_33 = arith.constant 0 : i32
    %dma_wait3A_34 = tpu.memref_slice %arg6[%dma_wait3A, %dma_wait3A_33] : memref<40x128xi32, #tpu.memory_space<vmem>> -> memref<1x128xi32, #tpu.memory_space<vmem>>
    %dma_wait3A_35 = tpu.memref_squeeze %dma_wait3A_34 : memref<1x128xi32, #tpu.memory_space<vmem>> -> memref<128xi32, #tpu.memory_space<vmem>>
    %dma_wait3A_36 = arith.constant 0 : i32
    %dma_wait3A_37 = arith.constant 0 : i32
    %dma_wait3A_38 = tpu.memref_slice %arg2[%dma_wait3A_36, %dma_wait3A_37] : memref<10000x128xf32, #tpu.memory_space<hbm>> -> memref<10000x128xf32, #tpu.memory_space<hbm>>
    tpu.wait_indirect_dma semaphore(%arg12 : memref<!tpu.dma_semaphore, #tpu.memory_space<semaphore_mem>>) src(%dma_wait3A_38 : memref<10000x128xf32, #tpu.memory_space<hbm>>) dst(%arg8 : memref<128x128xf32, #tpu.memory_space<vmem>>)
    %run_scoped3A = arith.constant 38 : i32
    "tpu.region"() ({
      %run_scoped3A_92 = tpu.sem_alloc : memref<!tpu.dma_semaphore, #tpu.memory_space<semaphore_mem>>
      %dma_start3A_93 = arith.constant 0 : i32
      %dma_start3A_94 = tpu.memref_slice %arg7[%run_scoped3A, %dma_start3A_93] : memref<40x128xi32, #tpu.memory_space<vmem>> -> memref<1x128xi32, #tpu.memory_space<vmem>>
      %dma_start3A_95 = tpu.memref_squeeze %dma_start3A_94 : memref<1x128xi32, #tpu.memory_space<vmem>> -> memref<128xi32, #tpu.memory_space<vmem>>
      %dma_start3A_96 = arith.constant 0 : i32
      %dma_start3A_97 = arith.constant 0 : i32
      %dma_start3A_98 = tpu.memref_slice %arg11[%dma_start3A_96, %dma_start3A_97] : memref<10016x128xf32, #tpu.memory_space<vmem_shared>> -> memref<10016x128xf32, #tpu.memory_space<vmem_shared>>
      tpu.enqueue_indirect_dma source(%arg8 : memref<128x128xf32, #tpu.memory_space<vmem>>) target(%dma_start3A_98 : memref<10016x128xf32, #tpu.memory_space<vmem_shared>>) offsets(%dma_start3A_95 : memref<128xi32, #tpu.memory_space<vmem>>) semaphore(%run_scoped3A_92 : memref<!tpu.dma_semaphore, #tpu.memory_space<semaphore_mem>>) {add = true}
      %dma_wait3A_99 = arith.constant 0 : i32
      %dma_wait3A_100 = tpu.memref_slice %arg7[%run_scoped3A, %dma_wait3A_99] : memref<40x128xi32, #tpu.memory_space<vmem>> -> memref<1x128xi32, #tpu.memory_space<vmem>>
      %dma_wait3A_101 = tpu.memref_squeeze %dma_wait3A_100 : memref<1x128xi32, #tpu.memory_space<vmem>> -> memref<128xi32, #tpu.memory_space<vmem>>
      %dma_wait3A_102 = arith.constant 0 : i32
      %dma_wait3A_103 = arith.constant 0 : i32
      %dma_wait3A_104 = tpu.memref_slice %arg11[%dma_wait3A_102, %dma_wait3A_103] : memref<10016x128xf32, #tpu.memory_space<vmem_shared>> -> memref<10016x128xf32, #tpu.memory_space<vmem_shared>>
      tpu.wait_indirect_dma semaphore(%run_scoped3A_92 : memref<!tpu.dma_semaphore, #tpu.memory_space<semaphore_mem>>) src(%arg8 : memref<128x128xf32, #tpu.memory_space<vmem>>) dst(%dma_wait3A_104 : memref<10016x128xf32, #tpu.memory_space<vmem_shared>>)
      tpu.yield
    }) : () -> ()
    %dma_wait3A_39 = arith.constant 39 : i32
    %dma_wait3A_40 = arith.constant 0 : i32
    %dma_wait3A_41 = tpu.memref_slice %arg6[%dma_wait3A_39, %dma_wait3A_40] : memref<40x128xi32, #tpu.memory_space<vmem>> -> memref<1x128xi32, #tpu.memory_space<vmem>>
    %dma_wait3A_42 = tpu.memref_squeeze %dma_wait3A_41 : memref<1x128xi32, #tpu.memory_space<vmem>> -> memref<128xi32, #tpu.memory_space<vmem>>
    %dma_wait3A_43 = arith.constant 0 : i32
    %dma_wait3A_44 = arith.constant 0 : i32
    %dma_wait3A_45 = tpu.memref_slice %arg2[%dma_wait3A_43, %dma_wait3A_44] : memref<10000x128xf32, #tpu.memory_space<hbm>> -> memref<10000x128xf32, #tpu.memory_space<hbm>>
    tpu.wait_indirect_dma semaphore(%arg13 : memref<!tpu.dma_semaphore, #tpu.memory_space<semaphore_mem>>) src(%dma_wait3A_45 : memref<10000x128xf32, #tpu.memory_space<hbm>>) dst(%arg9 : memref<128x128xf32, #tpu.memory_space<vmem>>)
    %run_scoped3A_46 = arith.constant 39 : i32
    "tpu.region"() ({
      %run_scoped3A_92 = tpu.sem_alloc : memref<!tpu.dma_semaphore, #tpu.memory_space<semaphore_mem>>
      %dma_start3A_93 = arith.constant 0 : i32
      %dma_start3A_94 = tpu.memref_slice %arg7[%run_scoped3A_46, %dma_start3A_93] : memref<40x128xi32, #tpu.memory_space<vmem>> -> memref<1x128xi32, #tpu.memory_space<vmem>>
      %dma_start3A_95 = tpu.memref_squeeze %dma_start3A_94 : memref<1x128xi32, #tpu.memory_space<vmem>> -> memref<128xi32, #tpu.memory_space<vmem>>
      %dma_start3A_96 = arith.constant 0 : i32
      %dma_start3A_97 = arith.constant 0 : i32
      %dma_start3A_98 = tpu.memref_slice %arg11[%dma_start3A_96, %dma_start3A_97] : memref<10016x128xf32, #tpu.memory_space<vmem_shared>> -> memref<10016x128xf32, #tpu.memory_space<vmem_shared>>
      tpu.enqueue_indirect_dma source(%arg9 : memref<128x128xf32, #tpu.memory_space<vmem>>) target(%dma_start3A_98 : memref<10016x128xf32, #tpu.memory_space<vmem_shared>>) offsets(%dma_start3A_95 : memref<128xi32, #tpu.memory_space<vmem>>) semaphore(%run_scoped3A_92 : memref<!tpu.dma_semaphore, #tpu.memory_space<semaphore_mem>>) {add = true}
      %dma_wait3A_99 = arith.constant 0 : i32
      %dma_wait3A_100 = tpu.memref_slice %arg7[%run_scoped3A_46, %dma_wait3A_99] : memref<40x128xi32, #tpu.memory_space<vmem>> -> memref<1x128xi32, #tpu.memory_space<vmem>>
      %dma_wait3A_101 = tpu.memref_squeeze %dma_wait3A_100 : memref<1x128xi32, #tpu.memory_space<vmem>> -> memref<128xi32, #tpu.memory_space<vmem>>
      %dma_wait3A_102 = arith.constant 0 : i32
      %dma_wait3A_103 = arith.constant 0 : i32
      %dma_wait3A_104 = tpu.memref_slice %arg11[%dma_wait3A_102, %dma_wait3A_103] : memref<10016x128xf32, #tpu.memory_space<vmem_shared>> -> memref<10016x128xf32, #tpu.memory_space<vmem_shared>>
      tpu.wait_indirect_dma semaphore(%run_scoped3A_92 : memref<!tpu.dma_semaphore, #tpu.memory_space<semaphore_mem>>) src(%arg9 : memref<128x128xf32, #tpu.memory_space<vmem>>) dst(%dma_wait3A_104 : memref<10016x128xf32, #tpu.memory_space<vmem_shared>>)
      tpu.yield
    }) : () -> ()
    %mul3A_47 = arith.constant 80 : i32
    %mul3A_48 = arith.muli %add3A, %mul3A_47 : i32
    %add3A_49 = arith.constant 40 : i32
    %add3A_50 = arith.addi %mul3A_48, %add3A_49 : i32
    "tpu.region"() ({
      %run_scoped3A_92 = tpu.sem_alloc : memref<!tpu.dma_semaphore, #tpu.memory_space<semaphore_mem>>
      %dma_start3A_93 = arith.constant 0 : i32
      %dma_start3A_94 = tpu.memref_slice %arg3[%add3A_50, %dma_start3A_93] : memref<2560x128xi32, #tpu.memory_space<hbm>> -> memref<40x128xi32, #tpu.memory_space<hbm>>
      %dma_start3A_95 = arith.constant 0 : i32
      %dma_start3A_96 = tpu.memref_slice %arg3[%add3A_50, %dma_start3A_95] : memref<2560x128xi32, #tpu.memory_space<hbm>> -> memref<40x128xi32, #tpu.memory_space<hbm>>
      tpu.enqueue_dma source(%dma_start3A_96 : memref<40x128xi32, #tpu.memory_space<hbm>>) target(%arg6 : memref<40x128xi32, #tpu.memory_space<vmem>>) target_semaphore(%run_scoped3A_92 : memref<!tpu.dma_semaphore, #tpu.memory_space<semaphore_mem>>)
      %dma_wait3A_97 = arith.constant 0 : i32
      %dma_wait3A_98 = tpu.memref_slice %arg3[%add3A_50, %dma_wait3A_97] : memref<2560x128xi32, #tpu.memory_space<hbm>> -> memref<40x128xi32, #tpu.memory_space<hbm>>
      %dma_wait3A_99 = arith.constant 0 : i32
      %dma_wait3A_100 = tpu.memref_slice %arg3[%add3A_50, %dma_wait3A_99] : memref<2560x128xi32, #tpu.memory_space<hbm>> -> memref<40x128xi32, #tpu.memory_space<hbm>>
      tpu.wait_dma2 semaphore(%run_scoped3A_92 : memref<!tpu.dma_semaphore, #tpu.memory_space<semaphore_mem>>) src(%dma_wait3A_100 : memref<40x128xi32, #tpu.memory_space<hbm>>) dst(%arg6 : memref<40x128xi32, #tpu.memory_space<vmem>>)
      tpu.yield
    }) : () -> ()
    "tpu.region"() ({
      %run_scoped3A_92 = tpu.sem_alloc : memref<!tpu.dma_semaphore, #tpu.memory_space<semaphore_mem>>
      %dma_start3A_93 = arith.constant 0 : i32
      %dma_start3A_94 = tpu.memref_slice %arg4[%add3A_50, %dma_start3A_93] : memref<2560x128xi32, #tpu.memory_space<hbm>> -> memref<40x128xi32, #tpu.memory_space<hbm>>
      %dma_start3A_95 = arith.constant 0 : i32
      %dma_start3A_96 = tpu.memref_slice %arg4[%add3A_50, %dma_start3A_95] : memref<2560x128xi32, #tpu.memory_space<hbm>> -> memref<40x128xi32, #tpu.memory_space<hbm>>
      tpu.enqueue_dma source(%dma_start3A_96 : memref<40x128xi32, #tpu.memory_space<hbm>>) target(%arg7 : memref<40x128xi32, #tpu.memory_space<vmem>>) target_semaphore(%run_scoped3A_92 : memref<!tpu.dma_semaphore, #tpu.memory_space<semaphore_mem>>)
      %dma_wait3A_97 = arith.constant 0 : i32
      %dma_wait3A_98 = tpu.memref_slice %arg4[%add3A_50, %dma_wait3A_97] : memref<2560x128xi32, #tpu.memory_space<hbm>> -> memref<40x128xi32, #tpu.memory_space<hbm>>
      %dma_wait3A_99 = arith.constant 0 : i32
      %dma_wait3A_100 = tpu.memref_slice %arg4[%add3A_50, %dma_wait3A_99] : memref<2560x128xi32, #tpu.memory_space<hbm>> -> memref<40x128xi32, #tpu.memory_space<hbm>>
      tpu.wait_dma2 semaphore(%run_scoped3A_92 : memref<!tpu.dma_semaphore, #tpu.memory_space<semaphore_mem>>) src(%dma_wait3A_100 : memref<40x128xi32, #tpu.memory_space<hbm>>) dst(%arg7 : memref<40x128xi32, #tpu.memory_space<vmem>>)
      tpu.yield
    }) : () -> ()
    %dma_start3A_51 = arith.constant 0 : i32
    %dma_start3A_52 = arith.constant 0 : i32
    %dma_start3A_53 = tpu.memref_slice %arg6[%dma_start3A_51, %dma_start3A_52] : memref<40x128xi32, #tpu.memory_space<vmem>> -> memref<1x128xi32, #tpu.memory_space<vmem>>
    %dma_start3A_54 = tpu.memref_squeeze %dma_start3A_53 : memref<1x128xi32, #tpu.memory_space<vmem>> -> memref<128xi32, #tpu.memory_space<vmem>>
    %dma_start3A_55 = arith.constant 0 : i32
    %dma_start3A_56 = arith.constant 0 : i32
    %dma_start3A_57 = tpu.memref_slice %arg2[%dma_start3A_55, %dma_start3A_56] : memref<10000x128xf32, #tpu.memory_space<hbm>> -> memref<10000x128xf32, #tpu.memory_space<hbm>>
    tpu.enqueue_indirect_dma source(%dma_start3A_57 : memref<10000x128xf32, #tpu.memory_space<hbm>>) target(%arg8 : memref<128x128xf32, #tpu.memory_space<vmem>>) offsets(%dma_start3A_54 : memref<128xi32, #tpu.memory_space<vmem>>) semaphore(%arg12 : memref<!tpu.dma_semaphore, #tpu.memory_space<semaphore_mem>>)
    %dma_start3A_58 = arith.constant 1 : i32
    %dma_start3A_59 = arith.constant 0 : i32
    %dma_start3A_60 = tpu.memref_slice %arg6[%dma_start3A_58, %dma_start3A_59] : memref<40x128xi32, #tpu.memory_space<vmem>> -> memref<1x128xi32, #tpu.memory_space<vmem>>
    %dma_start3A_61 = tpu.memref_squeeze %dma_start3A_60 : memref<1x128xi32, #tpu.memory_space<vmem>> -> memref<128xi32, #tpu.memory_space<vmem>>
    %dma_start3A_62 = arith.constant 0 : i32
    %dma_start3A_63 = arith.constant 0 : i32
    %dma_start3A_64 = tpu.memref_slice %arg2[%dma_start3A_62, %dma_start3A_63] : memref<10000x128xf32, #tpu.memory_space<hbm>> -> memref<10000x128xf32, #tpu.memory_space<hbm>>
    tpu.enqueue_indirect_dma source(%dma_start3A_64 : memref<10000x128xf32, #tpu.memory_space<hbm>>) target(%arg9 : memref<128x128xf32, #tpu.memory_space<vmem>>) offsets(%dma_start3A_61 : memref<128xi32, #tpu.memory_space<vmem>>) semaphore(%arg13 : memref<!tpu.dma_semaphore, #tpu.memory_space<semaphore_mem>>)
    %scan3A_65 = arith.constant 0 : i32
    %scan3A_66 = arith.constant 19 : i32
    %scan3A_67 = arith.addi %scan3A_65, %scan3A_66 : i32
    %scan3A_68 = arith.constant 1 : i32
    scf.for %scan3A_92 = %scan3A_65 to %scan3A_67 step %scan3A_68  : i32 {
      %mul3A_93 = arith.constant 1 : i32
      %mul3A_94 = arith.muli %scan3A_92, %mul3A_93 : i32
      %add3A_95 = arith.constant 0 : i32
      %add3A_96 = arith.addi %add3A_95, %mul3A_94 : i32
      %mul3A_97 = arith.constant 2 : i32
      %mul3A_98 = arith.muli %mul3A_97, %add3A_96 : i32
      %dma_wait3A_99 = arith.constant 0 : i32
      %dma_wait3A_100 = tpu.memref_slice %arg6[%mul3A_98, %dma_wait3A_99] : memref<40x128xi32, #tpu.memory_space<vmem>> -> memref<1x128xi32, #tpu.memory_space<vmem>>
      %dma_wait3A_101 = tpu.memref_squeeze %dma_wait3A_100 : memref<1x128xi32, #tpu.memory_space<vmem>> -> memref<128xi32, #tpu.memory_space<vmem>>
      %dma_wait3A_102 = arith.constant 0 : i32
      %dma_wait3A_103 = arith.constant 0 : i32
      %dma_wait3A_104 = tpu.memref_slice %arg2[%dma_wait3A_102, %dma_wait3A_103] : memref<10000x128xf32, #tpu.memory_space<hbm>> -> memref<10000x128xf32, #tpu.memory_space<hbm>>
      tpu.wait_indirect_dma semaphore(%arg12 : memref<!tpu.dma_semaphore, #tpu.memory_space<semaphore_mem>>) src(%dma_wait3A_104 : memref<10000x128xf32, #tpu.memory_space<hbm>>) dst(%arg8 : memref<128x128xf32, #tpu.memory_space<vmem>>)
      "tpu.region"() ({
        %run_scoped3A_131 = tpu.sem_alloc : memref<!tpu.dma_semaphore, #tpu.memory_space<semaphore_mem>>
        %dma_start3A_132 = arith.constant 0 : i32
        %dma_start3A_133 = tpu.memref_slice %arg7[%mul3A_98, %dma_start3A_132] : memref<40x128xi32, #tpu.memory_space<vmem>> -> memref<1x128xi32, #tpu.memory_space<vmem>>
        %dma_start3A_134 = tpu.memref_squeeze %dma_start3A_133 : memref<1x128xi32, #tpu.memory_space<vmem>> -> memref<128xi32, #tpu.memory_space<vmem>>
        %dma_start3A_135 = arith.constant 0 : i32
        %dma_start3A_136 = arith.constant 0 : i32
        %dma_start3A_137 = tpu.memref_slice %arg11[%dma_start3A_135, %dma_start3A_136] : memref<10016x128xf32, #tpu.memory_space<vmem_shared>> -> memref<10016x128xf32, #tpu.memory_space<vmem_shared>>
        tpu.enqueue_indirect_dma source(%arg8 : memref<128x128xf32, #tpu.memory_space<vmem>>) target(%dma_start3A_137 : memref<10016x128xf32, #tpu.memory_space<vmem_shared>>) offsets(%dma_start3A_134 : memref<128xi32, #tpu.memory_space<vmem>>) semaphore(%run_scoped3A_131 : memref<!tpu.dma_semaphore, #tpu.memory_space<semaphore_mem>>) {add = true}
        %dma_wait3A_138 = arith.constant 0 : i32
        %dma_wait3A_139 = tpu.memref_slice %arg7[%mul3A_98, %dma_wait3A_138] : memref<40x128xi32, #tpu.memory_space<vmem>> -> memref<1x128xi32, #tpu.memory_space<vmem>>
        %dma_wait3A_140 = tpu.memref_squeeze %dma_wait3A_139 : memref<1x128xi32, #tpu.memory_space<vmem>> -> memref<128xi32, #tpu.memory_space<vmem>>
        %dma_wait3A_141 = arith.constant 0 : i32
        %dma_wait3A_142 = arith.constant 0 : i32
        %dma_wait3A_143 = tpu.memref_slice %arg11[%dma_wait3A_141, %dma_wait3A_142] : memref<10016x128xf32, #tpu.memory_space<vmem_shared>> -> memref<10016x128xf32, #tpu.memory_space<vmem_shared>>
        tpu.wait_indirect_dma semaphore(%run_scoped3A_131 : memref<!tpu.dma_semaphore, #tpu.memory_space<semaphore_mem>>) src(%arg8 : memref<128x128xf32, #tpu.memory_space<vmem>>) dst(%dma_wait3A_143 : memref<10016x128xf32, #tpu.memory_space<vmem_shared>>)
        tpu.yield
      }) : () -> ()
      %add3A_105 = arith.constant 2 : i32
      %add3A_106 = arith.addi %mul3A_98, %add3A_105 : i32
      %dma_start3A_107 = arith.constant 0 : i32
      %dma_start3A_108 = tpu.memref_slice %arg6[%add3A_106, %dma_start3A_107] : memref<40x128xi32, #tpu.memory_space<vmem>> -> memref<1x128xi32, #tpu.memory_space<vmem>>
      %dma_start3A_109 = tpu.memref_squeeze %dma_start3A_108 : memref<1x128xi32, #tpu.memory_space<vmem>> -> memref<128xi32, #tpu.memory_space<vmem>>
      %dma_start3A_110 = arith.constant 0 : i32
      %dma_start3A_111 = arith.constant 0 : i32
      %dma_start3A_112 = tpu.memref_slice %arg2[%dma_start3A_110, %dma_start3A_111] : memref<10000x128xf32, #tpu.memory_space<hbm>> -> memref<10000x128xf32, #tpu.memory_space<hbm>>
      tpu.enqueue_indirect_dma source(%dma_start3A_112 : memref<10000x128xf32, #tpu.memory_space<hbm>>) target(%arg8 : memref<128x128xf32, #tpu.memory_space<vmem>>) offsets(%dma_start3A_109 : memref<128xi32, #tpu.memory_space<vmem>>) semaphore(%arg12 : memref<!tpu.dma_semaphore, #tpu.memory_space<semaphore_mem>>)
      %add3A_113 = arith.constant 1 : i32
      %add3A_114 = arith.addi %mul3A_98, %add3A_113 : i32
      %dma_wait3A_115 = arith.constant 0 : i32
      %dma_wait3A_116 = tpu.memref_slice %arg6[%add3A_114, %dma_wait3A_115] : memref<40x128xi32, #tpu.memory_space<vmem>> -> memref<1x128xi32, #tpu.memory_space<vmem>>
      %dma_wait3A_117 = tpu.memref_squeeze %dma_wait3A_116 : memref<1x128xi32, #tpu.memory_space<vmem>> -> memref<128xi32, #tpu.memory_space<vmem>>
      %dma_wait3A_118 = arith.constant 0 : i32
      %dma_wait3A_119 = arith.constant 0 : i32
      %dma_wait3A_120 = tpu.memref_slice %arg2[%dma_wait3A_118, %dma_wait3A_119] : memref<10000x128xf32, #tpu.memory_space<hbm>> -> memref<10000x128xf32, #tpu.memory_space<hbm>>
      tpu.wait_indirect_dma semaphore(%arg13 : memref<!tpu.dma_semaphore, #tpu.memory_space<semaphore_mem>>) src(%dma_wait3A_120 : memref<10000x128xf32, #tpu.memory_space<hbm>>) dst(%arg9 : memref<128x128xf32, #tpu.memory_space<vmem>>)
      %add3A_121 = arith.constant 1 : i32
      %add3A_122 = arith.addi %mul3A_98, %add3A_121 : i32
      "tpu.region"() ({
        %run_scoped3A_131 = tpu.sem_alloc : memref<!tpu.dma_semaphore, #tpu.memory_space<semaphore_mem>>
        %dma_start3A_132 = arith.constant 0 : i32
        %dma_start3A_133 = tpu.memref_slice %arg7[%add3A_122, %dma_start3A_132] : memref<40x128xi32, #tpu.memory_space<vmem>> -> memref<1x128xi32, #tpu.memory_space<vmem>>
        %dma_start3A_134 = tpu.memref_squeeze %dma_start3A_133 : memref<1x128xi32, #tpu.memory_space<vmem>> -> memref<128xi32, #tpu.memory_space<vmem>>
        %dma_start3A_135 = arith.constant 0 : i32
        %dma_start3A_136 = arith.constant 0 : i32
        %dma_start3A_137 = tpu.memref_slice %arg11[%dma_start3A_135, %dma_start3A_136] : memref<10016x128xf32, #tpu.memory_space<vmem_shared>> -> memref<10016x128xf32, #tpu.memory_space<vmem_shared>>
        tpu.enqueue_indirect_dma source(%arg9 : memref<128x128xf32, #tpu.memory_space<vmem>>) target(%dma_start3A_137 : memref<10016x128xf32, #tpu.memory_space<vmem_shared>>) offsets(%dma_start3A_134 : memref<128xi32, #tpu.memory_space<vmem>>) semaphore(%run_scoped3A_131 : memref<!tpu.dma_semaphore, #tpu.memory_space<semaphore_mem>>) {add = true}
        %dma_wait3A_138 = arith.constant 0 : i32
        %dma_wait3A_139 = tpu.memref_slice %arg7[%add3A_122, %dma_wait3A_138] : memref<40x128xi32, #tpu.memory_space<vmem>> -> memref<1x128xi32, #tpu.memory_space<vmem>>
        %dma_wait3A_140 = tpu.memref_squeeze %dma_wait3A_139 : memref<1x128xi32, #tpu.memory_space<vmem>> -> memref<128xi32, #tpu.memory_space<vmem>>
        %dma_wait3A_141 = arith.constant 0 : i32
        %dma_wait3A_142 = arith.constant 0 : i32
        %dma_wait3A_143 = tpu.memref_slice %arg11[%dma_wait3A_141, %dma_wait3A_142] : memref<10016x128xf32, #tpu.memory_space<vmem_shared>> -> memref<10016x128xf32, #tpu.memory_space<vmem_shared>>
        tpu.wait_indirect_dma semaphore(%run_scoped3A_131 : memref<!tpu.dma_semaphore, #tpu.memory_space<semaphore_mem>>) src(%arg9 : memref<128x128xf32, #tpu.memory_space<vmem>>) dst(%dma_wait3A_143 : memref<10016x128xf32, #tpu.memory_space<vmem_shared>>)
        tpu.yield
      }) : () -> ()
      %add3A_123 = arith.constant 3 : i32
      %add3A_124 = arith.addi %mul3A_98, %add3A_123 : i32
      %dma_start3A_125 = arith.constant 0 : i32
      %dma_start3A_126 = tpu.memref_slice %arg6[%add3A_124, %dma_start3A_125] : memref<40x128xi32, #tpu.memory_space<vmem>> -> memref<1x128xi32, #tpu.memory_space<vmem>>
      %dma_start3A_127 = tpu.memref_squeeze %dma_start3A_126 : memref<1x128xi32, #tpu.memory_space<vmem>> -> memref<128xi32, #tpu.memory_space<vmem>>
      %dma_start3A_128 = arith.constant 0 : i32
      %dma_start3A_129 = arith.constant 0 : i32
      %dma_start3A_130 = tpu.memref_slice %arg2[%dma_start3A_128, %dma_start3A_129] : memref<10000x128xf32, #tpu.memory_space<hbm>> -> memref<10000x128xf32, #tpu.memory_space<hbm>>
      tpu.enqueue_indirect_dma source(%dma_start3A_130 : memref<10000x128xf32, #tpu.memory_space<hbm>>) target(%arg9 : memref<128x128xf32, #tpu.memory_space<vmem>>) offsets(%dma_start3A_127 : memref<128xi32, #tpu.memory_space<vmem>>) semaphore(%arg13 : memref<!tpu.dma_semaphore, #tpu.memory_space<semaphore_mem>>)
    }
    %scan3A_69 = arith.constant 19 : i32
    %dma_wait3A_70 = arith.constant 38 : i32
    %dma_wait3A_71 = arith.constant 0 : i32
    %dma_wait3A_72 = tpu.memref_slice %arg6[%dma_wait3A_70, %dma_wait3A_71] : memref<40x128xi32, #tpu.memory_space<vmem>> -> memref<1x128xi32, #tpu.memory_space<vmem>>
    %dma_wait3A_73 = tpu.memref_squeeze %dma_wait3A_72 : memref<1x128xi32, #tpu.memory_space<vmem>> -> memref<128xi32, #tpu.memory_space<vmem>>
    %dma_wait3A_74 = arith.constant 0 : i32
    %dma_wait3A_75 = arith.constant 0 : i32
    %dma_wait3A_76 = tpu.memref_slice %arg2[%dma_wait3A_74, %dma_wait3A_75] : memref<10000x128xf32, #tpu.memory_space<hbm>> -> memref<10000x128xf32, #tpu.memory_space<hbm>>
    tpu.wait_indirect_dma semaphore(%arg12 : memref<!tpu.dma_semaphore, #tpu.memory_space<semaphore_mem>>) src(%dma_wait3A_76 : memref<10000x128xf32, #tpu.memory_space<hbm>>) dst(%arg8 : memref<128x128xf32, #tpu.memory_space<vmem>>)
    %run_scoped3A_77 = arith.constant 38 : i32
    "tpu.region"() ({
      %run_scoped3A_92 = tpu.sem_alloc : memref<!tpu.dma_semaphore, #tpu.memory_space<semaphore_mem>>
      %dma_start3A_93 = arith.constant 0 : i32
      %dma_start3A_94 = tpu.memref_slice %arg7[%run_scoped3A_77, %dma_start3A_93] : memref<40x128xi32, #tpu.memory_space<vmem>> -> memref<1x128xi32, #tpu.memory_space<vmem>>
      %dma_start3A_95 = tpu.memref_squeeze %dma_start3A_94 : memref<1x128xi32, #tpu.memory_space<vmem>> -> memref<128xi32, #tpu.memory_space<vmem>>
      %dma_start3A_96 = arith.constant 0 : i32
      %dma_start3A_97 = arith.constant 0 : i32
      %dma_start3A_98 = tpu.memref_slice %arg11[%dma_start3A_96, %dma_start3A_97] : memref<10016x128xf32, #tpu.memory_space<vmem_shared>> -> memref<10016x128xf32, #tpu.memory_space<vmem_shared>>
      tpu.enqueue_indirect_dma source(%arg8 : memref<128x128xf32, #tpu.memory_space<vmem>>) target(%dma_start3A_98 : memref<10016x128xf32, #tpu.memory_space<vmem_shared>>) offsets(%dma_start3A_95 : memref<128xi32, #tpu.memory_space<vmem>>) semaphore(%run_scoped3A_92 : memref<!tpu.dma_semaphore, #tpu.memory_space<semaphore_mem>>) {add = true}
      %dma_wait3A_99 = arith.constant 0 : i32
      %dma_wait3A_100 = tpu.memref_slice %arg7[%run_scoped3A_77, %dma_wait3A_99] : memref<40x128xi32, #tpu.memory_space<vmem>> -> memref<1x128xi32, #tpu.memory_space<vmem>>
      %dma_wait3A_101 = tpu.memref_squeeze %dma_wait3A_100 : memref<1x128xi32, #tpu.memory_space<vmem>> -> memref<128xi32, #tpu.memory_space<vmem>>
      %dma_wait3A_102 = arith.constant 0 : i32
      %dma_wait3A_103 = arith.constant 0 : i32
      %dma_wait3A_104 = tpu.memref_slice %arg11[%dma_wait3A_102, %dma_wait3A_103] : memref<10016x128xf32, #tpu.memory_space<vmem_shared>> -> memref<10016x128xf32, #tpu.memory_space<vmem_shared>>
      tpu.wait_indirect_dma semaphore(%run_scoped3A_92 : memref<!tpu.dma_semaphore, #tpu.memory_space<semaphore_mem>>) src(%arg8 : memref<128x128xf32, #tpu.memory_space<vmem>>) dst(%dma_wait3A_104 : memref<10016x128xf32, #tpu.memory_space<vmem_shared>>)
      tpu.yield
    }) : () -> ()
    %dma_wait3A_78 = arith.constant 39 : i32
    %dma_wait3A_79 = arith.constant 0 : i32
    %dma_wait3A_80 = tpu.memref_slice %arg6[%dma_wait3A_78, %dma_wait3A_79] : memref<40x128xi32, #tpu.memory_space<vmem>> -> memref<1x128xi32, #tpu.memory_space<vmem>>
    %dma_wait3A_81 = tpu.memref_squeeze %dma_wait3A_80 : memref<1x128xi32, #tpu.memory_space<vmem>> -> memref<128xi32, #tpu.memory_space<vmem>>
    %dma_wait3A_82 = arith.constant 0 : i32
    %dma_wait3A_83 = arith.constant 0 : i32
    %dma_wait3A_84 = tpu.memref_slice %arg2[%dma_wait3A_82, %dma_wait3A_83] : memref<10000x128xf32, #tpu.memory_space<hbm>> -> memref<10000x128xf32, #tpu.memory_space<hbm>>
    tpu.wait_indirect_dma semaphore(%arg13 : memref<!tpu.dma_semaphore, #tpu.memory_space<semaphore_mem>>) src(%dma_wait3A_84 : memref<10000x128xf32, #tpu.memory_space<hbm>>) dst(%arg9 : memref<128x128xf32, #tpu.memory_space<vmem>>)
    %run_scoped3A_85 = arith.constant 39 : i32
    "tpu.region"() ({
      %run_scoped3A_92 = tpu.sem_alloc : memref<!tpu.dma_semaphore, #tpu.memory_space<semaphore_mem>>
      %dma_start3A_93 = arith.constant 0 : i32
      %dma_start3A_94 = tpu.memref_slice %arg7[%run_scoped3A_85, %dma_start3A_93] : memref<40x128xi32, #tpu.memory_space<vmem>> -> memref<1x128xi32, #tpu.memory_space<vmem>>
      %dma_start3A_95 = tpu.memref_squeeze %dma_start3A_94 : memref<1x128xi32, #tpu.memory_space<vmem>> -> memref<128xi32, #tpu.memory_space<vmem>>
      %dma_start3A_96 = arith.constant 0 : i32
      %dma_start3A_97 = arith.constant 0 : i32
      %dma_start3A_98 = tpu.memref_slice %arg11[%dma_start3A_96, %dma_start3A_97] : memref<10016x128xf32, #tpu.memory_space<vmem_shared>> -> memref<10016x128xf32, #tpu.memory_space<vmem_shared>>
      tpu.enqueue_indirect_dma source(%arg9 : memref<128x128xf32, #tpu.memory_space<vmem>>) target(%dma_start3A_98 : memref<10016x128xf32, #tpu.memory_space<vmem_shared>>) offsets(%dma_start3A_95 : memref<128xi32, #tpu.memory_space<vmem>>) semaphore(%run_scoped3A_92 : memref<!tpu.dma_semaphore, #tpu.memory_space<semaphore_mem>>) {add = true}
      %dma_wait3A_99 = arith.constant 0 : i32
      %dma_wait3A_100 = tpu.memref_slice %arg7[%run_scoped3A_85, %dma_wait3A_99] : memref<40x128xi32, #tpu.memory_space<vmem>> -> memref<1x128xi32, #tpu.memory_space<vmem>>
      %dma_wait3A_101 = tpu.memref_squeeze %dma_wait3A_100 : memref<1x128xi32, #tpu.memory_space<vmem>> -> memref<128xi32, #tpu.memory_space<vmem>>
      %dma_wait3A_102 = arith.constant 0 : i32
      %dma_wait3A_103 = arith.constant 0 : i32
      %dma_wait3A_104 = tpu.memref_slice %arg11[%dma_wait3A_102, %dma_wait3A_103] : memref<10016x128xf32, #tpu.memory_space<vmem_shared>> -> memref<10016x128xf32, #tpu.memory_space<vmem_shared>>
      tpu.wait_indirect_dma semaphore(%run_scoped3A_92 : memref<!tpu.dma_semaphore, #tpu.memory_space<semaphore_mem>>) src(%arg9 : memref<128x128xf32, #tpu.memory_space<vmem>>) dst(%dma_wait3A_104 : memref<10016x128xf32, #tpu.memory_space<vmem_shared>>)
      tpu.yield
    }) : () -> ()
    %barrier3A_86 = arith.constant 0 : index
    tpu.barrier barrier_id(%barrier3A_86)
    %scan3A_87 = arith.constant 0 : i32
    %scan3A_88 = arith.constant 4 : i32
    %scan3A_89 = arith.addi %scan3A_87, %scan3A_88 : i32
    %scan3A_90 = arith.constant 1 : i32
    scf.for %scan3A_92 = %scan3A_87 to %scan3A_89 step %scan3A_90  : i32 {
      %mul3A_93 = arith.constant 1 : i32
      %mul3A_94 = arith.muli %scan3A_92, %mul3A_93 : i32
      %add3A_95 = arith.constant 0 : i32
      %add3A_96 = arith.addi %add3A_95, %mul3A_94 : i32
      %mul3A_97 = arith.constant 16 : i32
      %mul3A_98 = arith.muli %mul3A_97, %add3A_96 : i32
      %add3A_99 = arith.addi %arg1, %mul3A_98 : i32
      %lt3A = arith.constant 50 : i32
      %lt3A_100 = arith.cmpi slt, %add3A_99, %lt3A : i32
      %convert_element_type3A = arith.extui %lt3A_100 : i1 to i32
      %cond3A = arith.constant 0 : i32
      %cond3A_101 = arith.cmpi ne, %convert_element_type3A, %cond3A : i32
      scf.if %cond3A_101 {
        %mul3A_102 = arith.constant 200 : i32
        %mul3A_103 = arith.muli %add3A_99, %mul3A_102 : i32
        "tpu.region"() ({
          %run_scoped3A_104 = tpu.sem_alloc : memref<!tpu.dma_semaphore, #tpu.memory_space<semaphore_mem>>
          %dma_start3A_105 = arith.constant 0 : i32
          %dma_start3A_106 = tpu.memref_slice %arg5[%arg0, %mul3A_103, %dma_start3A_105] : memref<2x10000x128xf32, #tpu.memory_space<hbm>> -> memref<1x200x128xf32, #tpu.memory_space<hbm>>
          %dma_start3A_107 = tpu.memref_squeeze %dma_start3A_106 : memref<1x200x128xf32, #tpu.memory_space<hbm>> -> memref<200x128xf32, #tpu.memory_space<hbm>>
          %dma_start3A_108 = arith.constant 0 : i32
          %dma_start3A_109 = tpu.memref_slice %arg11[%mul3A_103, %dma_start3A_108] : memref<10016x128xf32, #tpu.memory_space<vmem_shared>> -> memref<200x128xf32, #tpu.memory_space<vmem_shared>>
          tpu.enqueue_dma source(%dma_start3A_109 : memref<200x128xf32, #tpu.memory_space<vmem_shared>>) target(%dma_start3A_107 : memref<200x128xf32, #tpu.memory_space<hbm>>) target_semaphore(%run_scoped3A_104 : memref<!tpu.dma_semaphore, #tpu.memory_space<semaphore_mem>>)
          %dma_wait3A_110 = arith.constant 0 : i32
          %dma_wait3A_111 = tpu.memref_slice %arg5[%arg0, %mul3A_103, %dma_wait3A_110] : memref<2x10000x128xf32, #tpu.memory_space<hbm>> -> memref<1x200x128xf32, #tpu.memory_space<hbm>>
          %dma_wait3A_112 = tpu.memref_squeeze %dma_wait3A_111 : memref<1x200x128xf32, #tpu.memory_space<hbm>> -> memref<200x128xf32, #tpu.memory_space<hbm>>
          %dma_wait3A_113 = arith.constant 0 : i32
          %dma_wait3A_114 = tpu.memref_slice %arg11[%mul3A_103, %dma_wait3A_113] : memref<10016x128xf32, #tpu.memory_space<vmem_shared>> -> memref<200x128xf32, #tpu.memory_space<vmem_shared>>
          tpu.wait_dma2 semaphore(%run_scoped3A_104 : memref<!tpu.dma_semaphore, #tpu.memory_space<semaphore_mem>>) src(%dma_wait3A_114 : memref<200x128xf32, #tpu.memory_space<vmem_shared>>) dst(%dma_wait3A_112 : memref<200x128xf32, #tpu.memory_space<hbm>>)
          tpu.yield
        }) : () -> ()
      } else {
      }
    }
    %scan3A_91 = arith.constant 4 : i32
    return
  }
}

module attributes {stable_mosaic.version = 14 : i64} {
  func.func @_k2_body(%arg0: i32, %arg1: memref<2x1000x128xf32, #tpu.memory_space<vmem>>, %arg2: memref<1000x128xf32, #tpu.memory_space<vmem>>, %arg3: memref<1000x16xf32, #tpu.memory_space<vmem>>, %arg4: memref<1000x128xf32, #tpu.memory_space<vmem>>) attributes {dimension_semantics = [#tpu.dimension_semantics<arbitrary>], iteration_bounds = array<i64: 10>, scalar_prefetch = 0 : i64, scratch_operands = 0 : i64, tpu.core_type = #tpu.core_type<tc>, window_params = [{transform_indices = @transform_0, window_bounds = array<i64: 2, 1000, 128>}, {transform_indices = @transform_1, window_bounds = array<i64: 1000, 128>}, {transform_indices = @transform_2, window_bounds = array<i64: 1000, 16>}, {transform_indices = @transform_3, window_bounds = array<i64: 1000, 128>}]} {
    %get3A = arith.constant 0 : index
    %get3A_0 = arith.constant 0 : index
    %get3A_1 = arith.constant 0 : index
    %get3A_2 = vector.load %arg1[%get3A, %get3A_0, %get3A_1] : memref<2x1000x128xf32, #tpu.memory_space<vmem>>, vector<1x1000x128xf32>
    %get3A_3 = vector.shape_cast %get3A_2 : vector<1x1000x128xf32> to vector<1000x128xf32>
    %get3A_4 = arith.constant 1 : index
    %get3A_5 = arith.constant 0 : index
    %get3A_6 = arith.constant 0 : index
    %get3A_7 = vector.load %arg1[%get3A_4, %get3A_5, %get3A_6] : memref<2x1000x128xf32, #tpu.memory_space<vmem>>, vector<1x1000x128xf32>
    %get3A_8 = vector.shape_cast %get3A_7 : vector<1x1000x128xf32> to vector<1000x128xf32>
    %add3A = arith.addf %get3A_3, %get3A_8 : vector<1000x128xf32>
    %get3A_9 = arith.constant 0 : index
    %get3A_10 = arith.constant 0 : index
    %get3A_11 = vector.load %arg3[%get3A_9, %get3A_10] : memref<1000x16xf32, #tpu.memory_space<vmem>>, vector<1000x1xf32>
    %mul3A = vector.broadcast %get3A_11 : vector<1000x1xf32> to vector<1000x128xf32>
    %mul3A_12 = arith.mulf %add3A, %mul3A : vector<1000x128xf32>
    %get3A_13 = arith.constant 0 : index
    %get3A_14 = arith.constant 0 : index
    %get3A_15 = vector.load %arg2[%get3A_13, %get3A_14] : memref<1000x128xf32, #tpu.memory_space<vmem>>, vector<1000x128xf32>
    %add3A_16 = arith.addf %mul3A_12, %get3A_15 : vector<1000x128xf32>
    %mul3A_17 = arith.constant 5.000000e-01 : f32
    %mul3A_18 = vector.broadcast %mul3A_17 : f32 to vector<1000x128xf32>
    %mul3A_19 = arith.mulf %mul3A_18, %add3A_16 : vector<1000x128xf32>
    %mul3A_20 = arith.constant 0.707106769 : f32
    %mul3A_21 = vector.broadcast %mul3A_20 : f32 to vector<1000x128xf32>
    %mul3A_22 = arith.mulf %add3A_16, %mul3A_21 : vector<1000x128xf32>
    %erf3A = math.erf %mul3A_22 : vector<1000x128xf32>
    %add3A_23 = arith.constant 1.000000e+00 : f32
    %add3A_24 = vector.broadcast %add3A_23 : f32 to vector<1000x128xf32>
    %add3A_25 = arith.addf %add3A_24, %erf3A : vector<1000x128xf32>
    %mul3A_26 = arith.mulf %mul3A_19, %add3A_25 : vector<1000x128xf32>
    %swap3A = arith.constant 0 : index
    %swap3A_27 = arith.constant 0 : index
    %swap3A_28 = vector.load %arg4[%swap3A, %swap3A_27] : memref<1000x128xf32, #tpu.memory_space<vmem>>, vector<1000x128xf32>
    tpu.vector_store %arg4[%swap3A, %swap3A_27], %mul3A_26 {strides = array<i32>} : memref<1000x128xf32, #tpu.memory_space<vmem>>, vector<1000x128xf32>,
    return
  }
  func.func @transform_0(%arg0: i32) -> (i32, i32, i32) {
    %c0_i32 = arith.constant 0 : i32
    %c0_i32_0 = arith.constant 0 : i32
    %c0_i32_1 = arith.constant 0 : i32
    return %c0_i32, %arg0, %c0_i32_0 : i32, i32, i32
  }
  func.func @transform_1(%arg0: i32) -> (i32, i32) {
    %c0_i32 = arith.constant 0 : i32
    %c0_i32_0 = arith.constant 0 : i32
    return %arg0, %c0_i32 : i32, i32
  }
  func.func @transform_2(%arg0: i32) -> (i32, i32) {
    %c0_i32 = arith.constant 0 : i32
    %c0_i32_0 = arith.constant 0 : i32
    return %arg0, %c0_i32 : i32, i32
  }
  func.func @transform_3(%arg0: i32) -> (i32, i32) {
    %c0_i32 = arith.constant 0 : i32
    %c0_i32_0 = arith.constant 0 : i32
    return %arg0, %c0_i32 : i32, i32
  }
}

module attributes {stable_mosaic.version = 14 : i64} {
  func.func @_k1_body(%arg0: i32, %arg1: memref<1000x128xf32, #tpu.memory_space<vmem>>, %arg2: memref<2x1000x128xf32, #tpu.memory_space<vmem>>, %arg3: memref<2x1000x128xf32, #tpu.memory_space<vmem>>, %arg4: memref<128x256xf32, #tpu.memory_space<vmem>>, %arg5: memref<128x256xf32, #tpu.memory_space<vmem>>, %arg6: memref<256xf32, #tpu.memory_space<vmem>>, %arg7: memref<256x128xf32, #tpu.memory_space<vmem>>, %arg8: memref<256x128xf32, #tpu.memory_space<vmem>>, %arg9: memref<128xf32, #tpu.memory_space<vmem>>, %arg10: memref<1000x128xf32, #tpu.memory_space<vmem>>, %arg11: memref<1000x128xf32, #tpu.memory_space<vmem>>, %arg12: memref<1000x16xf32, #tpu.memory_space<vmem>>) attributes {dimension_semantics = [#tpu.dimension_semantics<arbitrary>], iteration_bounds = array<i64: 10>, scalar_prefetch = 0 : i64, scratch_operands = 0 : i64, tpu.core_type = #tpu.core_type<tc>, window_params = [{transform_indices = @transform_0, window_bounds = array<i64: 1000, 128>}, {transform_indices = @transform_1, window_bounds = array<i64: 2, 1000, 128>}, {transform_indices = @transform_2, window_bounds = array<i64: 2, 1000, 128>}, {pipeline_mode = #tpu.pipeline_mode<synchronous>, transform_indices = @transform_3, window_bounds = array<i64: 128, 256>}, {pipeline_mode = #tpu.pipeline_mode<synchronous>, transform_indices = @transform_4, window_bounds = array<i64: 128, 256>}, {pipeline_mode = #tpu.pipeline_mode<synchronous>, transform_indices = @transform_5, window_bounds = array<i64: 256>}, {pipeline_mode = #tpu.pipeline_mode<synchronous>, transform_indices = @transform_6, window_bounds = array<i64: 256, 128>}, {pipeline_mode = #tpu.pipeline_mode<synchronous>, transform_indices = @transform_7, window_bounds = array<i64: 256, 128>}, {pipeline_mode = #tpu.pipeline_mode<synchronous>, transform_indices = @transform_8, window_bounds = array<i64: 128>}, {transform_indices = @transform_9, window_bounds = array<i64: 1000, 128>}, {transform_indices = @transform_10, window_bounds = array<i64: 1000, 128>}, {transform_indices = @transform_11, window_bounds = array<i64: 1000, 16>}]} {
    %get3A = arith.constant 0 : index
    %get3A_0 = arith.constant 0 : index
    %get3A_1 = arith.constant 0 : index
    %get3A_2 = vector.load %arg3[%get3A, %get3A_0, %get3A_1] : memref<2x1000x128xf32, #tpu.memory_space<vmem>>, vector<1x1000x128xf32>
    %get3A_3 = vector.shape_cast %get3A_2 : vector<1x1000x128xf32> to vector<1000x128xf32>
    %slice3A = vector.extract_strided_slice %get3A_3 {offsets = [0, 0], sizes = [1000, 1], strides = [1, 1]} : vector<1000x128xf32> to vector<1000x1xf32>
    %get3A_4 = arith.constant 1 : index
    %get3A_5 = arith.constant 0 : index
    %get3A_6 = arith.constant 0 : index
    %get3A_7 = vector.load %arg3[%get3A_4, %get3A_5, %get3A_6] : memref<2x1000x128xf32, #tpu.memory_space<vmem>>, vector<1x1000x128xf32>
    %get3A_8 = vector.shape_cast %get3A_7 : vector<1x1000x128xf32> to vector<1000x128xf32>
    %slice3A_9 = vector.extract_strided_slice %get3A_8 {offsets = [0, 0], sizes = [1000, 1], strides = [1, 1]} : vector<1000x128xf32> to vector<1000x1xf32>
    %add3A = arith.addf %slice3A, %slice3A_9 : vector<1000x1xf32>
    %max3A = arith.constant 1.000000e+00 : f32
    %max3A_10 = vector.broadcast %max3A : f32 to vector<1000x1xf32>
    %max3A_11 = arith.maximumf %add3A, %max3A_10 : vector<1000x1xf32>
    %div3A = arith.constant 1.000000e+00 : f32
    %div3A_12 = vector.broadcast %div3A : f32 to vector<1000x1xf32>
    %div3A_13 = arith.divf %div3A_12, %max3A_11 : vector<1000x1xf32>
    %get3A_14 = arith.constant 0 : index
    %get3A_15 = arith.constant 0 : index
    %get3A_16 = arith.constant 0 : index
    %get3A_17 = vector.load %arg2[%get3A_14, %get3A_15, %get3A_16] : memref<2x1000x128xf32, #tpu.memory_space<vmem>>, vector<1x1000x128xf32>
    %get3A_18 = vector.shape_cast %get3A_17 : vector<1x1000x128xf32> to vector<1000x128xf32>
    %get3A_19 = arith.constant 1 : index
    %get3A_20 = arith.constant 0 : index
    %get3A_21 = arith.constant 0 : index
    %get3A_22 = vector.load %arg2[%get3A_19, %get3A_20, %get3A_21] : memref<2x1000x128xf32, #tpu.memory_space<vmem>>, vector<1x1000x128xf32>
    %get3A_23 = vector.shape_cast %get3A_22 : vector<1x1000x128xf32> to vector<1000x128xf32>
    %add3A_24 = arith.addf %get3A_18, %get3A_23 : vector<1000x128xf32>
    %mul3A = vector.broadcast %div3A_13 : vector<1000x1xf32> to vector<1000x128xf32>
    %mul3A_25 = arith.mulf %add3A_24, %mul3A : vector<1000x128xf32>
    %get3A_26 = arith.constant 0 : index
    %get3A_27 = arith.constant 0 : index
    %get3A_28 = vector.load %arg4[%get3A_26, %get3A_27] : memref<128x256xf32, #tpu.memory_space<vmem>>, vector<128x256xf32>
    %dot_general3A = arith.constant dense<0.000000e+00> : vector<1000x256xf32>
    %dot_general3A_29 = tpu.matmul %mul3A_25, %get3A_28, %dot_general3A {dimension_numbers = #tpu.dot_dimension_numbers<[1], [0], [0], [1], [0, 0, 1, 1], [], []>, precision = #tpu.contract_precision<fp32>, transpose_lhs_hint = false} : vector<1000x128xf32>, vector<128x256xf32>, vector<1000x256xf32> -> vector<1000x256xf32>
    %get3A_30 = arith.constant 0 : index
    %get3A_31 = arith.constant 0 : index
    %get3A_32 = vector.load %arg1[%get3A_30, %get3A_31] : memref<1000x128xf32, #tpu.memory_space<vmem>>, vector<1000x128xf32>
    %get3A_33 = arith.constant 0 : index
    %get3A_34 = arith.constant 0 : index
    %get3A_35 = vector.load %arg5[%get3A_33, %get3A_34] : memref<128x256xf32, #tpu.memory_space<vmem>>, vector<128x256xf32>
    %dot_general3A_36 = arith.constant dense<0.000000e+00> : vector<1000x256xf32>
    %dot_general3A_37 = tpu.matmul %get3A_32, %get3A_35, %dot_general3A_36 {dimension_numbers = #tpu.dot_dimension_numbers<[1], [0], [0], [1], [0, 0, 1, 1], [], []>, precision = #tpu.contract_precision<fp32>, transpose_lhs_hint = false} : vector<1000x128xf32>, vector<128x256xf32>, vector<1000x256xf32> -> vector<1000x256xf32>
    %add3A_38 = arith.addf %dot_general3A_29, %dot_general3A_37 : vector<1000x256xf32>
    %get3A_39 = arith.constant 0 : index
    %get3A_40 = vector.load %arg6[%get3A_39] : memref<256xf32, #tpu.memory_space<vmem>>, vector<256xf32>
    %broadcast_in_dim3A = vector.shape_cast %get3A_40 : vector<256xf32> to vector<1x256xf32>
    %add3A_41 = vector.broadcast %broadcast_in_dim3A : vector<1x256xf32> to vector<1000x256xf32>
    %add3A_42 = arith.addf %add3A_38, %add3A_41 : vector<1000x256xf32>
    %mul3A_43 = arith.constant 5.000000e-01 : f32
    %mul3A_44 = vector.broadcast %mul3A_43 : f32 to vector<1000x256xf32>
    %mul3A_45 = arith.mulf %mul3A_44, %add3A_42 : vector<1000x256xf32>
    %mul3A_46 = arith.constant 0.707106769 : f32
    %mul3A_47 = vector.broadcast %mul3A_46 : f32 to vector<1000x256xf32>
    %mul3A_48 = arith.mulf %add3A_42, %mul3A_47 : vector<1000x256xf32>
    %erf3A = math.erf %mul3A_48 : vector<1000x256xf32>
    %add3A_49 = arith.constant 1.000000e+00 : f32
    %add3A_50 = vector.broadcast %add3A_49 : f32 to vector<1000x256xf32>
    %add3A_51 = arith.addf %add3A_50, %erf3A : vector<1000x256xf32>
    %mul3A_52 = arith.mulf %mul3A_45, %add3A_51 : vector<1000x256xf32>
    %get3A_53 = arith.constant 0 : index
    %get3A_54 = arith.constant 0 : index
    %get3A_55 = vector.load %arg7[%get3A_53, %get3A_54] : memref<256x128xf32, #tpu.memory_space<vmem>>, vector<256x128xf32>
    %dot_general3A_56 = arith.constant dense<0.000000e+00> : vector<1000x128xf32>
    %dot_general3A_57 = tpu.matmul %mul3A_52, %get3A_55, %dot_general3A_56 {dimension_numbers = #tpu.dot_dimension_numbers<[1], [0], [0], [1], [0, 0, 1, 1], [], []>, precision = #tpu.contract_precision<fp32>, transpose_lhs_hint = false} : vector<1000x256xf32>, vector<256x128xf32>, vector<1000x128xf32> -> vector<1000x128xf32>
    %swap3A = arith.constant 0 : index
    %swap3A_58 = arith.constant 0 : index
    %swap3A_59 = vector.load %arg10[%swap3A, %swap3A_58] : memref<1000x128xf32, #tpu.memory_space<vmem>>, vector<1000x128xf32>
    tpu.vector_store %arg10[%swap3A, %swap3A_58], %dot_general3A_57 {strides = array<i32>} : memref<1000x128xf32, #tpu.memory_space<vmem>>, vector<1000x128xf32>,
    %get3A_60 = arith.constant 0 : index
    %get3A_61 = arith.constant 0 : index
    %get3A_62 = vector.load %arg8[%get3A_60, %get3A_61] : memref<256x128xf32, #tpu.memory_space<vmem>>, vector<256x128xf32>
    %dot_general3A_63 = arith.constant dense<0.000000e+00> : vector<1000x128xf32>
    %dot_general3A_64 = tpu.matmul %mul3A_52, %get3A_62, %dot_general3A_63 {dimension_numbers = #tpu.dot_dimension_numbers<[1], [0], [0], [1], [0, 0, 1, 1], [], []>, precision = #tpu.contract_precision<fp32>, transpose_lhs_hint = false} : vector<1000x256xf32>, vector<256x128xf32>, vector<1000x128xf32> -> vector<1000x128xf32>
    %get3A_65 = arith.constant 0 : index
    %get3A_66 = vector.load %arg9[%get3A_65] : memref<128xf32, #tpu.memory_space<vmem>>, vector<128xf32>
    %broadcast_in_dim3A_67 = vector.shape_cast %get3A_66 : vector<128xf32> to vector<1x128xf32>
    %add3A_68 = vector.broadcast %broadcast_in_dim3A_67 : vector<1x128xf32> to vector<1000x128xf32>
    %add3A_69 = arith.addf %dot_general3A_64, %add3A_68 : vector<1000x128xf32>
    %swap3A_70 = arith.constant 0 : index
    %swap3A_71 = arith.constant 0 : index
    %swap3A_72 = vector.load %arg11[%swap3A_70, %swap3A_71] : memref<1000x128xf32, #tpu.memory_space<vmem>>, vector<1000x128xf32>
    tpu.vector_store %arg11[%swap3A_70, %swap3A_71], %add3A_69 {strides = array<i32>} : memref<1000x128xf32, #tpu.memory_space<vmem>>, vector<1000x128xf32>,
    %broadcast_in_dim3A_73 = vector.shape_cast %div3A_13 : vector<1000x1xf32> to vector<1000x1xf32>
    %broadcast_in_dim3A_74 = vector.broadcast %broadcast_in_dim3A_73 : vector<1000x1xf32> to vector<1000x16xf32>
    %swap3A_75 = arith.constant 0 : index
    %swap3A_76 = arith.constant 0 : index
    %swap3A_77 = vector.load %arg12[%swap3A_75, %swap3A_76] : memref<1000x16xf32, #tpu.memory_space<vmem>>, vector<1000x16xf32>
    tpu.vector_store %arg12[%swap3A_75, %swap3A_76], %broadcast_in_dim3A_74 {strides = array<i32>} : memref<1000x16xf32, #tpu.memory_space<vmem>>, vector<1000x16xf32>,
    return
  }
  func.func @transform_0(%arg0: i32) -> (i32, i32) {
    %c0_i32 = arith.constant 0 : i32
    %c0_i32_0 = arith.constant 0 : i32
    return %arg0, %c0_i32 : i32, i32
  }
  func.func @transform_1(%arg0: i32) -> (i32, i32, i32) {
    %c0_i32 = arith.constant 0 : i32
    %c0_i32_0 = arith.constant 0 : i32
    %c0_i32_1 = arith.constant 0 : i32
    return %c0_i32, %arg0, %c0_i32_0 : i32, i32, i32
  }
  func.func @transform_2(%arg0: i32) -> (i32, i32, i32) {
    %c0_i32 = arith.constant 0 : i32
    %c0_i32_0 = arith.constant 0 : i32
    %c0_i32_1 = arith.constant 0 : i32
    return %c0_i32, %arg0, %c0_i32_0 : i32, i32, i32
  }
  func.func @transform_3(%arg0: i32) -> (i32, i32) {
    %c0_i32 = arith.constant 0 : i32
    %c0_i32_0 = arith.constant 0 : i32
    %c0_i32_1 = arith.constant 0 : i32
    return %c0_i32, %c0_i32_0 : i32, i32
  }
  func.func @transform_4(%arg0: i32) -> (i32, i32) {
    %c0_i32 = arith.constant 0 : i32
    %c0_i32_0 = arith.constant 0 : i32
    %c0_i32_1 = arith.constant 0 : i32
    return %c0_i32, %c0_i32_0 : i32, i32
  }
  func.func @transform_5(%arg0: i32) -> i32 {
    %c0_i32 = arith.constant 0 : i32
    %c0_i32_0 = arith.constant 0 : i32
    return %c0_i32 : i32
  }
  func.func @transform_6(%arg0: i32) -> (i32, i32) {
    %c0_i32 = arith.constant 0 : i32
    %c0_i32_0 = arith.constant 0 : i32
    %c0_i32_1 = arith.constant 0 : i32
    return %c0_i32, %c0_i32_0 : i32, i32
  }
  func.func @transform_7(%arg0: i32) -> (i32, i32) {
    %c0_i32 = arith.constant 0 : i32
    %c0_i32_0 = arith.constant 0 : i32
    %c0_i32_1 = arith.constant 0 : i32
    return %c0_i32, %c0_i32_0 : i32, i32
  }
  func.func @transform_8(%arg0: i32) -> i32 {
    %c0_i32 = arith.constant 0 : i32
    %c0_i32_0 = arith.constant 0 : i32
    return %c0_i32 : i32
  }
  func.func @transform_9(%arg0: i32) -> (i32, i32) {
    %c0_i32 = arith.constant 0 : i32
    %c0_i32_0 = arith.constant 0 : i32
    return %arg0, %c0_i32 : i32, i32
  }
  func.func @transform_10(%arg0: i32) -> (i32, i32) {
    %c0_i32 = arith.constant 0 : i32
    %c0_i32_0 = arith.constant 0 : i32
    return %arg0, %c0_i32 : i32, i32
  }
  func.func @transform_11(%arg0: i32) -> (i32, i32) {
    %c0_i32 = arith.constant 0 : i32
    %c0_i32_0 = arith.constant 0 : i32
    return %arg0, %c0_i32 : i32, i32
  }
}

module attributes {stable_mosaic.version = 14 : i64} {
  func.func @_k3_body(%arg0: i32, %arg1: memref<2x1000x128xf32, #tpu.memory_space<vmem>>, %arg2: memref<1000x128xf32, #tpu.memory_space<vmem>>, %arg3: memref<1000x16xf32, #tpu.memory_space<vmem>>, %arg4: memref<1000x1xf32, #tpu.memory_space<vmem>>, %arg5: memref<128x64xf32, #tpu.memory_space<vmem>>, %arg6: memref<128x64xf32, #tpu.memory_space<vmem>>, %arg7: memref<64xf32, #tpu.memory_space<vmem>>, %arg8: memref<64x64xf32, #tpu.memory_space<vmem>>, %arg9: memref<1x64xf32, #tpu.memory_space<vmem>>, %arg10: memref<1x64xf32, #tpu.memory_space<vmem>>) attributes {dimension_semantics = [#tpu.dimension_semantics<arbitrary>], iteration_bounds = array<i64: 10>, scalar_prefetch = 0 : i64, scratch_operands = 1 : i64, tpu.core_type = #tpu.core_type<tc>, window_params = [{transform_indices = @transform_0, window_bounds = array<i64: 2, 1000, 128>}, {transform_indices = @transform_1, window_bounds = array<i64: 1000, 128>}, {transform_indices = @transform_2, window_bounds = array<i64: 1000, 16>}, {transform_indices = @transform_3, window_bounds = array<i64: 1000, 1>}, {pipeline_mode = #tpu.pipeline_mode<synchronous>, transform_indices = @transform_4, window_bounds = array<i64: 128, 64>}, {pipeline_mode = #tpu.pipeline_mode<synchronous>, transform_indices = @transform_5, window_bounds = array<i64: 128, 64>}, {pipeline_mode = #tpu.pipeline_mode<synchronous>, transform_indices = @transform_6, window_bounds = array<i64: 64>}, {pipeline_mode = #tpu.pipeline_mode<synchronous>, transform_indices = @transform_7, window_bounds = array<i64: 64, 64>}, {pipeline_mode = #tpu.pipeline_mode<synchronous>, transform_indices = @transform_8, window_bounds = array<i64: 1, 64>}]} {
    %get3A = arith.constant 0 : index
    %get3A_0 = arith.constant 0 : index
    %get3A_1 = arith.constant 0 : index
    %get3A_2 = vector.load %arg1[%get3A, %get3A_0, %get3A_1] : memref<2x1000x128xf32, #tpu.memory_space<vmem>>, vector<1x1000x128xf32>
    %get3A_3 = vector.shape_cast %get3A_2 : vector<1x1000x128xf32> to vector<1000x128xf32>
    %get3A_4 = arith.constant 1 : index
    %get3A_5 = arith.constant 0 : index
    %get3A_6 = arith.constant 0 : index
    %get3A_7 = vector.load %arg1[%get3A_4, %get3A_5, %get3A_6] : memref<2x1000x128xf32, #tpu.memory_space<vmem>>, vector<1x1000x128xf32>
    %get3A_8 = vector.shape_cast %get3A_7 : vector<1x1000x128xf32> to vector<1000x128xf32>
    %add3A = arith.addf %get3A_3, %get3A_8 : vector<1000x128xf32>
    %get3A_9 = arith.constant 0 : index
    %get3A_10 = arith.constant 0 : index
    %get3A_11 = vector.load %arg3[%get3A_9, %get3A_10] : memref<1000x16xf32, #tpu.memory_space<vmem>>, vector<1000x1xf32>
    %mul3A = vector.broadcast %get3A_11 : vector<1000x1xf32> to vector<1000x128xf32>
    %mul3A_12 = arith.mulf %add3A, %mul3A : vector<1000x128xf32>
    %get3A_13 = arith.constant 0 : index
    %get3A_14 = arith.constant 0 : index
    %get3A_15 = vector.load %arg5[%get3A_13, %get3A_14] : memref<128x64xf32, #tpu.memory_space<vmem>>, vector<128x64xf32>
    %dot_general3A = arith.constant dense<0.000000e+00> : vector<1000x64xf32>
    %dot_general3A_16 = tpu.matmul %mul3A_12, %get3A_15, %dot_general3A {dimension_numbers = #tpu.dot_dimension_numbers<[1], [0], [0], [1], [0, 0, 1, 1], [], []>, precision = #tpu.contract_precision<fp32>, transpose_lhs_hint = false} : vector<1000x128xf32>, vector<128x64xf32>, vector<1000x64xf32> -> vector<1000x64xf32>
    %get3A_17 = arith.constant 0 : index
    %get3A_18 = arith.constant 0 : index
    %get3A_19 = vector.load %arg2[%get3A_17, %get3A_18] : memref<1000x128xf32, #tpu.memory_space<vmem>>, vector<1000x128xf32>
    %get3A_20 = arith.constant 0 : index
    %get3A_21 = arith.constant 0 : index
    %get3A_22 = vector.load %arg6[%get3A_20, %get3A_21] : memref<128x64xf32, #tpu.memory_space<vmem>>, vector<128x64xf32>
    %dot_general3A_23 = arith.constant dense<0.000000e+00> : vector<1000x64xf32>
    %dot_general3A_24 = tpu.matmul %get3A_19, %get3A_22, %dot_general3A_23 {dimension_numbers = #tpu.dot_dimension_numbers<[1], [0], [0], [1], [0, 0, 1, 1], [], []>, precision = #tpu.contract_precision<fp32>, transpose_lhs_hint = false} : vector<1000x128xf32>, vector<128x64xf32>, vector<1000x64xf32> -> vector<1000x64xf32>
    %add3A_25 = arith.addf %dot_general3A_16, %dot_general3A_24 : vector<1000x64xf32>
    %get3A_26 = arith.constant 0 : index
    %get3A_27 = vector.load %arg7[%get3A_26] : memref<64xf32, #tpu.memory_space<vmem>>, vector<64xf32>
    %broadcast_in_dim3A = vector.shape_cast %get3A_27 : vector<64xf32> to vector<1x64xf32>
    %add3A_28 = vector.broadcast %broadcast_in_dim3A : vector<1x64xf32> to vector<1000x64xf32>
    %add3A_29 = arith.addf %add3A_25, %add3A_28 : vector<1000x64xf32>
    %reduce_max3A = arith.constant dense<0xFF800000> : vector<1000xf32>
    %reduce_max3A_30 = vector.multi_reduction <maximumf>, %add3A_29, %reduce_max3A [1] : vector<1000x64xf32> to vector<1000xf32>
    %broadcast_in_dim3A_31 = vector.shape_cast %reduce_max3A_30 : vector<1000xf32> to vector<1000x1xf32>
    %sub3A = vector.broadcast %broadcast_in_dim3A_31 : vector<1000x1xf32> to vector<1000x64xf32>
    %sub3A_32 = arith.subf %add3A_29, %sub3A : vector<1000x64xf32>
    %exp3A = math.exp %sub3A_32 : vector<1000x64xf32>
    %reduce_sum3A = arith.constant dense<0.000000e+00> : vector<1000xf32>
    %reduce_sum3A_33 = vector.multi_reduction <add>, %exp3A, %reduce_sum3A [1] : vector<1000x64xf32> to vector<1000xf32>
    %broadcast_in_dim3A_34 = vector.shape_cast %reduce_sum3A_33 : vector<1000xf32> to vector<1000x1xf32>
    %log3A = math.log %broadcast_in_dim3A_34 : vector<1000x1xf32>
    %add3A_35 = arith.addf %log3A, %broadcast_in_dim3A_31 : vector<1000x1xf32>
    %sub3A_36 = vector.broadcast %add3A_35 : vector<1000x1xf32> to vector<1000x64xf32>
    %sub3A_37 = arith.subf %add3A_29, %sub3A_36 : vector<1000x64xf32>
    %get3A_38 = arith.constant 0 : index
    %get3A_39 = arith.constant 0 : index
    %get3A_40 = vector.load %arg4[%get3A_38, %get3A_39] : memref<1000x1xf32, #tpu.memory_space<vmem>>, vector<1000x1xf32>
    %mul3A_41 = vector.broadcast %get3A_40 : vector<1000x1xf32> to vector<1000x64xf32>
    %mul3A_42 = arith.mulf %sub3A_37, %mul3A_41 : vector<1000x64xf32>
    %reduce_sum3A_43 = arith.constant dense<0.000000e+00> : vector<64xf32>
    %reduce_sum3A_44 = vector.multi_reduction <add>, %mul3A_42, %reduce_sum3A_43 [0] : vector<1000x64xf32> to vector<64xf32>
    %broadcast_in_dim3A_45 = vector.shape_cast %reduce_sum3A_44 : vector<64xf32> to vector<1x64xf32>
    %eq3A = arith.constant 0 : i32
    %eq3A_46 = arith.cmpi eq, %arg0, %eq3A : i32
    %convert_element_type3A = arith.extui %eq3A_46 : i1 to i32
    %cond3A = arith.constant 0 : i32
    %cond3A_47 = arith.cmpi ne, %convert_element_type3A, %cond3A : i32
    scf.if %cond3A_47 {
      %swap3A = arith.constant 0 : index
      %swap3A_57 = arith.constant 0 : index
      %swap3A_58 = vector.load %arg10[%swap3A, %swap3A_57] : memref<1x64xf32, #tpu.memory_space<vmem>>, vector<1x64xf32>
      tpu.vector_store %arg10[%swap3A, %swap3A_57], %broadcast_in_dim3A_45 {strides = array<i32>} : memref<1x64xf32, #tpu.memory_space<vmem>>, vector<1x64xf32>,
    } else {
    }
    %gt3A = arith.constant 0 : i32
    %gt3A_48 = arith.cmpi sgt, %arg0, %gt3A : i32
    %convert_element_type3A_49 = arith.extui %gt3A_48 : i1 to i32
    %cond3A_50 = arith.constant 0 : i32
    %cond3A_51 = arith.cmpi ne, %convert_element_type3A_49, %cond3A_50 : i32
    scf.if %cond3A_51 {
      %get3A_57 = arith.constant 0 : index
      %get3A_58 = arith.constant 0 : index
      %get3A_59 = vector.load %arg10[%get3A_57, %get3A_58] : memref<1x64xf32, #tpu.memory_space<vmem>>, vector<1x64xf32>
      %add3A_60 = arith.addf %get3A_59, %broadcast_in_dim3A_45 : vector<1x64xf32>
      %swap3A = arith.constant 0 : index
      %swap3A_61 = arith.constant 0 : index
      %swap3A_62 = vector.load %arg10[%swap3A, %swap3A_61] : memref<1x64xf32, #tpu.memory_space<vmem>>, vector<1x64xf32>
      tpu.vector_store %arg10[%swap3A, %swap3A_61], %add3A_60 {strides = array<i32>} : memref<1x64xf32, #tpu.memory_space<vmem>>, vector<1x64xf32>,
    } else {
    }
    %eq3A_52 = arith.constant 9 : i32
    %eq3A_53 = arith.cmpi eq, %arg0, %eq3A_52 : i32
    %convert_element_type3A_54 = arith.extui %eq3A_53 : i1 to i32
    %cond3A_55 = arith.constant 0 : i32
    %cond3A_56 = arith.cmpi ne, %convert_element_type3A_54, %cond3A_55 : i32
    scf.if %cond3A_56 {
      %get3A_57 = arith.constant 0 : index
      %get3A_58 = arith.constant 0 : index
      %get3A_59 = vector.load %arg10[%get3A_57, %get3A_58] : memref<1x64xf32, #tpu.memory_space<vmem>>, vector<1x64xf32>
      %get3A_60 = arith.constant 0 : index
      %get3A_61 = arith.constant 0 : index
      %get3A_62 = vector.load %arg8[%get3A_60, %get3A_61] : memref<64x64xf32, #tpu.memory_space<vmem>>, vector<64x64xf32>
      %dot_general3A_63 = arith.constant dense<0.000000e+00> : vector<1x64xf32>
      %dot_general3A_64 = tpu.matmul %get3A_59, %get3A_62, %dot_general3A_63 {dimension_numbers = #tpu.dot_dimension_numbers<[1], [0], [0], [1], [0, 0, 1, 1], [], []>, precision = #tpu.contract_precision<fp32>, transpose_lhs_hint = false} : vector<1x64xf32>, vector<64x64xf32>, vector<1x64xf32> -> vector<1x64xf32>
      %swap3A = arith.constant 0 : index
      %swap3A_65 = arith.constant 0 : index
      %swap3A_66 = vector.load %arg9[%swap3A, %swap3A_65] : memref<1x64xf32, #tpu.memory_space<vmem>>, vector<1x64xf32>
      tpu.vector_store %arg9[%swap3A, %swap3A_65], %dot_general3A_64 {strides = array<i32>} : memref<1x64xf32, #tpu.memory_space<vmem>>, vector<1x64xf32>,
    } else {
    }
    return
  }
  func.func @transform_0(%arg0: i32) -> (i32, i32, i32) {
    %c0_i32 = arith.constant 0 : i32
    %c0_i32_0 = arith.constant 0 : i32
    %c0_i32_1 = arith.constant 0 : i32
    return %c0_i32, %arg0, %c0_i32_0 : i32, i32, i32
  }
  func.func @transform_1(%arg0: i32) -> (i32, i32) {
    %c0_i32 = arith.constant 0 : i32
    %c0_i32_0 = arith.constant 0 : i32
    return %arg0, %c0_i32 : i32, i32
  }
  func.func @transform_2(%arg0: i32) -> (i32, i32) {
    %c0_i32 = arith.constant 0 : i32
    %c0_i32_0 = arith.constant 0 : i32
    return %arg0, %c0_i32 : i32, i32
  }
  func.func @transform_3(%arg0: i32) -> (i32, i32) {
    %c0_i32 = arith.constant 0 : i32
    %c0_i32_0 = arith.constant 0 : i32
    return %arg0, %c0_i32 : i32, i32
  }
  func.func @transform_4(%arg0: i32) -> (i32, i32) {
    %c0_i32 = arith.constant 0 : i32
    %c0_i32_0 = arith.constant 0 : i32
    %c0_i32_1 = arith.constant 0 : i32
    return %c0_i32, %c0_i32_0 : i32, i32
  }
  func.func @transform_5(%arg0: i32) -> (i32, i32) {
    %c0_i32 = arith.constant 0 : i32
    %c0_i32_0 = arith.constant 0 : i32
    %c0_i32_1 = arith.constant 0 : i32
    return %c0_i32, %c0_i32_0 : i32, i32
  }
  func.func @transform_6(%arg0: i32) -> i32 {
    %c0_i32 = arith.constant 0 : i32
    %c0_i32_0 = arith.constant 0 : i32
    return %c0_i32 : i32
  }
  func.func @transform_7(%arg0: i32) -> (i32, i32) {
    %c0_i32 = arith.constant 0 : i32
    %c0_i32_0 = arith.constant 0 : i32
    %c0_i32_1 = arith.constant 0 : i32
    return %c0_i32, %c0_i32_0 : i32, i32
  }
  func.func @transform_8(%arg0: i32) -> (i32, i32) {
    %c0_i32 = arith.constant 0 : i32
    %c0_i32_0 = arith.constant 0 : i32
    %c0_i32_1 = arith.constant 0 : i32
    return %c0_i32, %c0_i32_0 : i32, i32
  }
}

</mosaic_0001>

<sc_bundles>
// kernel: kernel.12.cloned.1.call-start
scs
__scs_entry_jumppad:
0x0: {  	(pc) =	sbr.rel $0x88, $3  }
0x1: {  	(tag) =	ssettag $0x0;
	lr =	simm.s32 $0x1  }
0x2: {  	[smem:$0x3F94] =	sst lr;
	_ =	strace $0xD0000000  }
0x3: {  	_ = 	snop  }
0x4: {  	_ = 	snop  }
0x5: {  	_ = 	snop  }
0x6: {  	_ = 	snop  }
0x7: {  	_ = 	snop  }
__scs_overlays_trampoline_lowered:
0x8: {  	[smem:$0x3FA3] =	sst s0  }
0x9: {  	[smem:$0x3FA4] =	sst s1  }
0xa: {  	[smem:$0x3FA5] =	sst s2  }
0xb: {  	[smem:$0x3FA6] =	sst s3  }
0xc: {  	[smem:$0x3FA7] =	sst s4  }
0xd: {  	[smem:$0x3FA8] =	sst s5  }
0xe: {  	[smem:$0x3FA9] =	sst s6  }
0xf: {  	[smem:$0x3FAA] =	sst s7  }
0x10: {  	[smem:$0x3FAB] =	sst s8  }
0x11: {  	[smem:$0x3FAC] =	sst s9;
	s0 =	simm.s32 @!p0 $0x0  }
0x12: {  	s1 =	sld [smem:$0x3F92];
	s0 =	simm.s32 @p0 $0x1  }
0x13: {  	[smem:$0x3FAD] =	sst s0;
	s0 =	simm.s32 @!p1 $0x0  }
0x14: {  	s2 =	sld [smem:$0x3F91];
	s0 =	simm.s32 @p1 $0x1  }
0x15: {  	[smem:$0x3FAE] =	sst s0;
	s0 =	simm.s32 @!p2 $0x0  }
0x16: {  	s3 =	sld [smem:$0x3FDB];
	s0 =	simm.s32 @p2 $0x1  }
0x17: {  	s4 =	simm.s32 $0x1BF5;
	[smem:$0x3FB0] =	sst s0  }
0x18: {  	s0 =	sld [smem:$0x3F93];
	_ =	swait.ge [sflag:s4], $0x0  }
0x19: {  	s7 =	sld [smem:$0x3F94]  }
0x1a: {  	s8 =	sadd.s32 $0xFFFFE003, lr  }
0x1b: {  	s9 =	sadd.s32 $0xFFFFFEF7, lr;
	s5 =	simm.s32 $0xFFFFFFFF;
	p2 =	slt.u32 s8, $0xFFFFF086  }
0x1c: {  	p1 =	slt.u32 s9, $0xF7A;
	s5 =	simm.s32 @!p2 $0x0  }
0x1d: {  	s5 =	simm.s32 @p1 $0x1;
	p0 =	seq.s32 s7, s2  }
0x1e: {  	s7 =	smul.u32 @!p0 $0xF7A, s2;
	p2 =	seq.s32 @!p0 s5, $0x0  }
0x1f: {  	s9 =	smul.u32 $0xF7A, s1;
	s8 =	simm.s32 @!p0 $0x1BF5;
	p2 =	por !p2, p0  }
0x20: {  	[sflag:s8] =	ssyncset.s32 @!p0 $0xFFFFF086;
	s6 =	sadd.s32 @!p0 s3, s7;
	s7 =	simm.s32 @!p0 $0x108  }
0x21: {  	s3 =	sadd.s32 s3, s9;
	s6 =	sadd.s32 @!p0 $0x88, s6;
	s7 =	simm.s32 @p2 $0x1082  }
0x22: {  	[simem:s7], [sflag:s8] =	dma.local @!p0 [hbm:s6], $0xF7A  }
0x23: {  	s9 =	sor.u32 $0xD0000000, s2;
	s6 =	simm.s32 $0x108;
	_ =	swait.ge @!p0 [sflag:s8], $0x0  }
0x24: {  	s3 =	sadd.s32 $0x88, s3;
	s6 =	simm.s32 @!p1 $0x1082;
	[sflag:s4] =	ssyncset.s32 $0xFFFFF086  }
0x25: {  	[simem:s6], [sflag:s4] =	dma.local [hbm:s3], $0xF7A  }
0x26: {  	[smem:$0x3F94] =	sst s1;
	(tag) =	ssettag s2;
	_ =	strace s9  }
0x27: {  	s1 =	sld [smem:$0x3FA4]  }
0x28: {  	s2 =	sld [smem:$0x3FA5]  }
0x29: {  	s4 =	sld [smem:$0x3FA7]  }
0x2a: {  	p0 =	seq.s32 s5, $0x0;
	s5 =	sld [smem:$0x3FA8]  }
0x2b: {  	s6 =	sld [smem:$0x3FA9]  }
0x2c: {  	s7 =	sld [smem:$0x3FAA]  }
0x2d: {  	s3 =	simm.s32 $0x108;
	s8 =	sld [smem:$0x3FAB]  }
0x2e: {  	s3 =	simm.s32 @!p0 $0x1082;
	s9 =	sld [smem:$0x3FAC]  }
0x2f: {  	lr =	sadd.s32 s0, s3;
	s0 =	sld [smem:$0x3FA3]  }
0x30: {  	s3 =	sld [smem:$0x3FA6]  }
0x31: {  	[smem:$0x3FAF] =	sst s10  }
0x32: {  	s10 =	sld [smem:$0x3FAD];
	_ =	sdelay $0x3  }
0x33: {  	p0 =	seq.s32 s10, $0x1;
	s10 =	sld [smem:$0x3FAF];
	_ =	sdelay $0x3  }
0x34: {  	[smem:$0x3FAF] =	sst s10  }
0x35: {  	s10 =	sld [smem:$0x3FAE];
	_ =	sdelay $0x3  }
0x36: {  	p1 =	seq.s32 s10, $0x1;
	s10 =	sld [smem:$0x3FAF];
	_ =	sdelay $0x3  }
0x37: {  	[smem:$0x3FAF] =	sst s10  }
0x38: {  	s10 =	sld [smem:$0x3FB0]  }
0x39: {  	_ = 	snop;
	(pc) =	sbr.ind lr, $3  }
0x3a: {  	_ = 	snop  }
0x3b: {  	_ = 	snop  }
0x3c: {  	p2 =	seq.s32 s10, $0x1;
	s10 =	sld [smem:$0x3FAF]  }
0x3d: {  	_ =	shalt  }
0x3e: {  	_ =	shalt  }
0x3f: {  	_ =	shalt  }
0x40: {  	_ =	shalt  }
0x41: {  	_ =	shalt  }
0x42: {  	_ =	shalt  }
0x43: {  	_ =	shalt  }
0x44: {  	_ =	shalt  }
0x45: {  	_ =	shalt  }
0x46: {  	_ =	shalt  }
0x47: {  	_ =	shalt  }
0x48: {  	_ =	shalt  }
0x49: {  	_ =	shalt  }
0x4a: {  	_ =	shalt  }
0x4b: {  	_ =	shalt  }
0x4c: {  	_ =	shalt  }
0x4d: {  	_ =	shalt  }
0x4e: {  	_ =	shalt  }
0x4f: {  	_ =	shalt  }
0x50: {  	_ =	shalt  }
0x51: {  	_ =	shalt  }
0x52: {  	_ =	shalt  }
0x53: {  	_ =	shalt  }
0x54: {  	_ =	shalt  }
0x55: {  	_ =	shalt  }
0x56: {  	_ =	shalt  }
0x57: {  	_ =	shalt  }
0x58: {  	_ =	shalt  }
0x59: {  	_ =	shalt  }
0x5a: {  	_ =	shalt  }
0x5b: {  	_ =	shalt  }
0x5c: {  	_ =	shalt  }
0x5d: {  	_ =	shalt  }
0x5e: {  	_ =	shalt  }
0x5f: {  	_ =	shalt  }
0x60: {  	_ =	shalt  }
0x61: {  	_ =	shalt  }
0x62: {  	_ =	shalt  }
0x63: {  	_ =	shalt  }
0x64: {  	_ =	shalt  }
0x65: {  	_ =	shalt  }
0x66: {  	_ =	shalt  }
0x67: {  	_ =	shalt  }
0x68: {  	_ =	shalt  }
0x69: {  	_ =	shalt  }
0x6a: {  	_ =	shalt  }
0x6b: {  	_ =	shalt  }
0x6c: {  	_ =	shalt  }
0x6d: {  	_ =	shalt  }
0x6e: {  	_ =	shalt  }
0x6f: {  	_ =	shalt  }
0x70: {  	_ =	shalt  }
0x71: {  	_ =	shalt  }
0x72: {  	_ =	shalt  }
0x73: {  	_ =	shalt  }
0x74: {  	_ =	shalt  }
0x75: {  	_ =	shalt  }
0x76: {  	_ =	shalt  }
0x77: {  	_ =	shalt  }
0x78: {  	_ =	shalt  }
0x79: {  	_ =	shalt  }
0x7a: {  	_ =	shalt  }
0x7b: {  	_ =	shalt  }
0x7c: {  	_ =	shalt  }
0x7d: {  	_ =	shalt  }
0x7e: {  	_ =	shalt  }
0x7f: {  	_ =	shalt  }
0x80: {  	_ =	shalt  }
0x81: {  	_ =	shalt  }
0x82: {  	_ =	shalt  }
0x83: {  	_ =	shalt  }
0x84: {  	_ =	shalt  }
0x85: {  	_ =	shalt  }
0x86: {  	_ =	shalt  }
0x87: {  	_ =	shalt  }
.Lfunc_end0:
.L_simem_size_0:
called_computation.1_lowered:
.L_overlay_start_0:
0x88: {  	s2 =	sld [smem:$0x3FD9]  }
0x89: {  	s3 =	sld [smem:$0x3FFE];
	_ =	sdelay $0x1  }
0x8a: {  	s1 =	srdreg.scid  }
0x8b: {  	s0 =	sand.u32 $0x1, s1  }
0x8c: {  	s17 =	sshll.u32 s0, $0xA;
	s2 =	sadd.s32 s3, s2  }
0x8d: {  	s2 =	sadd.s32 s2, s17  }
0x8e: {  	[smem:$0x3FBB] =	sst s2  }
0x8f: {  	_ = 	snop  }
0x90: {  	s2 =	sld [smem:$0x3FC9];
	(tm) =	ssettm $0x1  }
0x91: {  	s18 =	sld [smem:$0x3FFB];
	_ =	sdelay $0x3  }
0x92: {  	_ =	strace s18  }
0x93: {  	s3 =	sld [smem:$0x3FFC];
	_ =	sdelay $0x3  }
0x94: {  	_ =	strace s3  }
0x95: {  	s3 =	sld [smem:$0x3FFD];
	_ =	sdelay $0x3  }
0x96: {  	_ =	strace s3  }
0x97: {  	_ =	strace $0x8FFFFFFF  }
0x98: {  	s19 =	sld [smem:$0x3FDB];
	_ =	sdelay $0x1  }
0x99: {  	s4 =	simm.s32 $_scs_section_size  }
0x9a: {  	s5 =	simm.s32 $_size__tile_overlayer_lowered;
	s6 =	simm.s32 $_tile_overlayer_lowered  }
0x9b: {  	s22 =	simm.s32 $0x1BFF;
	s21 =	sshll.u32 s6, $0x1;
	s3 =	sadd.s32 s4, s19  }
0x9c: {  	s7 =	simm.s32 $0x0;
	s20 =	sshll.u32 s5, $0x1;
	s5 =	sadd.s32 s21, s3  }
0x9d: {  	[timem:s7], [sflag:s22] =	dma.local [hbm:s5], s20  }
0x9e: {  	_ =	swait.ge [sflag:s22], s20  }
0x9f: {  	s4 =	ssub.s32 $0x0, s20;
	[sflag:s22] =	ssyncset.done $0x0  }
0xa0: {  	[sflag:s22] =	ssyncadd.s32 s4;
	_ =	sdelay $0x1  }
0xa1: {  	s23 =	simm.s32 $0x1B8B  }
0xa2: {  	_ =	swait.ge [sflag:s23], $0x1  }
0xa3: {  	[sflag:s23] =	ssyncset.done $0x0  }
0xa4: {  	s25 =	simm.s32 $0x1B8E;
	s24 =	sld [smem:$0x3FFE];
	[sflag:s23] =	ssyncadd.s32 $0xFFFFFFFF  }
0xa5: {  	s26 =	simm.s32 $execute0_lowered;
	[smem:$0x3FD2] =	sst s25  }
0xa6: {  	s5 =	sshll.u32 s26, $0x1;
	_ =	strace $0x80000046;
	[dreg:$0x1] =	wrdreg $0xFFFFFFFF  }
0xa7: {  	s28 =	simm.s32 $_size_execute0_lowered;
	s3 =	sadd.s32 s3, s5;
	[dreg:$0x0] =	wrdreg $0x0  }
0xa8: {  	s5 =	sshll.u32 s28, $0x1;
	[dreg:$0x2] =	wrdreg s3  }
0xa9: {  	[dreg:$0x3] =	wrdreg s5  }
0xaa: {  	[dreg:$0x4] =	wrdreg $0xC0  }
0xab: {  	_ =	task [dreg:s7], $0x5FFFF  }
0xac: {  	[dreg:$0x1] =	wrdreg $0xFFFFFFFF  }
0xad: {  	[dreg:$0x0] =	wrdreg $0x60  }
0xae: {  	[dreg:$0x2] =	wrdreg s2  }
0xaf: {  	[dreg:$0x3] =	wrdreg s24  }
0xb0: {  	[dreg:$0x4] =	wrdreg $0xBC000  }
0xb1: {  	[dreg:$0x5] =	wrdreg $0xA  }
0xb2: {  	_ =	task.clear_ibuf [dreg:s7], $0x6FFFF;
	_ =	strace $0x90000046  }
0xb3: {  	s29 =	simm.s32 $0xA;
	_ =	strace $0x80000048  }
0xb4: {  	_ =	swait.ge [sflag:s29], $0x1  }
0xb5: {  	[sflag:s29] =	ssyncadd.s32 $0xFFFFFFFF  }
0xb6: {  	_ =	strace $0x90000048  }
0xb7: {  	_ =	sfence  }
0xb8: {  	s30 =	sld [smem:$0x0];
	_ =	sdelay $0x2  }
0xb9: {  	s31 =	sshll.u32 s1, $0xD;
	s1 =	sshrl.u32 s1, $0x2  }
0xba: {  	s3 =	sand.u32 $0x4000, s31;
	s1 =	sadd.s32 s1, s30  }
0xbb: {  	s0 =	sor.u32 s3, s0;
	s1 =	sshll.u32 s1, $0x11  }
0xbc: {  	s0 =	sor.u32 s1, s0  }
0xbd: {  	s0 =	sadd.s32 $0x8F2B, s0  }
0xbe: {  	[sflag:s0] =	ssyncadd.remote.s32 $0x1  }
0xbf: {  	_ =	sfence.sel $0xFFFF  }
0xc0: {  	[dreg:$0x0] =	wrdreg $0xFFFFFFFF;
	(pc) =	sbr.abs _section_cstart, $3  }
0xc1: {  	[dreg:$0x1] =	wrdreg $0xFFFFFFFF  }
0xc2: {  	_ =	task.clear_ibuf [dreg:s7], $0x2FFFF;
	_ =	strace $0x9FFFFFFF  }
0xc3: {  	(tm) =	ssettm $0x7FFFFFFF  }
tec
execute0_lowered:
.L_overlay_start_1:
0x0: {  	(tag) =	ssettag $0x1  }
0x1: {  	s1 =	rddreg [dreg:$0x0]  }
0x2: {  	s0 =	rddreg [dreg:$0x1]  }
0x3: {  	s3 =	rddreg [dreg:$0x2];
	s4 =	simm.s32 $0x0;
	s2 =	srdreg.scid  }
0x4: {  	s11 =	stileid.u32;
	[smem:$0x7FF] =	sst s4;
	s2 =	sand.u32 $0x1, s2  }
0x5: {  	s5 =	sshll.u32 s11, $0x1;
	s6 =	sadd.s32 $0x17000, s0;
	s20 =	smul.u32 $0x19000, s11  }
0x6: {  	s9 =	sadd.s32 $0xD000, s0;
	s24 =	sor.u32 $0x10, s11;
	s16 =	smul.u32 $0x6400, s11  }
0x7: {  	s5 =	sor.u32 s2, s5;
	s7 =	ssub.s32 $0x2, s2;
	s2 =	smul.u32 $0x138800, s2  }
0x8: {  	s0 =	sadd.s32 $0x21000, s0;
	s26 =	sor.u32 $0x20, s11;
	s25 =	smul.u32 $0x19000, s24  }
0x9: {  	s17 =	sor.u32 $0x30, s11;
	s11 =	simm.s32 $0x80;
	s13 =	smul.u32 $0x19000, s26  }
0xa: {  	_ =	strace $0x80000047;
	p0 =	sgt.u32 s17, $0x31;
	s8 =	smul.u32 $0x2800, s5  }
0xb: {  	s10 =	sshrl.u32 s7, $0x1;
	s5 =	smul.u32 $0x500, s5;
	s23 =	sshrl.u32 s20, $0x2  }
0xc: {  	s20 =	smul.u32 $0x6400, s17;
	s7 =	ssub.s32 s7, s10;
	s10 =	sadd.s32 s2, s16  }
0xd: {  	s16 =	simm.s32 $0x2;
	s8 =	sshrl.u32 s8, $0x3;
	s19 =	sadd.s32 s6, s5  }
0xe: {  	s5 =	sadd.s32 s9, s5;
	s7 =	smax.u32 s7, $0x1;
	[dreg:$0x4] =	wrdreg s19  }
0xf: {  	s10 =	sshrl.u32 s10, $0x3;
	s8 =	sadd.s32 $0x280, s8;
	[dreg:$0x5] =	wrdreg s5  }
0x10: {  	[dreg:$0x8] =	wrdreg s7;
	s5 =	sshrl.u32 s25, $0x2;
	s10 =	sadd.s32 s0, s10  }
0x11: {  	s25 =	sshrl.u32 s13, $0x2;
	s7 =	simm.s32 $0x4;
	s13 =	simm.s32 $0x6800  }
0x12: {  	s21 =	sadd.s32 s6, s8;
	s22 =	sadd.s32 s9, s8;
	s6 =	smul.u32 $0x6400, s24  }
0x13: {  	s9 =	sadd.s32 s23, s3;
	s8 =	smul.u32 $0x6400, s26;
	[dreg:$0xf] =	wrdreg s10  }
0x14: {  	s23 =	sadd.s32 s25, s3;
	s10 =	simm.s32 $0x1400;
	[dreg:$0x6] =	wrdreg s21  }
0x15: {  	[dreg:$0x7] =	wrdreg s22;
	s12 =	sadd.s32 $0x1400, s9;
	s14 =	sadd.s32 $0x2800, s9  }
0x16: {  	s15 =	sadd.s32 $0x3C00, s9;
	s21 =	smul.u32 $0x19000, s17;
	[dreg:$0x9] =	wrdreg s12  }
0x17: {  	s28 =	sadd.s32 $0x2800, s23;
	s29 =	sadd.s32 $0x3C00, s23;
	[dreg:$0xa] =	wrdreg s14  }
0x18: {  	s30 =	sadd.s32 $0x5000, s23;
	s17 =	simm.s32 $0x2700;
	[dreg:$0xb] =	wrdreg s15  }
0x19: {  	s12 =	sadd.s32 $0x5000, s9;
	s15 =	sadd.s32 s5, s3;
	s6 =	sadd.s32 s2, s6  }
0x1a: {  	s8 =	sadd.s32 s2, s8;
	s2 =	sadd.s32 s2, s20;
	s14 =	simm.s32 $0x1  }
0x1b: {  	[dreg:$0xc] =	wrdreg s12;
	s18 =	sadd.s32 $0x1400, s15;
	s19 =	sadd.s32 $0x2800, s15  }
0x1c: {  	s6 =	sshrl.u32 s6, $0x3;
	s8 =	sshrl.u32 s8, $0x3;
	s2 =	sshrl.u32 s2, $0x3  }
0x1d: {  	s22 =	sadd.s32 $0x3C00, s15;
	s26 =	sshrl.u32 s21, $0x2;
	[dreg:$0xd] =	wrdreg s18  }
0x1e: {  	s12 =	simm.s32 $0x2800;
	[dreg:$0xe] =	wrdreg s19;
	s6 =	sadd.s32 s0, s6  }
0x1f: {  	s24 =	sadd.s32 s0, s8;
	s0 =	sadd.s32 s0, s2;
	[dreg:$0x10] =	wrdreg s6  }
0x20: {  	s25 =	sadd.s32 s26, s3;
	s26 =	sadd.s32 $0x1400, s23;
	[dreg:$0x11] =	wrdreg s24  }
0x21: {  	s8 =	simm.s32 $0x3;
	s18 =	simm.s32 $0x2780;
	[dreg:$0x12] =	wrdreg s0  }
0x22: {  	s24 =	sadd.s32 $0x5000, s15;
	s31 =	sadd.s32 $0x1400, s25;
	s0 =	sadd.s32 $0x2800, s25  }
0x23: {  	v0 =	vimm.f32 $0.0e+00;
	s2 =	sadd.s32 $0x3C00, s25;
	s5 =	sadd.s32 $0x5000, s25;
	s6 =	simm.s32 $0xA800  }
.LBB2_1:
0x24: {  	s19 =	simm.s32 $0x0;
	s20 =	simm.s32 $0x200  }
.LBB2_2:
0x25: {  	p1 =	sne.s32 s20, $0x4E00;
	[tilespmem:s19+$0xA870] =	vst v0  }
0x26: {  	[tilespmem:s19+$0xA800] =	vst v0  }
0x27: {  	[tilespmem:s19+$0xA810] =	vst v0  }
.Ltmp0:
0x28: {  	[tilespmem:s19+$0xA820] =	vst v0;
	(pc) =	sbr.rel @p1 .LBB2_2-.Ltmp0, $4  }
0x29: {  	[tilespmem:s19+$0xA830] =	vst v0  }
0x2a: {  	[tilespmem:s19+$0xA840] =	vst v0  }
0x2b: {  	[tilespmem:s19+$0xA850] =	vst v0  }
0x2c: {  	[tilespmem:s19+$0xA860] =	vst v0;
	s19 =	sshra.s32 s20, $0x2;
	s20 =	sadd.s32 $0x200, s20  }
0x2d: {  	[tilespmem:s19+$0xA870] =	vst v0  }
0x2e: {  	[tilespmem:s19+$0xA800] =	vst v0  }
0x2f: {  	[tilespmem:s19+$0xA810] =	vst v0  }
0x30: {  	[tilespmem:s19+$0xA820] =	vst v0  }
0x31: {  	[tilespmem:s19+$0xA830] =	vst v0  }
0x32: {  	[tilespmem:s19+$0xA840] =	vst v0  }
0x33: {  	[tilespmem:s19+$0xA850] =	vst v0  }
0x34: {  	[tilespmem:s19+$0xA860] =	vst v0  }
0x35: {  	[spmem:s9] =	stream.linear.scatter [tilespmem:s6], [sflag:$0x4], $0x1400, $0x38;
	[tilespmem:$0x1F500] =	vst v63  }
0x36: {  	_ =	swait.ge [sflag:s7], $0x1400  }
0x37: {  	[sflag:s7] =	ssyncset.done $0x0  }
0x38: {  	s21 =	rddreg [dreg:$0x9];
	[sflag:s7] =	ssyncadd.s32 $0xFFFFEC00  }
0x39: {  	[spmem:s21] =	stream.linear.scatter [tilespmem:s6], [sflag:$0x4], $0x1400, $0x38;
	[tilespmem:$0x1F500] =	vst v63  }
0x3a: {  	_ =	swait.ge [sflag:s7], $0x1400  }
0x3b: {  	[sflag:s7] =	ssyncset.done $0x0  }
0x3c: {  	s20 =	rddreg [dreg:$0xa];
	[sflag:s7] =	ssyncadd.s32 $0xFFFFEC00  }
0x3d: {  	[spmem:s20] =	stream.linear.scatter [tilespmem:s6], [sflag:$0x4], $0x1400, $0x38;
	[tilespmem:$0x1F500] =	vst v63  }
0x3e: {  	_ =	swait.ge [sflag:s7], $0x1400  }
0x3f: {  	[sflag:s7] =	ssyncset.done $0x0  }
0x40: {  	s21 =	rddreg [dreg:$0xb];
	[sflag:s7] =	ssyncadd.s32 $0xFFFFEC00  }
0x41: {  	[spmem:s21] =	stream.linear.scatter [tilespmem:s6], [sflag:$0x4], $0x1400, $0x38;
	[tilespmem:$0x1F500] =	vst v63  }
0x42: {  	_ =	swait.ge [sflag:s7], $0x1400  }
0x43: {  	[sflag:s7] =	ssyncset.done $0x0  }
0x44: {  	s20 =	rddreg [dreg:$0xc];
	[sflag:s7] =	ssyncadd.s32 $0xFFFFEC00  }
0x45: {  	[spmem:s20] =	stream.linear.scatter [tilespmem:s6], [sflag:$0x3], $0x1400, $0x38;
	[tilespmem:$0x1F500] =	vst v63  }
0x46: {  	_ =	swait.ge [sflag:s8], $0x1400  }
0x47: {  	[sflag:s8] =	ssyncset.done $0x0  }
0x48: {  	[sflag:s8] =	ssyncadd.s32 $0xFFFFEC00  }
0x49: {  	[spmem:s15] =	stream.linear.scatter [tilespmem:s6], [sflag:$0x4], $0x1400, $0x38;
	[tilespmem:$0x1F500] =	vst v63  }
0x4a: {  	_ =	swait.ge [sflag:s7], $0x1400  }
0x4b: {  	[sflag:s7] =	ssyncset.done $0x0  }
0x4c: {  	s21 =	rddreg [dreg:$0xd];
	[sflag:s7] =	ssyncadd.s32 $0xFFFFEC00  }
0x4d: {  	[spmem:s21] =	stream.linear.scatter [tilespmem:s6], [sflag:$0x4], $0x1400, $0x38;
	[tilespmem:$0x1F500] =	vst v63  }
0x4e: {  	_ =	swait.ge [sflag:s7], $0x1400  }
0x4f: {  	[sflag:s7] =	ssyncset.done $0x0  }
0x50: {  	s20 =	rddreg [dreg:$0xe];
	[sflag:s7] =	ssyncadd.s32 $0xFFFFEC00  }
0x51: {  	[spmem:s20] =	stream.linear.scatter [tilespmem:s6], [sflag:$0x4], $0x1400, $0x38;
	[tilespmem:$0x1F500] =	vst v63  }
0x52: {  	_ =	swait.ge [sflag:s7], $0x1400  }
0x53: {  	[sflag:s7] =	ssyncset.done $0x0  }
0x54: {  	[sflag:s7] =	ssyncadd.s32 $0xFFFFEC00  }
0x55: {  	[spmem:s22] =	stream.linear.scatter [tilespmem:s6], [sflag:$0x4], $0x1400, $0x38;
	[tilespmem:$0x1F500] =	vst v63  }
0x56: {  	_ =	swait.ge [sflag:s7], $0x1400  }
0x57: {  	[sflag:s7] =	ssyncset.done $0x0  }
0x58: {  	[sflag:s7] =	ssyncadd.s32 $0xFFFFEC00  }
0x59: {  	[spmem:s24] =	stream.linear.scatter [tilespmem:s6], [sflag:$0x3], $0x1400, $0x38;
	[tilespmem:$0x1F500] =	vst v63  }
0x5a: {  	_ =	swait.ge [sflag:s8], $0x1400  }
0x5b: {  	[sflag:s8] =	ssyncset.done $0x0  }
0x5c: {  	[sflag:s8] =	ssyncadd.s32 $0xFFFFEC00  }
0x5d: {  	[spmem:s23] =	stream.linear.scatter [tilespmem:s6], [sflag:$0x4], $0x1400, $0x38;
	[tilespmem:$0x1F500] =	vst v63  }
0x5e: {  	_ =	swait.ge [sflag:s7], $0x1400  }
0x5f: {  	[sflag:s7] =	ssyncset.done $0x0  }
0x60: {  	[sflag:s7] =	ssyncadd.s32 $0xFFFFEC00  }
0x61: {  	[spmem:s26] =	stream.linear.scatter [tilespmem:s6], [sflag:$0x4], $0x1400, $0x38;
	[tilespmem:$0x1F500] =	vst v63  }
0x62: {  	_ =	swait.ge [sflag:s7], $0x1400  }
0x63: {  	[sflag:s7] =	ssyncset.done $0x0  }
0x64: {  	[sflag:s7] =	ssyncadd.s32 $0xFFFFEC00  }
0x65: {  	[spmem:s28] =	stream.linear.scatter [tilespmem:s6], [sflag:$0x4], $0x1400, $0x38;
	[tilespmem:$0x1F500] =	vst v63  }
0x66: {  	_ =	swait.ge [sflag:s7], $0x1400  }
0x67: {  	[sflag:s7] =	ssyncset.done $0x0  }
0x68: {  	[sflag:s7] =	ssyncadd.s32 $0xFFFFEC00  }
0x69: {  	[spmem:s29] =	stream.linear.scatter [tilespmem:s6], [sflag:$0x4], $0x1400, $0x38;
	[tilespmem:$0x1F500] =	vst v63  }
0x6a: {  	_ =	swait.ge [sflag:s7], $0x1400  }
0x6b: {  	[sflag:s7] =	ssyncset.done $0x0  }
0x6c: {  	[sflag:s7] =	ssyncadd.s32 $0xFFFFEC00  }
0x6d: {  	[spmem:s30] =	stream.linear.scatter [tilespmem:s6], [sflag:$0x3], $0x1400, $0x38;
	[tilespmem:$0x1F500] =	vst v63  }
0x6e: {  	_ =	swait.ge [sflag:s8], $0x1400  }
0x6f: {  	[sflag:s8] =	ssyncset.done $0x0  }
0x70: {  	s19 =	simm.s32 @!p0 $0xA800;
	s20 =	simm.s32 @!p0 $0x4;
	[sflag:s8] =	ssyncadd.s32 $0xFFFFEC00  }
0x71: {  	[spmem:s25] =	stream.linear.scatter @!p0 [tilespmem:s19], [sflag:$0x4], $0x1400, $0x38;
	[tilespmem:$0x1F500] =	vst v63  }
0x72: {  	_ =	swait.ge @!p0 [sflag:s20], $0x1400  }
0x73: {  	[sflag:s20] =	ssyncset.done @!p0 $0x0  }
0x74: {  	[sflag:s20] =	ssyncadd.s32 @!p0 $0xFFFFEC00  }
0x75: {  	[spmem:s31] =	stream.linear.scatter @!p0 [tilespmem:s19], [sflag:$0x4], $0x1400, $0x38;
	[tilespmem:$0x1F500] =	vst v63  }
0x76: {  	_ =	swait.ge @!p0 [sflag:s20], $0x1400  }
0x77: {  	[sflag:s20] =	ssyncset.done @!p0 $0x0  }
0x78: {  	[sflag:s20] =	ssyncadd.s32 @!p0 $0xFFFFEC00  }
0x79: {  	[spmem:s0] =	stream.linear.scatter @!p0 [tilespmem:s19], [sflag:$0x4], $0x1400, $0x38;
	[tilespmem:$0x1F500] =	vst v63  }
0x7a: {  	_ =	swait.ge @!p0 [sflag:s20], $0x1400  }
0x7b: {  	[sflag:s20] =	ssyncset.done @!p0 $0x0  }
0x7c: {  	[sflag:s20] =	ssyncadd.s32 @!p0 $0xFFFFEC00  }
0x7d: {  	[spmem:s2] =	stream.linear.scatter @!p0 [tilespmem:s19], [sflag:$0x4], $0x1400, $0x38;
	[tilespmem:$0x1F500] =	vst v63  }
0x7e: {  	_ =	swait.ge @!p0 [sflag:s20], $0x1400  }
0x7f: {  	[sflag:s20] =	ssyncset.done @!p0 $0x0  }
0x80: {  	[sflag:s20] =	ssyncadd.s32 @!p0 $0xFFFFEC00  }
0x81: {  	[spmem:s5] =	stream.linear.scatter @!p0 [tilespmem:s19], [sflag:$0x3], $0x1400, $0x38;
	[tilespmem:$0x1F500] =	vst v63  }
0x82: {  	s19 =	simm.s32 @!p0 $0x3  }
0x83: {  	_ =	swait.ge @!p0 [sflag:s19], $0x1400  }
0x84: {  	[sflag:s19] =	ssyncset.done @!p0 $0x0  }
0x85: {  	[sflag:s19] =	ssyncadd.s32 @!p0 $0xFFFFEC00  }
0x86: {  	[bflag:$0x0] =	sbarrier.arrive $0xFFFF  }
0x87: {  	s19 =	simm.s32 $0x0;
	s21 =	rddreg [dreg:$0x4]  }
0x88: {  	[tilespmem:s19], [sflag:$0x3] =	stream.linear.gather [hbm4b:s21+s19], $0x1400, $0x38;
	[tilespmem:$0x1F500] =	vst v63  }
0x89: {  	_ =	swait.ge [sflag:s8], $0x1400  }
0x8a: {  	[sflag:s8] =	ssyncset.done $0x0  }
0x8b: {  	s21 =	rddreg [dreg:$0x5];
	[sflag:s8] =	ssyncadd.s32 $0xFFFFEC00  }
0x8c: {  	[tilespmem:s10], [sflag:$0x3] =	stream.linear.gather [hbm4b:s21+s19], $0x1400, $0x38;
	[tilespmem:$0x1F500] =	vst v63  }
0x8d: {  	_ =	swait.ge [sflag:s8], $0x1400  }
0x8e: {  	[sflag:s8] =	ssyncset.done $0x0  }
0x8f: {  	[sflag:s8] =	ssyncadd.s32 $0xFFFFEC00  }
0x90: {  	[tilespmem:s12], [sflag:$0x1] =	stream.indirect.gather [hbm4b:s1+s11], $0x80, s19, s11, $0xb8;
	[tilespmem:$0x1F500] =	vst v63  }
0x91: {  	_ = 	snop  }
0x92: {  	[tilespmem:s13], [sflag:$0x2] =	stream.indirect.gather [hbm4b:s1+s11], $0x80, s11, s11, $0xb8;
	[tilespmem:$0x1F500] =	vst v63  }
0x93: {  	_ =	swait.ge [sflag:s14], $0x4000  }
0x94: {  	[sflag:s14] =	ssyncset.done $0x0  }
0x95: {  	s21 =	simm.s32 $0x1400;
	[sflag:s14] =	ssyncadd.s32 $0xFFFFC000  }
0x96: {  	[spmem:s3] =	stream.indirect.scatter.add.f32 [tilespmem:s12], [sflag:$0x3], $0x80, s21, s11, $0xb8;
	[tilespmem:$0x1F500] =	vst v63  }
0x97: {  	_ =	swait.ge [sflag:s8], $0x4000  }
0x98: {  	[sflag:s8] =	ssyncset.done $0x0  }
0x99: {  	s20 =	simm.s32 $0x100;
	[sflag:s8] =	ssyncadd.s32 $0xFFFFC000  }
0x9a: {  	[tilespmem:s12], [sflag:$0x1] =	stream.indirect.gather [hbm4b:s1+s11], $0x80, s20, s11, $0xb8;
	[tilespmem:$0x1F500] =	vst v63  }
0x9b: {  	_ =	swait.ge [sflag:s16], $0x4000  }
0x9c: {  	[sflag:s16] =	ssyncset.done $0x0  }
0x9d: {  	s21 =	simm.s32 $0x1480;
	[sflag:s16] =	ssyncadd.s32 $0xFFFFC000  }
0x9e: {  	[spmem:s3] =	stream.indirect.scatter.add.f32 [tilespmem:s13], [sflag:$0x3], $0x80, s21, s11, $0xb8;
	[tilespmem:$0x1F500] =	vst v63  }
0x9f: {  	_ =	swait.ge [sflag:s8], $0x4000  }
0xa0: {  	[sflag:s8] =	ssyncset.done $0x0  }
0xa1: {  	s19 =	simm.s32 $0x400;
	s20 =	simm.s32 $0x180;
	[sflag:s8] =	ssyncadd.s32 $0xFFFFC000  }
.LBB2_4:
0xa2: {  	[tilespmem:s13], [sflag:$0x2] =	stream.indirect.gather [hbm4b:s1+s11], $0x80, s20, s11, $0xb8;
	[tilespmem:$0x1F500] =	vst v63  }
0xa3: {  	s20 =	smov.u32 s19  }
0xa4: {  	p1 =	sne.s32 s19, $0x4800;
	s19 =	sadd.s32 $0x400, s19;
	_ =	swait.ge [sflag:s14], $0x4000  }
0xa5: {  	s20 =	sshra.s32 s20, $0x2;
	[sflag:s14] =	ssyncset.done $0x0  }
0xa6: {  	s21 =	sadd.s32 $0x1400, s20;
	[sflag:s14] =	ssyncadd.s32 $0xFFFFC000  }
0xa7: {  	[spmem:s3] =	stream.indirect.scatter.add.f32 [tilespmem:s12], [sflag:$0x3], $0x80, s21, s11, $0xb8;
	[tilespmem:$0x1F500] =	vst v63  }
0xa8: {  	_ =	swait.ge [sflag:s8], $0x4000  }
0xa9: {  	[sflag:s8] =	ssyncset.done $0x0  }
0xaa: {  	s21 =	sadd.s32 $0x100, s20;
	[sflag:s8] =	ssyncadd.s32 $0xFFFFC000  }
0xab: {  	[tilespmem:s12], [sflag:$0x1] =	stream.indirect.gather [hbm4b:s1+s11], $0x80, s21, s11, $0xb8;
	[tilespmem:$0x1F500] =	vst v63  }
0xac: {  	_ =	swait.ge [sflag:s16], $0x4000  }
0xad: {  	[sflag:s16] =	ssyncset.done $0x0  }
.Ltmp1:
0xae: {  	s21 =	sadd.s32 $0x1480, s20;
	[sflag:s16] =	ssyncadd.s32 $0xFFFFC000;
	(pc) =	sbr.rel @p1 .LBB2_4-.Ltmp1, $4  }
0xaf: {  	[spmem:s3] =	stream.indirect.scatter.add.f32 [tilespmem:s13], [sflag:$0x3], $0x80, s21, s11, $0xb8;
	[tilespmem:$0x1F500] =	vst v63  }
0xb0: {  	_ =	swait.ge [sflag:s8], $0x4000  }
0xb1: {  	[sflag:s8] =	ssyncset.done $0x0  }
0xb2: {  	s20 =	sadd.s32 $0x180, s20;
	[sflag:s8] =	ssyncadd.s32 $0xFFFFC000  }
0xb3: {  	[tilespmem:s13], [sflag:$0x2] =	stream.indirect.gather [hbm4b:s1+s11], $0x80, s20, s11, $0xb8;
	[tilespmem:$0x1F500] =	vst v63  }
0xb4: {  	_ =	swait.ge [sflag:s14], $0x4000  }
0xb5: {  	[sflag:s14] =	ssyncset.done $0x0  }
0xb6: {  	[sflag:s14] =	ssyncadd.s32 $0xFFFFC000  }
0xb7: {  	[spmem:s3] =	stream.indirect.scatter.add.f32 [tilespmem:s12], [sflag:$0x3], $0x80, s17, s11, $0xb8;
	[tilespmem:$0x1F500] =	vst v63  }
0xb8: {  	_ =	swait.ge [sflag:s8], $0x4000  }
0xb9: {  	[sflag:s8] =	ssyncset.done $0x0  }
0xba: {  	[sflag:s8] =	ssyncadd.s32 $0xFFFFC000  }
0xbb: {  	_ =	swait.ge [sflag:s16], $0x4000  }
0xbc: {  	[sflag:s16] =	ssyncset.done $0x0  }
0xbd: {  	[sflag:s16] =	ssyncadd.s32 $0xFFFFC000  }
0xbe: {  	[spmem:s3] =	stream.indirect.scatter.add.f32 [tilespmem:s13], [sflag:$0x3], $0x80, s18, s11, $0xb8;
	[tilespmem:$0x1F500] =	vst v63  }
0xbf: {  	_ =	swait.ge [sflag:s8], $0x4000  }
0xc0: {  	[sflag:s8] =	ssyncset.done $0x0  }
0xc1: {  	s19 =	simm.s32 $0x0;
	s21 =	rddreg [dreg:$0x6];
	[sflag:s8] =	ssyncadd.s32 $0xFFFFC000  }
0xc2: {  	[tilespmem:s19], [sflag:$0x3] =	stream.linear.gather [hbm4b:s21+s19], $0x1400, $0x38;
	[tilespmem:$0x1F500] =	vst v63  }
0xc3: {  	_ =	swait.ge [sflag:s8], $0x1400  }
0xc4: {  	[sflag:s8] =	ssyncset.done $0x0  }
0xc5: {  	s21 =	rddreg [dreg:$0x7];
	[sflag:s8] =	ssyncadd.s32 $0xFFFFEC00  }
0xc6: {  	[tilespmem:s10], [sflag:$0x3] =	stream.linear.gather [hbm4b:s21+s19], $0x1400, $0x38;
	[tilespmem:$0x1F500] =	vst v63  }
0xc7: {  	_ =	swait.ge [sflag:s8], $0x1400  }
0xc8: {  	[sflag:s8] =	ssyncset.done $0x0  }
0xc9: {  	[sflag:s8] =	ssyncadd.s32 $0xFFFFEC00  }
0xca: {  	[tilespmem:s12], [sflag:$0x1] =	stream.indirect.gather [hbm4b:s1+s11], $0x80, s19, s11, $0xb8;
	[tilespmem:$0x1F500] =	vst v63  }
0xcb: {  	_ = 	snop  }
0xcc: {  	[tilespmem:s13], [sflag:$0x2] =	stream.indirect.gather [hbm4b:s1+s11], $0x80, s11, s11, $0xb8;
	[tilespmem:$0x1F500] =	vst v63  }
0xcd: {  	_ =	swait.ge [sflag:s14], $0x4000  }
0xce: {  	[sflag:s14] =	ssyncset.done $0x0  }
0xcf: {  	s21 =	simm.s32 $0x1400;
	[sflag:s14] =	ssyncadd.s32 $0xFFFFC000  }
0xd0: {  	[spmem:s3] =	stream.indirect.scatter.add.f32 [tilespmem:s12], [sflag:$0x3], $0x80, s21, s11, $0xb8;
	[tilespmem:$0x1F500] =	vst v63  }
0xd1: {  	_ =	swait.ge [sflag:s8], $0x4000  }
0xd2: {  	[sflag:s8] =	ssyncset.done $0x0  }
0xd3: {  	s20 =	simm.s32 $0x100;
	[sflag:s8] =	ssyncadd.s32 $0xFFFFC000  }
0xd4: {  	[tilespmem:s12], [sflag:$0x1] =	stream.indirect.gather [hbm4b:s1+s11], $0x80, s20, s11, $0xb8;
	[tilespmem:$0x1F500] =	vst v63  }
0xd5: {  	_ =	swait.ge [sflag:s16], $0x4000  }
0xd6: {  	[sflag:s16] =	ssyncset.done $0x0  }
0xd7: {  	s21 =	simm.s32 $0x1480;
	[sflag:s16] =	ssyncadd.s32 $0xFFFFC000  }
0xd8: {  	[spmem:s3] =	stream.indirect.scatter.add.f32 [tilespmem:s13], [sflag:$0x3], $0x80, s21, s11, $0xb8;
	[tilespmem:$0x1F500] =	vst v63  }
0xd9: {  	_ =	swait.ge [sflag:s8], $0x4000  }
0xda: {  	[sflag:s8] =	ssyncset.done $0x0  }
0xdb: {  	s19 =	simm.s32 $0x400;
	s20 =	simm.s32 $0x180;
	[sflag:s8] =	ssyncadd.s32 $0xFFFFC000  }
.LBB2_6:
0xdc: {  	[tilespmem:s13], [sflag:$0x2] =	stream.indirect.gather [hbm4b:s1+s11], $0x80, s20, s11, $0xb8;
	[tilespmem:$0x1F500] =	vst v63  }
0xdd: {  	s20 =	smov.u32 s19  }
0xde: {  	p1 =	sne.s32 s19, $0x4800;
	s19 =	sadd.s32 $0x400, s19;
	_ =	swait.ge [sflag:s14], $0x4000  }
0xdf: {  	s20 =	sshra.s32 s20, $0x2;
	[sflag:s14] =	ssyncset.done $0x0  }
0xe0: {  	s21 =	sadd.s32 $0x1400, s20;
	[sflag:s14] =	ssyncadd.s32 $0xFFFFC000  }
0xe1: {  	[spmem:s3] =	stream.indirect.scatter.add.f32 [tilespmem:s12], [sflag:$0x3], $0x80, s21, s11, $0xb8;
	[tilespmem:$0x1F500] =	vst v63  }
0xe2: {  	_ =	swait.ge [sflag:s8], $0x4000  }
0xe3: {  	[sflag:s8] =	ssyncset.done $0x0  }
0xe4: {  	s21 =	sadd.s32 $0x100, s20;
	[sflag:s8] =	ssyncadd.s32 $0xFFFFC000  }
0xe5: {  	[tilespmem:s12], [sflag:$0x1] =	stream.indirect.gather [hbm4b:s1+s11], $0x80, s21, s11, $0xb8;
	[tilespmem:$0x1F500] =	vst v63  }
0xe6: {  	_ =	swait.ge [sflag:s16], $0x4000  }
0xe7: {  	[sflag:s16] =	ssyncset.done $0x0  }
.Ltmp2:
0xe8: {  	s21 =	sadd.s32 $0x1480, s20;
	[sflag:s16] =	ssyncadd.s32 $0xFFFFC000;
	(pc) =	sbr.rel @p1 .LBB2_6-.Ltmp2, $4  }
0xe9: {  	[spmem:s3] =	stream.indirect.scatter.add.f32 [tilespmem:s13], [sflag:$0x3], $0x80, s21, s11, $0xb8;
	[tilespmem:$0x1F500] =	vst v63  }
0xea: {  	_ =	swait.ge [sflag:s8], $0x4000  }
0xeb: {  	[sflag:s8] =	ssyncset.done $0x0  }
0xec: {  	s20 =	sadd.s32 $0x180, s20;
	[sflag:s8] =	ssyncadd.s32 $0xFFFFC000  }
0xed: {  	[tilespmem:s13], [sflag:$0x2] =	stream.indirect.gather [hbm4b:s1+s11], $0x80, s20, s11, $0xb8;
	[tilespmem:$0x1F500] =	vst v63  }
0xee: {  	_ =	swait.ge [sflag:s14], $0x4000  }
0xef: {  	[sflag:s14] =	ssyncset.done $0x0  }
0xf0: {  	[sflag:s14] =	ssyncadd.s32 $0xFFFFC000  }
0xf1: {  	[spmem:s3] =	stream.indirect.scatter.add.f32 [tilespmem:s12], [sflag:$0x3], $0x80, s17, s11, $0xb8;
	[tilespmem:$0x1F500] =	vst v63  }
0xf2: {  	_ =	swait.ge [sflag:s8], $0x4000  }
0xf3: {  	[sflag:s8] =	ssyncset.done $0x0  }
0xf4: {  	[sflag:s8] =	ssyncadd.s32 $0xFFFFC000  }
0xf5: {  	_ =	swait.ge [sflag:s16], $0x4000  }
0xf6: {  	[sflag:s16] =	ssyncset.done $0x0  }
0xf7: {  	[sflag:s16] =	ssyncadd.s32 $0xFFFFC000  }
0xf8: {  	[spmem:s3] =	stream.indirect.scatter.add.f32 [tilespmem:s13], [sflag:$0x3], $0x80, s18, s11, $0xb8;
	[tilespmem:$0x1F500] =	vst v63  }
0xf9: {  	_ =	swait.ge [sflag:s8], $0x4000  }
0xfa: {  	[sflag:s8] =	ssyncset.done $0x0  }
0xfb: {  	s19 =	stileid.u32;
	[sflag:s8] =	ssyncadd.s32 $0xFFFFC000  }
0xfc: {  	s19 =	sshll.u32 s19, $0x6;
	[bflag:$0x0] =	sbarrier.arrive $0xFFFF  }
0xfd: {  	s20 =	sshrl.u32 s9, $0x3;
	s19 =	sor.u32 $0x1C03, s19;
	s21 =	rddreg [dreg:$0xf]  }
0xfe: {  	[hbm:s21], [sflag:s19] =	dma.local [spmem:s20], $0xC80  }
0xff: {  	_ =	swait.ge [sflag:s8], $0xC80  }
0x100: {  	[sflag:s8] =	ssyncset.done $0x0  }
0x101: {  	s20 =	sshrl.u32 s15, $0x3;
	s21 =	rddreg [dreg:$0x10];
	[sflag:s8] =	ssyncadd.s32 $0xFFFFF380  }
0x102: {  	[hbm:s21], [sflag:s19] =	dma.local [spmem:s20], $0xC80  }
0x103: {  	_ =	swait.ge [sflag:s8], $0xC80  }
0x104: {  	[sflag:s8] =	ssyncset.done $0x0  }
0x105: {  	s20 =	sshrl.u32 s23, $0x3;
	s21 =	rddreg [dreg:$0x11];
	[sflag:s8] =	ssyncadd.s32 $0xFFFFF380  }
0x106: {  	[hbm:s21], [sflag:s19] =	dma.local [spmem:s20], $0xC80  }
0x107: {  	_ =	swait.ge [sflag:s8], $0xC80  }
0x108: {  	[sflag:s8] =	ssyncset.done $0x0  }
0x109: {  	s20 =	sshrl.u32 @!p0 s25, $0x3;
	s21 =	rddreg [dreg:$0x12];
	[sflag:s8] =	ssyncadd.s32 $0xFFFFF380  }
0x10a: {  	[hbm:s21], [sflag:s19] =	dma.local @!p0 [spmem:s20], $0xC80  }
0x10b: {  	s19 =	simm.s32 @!p0 $0x3  }
0x10c: {  	_ =	swait.ge @!p0 [sflag:s19], $0xC80  }
0x10d: {  	s4 =	sadd.s32 $0x1, s4;
	s21 =	rddreg [dreg:$0x8]  }
0x10e: {  	p1 =	sne.s32 s4, s21  }
.Ltmp3:
0x10f: {  	_ = 	snop;
	(pc) =	sbr.rel @p1 .LBB2_1-.Ltmp3, $3  }
0x110: {  	_ =	sdelay $0x1  }
0x111: {  	[sflag:s19] =	ssyncset.done @!p0 $0x0  }
0x112: {  	[sflag:s19] =	ssyncadd.s32 @!p0 $0xFFFFF380  }
0x113: {  	_ =	sfence.sel $0x180000  }
0x114: {  	[bflag:$0x0] =	sbarrier.arrive $0xFFFF  }
0x115: {  	_ =	strace $0x90000047  }
0x116: {  	s0 =	stileid.u32;
	[bflag:$0x2] =	sbarrier.arrive $0xFFFF  }
0x117: {  	p0 =	sne.s32 s0, $0x0;
	s0 =	rddreg [dreg:$0x3]  }
0x118: {  	s0 =	sadd.s32 @!p0 $0x100000, s0  }
0x119: {  	[sflag:s0] =	ssyncadd.tile.s32 @!p0 $0x1;
	_ =	shalt  }
.Lfunc_end2:
_tile_overlayer_lowered:
.L_overlay_start_2:
0x11a: {  	(tag) =	ssettag $0x2  }
0x11b: {  	s0 =	rddreg [dreg:$0x0];
	s2 =	stileid.u32  }
0x11c: {  	s1 =	rddreg [dreg:$0x1];
	p0 =	sne.s32 s2, $0x0  }
0x11d: {  	s3 =	rddreg [dreg:$0x2];
	[bflag:$0x3] =	sbarrier.arrive $0xFFFF;
	s2 =	simm.s32 @!p0 $0x1C03  }
0x11e: {  	[timem:s3], [sflag:s2] =	dma.local @!p0 [hbm:s0], s1  }
0x11f: {  	s0 =	simm.s32 @!p0 $0x3  }
0x120: {  	_ =	swait.ge @!p0 [sflag:s0], s1  }
0x121: {  	s1 =	ssub.s32 @!p0 $0x0, s1;
	[sflag:s0] =	ssyncset.done @!p0 $0x0  }
0x122: {  	[sflag:s0] =	ssyncadd.s32 @!p0 s1  }
0x123: {  	[bflag:$0x3] =	sbarrier.arrive $0xFFFF  }
0x124: {  	_ =	shalt  }

// kernel: kernel.15.cloned.1.call-start
scs
__scs_entry_jumppad:
0x0: {  	(pc) =	sbr.rel $0x88, $3  }
0x1: {  	(tag) =	ssettag $0x0;
	lr =	simm.s32 $0x1  }
0x2: {  	[smem:$0x3F94] =	sst lr;
	_ =	strace $0xD0000000  }
0x3: {  	_ = 	snop  }
0x4: {  	_ = 	snop  }
0x5: {  	_ = 	snop  }
0x6: {  	_ = 	snop  }
0x7: {  	_ = 	snop  }
__scs_overlays_trampoline_lowered:
0x8: {  	[smem:$0x3FA3] =	sst s0  }
0x9: {  	[smem:$0x3FA4] =	sst s1  }
0xa: {  	[smem:$0x3FA5] =	sst s2  }
0xb: {  	[smem:$0x3FA6] =	sst s3  }
0xc: {  	[smem:$0x3FA7] =	sst s4  }
0xd: {  	[smem:$0x3FA8] =	sst s5  }
0xe: {  	[smem:$0x3FA9] =	sst s6  }
0xf: {  	[smem:$0x3FAA] =	sst s7  }
0x10: {  	[smem:$0x3FAB] =	sst s8  }
0x11: {  	[smem:$0x3FAC] =	sst s9;
	s0 =	simm.s32 @!p0 $0x0  }
0x12: {  	s1 =	sld [smem:$0x3F92];
	s0 =	simm.s32 @p0 $0x1  }
0x13: {  	[smem:$0x3FAD] =	sst s0;
	s0 =	simm.s32 @!p1 $0x0  }
0x14: {  	s2 =	sld [smem:$0x3F91];
	s0 =	simm.s32 @p1 $0x1  }
0x15: {  	[smem:$0x3FAE] =	sst s0;
	s0 =	simm.s32 @!p2 $0x0  }
0x16: {  	s3 =	sld [smem:$0x3FDB];
	s0 =	simm.s32 @p2 $0x1  }
0x17: {  	s4 =	simm.s32 $0x1BF5;
	[smem:$0x3FB0] =	sst s0  }
0x18: {  	s0 =	sld [smem:$0x3F93];
	_ =	swait.ge [sflag:s4], $0x0  }
0x19: {  	s7 =	sld [smem:$0x3F94]  }
0x1a: {  	s8 =	sadd.s32 $0xFFFFE003, lr  }
0x1b: {  	s9 =	sadd.s32 $0xFFFFFEF7, lr;
	s5 =	simm.s32 $0xFFFFFFFF;
	p2 =	slt.u32 s8, $0xFFFFF086  }
0x1c: {  	p1 =	slt.u32 s9, $0xF7A;
	s5 =	simm.s32 @!p2 $0x0  }
0x1d: {  	s5 =	simm.s32 @p1 $0x1;
	p0 =	seq.s32 s7, s2  }
0x1e: {  	s7 =	smul.u32 @!p0 $0xF7A, s2;
	p2 =	seq.s32 @!p0 s5, $0x0  }
0x1f: {  	s9 =	smul.u32 $0xF7A, s1;
	s8 =	simm.s32 @!p0 $0x1BF5;
	p2 =	por !p2, p0  }
0x20: {  	[sflag:s8] =	ssyncset.s32 @!p0 $0xFFFFF086;
	s6 =	sadd.s32 @!p0 s3, s7;
	s7 =	simm.s32 @!p0 $0x108  }
0x21: {  	s3 =	sadd.s32 s3, s9;
	s6 =	sadd.s32 @!p0 $0x88, s6;
	s7 =	simm.s32 @p2 $0x1082  }
0x22: {  	[simem:s7], [sflag:s8] =	dma.local @!p0 [hbm:s6], $0xF7A  }
0x23: {  	s9 =	sor.u32 $0xD0000000, s2;
	s6 =	simm.s32 $0x108;
	_ =	swait.ge @!p0 [sflag:s8], $0x0  }
0x24: {  	s3 =	sadd.s32 $0x88, s3;
	s6 =	simm.s32 @!p1 $0x1082;
	[sflag:s4] =	ssyncset.s32 $0xFFFFF086  }
0x25: {  	[simem:s6], [sflag:s4] =	dma.local [hbm:s3], $0xF7A  }
0x26: {  	[smem:$0x3F94] =	sst s1;
	(tag) =	ssettag s2;
	_ =	strace s9  }
0x27: {  	s1 =	sld [smem:$0x3FA4]  }
0x28: {  	s2 =	sld [smem:$0x3FA5]  }
0x29: {  	s4 =	sld [smem:$0x3FA7]  }
0x2a: {  	p0 =	seq.s32 s5, $0x0;
	s5 =	sld [smem:$0x3FA8]  }
0x2b: {  	s6 =	sld [smem:$0x3FA9]  }
0x2c: {  	s7 =	sld [smem:$0x3FAA]  }
0x2d: {  	s3 =	simm.s32 $0x108;
	s8 =	sld [smem:$0x3FAB]  }
0x2e: {  	s3 =	simm.s32 @!p0 $0x1082;
	s9 =	sld [smem:$0x3FAC]  }
0x2f: {  	lr =	sadd.s32 s0, s3;
	s0 =	sld [smem:$0x3FA3]  }
0x30: {  	s3 =	sld [smem:$0x3FA6]  }
0x31: {  	[smem:$0x3FAF] =	sst s10  }
0x32: {  	s10 =	sld [smem:$0x3FAD];
	_ =	sdelay $0x3  }
0x33: {  	p0 =	seq.s32 s10, $0x1;
	s10 =	sld [smem:$0x3FAF];
	_ =	sdelay $0x3  }
0x34: {  	[smem:$0x3FAF] =	sst s10  }
0x35: {  	s10 =	sld [smem:$0x3FAE];
	_ =	sdelay $0x3  }
0x36: {  	p1 =	seq.s32 s10, $0x1;
	s10 =	sld [smem:$0x3FAF];
	_ =	sdelay $0x3  }
0x37: {  	[smem:$0x3FAF] =	sst s10  }
0x38: {  	s10 =	sld [smem:$0x3FB0]  }
0x39: {  	_ = 	snop;
	(pc) =	sbr.ind lr, $3  }
0x3a: {  	_ = 	snop  }
0x3b: {  	_ = 	snop  }
0x3c: {  	p2 =	seq.s32 s10, $0x1;
	s10 =	sld [smem:$0x3FAF]  }
0x3d: {  	_ =	shalt  }
0x3e: {  	_ =	shalt  }
0x3f: {  	_ =	shalt  }
0x40: {  	_ =	shalt  }
0x41: {  	_ =	shalt  }
0x42: {  	_ =	shalt  }
0x43: {  	_ =	shalt  }
0x44: {  	_ =	shalt  }
0x45: {  	_ =	shalt  }
0x46: {  	_ =	shalt  }
0x47: {  	_ =	shalt  }
0x48: {  	_ =	shalt  }
0x49: {  	_ =	shalt  }
0x4a: {  	_ =	shalt  }
0x4b: {  	_ =	shalt  }
0x4c: {  	_ =	shalt  }
0x4d: {  	_ =	shalt  }
0x4e: {  	_ =	shalt  }
0x4f: {  	_ =	shalt  }
0x50: {  	_ =	shalt  }
0x51: {  	_ =	shalt  }
0x52: {  	_ =	shalt  }
0x53: {  	_ =	shalt  }
0x54: {  	_ =	shalt  }
0x55: {  	_ =	shalt  }
0x56: {  	_ =	shalt  }
0x57: {  	_ =	shalt  }
0x58: {  	_ =	shalt  }
0x59: {  	_ =	shalt  }
0x5a: {  	_ =	shalt  }
0x5b: {  	_ =	shalt  }
0x5c: {  	_ =	shalt  }
0x5d: {  	_ =	shalt  }
0x5e: {  	_ =	shalt  }
0x5f: {  	_ =	shalt  }
0x60: {  	_ =	shalt  }
0x61: {  	_ =	shalt  }
0x62: {  	_ =	shalt  }
0x63: {  	_ =	shalt  }
0x64: {  	_ =	shalt  }
0x65: {  	_ =	shalt  }
0x66: {  	_ =	shalt  }
0x67: {  	_ =	shalt  }
0x68: {  	_ =	shalt  }
0x69: {  	_ =	shalt  }
0x6a: {  	_ =	shalt  }
0x6b: {  	_ =	shalt  }
0x6c: {  	_ =	shalt  }
0x6d: {  	_ =	shalt  }
0x6e: {  	_ =	shalt  }
0x6f: {  	_ =	shalt  }
0x70: {  	_ =	shalt  }
0x71: {  	_ =	shalt  }
0x72: {  	_ =	shalt  }
0x73: {  	_ =	shalt  }
0x74: {  	_ =	shalt  }
0x75: {  	_ =	shalt  }
0x76: {  	_ =	shalt  }
0x77: {  	_ =	shalt  }
0x78: {  	_ =	shalt  }
0x79: {  	_ =	shalt  }
0x7a: {  	_ =	shalt  }
0x7b: {  	_ =	shalt  }
0x7c: {  	_ =	shalt  }
0x7d: {  	_ =	shalt  }
0x7e: {  	_ =	shalt  }
0x7f: {  	_ =	shalt  }
0x80: {  	_ =	shalt  }
0x81: {  	_ =	shalt  }
0x82: {  	_ =	shalt  }
0x83: {  	_ =	shalt  }
0x84: {  	_ =	shalt  }
0x85: {  	_ =	shalt  }
0x86: {  	_ =	shalt  }
0x87: {  	_ =	shalt  }
.Lfunc_end0:
.L_simem_size_0:
called_computation.2_lowered:
.L_overlay_start_0:
0x88: {  	s2 =	sld [smem:$0x3FD9]  }
0x89: {  	s3 =	sld [smem:$0x3FFE];
	_ =	sdelay $0x1  }
0x8a: {  	s1 =	srdreg.scid  }
0x8b: {  	s0 =	sand.u32 $0x1, s1  }
0x8c: {  	s16 =	sshll.u32 s0, $0xA;
	s2 =	sadd.s32 s3, s2  }
0x8d: {  	s2 =	sadd.s32 s2, s16  }
0x8e: {  	[smem:$0x3FBB] =	sst s2  }
0x8f: {  	_ = 	snop  }
0x90: {  	(tm) =	ssettm $0x1  }
0x91: {  	s17 =	sld [smem:$0x3FFB];
	_ =	sdelay $0x3  }
0x92: {  	_ =	strace s17  }
0x93: {  	s2 =	sld [smem:$0x3FFC];
	_ =	sdelay $0x3  }
0x94: {  	_ =	strace s2  }
0x95: {  	s2 =	sld [smem:$0x3FFD];
	_ =	sdelay $0x3  }
0x96: {  	_ =	strace s2  }
0x97: {  	_ =	strace $0x8FFFFFFF  }
0x98: {  	s18 =	sld [smem:$0x3FDB];
	_ =	sdelay $0x1  }
0x99: {  	s19 =	simm.s32 $_scs_section_size  }
0x9a: {  	s4 =	simm.s32 $_size__tile_overlayer_lowered;
	s5 =	simm.s32 $_tile_overlayer_lowered  }
0x9b: {  	s22 =	simm.s32 $0x1BFF;
	s21 =	sshll.u32 s5, $0x1;
	s2 =	sadd.s32 s19, s18  }
0x9c: {  	s6 =	simm.s32 $0x0;
	s20 =	sshll.u32 s4, $0x1;
	s4 =	sadd.s32 s21, s2  }
0x9d: {  	[timem:s6], [sflag:s22] =	dma.local [hbm:s4], s20  }
0x9e: {  	_ =	swait.ge [sflag:s22], s20  }
0x9f: {  	s3 =	ssub.s32 $0x0, s20;
	[sflag:s22] =	ssyncset.done $0x0  }
0xa0: {  	[sflag:s22] =	ssyncadd.s32 s3;
	_ =	sdelay $0x1  }
0xa1: {  	s23 =	simm.s32 $0x1B8B  }
0xa2: {  	_ =	swait.ge [sflag:s23], $0x1  }
0xa3: {  	[sflag:s23] =	ssyncset.done $0x0  }
0xa4: {  	s25 =	simm.s32 $0x1B8E;
	s24 =	sld [smem:$0x3FFE];
	[sflag:s23] =	ssyncadd.s32 $0xFFFFFFFF  }
0xa5: {  	s26 =	simm.s32 $execute0_lowered;
	[smem:$0x3FD2] =	sst s25  }
0xa6: {  	s4 =	sshll.u32 s26, $0x1;
	_ =	strace $0x8000004C;
	[dreg:$0x1] =	wrdreg $0xFFFFFFFF  }
0xa7: {  	s28 =	simm.s32 $_size_execute0_lowered;
	s2 =	sadd.s32 s2, s4;
	[dreg:$0x0] =	wrdreg $0x0  }
0xa8: {  	s4 =	sshll.u32 s28, $0x1;
	[dreg:$0x2] =	wrdreg s2  }
0xa9: {  	[dreg:$0x3] =	wrdreg s4  }
0xaa: {  	[dreg:$0x4] =	wrdreg $0xC0  }
0xab: {  	_ =	task [dreg:s6], $0x5FFFF  }
0xac: {  	[dreg:$0x1] =	wrdreg $0xFFFFFFFF  }
0xad: {  	[dreg:$0x0] =	wrdreg $0x60  }
0xae: {  	[dreg:$0x2] =	wrdreg s24  }
0xaf: {  	[dreg:$0x3] =	wrdreg $0xBC000  }
0xb0: {  	[dreg:$0x4] =	wrdreg $0x9  }
0xb1: {  	_ =	task.clear_ibuf [dreg:s6], $0x5FFFF;
	_ =	strace $0x9000004C  }
0xb2: {  	s29 =	simm.s32 $0x9;
	_ =	strace $0x8000004E  }
0xb3: {  	_ =	swait.ge [sflag:s29], $0x1  }
0xb4: {  	[sflag:s29] =	ssyncadd.s32 $0xFFFFFFFF  }
0xb5: {  	_ =	strace $0x9000004E  }
0xb6: {  	_ =	sfence  }
0xb7: {  	s30 =	sld [smem:$0x0];
	_ =	sdelay $0x2  }
0xb8: {  	s31 =	sshll.u32 s1, $0xD;
	s1 =	sshrl.u32 s1, $0x2  }
0xb9: {  	s3 =	sand.u32 $0x4000, s31;
	s1 =	sadd.s32 s1, s30  }
0xba: {  	s0 =	sor.u32 s3, s0;
	s1 =	sshll.u32 s1, $0x11  }
0xbb: {  	s0 =	sor.u32 s1, s0  }
0xbc: {  	s0 =	sadd.s32 $0x8F2B, s0  }
0xbd: {  	[sflag:s0] =	ssyncadd.remote.s32 $0x1  }
0xbe: {  	_ =	sfence.sel $0xFFFF  }
0xbf: {  	[dreg:$0x0] =	wrdreg $0xFFFFFFFF;
	(pc) =	sbr.abs _section_cstart, $3  }
0xc0: {  	[dreg:$0x1] =	wrdreg $0xFFFFFFFF  }
0xc1: {  	_ =	task.clear_ibuf [dreg:s6], $0x2FFFF;
	_ =	strace $0x9FFFFFFF  }
0xc2: {  	(tm) =	ssettm $0x7FFFFFFF  }
0xc3: {  	_ =	shalt  }
tec
execute0_lowered:
.L_overlay_start_1:
0x0: {  	(tag) =	ssettag $0x1  }
0x1: {  	s0 =	rddreg [dreg:$0x0]  }
0x2: {  	s2 =	rddreg [dreg:$0x1]  }
0x3: {  	s3 =	simm.s32 $0x0;
	s1 =	srdreg.scid;
	s11 =	stileid.u32  }
0x4: {  	[smem:$0x7FF] =	sst s3;
	s1 =	sand.u32 $0x1, s1;
	s5 =	sshll.u32 s11, $0x1  }
0x5: {  	s4 =	sadd.s32 $0x21000, s0;
	s6 =	sadd.s32 $0x17000, s0;
	s20 =	smul.u32 $0x19000, s11  }
0x6: {  	s9 =	sadd.s32 $0xD000, s0;
	s24 =	sor.u32 $0x10, s11;
	s16 =	smul.u32 $0x6400, s11  }
0x7: {  	s5 =	sor.u32 s1, s5;
	s7 =	ssub.s32 $0x2, s1;
	s1 =	smul.u32 $0x138800, s1  }
0x8: {  	s0 =	sadd.s32 $0x48200, s0;
	s26 =	sor.u32 $0x20, s11;
	s25 =	smul.u32 $0x19000, s24  }
0x9: {  	s17 =	sor.u32 $0x30, s11;
	s11 =	simm.s32 $0x80;
	s13 =	smul.u32 $0x19000, s26  }
0xa: {  	_ =	strace $0x8000004D;
	p0 =	sgt.u32 s17, $0x31;
	s8 =	smul.u32 $0x2800, s5  }
0xb: {  	s10 =	sshrl.u32 s7, $0x1;
	s5 =	smul.u32 $0x500, s5;
	s23 =	sshrl.u32 s20, $0x2  }
0xc: {  	s20 =	smul.u32 $0x6400, s17;
	s7 =	ssub.s32 s7, s10;
	s10 =	sadd.s32 s1, s16  }
0xd: {  	s16 =	simm.s32 $0x2;
	s8 =	sshrl.u32 s8, $0x3;
	s19 =	sadd.s32 s6, s5  }
0xe: {  	s5 =	sadd.s32 s9, s5;
	s7 =	smax.u32 s7, $0x1;
	[dreg:$0x3] =	wrdreg s19  }
0xf: {  	s10 =	sshrl.u32 s10, $0x3;
	s8 =	sadd.s32 $0x280, s8;
	[dreg:$0x4] =	wrdreg s5  }
0x10: {  	[dreg:$0x7] =	wrdreg s7;
	s5 =	sshrl.u32 s25, $0x2;
	s10 =	sadd.s32 s0, s10  }
0x11: {  	s25 =	sshrl.u32 s13, $0x2;
	s7 =	simm.s32 $0x4;
	s13 =	simm.s32 $0x6800  }
0x12: {  	s21 =	sadd.s32 s6, s8;
	s22 =	sadd.s32 s9, s8;
	s6 =	smul.u32 $0x6400, s24  }
0x13: {  	s9 =	sadd.s32 s23, s2;
	s8 =	smul.u32 $0x6400, s26;
	[dreg:$0xe] =	wrdreg s10  }
0x14: {  	s23 =	sadd.s32 s25, s2;
	s10 =	simm.s32 $0x1400;
	[dreg:$0x5] =	wrdreg s21  }
0x15: {  	[dreg:$0x6] =	wrdreg s22;
	s12 =	sadd.s32 $0x1400, s9;
	s14 =	sadd.s32 $0x2800, s9  }
0x16: {  	s15 =	sadd.s32 $0x3C00, s9;
	s21 =	smul.u32 $0x19000, s17;
	[dreg:$0x8] =	wrdreg s12  }
0x17: {  	s28 =	sadd.s32 $0x2800, s23;
	s29 =	sadd.s32 $0x3C00, s23;
	[dreg:$0x9] =	wrdreg s14  }
0x18: {  	s30 =	sadd.s32 $0x5000, s23;
	s17 =	simm.s32 $0x2700;
	[dreg:$0xa] =	wrdreg s15  }
0x19: {  	s12 =	sadd.s32 $0x5000, s9;
	s15 =	sadd.s32 s5, s2;
	s6 =	sadd.s32 s1, s6  }
0x1a: {  	s8 =	sadd.s32 s1, s8;
	s1 =	sadd.s32 s1, s20;
	s14 =	simm.s32 $0x1  }
0x1b: {  	[dreg:$0xb] =	wrdreg s12;
	s18 =	sadd.s32 $0x1400, s15;
	s19 =	sadd.s32 $0x2800, s15  }
0x1c: {  	s6 =	sshrl.u32 s6, $0x3;
	s8 =	sshrl.u32 s8, $0x3;
	s1 =	sshrl.u32 s1, $0x3  }
0x1d: {  	s22 =	sadd.s32 $0x3C00, s15;
	s26 =	sshrl.u32 s21, $0x2;
	[dreg:$0xc] =	wrdreg s18  }
0x1e: {  	s12 =	simm.s32 $0x2800;
	[dreg:$0xd] =	wrdreg s19;
	s6 =	sadd.s32 s0, s6  }
0x1f: {  	s24 =	sadd.s32 s0, s8;
	s0 =	sadd.s32 s0, s1;
	[dreg:$0xf] =	wrdreg s6  }
0x20: {  	s25 =	sadd.s32 s26, s2;
	s26 =	sadd.s32 $0x1400, s23;
	[dreg:$0x10] =	wrdreg s24  }
0x21: {  	s8 =	simm.s32 $0x3;
	s18 =	simm.s32 $0x2780;
	[dreg:$0x11] =	wrdreg s0  }
0x22: {  	s24 =	sadd.s32 $0x5000, s15;
	s31 =	sadd.s32 $0x1400, s25;
	s0 =	sadd.s32 $0x2800, s25  }
0x23: {  	v0 =	vimm.f32 $0.0e+00;
	s1 =	sadd.s32 $0x3C00, s25;
	s5 =	sadd.s32 $0x5000, s25;
	s6 =	simm.s32 $0xA800  }
.LBB2_1:
0x24: {  	s19 =	simm.s32 $0x0;
	s20 =	simm.s32 $0x200  }
.LBB2_2:
0x25: {  	p1 =	sne.s32 s20, $0x4E00;
	[tilespmem:s19+$0xA870] =	vst v0  }
0x26: {  	[tilespmem:s19+$0xA800] =	vst v0  }
0x27: {  	[tilespmem:s19+$0xA810] =	vst v0  }
.Ltmp0:
0x28: {  	[tilespmem:s19+$0xA820] =	vst v0;
	(pc) =	sbr.rel @p1 .LBB2_2-.Ltmp0, $4  }
0x29: {  	[tilespmem:s19+$0xA830] =	vst v0  }
0x2a: {  	[tilespmem:s19+$0xA840] =	vst v0  }
0x2b: {  	[tilespmem:s19+$0xA850] =	vst v0  }
0x2c: {  	[tilespmem:s19+$0xA860] =	vst v0;
	s19 =	sshra.s32 s20, $0x2;
	s20 =	sadd.s32 $0x200, s20  }
0x2d: {  	[tilespmem:s19+$0xA870] =	vst v0  }
0x2e: {  	[tilespmem:s19+$0xA800] =	vst v0  }
0x2f: {  	[tilespmem:s19+$0xA810] =	vst v0  }
0x30: {  	[tilespmem:s19+$0xA820] =	vst v0  }
0x31: {  	[tilespmem:s19+$0xA830] =	vst v0  }
0x32: {  	[tilespmem:s19+$0xA840] =	vst v0  }
0x33: {  	[tilespmem:s19+$0xA850] =	vst v0  }
0x34: {  	[tilespmem:s19+$0xA860] =	vst v0  }
0x35: {  	[spmem:s9] =	stream.linear.scatter [tilespmem:s6], [sflag:$0x4], $0x1400, $0x38;
	[tilespmem:$0x1F500] =	vst v63  }
0x36: {  	_ =	swait.ge [sflag:s7], $0x1400  }
0x37: {  	[sflag:s7] =	ssyncset.done $0x0  }
0x38: {  	s21 =	rddreg [dreg:$0x8];
	[sflag:s7] =	ssyncadd.s32 $0xFFFFEC00  }
0x39: {  	[spmem:s21] =	stream.linear.scatter [tilespmem:s6], [sflag:$0x4], $0x1400, $0x38;
	[tilespmem:$0x1F500] =	vst v63  }
0x3a: {  	_ =	swait.ge [sflag:s7], $0x1400  }
0x3b: {  	[sflag:s7] =	ssyncset.done $0x0  }
0x3c: {  	s20 =	rddreg [dreg:$0x9];
	[sflag:s7] =	ssyncadd.s32 $0xFFFFEC00  }
0x3d: {  	[spmem:s20] =	stream.linear.scatter [tilespmem:s6], [sflag:$0x4], $0x1400, $0x38;
	[tilespmem:$0x1F500] =	vst v63  }
0x3e: {  	_ =	swait.ge [sflag:s7], $0x1400  }
0x3f: {  	[sflag:s7] =	ssyncset.done $0x0  }
0x40: {  	s21 =	rddreg [dreg:$0xa];
	[sflag:s7] =	ssyncadd.s32 $0xFFFFEC00  }
0x41: {  	[spmem:s21] =	stream.linear.scatter [tilespmem:s6], [sflag:$0x4], $0x1400, $0x38;
	[tilespmem:$0x1F500] =	vst v63  }
0x42: {  	_ =	swait.ge [sflag:s7], $0x1400  }
0x43: {  	[sflag:s7] =	ssyncset.done $0x0  }
0x44: {  	s20 =	rddreg [dreg:$0xb];
	[sflag:s7] =	ssyncadd.s32 $0xFFFFEC00  }
0x45: {  	[spmem:s20] =	stream.linear.scatter [tilespmem:s6], [sflag:$0x3], $0x1400, $0x38;
	[tilespmem:$0x1F500] =	vst v63  }
0x46: {  	_ =	swait.ge [sflag:s8], $0x1400  }
0x47: {  	[sflag:s8] =	ssyncset.done $0x0  }
0x48: {  	[sflag:s8] =	ssyncadd.s32 $0xFFFFEC00  }
0x49: {  	[spmem:s15] =	stream.linear.scatter [tilespmem:s6], [sflag:$0x4], $0x1400, $0x38;
	[tilespmem:$0x1F500] =	vst v63  }
0x4a: {  	_ =	swait.ge [sflag:s7], $0x1400  }
0x4b: {  	[sflag:s7] =	ssyncset.done $0x0  }
0x4c: {  	s21 =	rddreg [dreg:$0xc];
	[sflag:s7] =	ssyncadd.s32 $0xFFFFEC00  }
0x4d: {  	[spmem:s21] =	stream.linear.scatter [tilespmem:s6], [sflag:$0x4], $0x1400, $0x38;
	[tilespmem:$0x1F500] =	vst v63  }
0x4e: {  	_ =	swait.ge [sflag:s7], $0x1400  }
0x4f: {  	[sflag:s7] =	ssyncset.done $0x0  }
0x50: {  	s20 =	rddreg [dreg:$0xd];
	[sflag:s7] =	ssyncadd.s32 $0xFFFFEC00  }
0x51: {  	[spmem:s20] =	stream.linear.scatter [tilespmem:s6], [sflag:$0x4], $0x1400, $0x38;
	[tilespmem:$0x1F500] =	vst v63  }
0x52: {  	_ =	swait.ge [sflag:s7], $0x1400  }
0x53: {  	[sflag:s7] =	ssyncset.done $0x0  }
0x54: {  	[sflag:s7] =	ssyncadd.s32 $0xFFFFEC00  }
0x55: {  	[spmem:s22] =	stream.linear.scatter [tilespmem:s6], [sflag:$0x4], $0x1400, $0x38;
	[tilespmem:$0x1F500] =	vst v63  }
0x56: {  	_ =	swait.ge [sflag:s7], $0x1400  }
0x57: {  	[sflag:s7] =	ssyncset.done $0x0  }
0x58: {  	[sflag:s7] =	ssyncadd.s32 $0xFFFFEC00  }
0x59: {  	[spmem:s24] =	stream.linear.scatter [tilespmem:s6], [sflag:$0x3], $0x1400, $0x38;
	[tilespmem:$0x1F500] =	vst v63  }
0x5a: {  	_ =	swait.ge [sflag:s8], $0x1400  }
0x5b: {  	[sflag:s8] =	ssyncset.done $0x0  }
0x5c: {  	[sflag:s8] =	ssyncadd.s32 $0xFFFFEC00  }
0x5d: {  	[spmem:s23] =	stream.linear.scatter [tilespmem:s6], [sflag:$0x4], $0x1400, $0x38;
	[tilespmem:$0x1F500] =	vst v63  }
0x5e: {  	_ =	swait.ge [sflag:s7], $0x1400  }
0x5f: {  	[sflag:s7] =	ssyncset.done $0x0  }
0x60: {  	[sflag:s7] =	ssyncadd.s32 $0xFFFFEC00  }
0x61: {  	[spmem:s26] =	stream.linear.scatter [tilespmem:s6], [sflag:$0x4], $0x1400, $0x38;
	[tilespmem:$0x1F500] =	vst v63  }
0x62: {  	_ =	swait.ge [sflag:s7], $0x1400  }
0x63: {  	[sflag:s7] =	ssyncset.done $0x0  }
0x64: {  	[sflag:s7] =	ssyncadd.s32 $0xFFFFEC00  }
0x65: {  	[spmem:s28] =	stream.linear.scatter [tilespmem:s6], [sflag:$0x4], $0x1400, $0x38;
	[tilespmem:$0x1F500] =	vst v63  }
0x66: {  	_ =	swait.ge [sflag:s7], $0x1400  }
0x67: {  	[sflag:s7] =	ssyncset.done $0x0  }
0x68: {  	[sflag:s7] =	ssyncadd.s32 $0xFFFFEC00  }
0x69: {  	[spmem:s29] =	stream.linear.scatter [tilespmem:s6], [sflag:$0x4], $0x1400, $0x38;
	[tilespmem:$0x1F500] =	vst v63  }
0x6a: {  	_ =	swait.ge [sflag:s7], $0x1400  }
0x6b: {  	[sflag:s7] =	ssyncset.done $0x0  }
0x6c: {  	[sflag:s7] =	ssyncadd.s32 $0xFFFFEC00  }
0x6d: {  	[spmem:s30] =	stream.linear.scatter [tilespmem:s6], [sflag:$0x3], $0x1400, $0x38;
	[tilespmem:$0x1F500] =	vst v63  }
0x6e: {  	_ =	swait.ge [sflag:s8], $0x1400  }
0x6f: {  	[sflag:s8] =	ssyncset.done $0x0  }
0x70: {  	s19 =	simm.s32 @!p0 $0xA800;
	s20 =	simm.s32 @!p0 $0x4;
	[sflag:s8] =	ssyncadd.s32 $0xFFFFEC00  }
0x71: {  	[spmem:s25] =	stream.linear.scatter @!p0 [tilespmem:s19], [sflag:$0x4], $0x1400, $0x38;
	[tilespmem:$0x1F500] =	vst v63  }
0x72: {  	_ =	swait.ge @!p0 [sflag:s20], $0x1400  }
0x73: {  	[sflag:s20] =	ssyncset.done @!p0 $0x0  }
0x74: {  	[sflag:s20] =	ssyncadd.s32 @!p0 $0xFFFFEC00  }
0x75: {  	[spmem:s31] =	stream.linear.scatter @!p0 [tilespmem:s19], [sflag:$0x4], $0x1400, $0x38;
	[tilespmem:$0x1F500] =	vst v63  }
0x76: {  	_ =	swait.ge @!p0 [sflag:s20], $0x1400  }
0x77: {  	[sflag:s20] =	ssyncset.done @!p0 $0x0  }
0x78: {  	[sflag:s20] =	ssyncadd.s32 @!p0 $0xFFFFEC00  }
0x79: {  	[spmem:s0] =	stream.linear.scatter @!p0 [tilespmem:s19], [sflag:$0x4], $0x1400, $0x38;
	[tilespmem:$0x1F500] =	vst v63  }
0x7a: {  	_ =	swait.ge @!p0 [sflag:s20], $0x1400  }
0x7b: {  	[sflag:s20] =	ssyncset.done @!p0 $0x0  }
0x7c: {  	[sflag:s20] =	ssyncadd.s32 @!p0 $0xFFFFEC00  }
0x7d: {  	[spmem:s1] =	stream.linear.scatter @!p0 [tilespmem:s19], [sflag:$0x4], $0x1400, $0x38;
	[tilespmem:$0x1F500] =	vst v63  }
0x7e: {  	_ =	swait.ge @!p0 [sflag:s20], $0x1400  }
0x7f: {  	[sflag:s20] =	ssyncset.done @!p0 $0x0  }
0x80: {  	[sflag:s20] =	ssyncadd.s32 @!p0 $0xFFFFEC00  }
0x81: {  	[spmem:s5] =	stream.linear.scatter @!p0 [tilespmem:s19], [sflag:$0x3], $0x1400, $0x38;
	[tilespmem:$0x1F500] =	vst v63  }
0x82: {  	s19 =	simm.s32 @!p0 $0x3  }
0x83: {  	_ =	swait.ge @!p0 [sflag:s19], $0x1400  }
0x84: {  	[sflag:s19] =	ssyncset.done @!p0 $0x0  }
0x85: {  	[sflag:s19] =	ssyncadd.s32 @!p0 $0xFFFFEC00  }
0x86: {  	[bflag:$0x0] =	sbarrier.arrive $0xFFFF  }
0x87: {  	s19 =	simm.s32 $0x0;
	s21 =	rddreg [dreg:$0x3]  }
0x88: {  	[tilespmem:s19], [sflag:$0x3] =	stream.linear.gather [hbm4b:s21+s19], $0x1400, $0x38;
	[tilespmem:$0x1F500] =	vst v63  }
0x89: {  	_ =	swait.ge [sflag:s8], $0x1400  }
0x8a: {  	[sflag:s8] =	ssyncset.done $0x0  }
0x8b: {  	s21 =	rddreg [dreg:$0x4];
	[sflag:s8] =	ssyncadd.s32 $0xFFFFEC00  }
0x8c: {  	[tilespmem:s10], [sflag:$0x3] =	stream.linear.gather [hbm4b:s21+s19], $0x1400, $0x38;
	[tilespmem:$0x1F500] =	vst v63  }
0x8d: {  	_ =	swait.ge [sflag:s8], $0x1400  }
0x8e: {  	[sflag:s8] =	ssyncset.done $0x0  }
0x8f: {  	[sflag:s8] =	ssyncadd.s32 $0xFFFFEC00  }
0x90: {  	[tilespmem:s12], [sflag:$0x1] =	stream.indirect.gather [hbm4b:s4+s11], $0x80, s19, s11, $0xb8;
	[tilespmem:$0x1F500] =	vst v63  }
0x91: {  	_ = 	snop  }
0x92: {  	[tilespmem:s13], [sflag:$0x2] =	stream.indirect.gather [hbm4b:s4+s11], $0x80, s11, s11, $0xb8;
	[tilespmem:$0x1F500] =	vst v63  }
0x93: {  	_ =	swait.ge [sflag:s14], $0x4000  }
0x94: {  	[sflag:s14] =	ssyncset.done $0x0  }
0x95: {  	s21 =	simm.s32 $0x1400;
	[sflag:s14] =	ssyncadd.s32 $0xFFFFC000  }
0x96: {  	[spmem:s2] =	stream.indirect.scatter.add.f32 [tilespmem:s12], [sflag:$0x3], $0x80, s21, s11, $0xb8;
	[tilespmem:$0x1F500] =	vst v63  }
0x97: {  	_ =	swait.ge [sflag:s8], $0x4000  }
0x98: {  	[sflag:s8] =	ssyncset.done $0x0  }
0x99: {  	s20 =	simm.s32 $0x100;
	[sflag:s8] =	ssyncadd.s32 $0xFFFFC000  }
0x9a: {  	[tilespmem:s12], [sflag:$0x1] =	stream.indirect.gather [hbm4b:s4+s11], $0x80, s20, s11, $0xb8;
	[tilespmem:$0x1F500] =	vst v63  }
0x9b: {  	_ =	swait.ge [sflag:s16], $0x4000  }
0x9c: {  	[sflag:s16] =	ssyncset.done $0x0  }
0x9d: {  	s21 =	simm.s32 $0x1480;
	[sflag:s16] =	ssyncadd.s32 $0xFFFFC000  }
0x9e: {  	[spmem:s2] =	stream.indirect.scatter.add.f32 [tilespmem:s13], [sflag:$0x3], $0x80, s21, s11, $0xb8;
	[tilespmem:$0x1F500] =	vst v63  }
0x9f: {  	_ =	swait.ge [sflag:s8], $0x4000  }
0xa0: {  	[sflag:s8] =	ssyncset.done $0x0  }
0xa1: {  	s19 =	simm.s32 $0x400;
	s20 =	simm.s32 $0x180;
	[sflag:s8] =	ssyncadd.s32 $0xFFFFC000  }
.LBB2_4:
0xa2: {  	[tilespmem:s13], [sflag:$0x2] =	stream.indirect.gather [hbm4b:s4+s11], $0x80, s20, s11, $0xb8;
	[tilespmem:$0x1F500] =	vst v63  }
0xa3: {  	s20 =	smov.u32 s19  }
0xa4: {  	p1 =	sne.s32 s19, $0x4800;
	s19 =	sadd.s32 $0x400, s19;
	_ =	swait.ge [sflag:s14], $0x4000  }
0xa5: {  	s20 =	sshra.s32 s20, $0x2;
	[sflag:s14] =	ssyncset.done $0x0  }
0xa6: {  	s21 =	sadd.s32 $0x1400, s20;
	[sflag:s14] =	ssyncadd.s32 $0xFFFFC000  }
0xa7: {  	[spmem:s2] =	stream.indirect.scatter.add.f32 [tilespmem:s12], [sflag:$0x3], $0x80, s21, s11, $0xb8;
	[tilespmem:$0x1F500] =	vst v63  }
0xa8: {  	_ =	swait.ge [sflag:s8], $0x4000  }
0xa9: {  	[sflag:s8] =	ssyncset.done $0x0  }
0xaa: {  	s21 =	sadd.s32 $0x100, s20;
	[sflag:s8] =	ssyncadd.s32 $0xFFFFC000  }
0xab: {  	[tilespmem:s12], [sflag:$0x1] =	stream.indirect.gather [hbm4b:s4+s11], $0x80, s21, s11, $0xb8;
	[tilespmem:$0x1F500] =	vst v63  }
0xac: {  	_ =	swait.ge [sflag:s16], $0x4000  }
0xad: {  	[sflag:s16] =	ssyncset.done $0x0  }
.Ltmp1:
0xae: {  	s21 =	sadd.s32 $0x1480, s20;
	[sflag:s16] =	ssyncadd.s32 $0xFFFFC000;
	(pc) =	sbr.rel @p1 .LBB2_4-.Ltmp1, $4  }
0xaf: {  	[spmem:s2] =	stream.indirect.scatter.add.f32 [tilespmem:s13], [sflag:$0x3], $0x80, s21, s11, $0xb8;
	[tilespmem:$0x1F500] =	vst v63  }
0xb0: {  	_ =	swait.ge [sflag:s8], $0x4000  }
0xb1: {  	[sflag:s8] =	ssyncset.done $0x0  }
0xb2: {  	s20 =	sadd.s32 $0x180, s20;
	[sflag:s8] =	ssyncadd.s32 $0xFFFFC000  }
0xb3: {  	[tilespmem:s13], [sflag:$0x2] =	stream.indirect.gather [hbm4b:s4+s11], $0x80, s20, s11, $0xb8;
	[tilespmem:$0x1F500] =	vst v63  }
0xb4: {  	_ =	swait.ge [sflag:s14], $0x4000  }
0xb5: {  	[sflag:s14] =	ssyncset.done $0x0  }
0xb6: {  	[sflag:s14] =	ssyncadd.s32 $0xFFFFC000  }
0xb7: {  	[spmem:s2] =	stream.indirect.scatter.add.f32 [tilespmem:s12], [sflag:$0x3], $0x80, s17, s11, $0xb8;
	[tilespmem:$0x1F500] =	vst v63  }
0xb8: {  	_ =	swait.ge [sflag:s8], $0x4000  }
0xb9: {  	[sflag:s8] =	ssyncset.done $0x0  }
0xba: {  	[sflag:s8] =	ssyncadd.s32 $0xFFFFC000  }
0xbb: {  	_ =	swait.ge [sflag:s16], $0x4000  }
0xbc: {  	[sflag:s16] =	ssyncset.done $0x0  }
0xbd: {  	[sflag:s16] =	ssyncadd.s32 $0xFFFFC000  }
0xbe: {  	[spmem:s2] =	stream.indirect.scatter.add.f32 [tilespmem:s13], [sflag:$0x3], $0x80, s18, s11, $0xb8;
	[tilespmem:$0x1F500] =	vst v63  }
0xbf: {  	_ =	swait.ge [sflag:s8], $0x4000  }
0xc0: {  	[sflag:s8] =	ssyncset.done $0x0  }
0xc1: {  	s19 =	simm.s32 $0x0;
	s21 =	rddreg [dreg:$0x5];
	[sflag:s8] =	ssyncadd.s32 $0xFFFFC000  }
0xc2: {  	[tilespmem:s19], [sflag:$0x3] =	stream.linear.gather [hbm4b:s21+s19], $0x1400, $0x38;
	[tilespmem:$0x1F500] =	vst v63  }
0xc3: {  	_ =	swait.ge [sflag:s8], $0x1400  }
0xc4: {  	[sflag:s8] =	ssyncset.done $0x0  }
0xc5: {  	s21 =	rddreg [dreg:$0x6];
	[sflag:s8] =	ssyncadd.s32 $0xFFFFEC00  }
0xc6: {  	[tilespmem:s10], [sflag:$0x3] =	stream.linear.gather [hbm4b:s21+s19], $0x1400, $0x38;
	[tilespmem:$0x1F500] =	vst v63  }
0xc7: {  	_ =	swait.ge [sflag:s8], $0x1400  }
0xc8: {  	[sflag:s8] =	ssyncset.done $0x0  }
0xc9: {  	[sflag:s8] =	ssyncadd.s32 $0xFFFFEC00  }
0xca: {  	[tilespmem:s12], [sflag:$0x1] =	stream.indirect.gather [hbm4b:s4+s11], $0x80, s19, s11, $0xb8;
	[tilespmem:$0x1F500] =	vst v63  }
0xcb: {  	_ = 	snop  }
0xcc: {  	[tilespmem:s13], [sflag:$0x2] =	stream.indirect.gather [hbm4b:s4+s11], $0x80, s11, s11, $0xb8;
	[tilespmem:$0x1F500] =	vst v63  }
0xcd: {  	_ =	swait.ge [sflag:s14], $0x4000  }
0xce: {  	[sflag:s14] =	ssyncset.done $0x0  }
0xcf: {  	s21 =	simm.s32 $0x1400;
	[sflag:s14] =	ssyncadd.s32 $0xFFFFC000  }
0xd0: {  	[spmem:s2] =	stream.indirect.scatter.add.f32 [tilespmem:s12], [sflag:$0x3], $0x80, s21, s11, $0xb8;
	[tilespmem:$0x1F500] =	vst v63  }
0xd1: {  	_ =	swait.ge [sflag:s8], $0x4000  }
0xd2: {  	[sflag:s8] =	ssyncset.done $0x0  }
0xd3: {  	s20 =	simm.s32 $0x100;
	[sflag:s8] =	ssyncadd.s32 $0xFFFFC000  }
0xd4: {  	[tilespmem:s12], [sflag:$0x1] =	stream.indirect.gather [hbm4b:s4+s11], $0x80, s20, s11, $0xb8;
	[tilespmem:$0x1F500] =	vst v63  }
0xd5: {  	_ =	swait.ge [sflag:s16], $0x4000  }
0xd6: {  	[sflag:s16] =	ssyncset.done $0x0  }
0xd7: {  	s21 =	simm.s32 $0x1480;
	[sflag:s16] =	ssyncadd.s32 $0xFFFFC000  }
0xd8: {  	[spmem:s2] =	stream.indirect.scatter.add.f32 [tilespmem:s13], [sflag:$0x3], $0x80, s21, s11, $0xb8;
	[tilespmem:$0x1F500] =	vst v63  }
0xd9: {  	_ =	swait.ge [sflag:s8], $0x4000  }
0xda: {  	[sflag:s8] =	ssyncset.done $0x0  }
0xdb: {  	s19 =	simm.s32 $0x400;
	s20 =	simm.s32 $0x180;
	[sflag:s8] =	ssyncadd.s32 $0xFFFFC000  }
.LBB2_6:
0xdc: {  	[tilespmem:s13], [sflag:$0x2] =	stream.indirect.gather [hbm4b:s4+s11], $0x80, s20, s11, $0xb8;
	[tilespmem:$0x1F500] =	vst v63  }
0xdd: {  	s20 =	smov.u32 s19  }
0xde: {  	p1 =	sne.s32 s19, $0x4800;
	s19 =	sadd.s32 $0x400, s19;
	_ =	swait.ge [sflag:s14], $0x4000  }
0xdf: {  	s20 =	sshra.s32 s20, $0x2;
	[sflag:s14] =	ssyncset.done $0x0  }
0xe0: {  	s21 =	sadd.s32 $0x1400, s20;
	[sflag:s14] =	ssyncadd.s32 $0xFFFFC000  }
0xe1: {  	[spmem:s2] =	stream.indirect.scatter.add.f32 [tilespmem:s12], [sflag:$0x3], $0x80, s21, s11, $0xb8;
	[tilespmem:$0x1F500] =	vst v63  }
0xe2: {  	_ =	swait.ge [sflag:s8], $0x4000  }
0xe3: {  	[sflag:s8] =	ssyncset.done $0x0  }
0xe4: {  	s21 =	sadd.s32 $0x100, s20;
	[sflag:s8] =	ssyncadd.s32 $0xFFFFC000  }
0xe5: {  	[tilespmem:s12], [sflag:$0x1] =	stream.indirect.gather [hbm4b:s4+s11], $0x80, s21, s11, $0xb8;
	[tilespmem:$0x1F500] =	vst v63  }
0xe6: {  	_ =	swait.ge [sflag:s16], $0x4000  }
0xe7: {  	[sflag:s16] =	ssyncset.done $0x0  }
.Ltmp2:
0xe8: {  	s21 =	sadd.s32 $0x1480, s20;
	[sflag:s16] =	ssyncadd.s32 $0xFFFFC000;
	(pc) =	sbr.rel @p1 .LBB2_6-.Ltmp2, $4  }
0xe9: {  	[spmem:s2] =	stream.indirect.scatter.add.f32 [tilespmem:s13], [sflag:$0x3], $0x80, s21, s11, $0xb8;
	[tilespmem:$0x1F500] =	vst v63  }
0xea: {  	_ =	swait.ge [sflag:s8], $0x4000  }
0xeb: {  	[sflag:s8] =	ssyncset.done $0x0  }
0xec: {  	s20 =	sadd.s32 $0x180, s20;
	[sflag:s8] =	ssyncadd.s32 $0xFFFFC000  }
0xed: {  	[tilespmem:s13], [sflag:$0x2] =	stream.indirect.gather [hbm4b:s4+s11], $0x80, s20, s11, $0xb8;
	[tilespmem:$0x1F500] =	vst v63  }
0xee: {  	_ =	swait.ge [sflag:s14], $0x4000  }
0xef: {  	[sflag:s14] =	ssyncset.done $0x0  }
0xf0: {  	[sflag:s14] =	ssyncadd.s32 $0xFFFFC000  }
0xf1: {  	[spmem:s2] =	stream.indirect.scatter.add.f32 [tilespmem:s12], [sflag:$0x3], $0x80, s17, s11, $0xb8;
	[tilespmem:$0x1F500] =	vst v63  }
0xf2: {  	_ =	swait.ge [sflag:s8], $0x4000  }
0xf3: {  	[sflag:s8] =	ssyncset.done $0x0  }
0xf4: {  	[sflag:s8] =	ssyncadd.s32 $0xFFFFC000  }
0xf5: {  	_ =	swait.ge [sflag:s16], $0x4000  }
0xf6: {  	[sflag:s16] =	ssyncset.done $0x0  }
0xf7: {  	[sflag:s16] =	ssyncadd.s32 $0xFFFFC000  }
0xf8: {  	[spmem:s2] =	stream.indirect.scatter.add.f32 [tilespmem:s13], [sflag:$0x3], $0x80, s18, s11, $0xb8;
	[tilespmem:$0x1F500] =	vst v63  }
0xf9: {  	_ =	swait.ge [sflag:s8], $0x4000  }
0xfa: {  	[sflag:s8] =	ssyncset.done $0x0  }
0xfb: {  	s19 =	stileid.u32;
	[sflag:s8] =	ssyncadd.s32 $0xFFFFC000  }
0xfc: {  	s19 =	sshll.u32 s19, $0x6;
	[bflag:$0x0] =	sbarrier.arrive $0xFFFF  }
0xfd: {  	s20 =	sshrl.u32 s9, $0x3;
	s19 =	sor.u32 $0x1C03, s19;
	s21 =	rddreg [dreg:$0xe]  }
0xfe: {  	[hbm:s21], [sflag:s19] =	dma.local [spmem:s20], $0xC80  }
0xff: {  	_ =	swait.ge [sflag:s8], $0xC80  }
0x100: {  	[sflag:s8] =	ssyncset.done $0x0  }
0x101: {  	s20 =	sshrl.u32 s15, $0x3;
	s21 =	rddreg [dreg:$0xf];
	[sflag:s8] =	ssyncadd.s32 $0xFFFFF380  }
0x102: {  	[hbm:s21], [sflag:s19] =	dma.local [spmem:s20], $0xC80  }
0x103: {  	_ =	swait.ge [sflag:s8], $0xC80  }
0x104: {  	[sflag:s8] =	ssyncset.done $0x0  }
0x105: {  	s20 =	sshrl.u32 s23, $0x3;
	s21 =	rddreg [dreg:$0x10];
	[sflag:s8] =	ssyncadd.s32 $0xFFFFF380  }
0x106: {  	[hbm:s21], [sflag:s19] =	dma.local [spmem:s20], $0xC80  }
0x107: {  	_ =	swait.ge [sflag:s8], $0xC80  }
0x108: {  	[sflag:s8] =	ssyncset.done $0x0  }
0x109: {  	s20 =	sshrl.u32 @!p0 s25, $0x3;
	s21 =	rddreg [dreg:$0x11];
	[sflag:s8] =	ssyncadd.s32 $0xFFFFF380  }
0x10a: {  	[hbm:s21], [sflag:s19] =	dma.local @!p0 [spmem:s20], $0xC80  }
0x10b: {  	s19 =	simm.s32 @!p0 $0x3  }
0x10c: {  	_ =	swait.ge @!p0 [sflag:s19], $0xC80  }
0x10d: {  	s3 =	sadd.s32 $0x1, s3;
	s21 =	rddreg [dreg:$0x7]  }
0x10e: {  	p1 =	sne.s32 s3, s21  }
.Ltmp3:
0x10f: {  	_ = 	snop;
	(pc) =	sbr.rel @p1 .LBB2_1-.Ltmp3, $3  }
0x110: {  	_ =	sdelay $0x1  }
0x111: {  	[sflag:s19] =	ssyncset.done @!p0 $0x0  }
0x112: {  	[sflag:s19] =	ssyncadd.s32 @!p0 $0xFFFFF380  }
0x113: {  	_ =	sfence.sel $0x180000  }
0x114: {  	[bflag:$0x0] =	sbarrier.arrive $0xFFFF  }
0x115: {  	_ =	strace $0x9000004D  }
0x116: {  	s0 =	stileid.u32;
	[bflag:$0x2] =	sbarrier.arrive $0xFFFF  }
0x117: {  	p0 =	sne.s32 s0, $0x0;
	s0 =	rddreg [dreg:$0x2]  }
0x118: {  	s0 =	sadd.s32 @!p0 $0x100000, s0  }
0x119: {  	[sflag:s0] =	ssyncadd.tile.s32 @!p0 $0x1;
	_ =	shalt  }
.Lfunc_end2:
_tile_overlayer_lowered:
.L_overlay_start_2:
0x11a: {  	(tag) =	ssettag $0x2  }
0x11b: {  	s0 =	rddreg [dreg:$0x0];
	s2 =	stileid.u32  }
0x11c: {  	s1 =	rddreg [dreg:$0x1];
	p0 =	sne.s32 s2, $0x0  }
0x11d: {  	s3 =	rddreg [dreg:$0x2];
	[bflag:$0x3] =	sbarrier.arrive $0xFFFF;
	s2 =	simm.s32 @!p0 $0x1C03  }
0x11e: {  	[timem:s3], [sflag:s2] =	dma.local @!p0 [hbm:s0], s1  }
0x11f: {  	s0 =	simm.s32 @!p0 $0x3  }
0x120: {  	_ =	swait.ge @!p0 [sflag:s0], s1  }
0x121: {  	s1 =	ssub.s32 @!p0 $0x0, s1;
	[sflag:s0] =	ssyncset.done @!p0 $0x0  }
0x122: {  	[sflag:s0] =	ssyncadd.s32 @!p0 s1  }
0x123: {  	[bflag:$0x3] =	sbarrier.arrive $0xFFFF  }
0x124: {  	_ =	shalt  }

// kernel: kernel.18.cloned.1.call-start
scs
__scs_entry_jumppad:
0x0: {  	(pc) =	sbr.rel $0x88, $3  }
0x1: {  	(tag) =	ssettag $0x0;
	lr =	simm.s32 $0x1  }
0x2: {  	[smem:$0x3F94] =	sst lr;
	_ =	strace $0xD0000000  }
0x3: {  	_ = 	snop  }
0x4: {  	_ = 	snop  }
0x5: {  	_ = 	snop  }
0x6: {  	_ = 	snop  }
0x7: {  	_ = 	snop  }
__scs_overlays_trampoline_lowered:
0x8: {  	[smem:$0x3FA3] =	sst s0  }
0x9: {  	[smem:$0x3FA4] =	sst s1  }
0xa: {  	[smem:$0x3FA5] =	sst s2  }
0xb: {  	[smem:$0x3FA6] =	sst s3  }
0xc: {  	[smem:$0x3FA7] =	sst s4  }
0xd: {  	[smem:$0x3FA8] =	sst s5  }
0xe: {  	[smem:$0x3FA9] =	sst s6  }
0xf: {  	[smem:$0x3FAA] =	sst s7  }
0x10: {  	[smem:$0x3FAB] =	sst s8  }
0x11: {  	[smem:$0x3FAC] =	sst s9;
	s0 =	simm.s32 @!p0 $0x0  }
0x12: {  	s1 =	sld [smem:$0x3F92];
	s0 =	simm.s32 @p0 $0x1  }
0x13: {  	[smem:$0x3FAD] =	sst s0;
	s0 =	simm.s32 @!p1 $0x0  }
0x14: {  	s2 =	sld [smem:$0x3F91];
	s0 =	simm.s32 @p1 $0x1  }
0x15: {  	[smem:$0x3FAE] =	sst s0;
	s0 =	simm.s32 @!p2 $0x0  }
0x16: {  	s3 =	sld [smem:$0x3FDB];
	s0 =	simm.s32 @p2 $0x1  }
0x17: {  	s4 =	simm.s32 $0x1BF5;
	[smem:$0x3FB0] =	sst s0  }
0x18: {  	s0 =	sld [smem:$0x3F93];
	_ =	swait.ge [sflag:s4], $0x0  }
0x19: {  	s7 =	sld [smem:$0x3F94]  }
0x1a: {  	s8 =	sadd.s32 $0xFFFFE003, lr  }
0x1b: {  	s9 =	sadd.s32 $0xFFFFFEF7, lr;
	s5 =	simm.s32 $0xFFFFFFFF;
	p2 =	slt.u32 s8, $0xFFFFF086  }
0x1c: {  	p1 =	slt.u32 s9, $0xF7A;
	s5 =	simm.s32 @!p2 $0x0  }
0x1d: {  	s5 =	simm.s32 @p1 $0x1;
	p0 =	seq.s32 s7, s2  }
0x1e: {  	s7 =	smul.u32 @!p0 $0xF7A, s2;
	p2 =	seq.s32 @!p0 s5, $0x0  }
0x1f: {  	s9 =	smul.u32 $0xF7A, s1;
	s8 =	simm.s32 @!p0 $0x1BF5;
	p2 =	por !p2, p0  }
0x20: {  	[sflag:s8] =	ssyncset.s32 @!p0 $0xFFFFF086;
	s6 =	sadd.s32 @!p0 s3, s7;
	s7 =	simm.s32 @!p0 $0x108  }
0x21: {  	s3 =	sadd.s32 s3, s9;
	s6 =	sadd.s32 @!p0 $0x88, s6;
	s7 =	simm.s32 @p2 $0x1082  }
0x22: {  	[simem:s7], [sflag:s8] =	dma.local @!p0 [hbm:s6], $0xF7A  }
0x23: {  	s9 =	sor.u32 $0xD0000000, s2;
	s6 =	simm.s32 $0x108;
	_ =	swait.ge @!p0 [sflag:s8], $0x0  }
0x24: {  	s3 =	sadd.s32 $0x88, s3;
	s6 =	simm.s32 @!p1 $0x1082;
	[sflag:s4] =	ssyncset.s32 $0xFFFFF086  }
0x25: {  	[simem:s6], [sflag:s4] =	dma.local [hbm:s3], $0xF7A  }
0x26: {  	[smem:$0x3F94] =	sst s1;
	(tag) =	ssettag s2;
	_ =	strace s9  }
0x27: {  	s1 =	sld [smem:$0x3FA4]  }
0x28: {  	s2 =	sld [smem:$0x3FA5]  }
0x29: {  	s4 =	sld [smem:$0x3FA7]  }
0x2a: {  	p0 =	seq.s32 s5, $0x0;
	s5 =	sld [smem:$0x3FA8]  }
0x2b: {  	s6 =	sld [smem:$0x3FA9]  }
0x2c: {  	s7 =	sld [smem:$0x3FAA]  }
0x2d: {  	s3 =	simm.s32 $0x108;
	s8 =	sld [smem:$0x3FAB]  }
0x2e: {  	s3 =	simm.s32 @!p0 $0x1082;
	s9 =	sld [smem:$0x3FAC]  }
0x2f: {  	lr =	sadd.s32 s0, s3;
	s0 =	sld [smem:$0x3FA3]  }
0x30: {  	s3 =	sld [smem:$0x3FA6]  }
0x31: {  	[smem:$0x3FAF] =	sst s10  }
0x32: {  	s10 =	sld [smem:$0x3FAD];
	_ =	sdelay $0x3  }
0x33: {  	p0 =	seq.s32 s10, $0x1;
	s10 =	sld [smem:$0x3FAF];
	_ =	sdelay $0x3  }
0x34: {  	[smem:$0x3FAF] =	sst s10  }
0x35: {  	s10 =	sld [smem:$0x3FAE];
	_ =	sdelay $0x3  }
0x36: {  	p1 =	seq.s32 s10, $0x1;
	s10 =	sld [smem:$0x3FAF];
	_ =	sdelay $0x3  }
0x37: {  	[smem:$0x3FAF] =	sst s10  }
0x38: {  	s10 =	sld [smem:$0x3FB0]  }
0x39: {  	_ = 	snop;
	(pc) =	sbr.ind lr, $3  }
0x3a: {  	_ = 	snop  }
0x3b: {  	_ = 	snop  }
0x3c: {  	p2 =	seq.s32 s10, $0x1;
	s10 =	sld [smem:$0x3FAF]  }
0x3d: {  	_ =	shalt  }
0x3e: {  	_ =	shalt  }
0x3f: {  	_ =	shalt  }
0x40: {  	_ =	shalt  }
0x41: {  	_ =	shalt  }
0x42: {  	_ =	shalt  }
0x43: {  	_ =	shalt  }
0x44: {  	_ =	shalt  }
0x45: {  	_ =	shalt  }
0x46: {  	_ =	shalt  }
0x47: {  	_ =	shalt  }
0x48: {  	_ =	shalt  }
0x49: {  	_ =	shalt  }
0x4a: {  	_ =	shalt  }
0x4b: {  	_ =	shalt  }
0x4c: {  	_ =	shalt  }
0x4d: {  	_ =	shalt  }
0x4e: {  	_ =	shalt  }
0x4f: {  	_ =	shalt  }
0x50: {  	_ =	shalt  }
0x51: {  	_ =	shalt  }
0x52: {  	_ =	shalt  }
0x53: {  	_ =	shalt  }
0x54: {  	_ =	shalt  }
0x55: {  	_ =	shalt  }
0x56: {  	_ =	shalt  }
0x57: {  	_ =	shalt  }
0x58: {  	_ =	shalt  }
0x59: {  	_ =	shalt  }
0x5a: {  	_ =	shalt  }
0x5b: {  	_ =	shalt  }
0x5c: {  	_ =	shalt  }
0x5d: {  	_ =	shalt  }
0x5e: {  	_ =	shalt  }
0x5f: {  	_ =	shalt  }
0x60: {  	_ =	shalt  }
0x61: {  	_ =	shalt  }
0x62: {  	_ =	shalt  }
0x63: {  	_ =	shalt  }
0x64: {  	_ =	shalt  }
0x65: {  	_ =	shalt  }
0x66: {  	_ =	shalt  }
0x67: {  	_ =	shalt  }
0x68: {  	_ =	shalt  }
0x69: {  	_ =	shalt  }
0x6a: {  	_ =	shalt  }
0x6b: {  	_ =	shalt  }
0x6c: {  	_ =	shalt  }
0x6d: {  	_ =	shalt  }
0x6e: {  	_ =	shalt  }
0x6f: {  	_ =	shalt  }
0x70: {  	_ =	shalt  }
0x71: {  	_ =	shalt  }
0x72: {  	_ =	shalt  }
0x73: {  	_ =	shalt  }
0x74: {  	_ =	shalt  }
0x75: {  	_ =	shalt  }
0x76: {  	_ =	shalt  }
0x77: {  	_ =	shalt  }
0x78: {  	_ =	shalt  }
0x79: {  	_ =	shalt  }
0x7a: {  	_ =	shalt  }
0x7b: {  	_ =	shalt  }
0x7c: {  	_ =	shalt  }
0x7d: {  	_ =	shalt  }
0x7e: {  	_ =	shalt  }
0x7f: {  	_ =	shalt  }
0x80: {  	_ =	shalt  }
0x81: {  	_ =	shalt  }
0x82: {  	_ =	shalt  }
0x83: {  	_ =	shalt  }
0x84: {  	_ =	shalt  }
0x85: {  	_ =	shalt  }
0x86: {  	_ =	shalt  }
0x87: {  	_ =	shalt  }
.Lfunc_end0:
.L_simem_size_0:
called_computation.3_lowered:
.L_overlay_start_0:
0x88: {  	s2 =	sld [smem:$0x3FD9]  }
0x89: {  	s3 =	sld [smem:$0x3FFE];
	_ =	sdelay $0x1  }
0x8a: {  	s1 =	srdreg.scid  }
0x8b: {  	s0 =	sand.u32 $0x1, s1  }
0x8c: {  	s16 =	sshll.u32 s0, $0xA;
	s2 =	sadd.s32 s3, s2  }
0x8d: {  	s2 =	sadd.s32 s2, s16  }
0x8e: {  	[smem:$0x3FBB] =	sst s2  }
0x8f: {  	_ = 	snop  }
0x90: {  	(tm) =	ssettm $0x1  }
0x91: {  	s17 =	sld [smem:$0x3FFB];
	_ =	sdelay $0x3  }
0x92: {  	_ =	strace s17  }
0x93: {  	s2 =	sld [smem:$0x3FFC];
	_ =	sdelay $0x3  }
0x94: {  	_ =	strace s2  }
0x95: {  	s2 =	sld [smem:$0x3FFD];
	_ =	sdelay $0x3  }
0x96: {  	_ =	strace s2  }
0x97: {  	_ =	strace $0x8FFFFFFF  }
0x98: {  	s18 =	sld [smem:$0x3FDB];
	_ =	sdelay $0x1  }
0x99: {  	s19 =	simm.s32 $_scs_section_size  }
0x9a: {  	s4 =	simm.s32 $_size__tile_overlayer_lowered;
	s5 =	simm.s32 $_tile_overlayer_lowered  }
0x9b: {  	s22 =	simm.s32 $0x1BFF;
	s21 =	sshll.u32 s5, $0x1;
	s2 =	sadd.s32 s19, s18  }
0x9c: {  	s6 =	simm.s32 $0x0;
	s20 =	sshll.u32 s4, $0x1;
	s4 =	sadd.s32 s21, s2  }
0x9d: {  	[timem:s6], [sflag:s22] =	dma.local [hbm:s4], s20  }
0x9e: {  	_ =	swait.ge [sflag:s22], s20  }
0x9f: {  	s3 =	ssub.s32 $0x0, s20;
	[sflag:s22] =	ssyncset.done $0x0  }
0xa0: {  	[sflag:s22] =	ssyncadd.s32 s3;
	_ =	sdelay $0x1  }
0xa1: {  	s23 =	simm.s32 $0x1B8B  }
0xa2: {  	_ =	swait.ge [sflag:s23], $0x1  }
0xa3: {  	[sflag:s23] =	ssyncset.done $0x0  }
0xa4: {  	s25 =	simm.s32 $0x1B8E;
	s24 =	sld [smem:$0x3FFE];
	[sflag:s23] =	ssyncadd.s32 $0xFFFFFFFF  }
0xa5: {  	s26 =	simm.s32 $execute0_lowered;
	[smem:$0x3FD2] =	sst s25  }
0xa6: {  	s4 =	sshll.u32 s26, $0x1;
	_ =	strace $0x8000004F;
	[dreg:$0x1] =	wrdreg $0xFFFFFFFF  }
0xa7: {  	s28 =	simm.s32 $_size_execute0_lowered;
	s2 =	sadd.s32 s2, s4;
	[dreg:$0x0] =	wrdreg $0x0  }
0xa8: {  	s4 =	sshll.u32 s28, $0x1;
	[dreg:$0x2] =	wrdreg s2  }
0xa9: {  	[dreg:$0x3] =	wrdreg s4  }
0xaa: {  	[dreg:$0x4] =	wrdreg $0xC0  }
0xab: {  	_ =	task [dreg:s6], $0x5FFFF  }
0xac: {  	[dreg:$0x1] =	wrdreg $0xFFFFFFFF  }
0xad: {  	[dreg:$0x0] =	wrdreg $0x60  }
0xae: {  	[dreg:$0x2] =	wrdreg s24  }
0xaf: {  	[dreg:$0x3] =	wrdreg $0xBC000  }
0xb0: {  	[dreg:$0x4] =	wrdreg $0x9  }
0xb1: {  	_ =	task.clear_ibuf [dreg:s6], $0x5FFFF;
	_ =	strace $0x9000004F  }
0xb2: {  	s29 =	simm.s32 $0x9;
	_ =	strace $0x80000051  }
0xb3: {  	_ =	swait.ge [sflag:s29], $0x1  }
0xb4: {  	[sflag:s29] =	ssyncadd.s32 $0xFFFFFFFF  }
0xb5: {  	_ =	strace $0x90000051  }
0xb6: {  	_ =	sfence  }
0xb7: {  	s30 =	sld [smem:$0x0];
	_ =	sdelay $0x2  }
0xb8: {  	s31 =	sshll.u32 s1, $0xD;
	s1 =	sshrl.u32 s1, $0x2  }
0xb9: {  	s3 =	sand.u32 $0x4000, s31;
	s1 =	sadd.s32 s1, s30  }
0xba: {  	s0 =	sor.u32 s3, s0;
	s1 =	sshll.u32 s1, $0x11  }
0xbb: {  	s0 =	sor.u32 s1, s0  }
0xbc: {  	s0 =	sadd.s32 $0x8F2B, s0  }
0xbd: {  	[sflag:s0] =	ssyncadd.remote.s32 $0x1  }
0xbe: {  	_ =	sfence.sel $0xFFFF  }
0xbf: {  	[dreg:$0x0] =	wrdreg $0xFFFFFFFF;
	(pc) =	sbr.abs _section_cstart, $3  }
0xc0: {  	[dreg:$0x1] =	wrdreg $0xFFFFFFFF  }
0xc1: {  	_ =	task.clear_ibuf [dreg:s6], $0x2FFFF;
	_ =	strace $0x9FFFFFFF  }
0xc2: {  	(tm) =	ssettm $0x7FFFFFFF  }
0xc3: {  	_ =	shalt  }
tec
execute0_lowered:
.L_overlay_start_1:
0x0: {  	(tag) =	ssettag $0x1  }
0x1: {  	s0 =	rddreg [dreg:$0x0]  }
0x2: {  	s2 =	rddreg [dreg:$0x1]  }
0x3: {  	s3 =	simm.s32 $0x0;
	s1 =	srdreg.scid;
	s11 =	stileid.u32  }
0x4: {  	[smem:$0x7FF] =	sst s3;
	s1 =	sand.u32 $0x1, s1;
	s5 =	sshll.u32 s11, $0x1  }
0x5: {  	s4 =	sadd.s32 $0x21000, s0;
	s6 =	sadd.s32 $0x17000, s0;
	s20 =	smul.u32 $0x19000, s11  }
0x6: {  	s9 =	sadd.s32 $0xD000, s0;
	s24 =	sor.u32 $0x10, s11;
	s16 =	smul.u32 $0x6400, s11  }
0x7: {  	s5 =	sor.u32 s1, s5;
	s7 =	ssub.s32 $0x2, s1;
	s1 =	smul.u32 $0x138800, s1  }
0x8: {  	s0 =	sadd.s32 $0x48200, s0;
	s26 =	sor.u32 $0x20, s11;
	s25 =	smul.u32 $0x19000, s24  }
0x9: {  	s17 =	sor.u32 $0x30, s11;
	s11 =	simm.s32 $0x80;
	s13 =	smul.u32 $0x19000, s26  }
0xa: {  	_ =	strace $0x80000050;
	p0 =	sgt.u32 s17, $0x31;
	s8 =	smul.u32 $0x2800, s5  }
0xb: {  	s10 =	sshrl.u32 s7, $0x1;
	s5 =	smul.u32 $0x500, s5;
	s23 =	sshrl.u32 s20, $0x2  }
0xc: {  	s20 =	smul.u32 $0x6400, s17;
	s7 =	ssub.s32 s7, s10;
	s10 =	sadd.s32 s1, s16  }
0xd: {  	s16 =	simm.s32 $0x2;
	s8 =	sshrl.u32 s8, $0x3;
	s19 =	sadd.s32 s6, s5  }
0xe: {  	s5 =	sadd.s32 s9, s5;
	s7 =	smax.u32 s7, $0x1;
	[dreg:$0x3] =	wrdreg s19  }
0xf: {  	s10 =	sshrl.u32 s10, $0x3;
	s8 =	sadd.s32 $0x280, s8;
	[dreg:$0x4] =	wrdreg s5  }
0x10: {  	[dreg:$0x7] =	wrdreg s7;
	s5 =	sshrl.u32 s25, $0x2;
	s10 =	sadd.s32 s0, s10  }
0x11: {  	s25 =	sshrl.u32 s13, $0x2;
	s7 =	simm.s32 $0x4;
	s13 =	simm.s32 $0x6800  }
0x12: {  	s21 =	sadd.s32 s6, s8;
	s22 =	sadd.s32 s9, s8;
	s6 =	smul.u32 $0x6400, s24  }
0x13: {  	s9 =	sadd.s32 s23, s2;
	s8 =	smul.u32 $0x6400, s26;
	[dreg:$0xe] =	wrdreg s10  }
0x14: {  	s23 =	sadd.s32 s25, s2;
	s10 =	simm.s32 $0x1400;
	[dreg:$0x5] =	wrdreg s21  }
0x15: {  	[dreg:$0x6] =	wrdreg s22;
	s12 =	sadd.s32 $0x1400, s9;
	s14 =	sadd.s32 $0x2800, s9  }
0x16: {  	s15 =	sadd.s32 $0x3C00, s9;
	s21 =	smul.u32 $0x19000, s17;
	[dreg:$0x8] =	wrdreg s12  }
0x17: {  	s28 =	sadd.s32 $0x2800, s23;
	s29 =	sadd.s32 $0x3C00, s23;
	[dreg:$0x9] =	wrdreg s14  }
0x18: {  	s30 =	sadd.s32 $0x5000, s23;
	s17 =	simm.s32 $0x2700;
	[dreg:$0xa] =	wrdreg s15  }
0x19: {  	s12 =	sadd.s32 $0x5000, s9;
	s15 =	sadd.s32 s5, s2;
	s6 =	sadd.s32 s1, s6  }
0x1a: {  	s8 =	sadd.s32 s1, s8;
	s1 =	sadd.s32 s1, s20;
	s14 =	simm.s32 $0x1  }
0x1b: {  	[dreg:$0xb] =	wrdreg s12;
	s18 =	sadd.s32 $0x1400, s15;
	s19 =	sadd.s32 $0x2800, s15  }
0x1c: {  	s6 =	sshrl.u32 s6, $0x3;
	s8 =	sshrl.u32 s8, $0x3;
	s1 =	sshrl.u32 s1, $0x3  }
0x1d: {  	s22 =	sadd.s32 $0x3C00, s15;
	s26 =	sshrl.u32 s21, $0x2;
	[dreg:$0xc] =	wrdreg s18  }
0x1e: {  	s12 =	simm.s32 $0x2800;
	[dreg:$0xd] =	wrdreg s19;
	s6 =	sadd.s32 s0, s6  }
0x1f: {  	s24 =	sadd.s32 s0, s8;
	s0 =	sadd.s32 s0, s1;
	[dreg:$0xf] =	wrdreg s6  }
0x20: {  	s25 =	sadd.s32 s26, s2;
	s26 =	sadd.s32 $0x1400, s23;
	[dreg:$0x10] =	wrdreg s24  }
0x21: {  	s8 =	simm.s32 $0x3;
	s18 =	simm.s32 $0x2780;
	[dreg:$0x11] =	wrdreg s0  }
0x22: {  	s24 =	sadd.s32 $0x5000, s15;
	s31 =	sadd.s32 $0x1400, s25;
	s0 =	sadd.s32 $0x2800, s25  }
0x23: {  	v0 =	vimm.f32 $0.0e+00;
	s1 =	sadd.s32 $0x3C00, s25;
	s5 =	sadd.s32 $0x5000, s25;
	s6 =	simm.s32 $0xA800  }
.LBB2_1:
0x24: {  	s19 =	simm.s32 $0x0;
	s20 =	simm.s32 $0x200  }
.LBB2_2:
0x25: {  	p1 =	sne.s32 s20, $0x4E00;
	[tilespmem:s19+$0xA870] =	vst v0  }
0x26: {  	[tilespmem:s19+$0xA800] =	vst v0  }
0x27: {  	[tilespmem:s19+$0xA810] =	vst v0  }
.Ltmp0:
0x28: {  	[tilespmem:s19+$0xA820] =	vst v0;
	(pc) =	sbr.rel @p1 .LBB2_2-.Ltmp0, $4  }
0x29: {  	[tilespmem:s19+$0xA830] =	vst v0  }
0x2a: {  	[tilespmem:s19+$0xA840] =	vst v0  }
0x2b: {  	[tilespmem:s19+$0xA850] =	vst v0  }
0x2c: {  	[tilespmem:s19+$0xA860] =	vst v0;
	s19 =	sshra.s32 s20, $0x2;
	s20 =	sadd.s32 $0x200, s20  }
0x2d: {  	[tilespmem:s19+$0xA870] =	vst v0  }
0x2e: {  	[tilespmem:s19+$0xA800] =	vst v0  }
0x2f: {  	[tilespmem:s19+$0xA810] =	vst v0  }
0x30: {  	[tilespmem:s19+$0xA820] =	vst v0  }
0x31: {  	[tilespmem:s19+$0xA830] =	vst v0  }
0x32: {  	[tilespmem:s19+$0xA840] =	vst v0  }
0x33: {  	[tilespmem:s19+$0xA850] =	vst v0  }
0x34: {  	[tilespmem:s19+$0xA860] =	vst v0  }
0x35: {  	[spmem:s9] =	stream.linear.scatter [tilespmem:s6], [sflag:$0x4], $0x1400, $0x38;
	[tilespmem:$0x1F500] =	vst v63  }
0x36: {  	_ =	swait.ge [sflag:s7], $0x1400  }
0x37: {  	[sflag:s7] =	ssyncset.done $0x0  }
0x38: {  	s21 =	rddreg [dreg:$0x8];
	[sflag:s7] =	ssyncadd.s32 $0xFFFFEC00  }
0x39: {  	[spmem:s21] =	stream.linear.scatter [tilespmem:s6], [sflag:$0x4], $0x1400, $0x38;
	[tilespmem:$0x1F500] =	vst v63  }
0x3a: {  	_ =	swait.ge [sflag:s7], $0x1400  }
0x3b: {  	[sflag:s7] =	ssyncset.done $0x0  }
0x3c: {  	s20 =	rddreg [dreg:$0x9];
	[sflag:s7] =	ssyncadd.s32 $0xFFFFEC00  }
0x3d: {  	[spmem:s20] =	stream.linear.scatter [tilespmem:s6], [sflag:$0x4], $0x1400, $0x38;
	[tilespmem:$0x1F500] =	vst v63  }
0x3e: {  	_ =	swait.ge [sflag:s7], $0x1400  }
0x3f: {  	[sflag:s7] =	ssyncset.done $0x0  }
0x40: {  	s21 =	rddreg [dreg:$0xa];
	[sflag:s7] =	ssyncadd.s32 $0xFFFFEC00  }
0x41: {  	[spmem:s21] =	stream.linear.scatter [tilespmem:s6], [sflag:$0x4], $0x1400, $0x38;
	[tilespmem:$0x1F500] =	vst v63  }
0x42: {  	_ =	swait.ge [sflag:s7], $0x1400  }
0x43: {  	[sflag:s7] =	ssyncset.done $0x0  }
0x44: {  	s20 =	rddreg [dreg:$0xb];
	[sflag:s7] =	ssyncadd.s32 $0xFFFFEC00  }
0x45: {  	[spmem:s20] =	stream.linear.scatter [tilespmem:s6], [sflag:$0x3], $0x1400, $0x38;
	[tilespmem:$0x1F500] =	vst v63  }
0x46: {  	_ =	swait.ge [sflag:s8], $0x1400  }
0x47: {  	[sflag:s8] =	ssyncset.done $0x0  }
0x48: {  	[sflag:s8] =	ssyncadd.s32 $0xFFFFEC00  }
0x49: {  	[spmem:s15] =	stream.linear.scatter [tilespmem:s6], [sflag:$0x4], $0x1400, $0x38;
	[tilespmem:$0x1F500] =	vst v63  }
0x4a: {  	_ =	swait.ge [sflag:s7], $0x1400  }
0x4b: {  	[sflag:s7] =	ssyncset.done $0x0  }
0x4c: {  	s21 =	rddreg [dreg:$0xc];
	[sflag:s7] =	ssyncadd.s32 $0xFFFFEC00  }
0x4d: {  	[spmem:s21] =	stream.linear.scatter [tilespmem:s6], [sflag:$0x4], $0x1400, $0x38;
	[tilespmem:$0x1F500] =	vst v63  }
0x4e: {  	_ =	swait.ge [sflag:s7], $0x1400  }
0x4f: {  	[sflag:s7] =	ssyncset.done $0x0  }
0x50: {  	s20 =	rddreg [dreg:$0xd];
	[sflag:s7] =	ssyncadd.s32 $0xFFFFEC00  }
0x51: {  	[spmem:s20] =	stream.linear.scatter [tilespmem:s6], [sflag:$0x4], $0x1400, $0x38;
	[tilespmem:$0x1F500] =	vst v63  }
0x52: {  	_ =	swait.ge [sflag:s7], $0x1400  }
0x53: {  	[sflag:s7] =	ssyncset.done $0x0  }
0x54: {  	[sflag:s7] =	ssyncadd.s32 $0xFFFFEC00  }
0x55: {  	[spmem:s22] =	stream.linear.scatter [tilespmem:s6], [sflag:$0x4], $0x1400, $0x38;
	[tilespmem:$0x1F500] =	vst v63  }
0x56: {  	_ =	swait.ge [sflag:s7], $0x1400  }
0x57: {  	[sflag:s7] =	ssyncset.done $0x0  }
0x58: {  	[sflag:s7] =	ssyncadd.s32 $0xFFFFEC00  }
0x59: {  	[spmem:s24] =	stream.linear.scatter [tilespmem:s6], [sflag:$0x3], $0x1400, $0x38;
	[tilespmem:$0x1F500] =	vst v63  }
0x5a: {  	_ =	swait.ge [sflag:s8], $0x1400  }
0x5b: {  	[sflag:s8] =	ssyncset.done $0x0  }
0x5c: {  	[sflag:s8] =	ssyncadd.s32 $0xFFFFEC00  }
0x5d: {  	[spmem:s23] =	stream.linear.scatter [tilespmem:s6], [sflag:$0x4], $0x1400, $0x38;
	[tilespmem:$0x1F500] =	vst v63  }
0x5e: {  	_ =	swait.ge [sflag:s7], $0x1400  }
0x5f: {  	[sflag:s7] =	ssyncset.done $0x0  }
0x60: {  	[sflag:s7] =	ssyncadd.s32 $0xFFFFEC00  }
0x61: {  	[spmem:s26] =	stream.linear.scatter [tilespmem:s6], [sflag:$0x4], $0x1400, $0x38;
	[tilespmem:$0x1F500] =	vst v63  }
0x62: {  	_ =	swait.ge [sflag:s7], $0x1400  }
0x63: {  	[sflag:s7] =	ssyncset.done $0x0  }
0x64: {  	[sflag:s7] =	ssyncadd.s32 $0xFFFFEC00  }
0x65: {  	[spmem:s28] =	stream.linear.scatter [tilespmem:s6], [sflag:$0x4], $0x1400, $0x38;
	[tilespmem:$0x1F500] =	vst v63  }
0x66: {  	_ =	swait.ge [sflag:s7], $0x1400  }
0x67: {  	[sflag:s7] =	ssyncset.done $0x0  }
0x68: {  	[sflag:s7] =	ssyncadd.s32 $0xFFFFEC00  }
0x69: {  	[spmem:s29] =	stream.linear.scatter [tilespmem:s6], [sflag:$0x4], $0x1400, $0x38;
	[tilespmem:$0x1F500] =	vst v63  }
0x6a: {  	_ =	swait.ge [sflag:s7], $0x1400  }
0x6b: {  	[sflag:s7] =	ssyncset.done $0x0  }
0x6c: {  	[sflag:s7] =	ssyncadd.s32 $0xFFFFEC00  }
0x6d: {  	[spmem:s30] =	stream.linear.scatter [tilespmem:s6], [sflag:$0x3], $0x1400, $0x38;
	[tilespmem:$0x1F500] =	vst v63  }
0x6e: {  	_ =	swait.ge [sflag:s8], $0x1400  }
0x6f: {  	[sflag:s8] =	ssyncset.done $0x0  }
0x70: {  	s19 =	simm.s32 @!p0 $0xA800;
	s20 =	simm.s32 @!p0 $0x4;
	[sflag:s8] =	ssyncadd.s32 $0xFFFFEC00  }
0x71: {  	[spmem:s25] =	stream.linear.scatter @!p0 [tilespmem:s19], [sflag:$0x4], $0x1400, $0x38;
	[tilespmem:$0x1F500] =	vst v63  }
0x72: {  	_ =	swait.ge @!p0 [sflag:s20], $0x1400  }
0x73: {  	[sflag:s20] =	ssyncset.done @!p0 $0x0  }
0x74: {  	[sflag:s20] =	ssyncadd.s32 @!p0 $0xFFFFEC00  }
0x75: {  	[spmem:s31] =	stream.linear.scatter @!p0 [tilespmem:s19], [sflag:$0x4], $0x1400, $0x38;
	[tilespmem:$0x1F500] =	vst v63  }
0x76: {  	_ =	swait.ge @!p0 [sflag:s20], $0x1400  }
0x77: {  	[sflag:s20] =	ssyncset.done @!p0 $0x0  }
0x78: {  	[sflag:s20] =	ssyncadd.s32 @!p0 $0xFFFFEC00  }
0x79: {  	[spmem:s0] =	stream.linear.scatter @!p0 [tilespmem:s19], [sflag:$0x4], $0x1400, $0x38;
	[tilespmem:$0x1F500] =	vst v63  }
0x7a: {  	_ =	swait.ge @!p0 [sflag:s20], $0x1400  }
0x7b: {  	[sflag:s20] =	ssyncset.done @!p0 $0x0  }
0x7c: {  	[sflag:s20] =	ssyncadd.s32 @!p0 $0xFFFFEC00  }
0x7d: {  	[spmem:s1] =	stream.linear.scatter @!p0 [tilespmem:s19], [sflag:$0x4], $0x1400, $0x38;
	[tilespmem:$0x1F500] =	vst v63  }
0x7e: {  	_ =	swait.ge @!p0 [sflag:s20], $0x1400  }
0x7f: {  	[sflag:s20] =	ssyncset.done @!p0 $0x0  }
0x80: {  	[sflag:s20] =	ssyncadd.s32 @!p0 $0xFFFFEC00  }
0x81: {  	[spmem:s5] =	stream.linear.scatter @!p0 [tilespmem:s19], [sflag:$0x3], $0x1400, $0x38;
	[tilespmem:$0x1F500] =	vst v63  }
0x82: {  	s19 =	simm.s32 @!p0 $0x3  }
0x83: {  	_ =	swait.ge @!p0 [sflag:s19], $0x1400  }
0x84: {  	[sflag:s19] =	ssyncset.done @!p0 $0x0  }
0x85: {  	[sflag:s19] =	ssyncadd.s32 @!p0 $0xFFFFEC00  }
0x86: {  	[bflag:$0x0] =	sbarrier.arrive $0xFFFF  }
0x87: {  	s19 =	simm.s32 $0x0;
	s21 =	rddreg [dreg:$0x3]  }
0x88: {  	[tilespmem:s19], [sflag:$0x3] =	stream.linear.gather [hbm4b:s21+s19], $0x1400, $0x38;
	[tilespmem:$0x1F500] =	vst v63  }
0x89: {  	_ =	swait.ge [sflag:s8], $0x1400  }
0x8a: {  	[sflag:s8] =	ssyncset.done $0x0  }
0x8b: {  	s21 =	rddreg [dreg:$0x4];
	[sflag:s8] =	ssyncadd.s32 $0xFFFFEC00  }
0x8c: {  	[tilespmem:s10], [sflag:$0x3] =	stream.linear.gather [hbm4b:s21+s19], $0x1400, $0x38;
	[tilespmem:$0x1F500] =	vst v63  }
0x8d: {  	_ =	swait.ge [sflag:s8], $0x1400  }
0x8e: {  	[sflag:s8] =	ssyncset.done $0x0  }
0x8f: {  	[sflag:s8] =	ssyncadd.s32 $0xFFFFEC00  }
0x90: {  	[tilespmem:s12], [sflag:$0x1] =	stream.indirect.gather [hbm4b:s4+s11], $0x80, s19, s11, $0xb8;
	[tilespmem:$0x1F500] =	vst v63  }
0x91: {  	_ = 	snop  }
0x92: {  	[tilespmem:s13], [sflag:$0x2] =	stream.indirect.gather [hbm4b:s4+s11], $0x80, s11, s11, $0xb8;
	[tilespmem:$0x1F500] =	vst v63  }
0x93: {  	_ =	swait.ge [sflag:s14], $0x4000  }
0x94: {  	[sflag:s14] =	ssyncset.done $0x0  }
0x95: {  	s21 =	simm.s32 $0x1400;
	[sflag:s14] =	ssyncadd.s32 $0xFFFFC000  }
0x96: {  	[spmem:s2] =	stream.indirect.scatter.add.f32 [tilespmem:s12], [sflag:$0x3], $0x80, s21, s11, $0xb8;
	[tilespmem:$0x1F500] =	vst v63  }
0x97: {  	_ =	swait.ge [sflag:s8], $0x4000  }
0x98: {  	[sflag:s8] =	ssyncset.done $0x0  }
0x99: {  	s20 =	simm.s32 $0x100;
	[sflag:s8] =	ssyncadd.s32 $0xFFFFC000  }
0x9a: {  	[tilespmem:s12], [sflag:$0x1] =	stream.indirect.gather [hbm4b:s4+s11], $0x80, s20, s11, $0xb8;
	[tilespmem:$0x1F500] =	vst v63  }
0x9b: {  	_ =	swait.ge [sflag:s16], $0x4000  }
0x9c: {  	[sflag:s16] =	ssyncset.done $0x0  }
0x9d: {  	s21 =	simm.s32 $0x1480;
	[sflag:s16] =	ssyncadd.s32 $0xFFFFC000  }
0x9e: {  	[spmem:s2] =	stream.indirect.scatter.add.f32 [tilespmem:s13], [sflag:$0x3], $0x80, s21, s11, $0xb8;
	[tilespmem:$0x1F500] =	vst v63  }
0x9f: {  	_ =	swait.ge [sflag:s8], $0x4000  }
0xa0: {  	[sflag:s8] =	ssyncset.done $0x0  }
0xa1: {  	s19 =	simm.s32 $0x400;
	s20 =	simm.s32 $0x180;
	[sflag:s8] =	ssyncadd.s32 $0xFFFFC000  }
.LBB2_4:
0xa2: {  	[tilespmem:s13], [sflag:$0x2] =	stream.indirect.gather [hbm4b:s4+s11], $0x80, s20, s11, $0xb8;
	[tilespmem:$0x1F500] =	vst v63  }
0xa3: {  	s20 =	smov.u32 s19  }
0xa4: {  	p1 =	sne.s32 s19, $0x4800;
	s19 =	sadd.s32 $0x400, s19;
	_ =	swait.ge [sflag:s14], $0x4000  }
0xa5: {  	s20 =	sshra.s32 s20, $0x2;
	[sflag:s14] =	ssyncset.done $0x0  }
0xa6: {  	s21 =	sadd.s32 $0x1400, s20;
	[sflag:s14] =	ssyncadd.s32 $0xFFFFC000  }
0xa7: {  	[spmem:s2] =	stream.indirect.scatter.add.f32 [tilespmem:s12], [sflag:$0x3], $0x80, s21, s11, $0xb8;
	[tilespmem:$0x1F500] =	vst v63  }
0xa8: {  	_ =	swait.ge [sflag:s8], $0x4000  }
0xa9: {  	[sflag:s8] =	ssyncset.done $0x0  }
0xaa: {  	s21 =	sadd.s32 $0x100, s20;
	[sflag:s8] =	ssyncadd.s32 $0xFFFFC000  }
0xab: {  	[tilespmem:s12], [sflag:$0x1] =	stream.indirect.gather [hbm4b:s4+s11], $0x80, s21, s11, $0xb8;
	[tilespmem:$0x1F500] =	vst v63  }
0xac: {  	_ =	swait.ge [sflag:s16], $0x4000  }
0xad: {  	[sflag:s16] =	ssyncset.done $0x0  }
.Ltmp1:
0xae: {  	s21 =	sadd.s32 $0x1480, s20;
	[sflag:s16] =	ssyncadd.s32 $0xFFFFC000;
	(pc) =	sbr.rel @p1 .LBB2_4-.Ltmp1, $4  }
0xaf: {  	[spmem:s2] =	stream.indirect.scatter.add.f32 [tilespmem:s13], [sflag:$0x3], $0x80, s21, s11, $0xb8;
	[tilespmem:$0x1F500] =	vst v63  }
0xb0: {  	_ =	swait.ge [sflag:s8], $0x4000  }
0xb1: {  	[sflag:s8] =	ssyncset.done $0x0  }
0xb2: {  	s20 =	sadd.s32 $0x180, s20;
	[sflag:s8] =	ssyncadd.s32 $0xFFFFC000  }
0xb3: {  	[tilespmem:s13], [sflag:$0x2] =	stream.indirect.gather [hbm4b:s4+s11], $0x80, s20, s11, $0xb8;
	[tilespmem:$0x1F500] =	vst v63  }
0xb4: {  	_ =	swait.ge [sflag:s14], $0x4000  }
0xb5: {  	[sflag:s14] =	ssyncset.done $0x0  }
0xb6: {  	[sflag:s14] =	ssyncadd.s32 $0xFFFFC000  }
0xb7: {  	[spmem:s2] =	stream.indirect.scatter.add.f32 [tilespmem:s12], [sflag:$0x3], $0x80, s17, s11, $0xb8;
	[tilespmem:$0x1F500] =	vst v63  }
0xb8: {  	_ =	swait.ge [sflag:s8], $0x4000  }
0xb9: {  	[sflag:s8] =	ssyncset.done $0x0  }
0xba: {  	[sflag:s8] =	ssyncadd.s32 $0xFFFFC000  }
0xbb: {  	_ =	swait.ge [sflag:s16], $0x4000  }
0xbc: {  	[sflag:s16] =	ssyncset.done $0x0  }
0xbd: {  	[sflag:s16] =	ssyncadd.s32 $0xFFFFC000  }
0xbe: {  	[spmem:s2] =	stream.indirect.scatter.add.f32 [tilespmem:s13], [sflag:$0x3], $0x80, s18, s11, $0xb8;
	[tilespmem:$0x1F500] =	vst v63  }
0xbf: {  	_ =	swait.ge [sflag:s8], $0x4000  }
0xc0: {  	[sflag:s8] =	ssyncset.done $0x0  }
0xc1: {  	s19 =	simm.s32 $0x0;
	s21 =	rddreg [dreg:$0x5];
	[sflag:s8] =	ssyncadd.s32 $0xFFFFC000  }
0xc2: {  	[tilespmem:s19], [sflag:$0x3] =	stream.linear.gather [hbm4b:s21+s19], $0x1400, $0x38;
	[tilespmem:$0x1F500] =	vst v63  }
0xc3: {  	_ =	swait.ge [sflag:s8], $0x1400  }
0xc4: {  	[sflag:s8] =	ssyncset.done $0x0  }
0xc5: {  	s21 =	rddreg [dreg:$0x6];
	[sflag:s8] =	ssyncadd.s32 $0xFFFFEC00  }
0xc6: {  	[tilespmem:s10], [sflag:$0x3] =	stream.linear.gather [hbm4b:s21+s19], $0x1400, $0x38;
	[tilespmem:$0x1F500] =	vst v63  }
0xc7: {  	_ =	swait.ge [sflag:s8], $0x1400  }
0xc8: {  	[sflag:s8] =	ssyncset.done $0x0  }
0xc9: {  	[sflag:s8] =	ssyncadd.s32 $0xFFFFEC00  }
0xca: {  	[tilespmem:s12], [sflag:$0x1] =	stream.indirect.gather [hbm4b:s4+s11], $0x80, s19, s11, $0xb8;
	[tilespmem:$0x1F500] =	vst v63  }
0xcb: {  	_ = 	snop  }
0xcc: {  	[tilespmem:s13], [sflag:$0x2] =	stream.indirect.gather [hbm4b:s4+s11], $0x80, s11, s11, $0xb8;
	[tilespmem:$0x1F500] =	vst v63  }
0xcd: {  	_ =	swait.ge [sflag:s14], $0x4000  }
0xce: {  	[sflag:s14] =	ssyncset.done $0x0  }
0xcf: {  	s21 =	simm.s32 $0x1400;
	[sflag:s14] =	ssyncadd.s32 $0xFFFFC000  }
0xd0: {  	[spmem:s2] =	stream.indirect.scatter.add.f32 [tilespmem:s12], [sflag:$0x3], $0x80, s21, s11, $0xb8;
	[tilespmem:$0x1F500] =	vst v63  }
0xd1: {  	_ =	swait.ge [sflag:s8], $0x4000  }
0xd2: {  	[sflag:s8] =	ssyncset.done $0x0  }
0xd3: {  	s20 =	simm.s32 $0x100;
	[sflag:s8] =	ssyncadd.s32 $0xFFFFC000  }
0xd4: {  	[tilespmem:s12], [sflag:$0x1] =	stream.indirect.gather [hbm4b:s4+s11], $0x80, s20, s11, $0xb8;
	[tilespmem:$0x1F500] =	vst v63  }
0xd5: {  	_ =	swait.ge [sflag:s16], $0x4000  }
0xd6: {  	[sflag:s16] =	ssyncset.done $0x0  }
0xd7: {  	s21 =	simm.s32 $0x1480;
	[sflag:s16] =	ssyncadd.s32 $0xFFFFC000  }
0xd8: {  	[spmem:s2] =	stream.indirect.scatter.add.f32 [tilespmem:s13], [sflag:$0x3], $0x80, s21, s11, $0xb8;
	[tilespmem:$0x1F500] =	vst v63  }
0xd9: {  	_ =	swait.ge [sflag:s8], $0x4000  }
0xda: {  	[sflag:s8] =	ssyncset.done $0x0  }
0xdb: {  	s19 =	simm.s32 $0x400;
	s20 =	simm.s32 $0x180;
	[sflag:s8] =	ssyncadd.s32 $0xFFFFC000  }
.LBB2_6:
0xdc: {  	[tilespmem:s13], [sflag:$0x2] =	stream.indirect.gather [hbm4b:s4+s11], $0x80, s20, s11, $0xb8;
	[tilespmem:$0x1F500] =	vst v63  }
0xdd: {  	s20 =	smov.u32 s19  }
0xde: {  	p1 =	sne.s32 s19, $0x4800;
	s19 =	sadd.s32 $0x400, s19;
	_ =	swait.ge [sflag:s14], $0x4000  }
0xdf: {  	s20 =	sshra.s32 s20, $0x2;
	[sflag:s14] =	ssyncset.done $0x0  }
0xe0: {  	s21 =	sadd.s32 $0x1400, s20;
	[sflag:s14] =	ssyncadd.s32 $0xFFFFC000  }
0xe1: {  	[spmem:s2] =	stream.indirect.scatter.add.f32 [tilespmem:s12], [sflag:$0x3], $0x80, s21, s11, $0xb8;
	[tilespmem:$0x1F500] =	vst v63  }
0xe2: {  	_ =	swait.ge [sflag:s8], $0x4000  }
0xe3: {  	[sflag:s8] =	ssyncset.done $0x0  }
0xe4: {  	s21 =	sadd.s32 $0x100, s20;
	[sflag:s8] =	ssyncadd.s32 $0xFFFFC000  }
0xe5: {  	[tilespmem:s12], [sflag:$0x1] =	stream.indirect.gather [hbm4b:s4+s11], $0x80, s21, s11, $0xb8;
	[tilespmem:$0x1F500] =	vst v63  }
0xe6: {  	_ =	swait.ge [sflag:s16], $0x4000  }
0xe7: {  	[sflag:s16] =	ssyncset.done $0x0  }
.Ltmp2:
0xe8: {  	s21 =	sadd.s32 $0x1480, s20;
	[sflag:s16] =	ssyncadd.s32 $0xFFFFC000;
	(pc) =	sbr.rel @p1 .LBB2_6-.Ltmp2, $4  }
0xe9: {  	[spmem:s2] =	stream.indirect.scatter.add.f32 [tilespmem:s13], [sflag:$0x3], $0x80, s21, s11, $0xb8;
	[tilespmem:$0x1F500] =	vst v63  }
0xea: {  	_ =	swait.ge [sflag:s8], $0x4000  }
0xeb: {  	[sflag:s8] =	ssyncset.done $0x0  }
0xec: {  	s20 =	sadd.s32 $0x180, s20;
	[sflag:s8] =	ssyncadd.s32 $0xFFFFC000  }
0xed: {  	[tilespmem:s13], [sflag:$0x2] =	stream.indirect.gather [hbm4b:s4+s11], $0x80, s20, s11, $0xb8;
	[tilespmem:$0x1F500] =	vst v63  }
0xee: {  	_ =	swait.ge [sflag:s14], $0x4000  }
0xef: {  	[sflag:s14] =	ssyncset.done $0x0  }
0xf0: {  	[sflag:s14] =	ssyncadd.s32 $0xFFFFC000  }
0xf1: {  	[spmem:s2] =	stream.indirect.scatter.add.f32 [tilespmem:s12], [sflag:$0x3], $0x80, s17, s11, $0xb8;
	[tilespmem:$0x1F500] =	vst v63  }
0xf2: {  	_ =	swait.ge [sflag:s8], $0x4000  }
0xf3: {  	[sflag:s8] =	ssyncset.done $0x0  }
0xf4: {  	[sflag:s8] =	ssyncadd.s32 $0xFFFFC000  }
0xf5: {  	_ =	swait.ge [sflag:s16], $0x4000  }
0xf6: {  	[sflag:s16] =	ssyncset.done $0x0  }
0xf7: {  	[sflag:s16] =	ssyncadd.s32 $0xFFFFC000  }
0xf8: {  	[spmem:s2] =	stream.indirect.scatter.add.f32 [tilespmem:s13], [sflag:$0x3], $0x80, s18, s11, $0xb8;
	[tilespmem:$0x1F500] =	vst v63  }
0xf9: {  	_ =	swait.ge [sflag:s8], $0x4000  }
0xfa: {  	[sflag:s8] =	ssyncset.done $0x0  }
0xfb: {  	s19 =	stileid.u32;
	[sflag:s8] =	ssyncadd.s32 $0xFFFFC000  }
0xfc: {  	s19 =	sshll.u32 s19, $0x6;
	[bflag:$0x0] =	sbarrier.arrive $0xFFFF  }
0xfd: {  	s20 =	sshrl.u32 s9, $0x3;
	s19 =	sor.u32 $0x1C03, s19;
	s21 =	rddreg [dreg:$0xe]  }
0xfe: {  	[hbm:s21], [sflag:s19] =	dma.local [spmem:s20], $0xC80  }
0xff: {  	_ =	swait.ge [sflag:s8], $0xC80  }
0x100: {  	[sflag:s8] =	ssyncset.done $0x0  }
0x101: {  	s20 =	sshrl.u32 s15, $0x3;
	s21 =	rddreg [dreg:$0xf];
	[sflag:s8] =	ssyncadd.s32 $0xFFFFF380  }
0x102: {  	[hbm:s21], [sflag:s19] =	dma.local [spmem:s20], $0xC80  }
0x103: {  	_ =	swait.ge [sflag:s8], $0xC80  }
0x104: {  	[sflag:s8] =	ssyncset.done $0x0  }
0x105: {  	s20 =	sshrl.u32 s23, $0x3;
	s21 =	rddreg [dreg:$0x10];
	[sflag:s8] =	ssyncadd.s32 $0xFFFFF380  }
0x106: {  	[hbm:s21], [sflag:s19] =	dma.local [spmem:s20], $0xC80  }
0x107: {  	_ =	swait.ge [sflag:s8], $0xC80  }
0x108: {  	[sflag:s8] =	ssyncset.done $0x0  }
0x109: {  	s20 =	sshrl.u32 @!p0 s25, $0x3;
	s21 =	rddreg [dreg:$0x11];
	[sflag:s8] =	ssyncadd.s32 $0xFFFFF380  }
0x10a: {  	[hbm:s21], [sflag:s19] =	dma.local @!p0 [spmem:s20], $0xC80  }
0x10b: {  	s19 =	simm.s32 @!p0 $0x3  }
0x10c: {  	_ =	swait.ge @!p0 [sflag:s19], $0xC80  }
0x10d: {  	s3 =	sadd.s32 $0x1, s3;
	s21 =	rddreg [dreg:$0x7]  }
0x10e: {  	p1 =	sne.s32 s3, s21  }
.Ltmp3:
0x10f: {  	_ = 	snop;
	(pc) =	sbr.rel @p1 .LBB2_1-.Ltmp3, $3  }
0x110: {  	_ =	sdelay $0x1  }
0x111: {  	[sflag:s19] =	ssyncset.done @!p0 $0x0  }
0x112: {  	[sflag:s19] =	ssyncadd.s32 @!p0 $0xFFFFF380  }
0x113: {  	_ =	sfence.sel $0x180000  }
0x114: {  	[bflag:$0x0] =	sbarrier.arrive $0xFFFF  }
0x115: {  	_ =	strace $0x90000050  }
0x116: {  	s0 =	stileid.u32;
	[bflag:$0x2] =	sbarrier.arrive $0xFFFF  }
0x117: {  	p0 =	sne.s32 s0, $0x0;
	s0 =	rddreg [dreg:$0x2]  }
0x118: {  	s0 =	sadd.s32 @!p0 $0x100000, s0  }
0x119: {  	[sflag:s0] =	ssyncadd.tile.s32 @!p0 $0x1;
	_ =	shalt  }
.Lfunc_end2:
_tile_overlayer_lowered:
.L_overlay_start_2:
0x11a: {  	(tag) =	ssettag $0x2  }
0x11b: {  	s0 =	rddreg [dreg:$0x0];
	s2 =	stileid.u32  }
0x11c: {  	s1 =	rddreg [dreg:$0x1];
	p0 =	sne.s32 s2, $0x0  }
0x11d: {  	s3 =	rddreg [dreg:$0x2];
	[bflag:$0x3] =	sbarrier.arrive $0xFFFF;
	s2 =	simm.s32 @!p0 $0x1C03  }
0x11e: {  	[timem:s3], [sflag:s2] =	dma.local @!p0 [hbm:s0], s1  }
0x11f: {  	s0 =	simm.s32 @!p0 $0x3  }
0x120: {  	_ =	swait.ge @!p0 [sflag:s0], s1  }
0x121: {  	s1 =	ssub.s32 @!p0 $0x0, s1;
	[sflag:s0] =	ssyncset.done @!p0 $0x0  }
0x122: {  	[sflag:s0] =	ssyncadd.s32 @!p0 s1  }
0x123: {  	[bflag:$0x3] =	sbarrier.arrive $0xFFFF  }
0x124: {  	_ =	shalt  }

// kernel: kernel.9.cloned.1.call-start
scs
__scs_entry_jumppad:
0x0: {  	(pc) =	sbr.rel $0x88, $3  }
0x1: {  	(tag) =	ssettag $0x0;
	lr =	simm.s32 $0x1  }
0x2: {  	[smem:$0x3F94] =	sst lr;
	_ =	strace $0xD0000000  }
0x3: {  	_ = 	snop  }
0x4: {  	_ = 	snop  }
0x5: {  	_ = 	snop  }
0x6: {  	_ = 	snop  }
0x7: {  	_ = 	snop  }
__scs_overlays_trampoline_lowered:
0x8: {  	[smem:$0x3FA3] =	sst s0  }
0x9: {  	[smem:$0x3FA4] =	sst s1  }
0xa: {  	[smem:$0x3FA5] =	sst s2  }
0xb: {  	[smem:$0x3FA6] =	sst s3  }
0xc: {  	[smem:$0x3FA7] =	sst s4  }
0xd: {  	[smem:$0x3FA8] =	sst s5  }
0xe: {  	[smem:$0x3FA9] =	sst s6  }
0xf: {  	[smem:$0x3FAA] =	sst s7  }
0x10: {  	[smem:$0x3FAB] =	sst s8  }
0x11: {  	[smem:$0x3FAC] =	sst s9;
	s0 =	simm.s32 @!p0 $0x0  }
0x12: {  	s1 =	sld [smem:$0x3F92];
	s0 =	simm.s32 @p0 $0x1  }
0x13: {  	[smem:$0x3FAD] =	sst s0;
	s0 =	simm.s32 @!p1 $0x0  }
0x14: {  	s2 =	sld [smem:$0x3F91];
	s0 =	simm.s32 @p1 $0x1  }
0x15: {  	[smem:$0x3FAE] =	sst s0;
	s0 =	simm.s32 @!p2 $0x0  }
0x16: {  	s3 =	sld [smem:$0x3FDB];
	s0 =	simm.s32 @p2 $0x1  }
0x17: {  	s4 =	simm.s32 $0x1BF5;
	[smem:$0x3FB0] =	sst s0  }
0x18: {  	s0 =	sld [smem:$0x3F93];
	_ =	swait.ge [sflag:s4], $0x0  }
0x19: {  	s7 =	sld [smem:$0x3F94]  }
0x1a: {  	s8 =	sadd.s32 $0xFFFFE003, lr  }
0x1b: {  	s9 =	sadd.s32 $0xFFFFFEF7, lr;
	s5 =	simm.s32 $0xFFFFFFFF;
	p2 =	slt.u32 s8, $0xFFFFF086  }
0x1c: {  	p1 =	slt.u32 s9, $0xF7A;
	s5 =	simm.s32 @!p2 $0x0  }
0x1d: {  	s5 =	simm.s32 @p1 $0x1;
	p0 =	seq.s32 s7, s2  }
0x1e: {  	s7 =	smul.u32 @!p0 $0xF7A, s2;
	p2 =	seq.s32 @!p0 s5, $0x0  }
0x1f: {  	s9 =	smul.u32 $0xF7A, s1;
	s8 =	simm.s32 @!p0 $0x1BF5;
	p2 =	por !p2, p0  }
0x20: {  	[sflag:s8] =	ssyncset.s32 @!p0 $0xFFFFF086;
	s6 =	sadd.s32 @!p0 s3, s7;
	s7 =	simm.s32 @!p0 $0x108  }
0x21: {  	s3 =	sadd.s32 s3, s9;
	s6 =	sadd.s32 @!p0 $0x88, s6;
	s7 =	simm.s32 @p2 $0x1082  }
0x22: {  	[simem:s7], [sflag:s8] =	dma.local @!p0 [hbm:s6], $0xF7A  }
0x23: {  	s9 =	sor.u32 $0xD0000000, s2;
	s6 =	simm.s32 $0x108;
	_ =	swait.ge @!p0 [sflag:s8], $0x0  }
0x24: {  	s3 =	sadd.s32 $0x88, s3;
	s6 =	simm.s32 @!p1 $0x1082;
	[sflag:s4] =	ssyncset.s32 $0xFFFFF086  }
0x25: {  	[simem:s6], [sflag:s4] =	dma.local [hbm:s3], $0xF7A  }
0x26: {  	[smem:$0x3F94] =	sst s1;
	(tag) =	ssettag s2;
	_ =	strace s9  }
0x27: {  	s1 =	sld [smem:$0x3FA4]  }
0x28: {  	s2 =	sld [smem:$0x3FA5]  }
0x29: {  	s4 =	sld [smem:$0x3FA7]  }
0x2a: {  	p0 =	seq.s32 s5, $0x0;
	s5 =	sld [smem:$0x3FA8]  }
0x2b: {  	s6 =	sld [smem:$0x3FA9]  }
0x2c: {  	s7 =	sld [smem:$0x3FAA]  }
0x2d: {  	s3 =	simm.s32 $0x108;
	s8 =	sld [smem:$0x3FAB]  }
0x2e: {  	s3 =	simm.s32 @!p0 $0x1082;
	s9 =	sld [smem:$0x3FAC]  }
0x2f: {  	lr =	sadd.s32 s0, s3;
	s0 =	sld [smem:$0x3FA3]  }
0x30: {  	s3 =	sld [smem:$0x3FA6]  }
0x31: {  	[smem:$0x3FAF] =	sst s10  }
0x32: {  	s10 =	sld [smem:$0x3FAD];
	_ =	sdelay $0x3  }
0x33: {  	p0 =	seq.s32 s10, $0x1;
	s10 =	sld [smem:$0x3FAF];
	_ =	sdelay $0x3  }
0x34: {  	[smem:$0x3FAF] =	sst s10  }
0x35: {  	s10 =	sld [smem:$0x3FAE];
	_ =	sdelay $0x3  }
0x36: {  	p1 =	seq.s32 s10, $0x1;
	s10 =	sld [smem:$0x3FAF];
	_ =	sdelay $0x3  }
0x37: {  	[smem:$0x3FAF] =	sst s10  }
0x38: {  	s10 =	sld [smem:$0x3FB0]  }
0x39: {  	_ = 	snop;
	(pc) =	sbr.ind lr, $3  }
0x3a: {  	_ = 	snop  }
0x3b: {  	_ = 	snop  }
0x3c: {  	p2 =	seq.s32 s10, $0x1;
	s10 =	sld [smem:$0x3FAF]  }
0x3d: {  	_ =	shalt  }
0x3e: {  	_ =	shalt  }
0x3f: {  	_ =	shalt  }
0x40: {  	_ =	shalt  }
0x41: {  	_ =	shalt  }
0x42: {  	_ =	shalt  }
0x43: {  	_ =	shalt  }
0x44: {  	_ =	shalt  }
0x45: {  	_ =	shalt  }
0x46: {  	_ =	shalt  }
0x47: {  	_ =	shalt  }
0x48: {  	_ =	shalt  }
0x49: {  	_ =	shalt  }
0x4a: {  	_ =	shalt  }
0x4b: {  	_ =	shalt  }
0x4c: {  	_ =	shalt  }
0x4d: {  	_ =	shalt  }
0x4e: {  	_ =	shalt  }
0x4f: {  	_ =	shalt  }
0x50: {  	_ =	shalt  }
0x51: {  	_ =	shalt  }
0x52: {  	_ =	shalt  }
0x53: {  	_ =	shalt  }
0x54: {  	_ =	shalt  }
0x55: {  	_ =	shalt  }
0x56: {  	_ =	shalt  }
0x57: {  	_ =	shalt  }
0x58: {  	_ =	shalt  }
0x59: {  	_ =	shalt  }
0x5a: {  	_ =	shalt  }
0x5b: {  	_ =	shalt  }
0x5c: {  	_ =	shalt  }
0x5d: {  	_ =	shalt  }
0x5e: {  	_ =	shalt  }
0x5f: {  	_ =	shalt  }
0x60: {  	_ =	shalt  }
0x61: {  	_ =	shalt  }
0x62: {  	_ =	shalt  }
0x63: {  	_ =	shalt  }
0x64: {  	_ =	shalt  }
0x65: {  	_ =	shalt  }
0x66: {  	_ =	shalt  }
0x67: {  	_ =	shalt  }
0x68: {  	_ =	shalt  }
0x69: {  	_ =	shalt  }
0x6a: {  	_ =	shalt  }
0x6b: {  	_ =	shalt  }
0x6c: {  	_ =	shalt  }
0x6d: {  	_ =	shalt  }
0x6e: {  	_ =	shalt  }
0x6f: {  	_ =	shalt  }
0x70: {  	_ =	shalt  }
0x71: {  	_ =	shalt  }
0x72: {  	_ =	shalt  }
0x73: {  	_ =	shalt  }
0x74: {  	_ =	shalt  }
0x75: {  	_ =	shalt  }
0x76: {  	_ =	shalt  }
0x77: {  	_ =	shalt  }
0x78: {  	_ =	shalt  }
0x79: {  	_ =	shalt  }
0x7a: {  	_ =	shalt  }
0x7b: {  	_ =	shalt  }
0x7c: {  	_ =	shalt  }
0x7d: {  	_ =	shalt  }
0x7e: {  	_ =	shalt  }
0x7f: {  	_ =	shalt  }
0x80: {  	_ =	shalt  }
0x81: {  	_ =	shalt  }
0x82: {  	_ =	shalt  }
0x83: {  	_ =	shalt  }
0x84: {  	_ =	shalt  }
0x85: {  	_ =	shalt  }
0x86: {  	_ =	shalt  }
0x87: {  	_ =	shalt  }
.Lfunc_end0:
.L_simem_size_0:
called_computation_lowered:
.L_overlay_start_0:
0x88: {  	s2 =	sld [smem:$0x3FD9]  }
0x89: {  	s3 =	sld [smem:$0x3FFE];
	_ =	sdelay $0x1  }
0x8a: {  	s1 =	srdreg.scid  }
0x8b: {  	s0 =	sand.u32 $0x1, s1  }
0x8c: {  	s17 =	sshll.u32 s0, $0xA;
	s2 =	sadd.s32 s3, s2  }
0x8d: {  	s2 =	sadd.s32 s2, s17  }
0x8e: {  	[smem:$0x3FBB] =	sst s2  }
0x8f: {  	_ = 	snop  }
0x90: {  	(tm) =	ssettm $0x1  }
0x91: {  	s18 =	sld [smem:$0x3FFB];
	_ =	sdelay $0x3  }
0x92: {  	_ =	strace s18  }
0x93: {  	s2 =	sld [smem:$0x3FFC];
	_ =	sdelay $0x3  }
0x94: {  	_ =	strace s2  }
0x95: {  	s2 =	sld [smem:$0x3FFD];
	_ =	sdelay $0x3  }
0x96: {  	_ =	strace s2  }
0x97: {  	_ =	strace $0x8FFFFFFF  }
0x98: {  	s19 =	sld [smem:$0x3FDB];
	_ =	sdelay $0x1  }
0x99: {  	s20 =	simm.s32 $_scs_section_size  }
0x9a: {  	s4 =	simm.s32 $_size__tile_overlayer_lowered;
	s5 =	simm.s32 $_tile_overlayer_lowered  }
0x9b: {  	s6 =	simm.s32 $0x1BFF;
	s21 =	sshll.u32 s5, $0x1;
	s3 =	sadd.s32 s20, s19  }
0x9c: {  	s22 =	simm.s32 $0x0;
	s4 =	sshll.u32 s4, $0x1;
	s5 =	sadd.s32 s21, s3  }
0x9d: {  	[timem:s22], [sflag:s6] =	dma.local [hbm:s5], s4  }
0x9e: {  	_ =	swait.ge [sflag:s6], s4  }
0x9f: {  	s4 =	ssub.s32 $0x0, s4;
	[sflag:s6] =	ssyncset.done $0x0  }
0xa0: {  	[sflag:s6] =	ssyncadd.s32 s4;
	_ =	sdelay $0x1  }
0xa1: {  	s23 =	simm.s32 $0x1B8B  }
0xa2: {  	_ =	swait.ge [sflag:s23], $0x1  }
0xa3: {  	[sflag:s23] =	ssyncset.done $0x0  }
0xa4: {  	[sflag:s23] =	ssyncadd.s32 $0xFFFFFFFF  }
0xa5: {  	s4 =	sld [smem:$0x0]  }
0xa6: {  	s5 =	sand.u32 $0xFFFFFFFE, s1  }
0xa7: {  	p0 =	sne.s32 s1, s5  }
0xa8: {  	s5 =	sshll.u32 @p0 s5, $0xE  }
0xa9: {  	s5 =	sadd.s32 @p0 $0x11B8D, s5;
	s6 =	sshll.u32 @p0 s4, $0x11  }
0xaa: {  	s5 =	sor.u32 @p0 s6, s5  }
0xab: {  	[sflag:s5] =	ssyncadd.remote.s32 @p0 $0x1;
	_ =	sdelay $0x1  }
0xac: {  	s5 =	simm.s32 @p0 $0x1B8D  }
0xad: {  	_ =	swait.eq @p0 [sflag:s5], $0x1  }
0xae: {  	[sflag:s5] =	ssyncadd.s32 @p0 $0xFFFFFFFF  }
0xaf: {  	s6 =	sshll.u32 @!p0 s1, $0xE  }
0xb0: {  	s6 =	sor.u32 @!p0 $0x4000, s6;
	s5 =	simm.s32 @!p0 $0x1B8D  }
0xb1: {  	s4 =	sshll.u32 @!p0 s4, $0x11;
	s6 =	sadd.s32 @!p0 $0x11B8D, s6;
	_ =	swait.eq @!p0 [sflag:s5], $0x1  }
0xb2: {  	s4 =	sor.u32 @!p0 s4, s6;
	[sflag:s5] =	ssyncadd.s32 @!p0 $0xFFFFFFFF  }
0xb3: {  	s25 =	simm.s32 $0x1B8E;
	s24 =	sld [smem:$0x3FFE];
	[sflag:s4] =	ssyncadd.remote.s32 @!p0 $0x1  }
0xb4: {  	s26 =	simm.s32 $execute0_lowered;
	[smem:$0x3FD2] =	sst s25  }
0xb5: {  	s5 =	sshll.u32 s26, $0x1;
	_ =	strace $0x80000049;
	[dreg:$0x1] =	wrdreg $0xFFFFFFFF  }
0xb6: {  	s28 =	simm.s32 $_size_execute0_lowered;
	s3 =	sadd.s32 s3, s5;
	[dreg:$0x0] =	wrdreg $0x0  }
0xb7: {  	s5 =	sshll.u32 s28, $0x1;
	[dreg:$0x2] =	wrdreg s3  }
0xb8: {  	[dreg:$0x3] =	wrdreg s5  }
0xb9: {  	[dreg:$0x4] =	wrdreg $0xC0  }
0xba: {  	_ =	task [dreg:s22], $0x5FFFF  }
0xbb: {  	[dreg:$0x1] =	wrdreg $0xFFFFFFFF  }
0xbc: {  	[dreg:$0x0] =	wrdreg $0x60  }
0xbd: {  	[dreg:$0x2] =	wrdreg s24  }
0xbe: {  	[dreg:$0x3] =	wrdreg $0x54800  }
0xbf: {  	[dreg:$0x4] =	wrdreg $0x9  }
0xc0: {  	_ =	task.clear_ibuf [dreg:s22], $0x5FFFF;
	_ =	strace $0x90000049  }
0xc1: {  	s29 =	simm.s32 $0x9;
	_ =	strace $0x8000004B  }
0xc2: {  	_ =	swait.ge [sflag:s29], $0x1  }
0xc3: {  	[sflag:s29] =	ssyncadd.s32 $0xFFFFFFFF  }
0xc4: {  	_ =	strace $0x9000004B  }
0xc5: {  	_ =	sfence  }
0xc6: {  	s30 =	sld [smem:$0x0];
	_ =	sdelay $0x2  }
0xc7: {  	s31 =	sshll.u32 s1, $0xD;
	s1 =	sshrl.u32 s1, $0x2  }
0xc8: {  	s4 =	sand.u32 $0x4000, s31;
	s1 =	sadd.s32 s1, s30  }
0xc9: {  	s0 =	sor.u32 s4, s0;
	s1 =	sshll.u32 s1, $0x11  }
0xca: {  	s0 =	sor.u32 s1, s0  }
0xcb: {  	s0 =	sadd.s32 $0x8F2B, s0  }
0xcc: {  	[sflag:s0] =	ssyncadd.remote.s32 $0x1  }
0xcd: {  	_ =	sfence.sel $0xFFFF  }
0xce: {  	[dreg:$0x0] =	wrdreg $0xFFFFFFFF;
	(pc) =	sbr.abs _section_cstart, $3  }
0xcf: {  	[dreg:$0x1] =	wrdreg $0xFFFFFFFF  }
0xd0: {  	_ =	task.clear_ibuf [dreg:s22], $0x2FFFF;
	_ =	strace $0x9FFFFFFF  }
0xd1: {  	(tm) =	ssettm $0x7FFFFFFF  }
tec
execute0_lowered:
.L_overlay_start_1:
0x0: {  	(tag) =	ssettag $0x1  }
0x1: {  	s0 =	rddreg [dreg:$0x0]  }
0x2: {  	s1 =	rddreg [dreg:$0x1];
	s3 =	simm.s32 $0x0;
	s2 =	srdreg.scid  }
0x3: {  	s11 =	stileid.u32;
	[smem:$0x7FF] =	sst s3  }
0x4: {  	s2 =	sand.u32 $0x1, s2;
	s6 =	smul.u32 $0x19000, s11;
	s26 =	sor.u32 $0x10, s11  }
0x5: {  	s4 =	sshll.u32 s11, $0x5;
	s15 =	sor.u32 $0x20, s11;
	s9 =	smul.u32 $0x19000, s26  }
0x6: {  	s23 =	sor.u32 $0x30, s11;
	_ =	strace $0x8000004A;
	s17 =	smul.u32 $0x138800, s2  }
0x7: {  	s5 =	ssub.s32 $0x2, s2;
	s7 =	sadd.s32 s4, s0;
	s16 =	smul.u32 $0x19000, s15  }
0x8: {  	s0 =	sadd.s32 $0x6F200, s0;
	s4 =	sshll.u32 s11, $0x1;
	s20 =	smul.u32 $0x6400, s23  }
0x9: {  	p0 =	sgt.u32 s23, $0x31;
	s24 =	sshrl.u32 s5, $0x1;
	s25 =	sshrl.u32 s6, $0x2  }
0xa: {  	s6 =	smul.u32 $0x6400, s26;
	s8 =	ssub.s32 s5, s24;
	s5 =	sadd.s32 s25, s1  }
0xb: {  	s14 =	sshrl.u32 s9, $0x2;
	s9 =	smul.u32 $0x6400, s15;
	s8 =	smax.u32 s8, $0x1  }
0xc: {  	s24 =	smul.u32 $0x19000, s23;
	s12 =	sadd.s32 $0x1400, s5;
	[dreg:$0x3] =	wrdreg s8  }
0xd: {  	s25 =	sshll.u32 s2, $0x4;
	s13 =	sadd.s32 $0x2800, s5;
	[dreg:$0x4] =	wrdreg s12  }
0xe: {  	s2 =	simm.s32 $0x2;
	s10 =	sadd.s32 $0x3C00, s5;
	[dreg:$0x5] =	wrdreg s13  }
0xf: {  	s6 =	sadd.s32 s17, s6;
	[dreg:$0x6] =	wrdreg s10;
	s10 =	sadd.s32 s14, s1  }
0x10: {  	s12 =	sadd.s32 $0x5000, s5;
	s8 =	sshrl.u32 s16, $0x2;
	s9 =	sadd.s32 s17, s9  }
0x11: {  	s6 =	sshrl.u32 s6, $0x3;
	s26 =	sshrl.u32 s24, $0x2;
	[dreg:$0x7] =	wrdreg s12  }
0x12: {  	s18 =	sadd.s32 $0x1400, s10;
	s19 =	sadd.s32 $0x2800, s10;
	s14 =	sadd.s32 $0x3C00, s10  }
0x13: {  	s15 =	sadd.s32 $0x5000, s10;
	s16 =	sadd.s32 s8, s1;
	s8 =	sadd.s32 s17, s20  }
0x14: {  	s9 =	sshrl.u32 s9, $0x3;
	s24 =	sadd.s32 s26, s1;
	[dreg:$0x8] =	wrdreg s18  }
0x15: {  	s18 =	smul.u32 $0x6400, s11;
	[dreg:$0x9] =	wrdreg s19;
	s19 =	sadd.s32 s0, s9  }
0x16: {  	s22 =	sshrl.u32 s8, $0x3;
	s23 =	sadd.s32 $0x3C00, s16;
	s26 =	sadd.s32 $0x5000, s16  }
0x17: {  	s28 =	sadd.s32 $0x1400, s24;
	s29 =	sadd.s32 $0x2800, s24;
	s30 =	sadd.s32 $0x3C00, s24  }
0x18: {  	s31 =	sadd.s32 $0x5000, s24;
	s20 =	sadd.s32 s0, s22;
	s18 =	sadd.s32 s17, s18  }
0x19: {  	s22 =	sadd.s32 $0x2800, s16;
	s21 =	sshrl.u32 s18, $0x3;
	s18 =	sadd.s32 s0, s6  }
0x1a: {  	s6 =	simm.s32 $0x1;
	s17 =	sadd.s32 s0, s21;
	s0 =	sadd.s32 s25, s7  }
0x1b: {  	v0 =	vimm.f32 $1.000000000e+00;
	v1 =	vimm.f32 $0.0e+00;
	s21 =	sadd.s32 $0x1400, s16;
	s25 =	sadd.s32 $0x3200, s0;
	s0 =	simm.s32 $0x4080  }
.LBB2_1:
0x1c: {  	s7 =	simm.s32 $0x0;
	s8 =	simm.s32 $0x200  }
.LBB2_2:
0x1d: {  	p1 =	sne.s32 s8, $0xFE00;
	[tilespmem:s7+$0xF0] =	vst v0  }
0x1e: {  	[tilespmem:s7+$0x80] =	vst v0  }
0x1f: {  	[tilespmem:s7+$0x90] =	vst v0  }
.Ltmp0:
0x20: {  	[tilespmem:s7+$0xA0] =	vst v0;
	(pc) =	sbr.rel @p1 .LBB2_2-.Ltmp0, $4  }
0x21: {  	[tilespmem:s7+$0xB0] =	vst v0  }
0x22: {  	[tilespmem:s7+$0xC0] =	vst v0  }
0x23: {  	[tilespmem:s7+$0xD0] =	vst v0  }
0x24: {  	[tilespmem:s7+$0xE0] =	vst v0;
	s7 =	sshra.s32 s8, $0x2;
	s8 =	sadd.s32 $0x200, s8  }
0x25: {  	[tilespmem:s7+$0xF0] =	vst v0  }
0x26: {  	[tilespmem:s7+$0x80] =	vst v0  }
0x27: {  	[tilespmem:s7+$0x90] =	vst v0  }
0x28: {  	[tilespmem:s7+$0xA0] =	vst v0  }
0x29: {  	[tilespmem:s7+$0xB0] =	vst v0  }
0x2a: {  	[tilespmem:s7+$0xC0] =	vst v0  }
0x2b: {  	[tilespmem:s7+$0xD0] =	vst v0  }
0x2c: {  	[tilespmem:s7+$0xE0] =	vst v0;
	s7 =	simm.s32 $0x0;
	s8 =	simm.s32 $0x200  }
.LBB2_4:
0x2d: {  	p1 =	sne.s32 s8, $0x4E00;
	[tilespmem:s7+$0x40F0] =	vst v1  }
0x2e: {  	[tilespmem:s7+$0x4080] =	vst v1  }
0x2f: {  	[tilespmem:s7+$0x4090] =	vst v1  }
.Ltmp1:
0x30: {  	[tilespmem:s7+$0x40A0] =	vst v1;
	(pc) =	sbr.rel @p1 .LBB2_4-.Ltmp1, $4  }
0x31: {  	[tilespmem:s7+$0x40B0] =	vst v1  }
0x32: {  	[tilespmem:s7+$0x40C0] =	vst v1  }
0x33: {  	[tilespmem:s7+$0x40D0] =	vst v1  }
0x34: {  	[tilespmem:s7+$0x40E0] =	vst v1;
	s7 =	sshra.s32 s8, $0x2;
	s8 =	sadd.s32 $0x200, s8  }
0x35: {  	[tilespmem:s7+$0x40F0] =	vst v1  }
0x36: {  	[tilespmem:s7+$0x4080] =	vst v1  }
0x37: {  	[tilespmem:s7+$0x4090] =	vst v1  }
0x38: {  	[tilespmem:s7+$0x40A0] =	vst v1  }
0x39: {  	[tilespmem:s7+$0x40B0] =	vst v1  }
0x3a: {  	[tilespmem:s7+$0x40C0] =	vst v1  }
0x3b: {  	[tilespmem:s7+$0x40D0] =	vst v1  }
0x3c: {  	[tilespmem:s7+$0x40E0] =	vst v1  }
0x3d: {  	[spmem:s5] =	stream.linear.scatter [tilespmem:s0], [sflag:$0x2], $0x1400, $0x38;
	[tilespmem:$0x18D00] =	vst v63  }
0x3e: {  	_ =	swait.ge [sflag:s2], $0x1400  }
0x3f: {  	[sflag:s2] =	ssyncset.done $0x0  }
0x40: {  	s11 =	rddreg [dreg:$0x4];
	[sflag:s2] =	ssyncadd.s32 $0xFFFFEC00  }
0x41: {  	[spmem:s11] =	stream.linear.scatter [tilespmem:s0], [sflag:$0x2], $0x1400, $0x38;
	[tilespmem:$0x18D00] =	vst v63  }
0x42: {  	_ =	swait.ge [sflag:s2], $0x1400  }
0x43: {  	[sflag:s2] =	ssyncset.done $0x0  }
0x44: {  	s12 =	rddreg [dreg:$0x5];
	[sflag:s2] =	ssyncadd.s32 $0xFFFFEC00  }
0x45: {  	[spmem:s12] =	stream.linear.scatter [tilespmem:s0], [sflag:$0x2], $0x1400, $0x38;
	[tilespmem:$0x18D00] =	vst v63  }
0x46: {  	_ =	swait.ge [sflag:s2], $0x1400  }
0x47: {  	[sflag:s2] =	ssyncset.done $0x0  }
0x48: {  	s13 =	rddreg [dreg:$0x6];
	[sflag:s2] =	ssyncadd.s32 $0xFFFFEC00  }
0x49: {  	[spmem:s13] =	stream.linear.scatter [tilespmem:s0], [sflag:$0x2], $0x1400, $0x38;
	[tilespmem:$0x18D00] =	vst v63  }
0x4a: {  	_ =	swait.ge [sflag:s2], $0x1400  }
0x4b: {  	[sflag:s2] =	ssyncset.done $0x0  }
0x4c: {  	s8 =	rddreg [dreg:$0x7];
	[sflag:s2] =	ssyncadd.s32 $0xFFFFEC00  }
0x4d: {  	[spmem:s8] =	stream.linear.scatter [tilespmem:s0], [sflag:$0x1], $0x1400, $0x38;
	[tilespmem:$0x18D00] =	vst v63  }
0x4e: {  	_ =	swait.ge [sflag:s6], $0x1400  }
0x4f: {  	[sflag:s6] =	ssyncset.done $0x0  }
0x50: {  	[sflag:s6] =	ssyncadd.s32 $0xFFFFEC00  }
0x51: {  	[spmem:s10] =	stream.linear.scatter [tilespmem:s0], [sflag:$0x2], $0x1400, $0x38;
	[tilespmem:$0x18D00] =	vst v63  }
0x52: {  	_ =	swait.ge [sflag:s2], $0x1400  }
0x53: {  	[sflag:s2] =	ssyncset.done $0x0  }
0x54: {  	s9 =	rddreg [dreg:$0x8];
	[sflag:s2] =	ssyncadd.s32 $0xFFFFEC00  }
0x55: {  	[spmem:s9] =	stream.linear.scatter [tilespmem:s0], [sflag:$0x2], $0x1400, $0x38;
	[tilespmem:$0x18D00] =	vst v63  }
0x56: {  	_ =	swait.ge [sflag:s2], $0x1400  }
0x57: {  	[sflag:s2] =	ssyncset.done $0x0  }
0x58: {  	s11 =	rddreg [dreg:$0x9];
	[sflag:s2] =	ssyncadd.s32 $0xFFFFEC00  }
0x59: {  	[spmem:s11] =	stream.linear.scatter [tilespmem:s0], [sflag:$0x2], $0x1400, $0x38;
	[tilespmem:$0x18D00] =	vst v63  }
0x5a: {  	_ =	swait.ge [sflag:s2], $0x1400  }
0x5b: {  	[sflag:s2] =	ssyncset.done $0x0  }
0x5c: {  	[sflag:s2] =	ssyncadd.s32 $0xFFFFEC00  }
0x5d: {  	[spmem:s14] =	stream.linear.scatter [tilespmem:s0], [sflag:$0x2], $0x1400, $0x38;
	[tilespmem:$0x18D00] =	vst v63  }
0x5e: {  	_ =	swait.ge [sflag:s2], $0x1400  }
0x5f: {  	[sflag:s2] =	ssyncset.done $0x0  }
0x60: {  	[sflag:s2] =	ssyncadd.s32 $0xFFFFEC00  }
0x61: {  	[spmem:s15] =	stream.linear.scatter [tilespmem:s0], [sflag:$0x1], $0x1400, $0x38;
	[tilespmem:$0x18D00] =	vst v63  }
0x62: {  	_ =	swait.ge [sflag:s6], $0x1400  }
0x63: {  	[sflag:s6] =	ssyncset.done $0x0  }
0x64: {  	[sflag:s6] =	ssyncadd.s32 $0xFFFFEC00  }
0x65: {  	[spmem:s16] =	stream.linear.scatter [tilespmem:s0], [sflag:$0x2], $0x1400, $0x38;
	[tilespmem:$0x18D00] =	vst v63  }
0x66: {  	_ =	swait.ge [sflag:s2], $0x1400  }
0x67: {  	[sflag:s2] =	ssyncset.done $0x0  }
0x68: {  	[sflag:s2] =	ssyncadd.s32 $0xFFFFEC00  }
0x69: {  	[spmem:s21] =	stream.linear.scatter [tilespmem:s0], [sflag:$0x2], $0x1400, $0x38;
	[tilespmem:$0x18D00] =	vst v63  }
0x6a: {  	_ =	swait.ge [sflag:s2], $0x1400  }
0x6b: {  	[sflag:s2] =	ssyncset.done $0x0  }
0x6c: {  	[sflag:s2] =	ssyncadd.s32 $0xFFFFEC00  }
0x6d: {  	[spmem:s22] =	stream.linear.scatter [tilespmem:s0], [sflag:$0x2], $0x1400, $0x38;
	[tilespmem:$0x18D00] =	vst v63  }
0x6e: {  	_ =	swait.ge [sflag:s2], $0x1400  }
0x6f: {  	[sflag:s2] =	ssyncset.done $0x0  }
0x70: {  	[sflag:s2] =	ssyncadd.s32 $0xFFFFEC00  }
0x71: {  	[spmem:s23] =	stream.linear.scatter [tilespmem:s0], [sflag:$0x2], $0x1400, $0x38;
	[tilespmem:$0x18D00] =	vst v63  }
0x72: {  	_ =	swait.ge [sflag:s2], $0x1400  }
0x73: {  	[sflag:s2] =	ssyncset.done $0x0  }
0x74: {  	[sflag:s2] =	ssyncadd.s32 $0xFFFFEC00  }
0x75: {  	[spmem:s26] =	stream.linear.scatter [tilespmem:s0], [sflag:$0x1], $0x1400, $0x38;
	[tilespmem:$0x18D00] =	vst v63  }
0x76: {  	_ =	swait.ge [sflag:s6], $0x1400  }
0x77: {  	[sflag:s6] =	ssyncset.done $0x0  }
0x78: {  	s7 =	simm.s32 @!p0 $0x4080;
	s8 =	simm.s32 @!p0 $0x2;
	[sflag:s6] =	ssyncadd.s32 $0xFFFFEC00  }
0x79: {  	[spmem:s24] =	stream.linear.scatter @!p0 [tilespmem:s7], [sflag:$0x2], $0x1400, $0x38;
	[tilespmem:$0x18D00] =	vst v63  }
0x7a: {  	_ =	swait.ge @!p0 [sflag:s8], $0x1400  }
0x7b: {  	[sflag:s8] =	ssyncset.done @!p0 $0x0  }
0x7c: {  	[sflag:s8] =	ssyncadd.s32 @!p0 $0xFFFFEC00  }
0x7d: {  	[spmem:s28] =	stream.linear.scatter @!p0 [tilespmem:s7], [sflag:$0x2], $0x1400, $0x38;
	[tilespmem:$0x18D00] =	vst v63  }
0x7e: {  	_ =	swait.ge @!p0 [sflag:s8], $0x1400  }
0x7f: {  	[sflag:s8] =	ssyncset.done @!p0 $0x0  }
0x80: {  	[sflag:s8] =	ssyncadd.s32 @!p0 $0xFFFFEC00  }
0x81: {  	[spmem:s29] =	stream.linear.scatter @!p0 [tilespmem:s7], [sflag:$0x2], $0x1400, $0x38;
	[tilespmem:$0x18D00] =	vst v63  }
0x82: {  	_ =	swait.ge @!p0 [sflag:s8], $0x1400  }
0x83: {  	[sflag:s8] =	ssyncset.done @!p0 $0x0  }
0x84: {  	[sflag:s8] =	ssyncadd.s32 @!p0 $0xFFFFEC00  }
0x85: {  	[spmem:s30] =	stream.linear.scatter @!p0 [tilespmem:s7], [sflag:$0x2], $0x1400, $0x38;
	[tilespmem:$0x18D00] =	vst v63  }
0x86: {  	_ =	swait.ge @!p0 [sflag:s8], $0x1400  }
0x87: {  	[sflag:s8] =	ssyncset.done @!p0 $0x0  }
0x88: {  	[sflag:s8] =	ssyncadd.s32 @!p0 $0xFFFFEC00  }
0x89: {  	[spmem:s31] =	stream.linear.scatter @!p0 [tilespmem:s7], [sflag:$0x1], $0x1400, $0x38;
	[tilespmem:$0x18D00] =	vst v63  }
0x8a: {  	s7 =	simm.s32 @!p0 $0x1  }
0x8b: {  	_ =	swait.ge @!p0 [sflag:s7], $0x1400  }
0x8c: {  	s12 =	sadd.s32 $0x0, s4;
	[sflag:s7] =	ssyncset.done @!p0 $0x0  }
0x8d: {  	p1 =	sgt.u32 s12, $0x9C3;
	[sflag:s7] =	ssyncadd.s32 @!p0 $0xFFFFEC00  }
0x8e: {  	s8 =	simm.s32 @!p1 $0x2;
	s7 =	simm.s32 @!p1 $0x0;
	[bflag:$0x0] =	sbarrier.arrive $0xFFFF  }
0x8f: {  	[tilespmem:s7], [sflag:$0x2] =	stream.linear.gather @!p1 [hbm4b:s25+s7], $0x80, $0x38;
	[tilespmem:$0x18D00] =	vst v63  }
0x90: {  	_ =	swait.ge @!p1 [sflag:s8], $0x80  }
0x91: {  	p2 =	por p1, p1;
	[sflag:s8] =	ssyncset.done @!p1 $0x0  }
0x92: {  	s9 =	simm.s32 @!p1 $0x1;
	[sflag:s8] =	ssyncadd.s32 @!p1 $0xFFFFFF80;
	s8 =	simm.s32 @!p1 $0x80  }
0x93: {  	[spmem:s1] =	stream.indirect.scatter.add.f32 @!p1 [tilespmem:s8], [sflag:$0x1], $0x80, s7, s8, $0xb8;
	[tilespmem:$0x18D00] =	vst v63  }
0x94: {  	s13 =	sadd.s32 $0x20, s4;
	s7 =	simm.s32 $0x40;
	_ =	swait.ge @!p1 [sflag:s9], $0x4000  }
0x95: {  	s8 =	sadd.s32 $0x200, s25;
	p1 =	sgt.u32 s13, $0x9C3;
	[sflag:s9] =	ssyncset.done @!p2 $0x0  }
.LBB2_6:
0x96: {  	s11 =	simm.s32 @!p1 $0x0;
	s12 =	simm.s32 @!p1 $0x2  }
0x97: {  	[sflag:s9] =	ssyncadd.s32 @!p2 $0xFFFFC000;
	s13 =	smov.u32 s7;
	s7 =	sadd.s32 $0x20, s7  }
0x98: {  	[tilespmem:s11], [sflag:$0x2] =	stream.linear.gather @!p1 [hbm4b:s8+s11], $0x80, $0x38;
	[tilespmem:$0x18D00] =	vst v63  }
0x99: {  	p3 =	sne.s32 s7, $0x9E0;
	_ =	swait.ge @!p1 [sflag:s12], $0x80  }
.Ltmp2:
0x9a: {  	[sflag:s12] =	ssyncset.done @!p1 $0x0;
	(pc) =	sbr.rel @p3 .LBB2_6-.Ltmp2, $4  }
0x9b: {  	s9 =	simm.s32 @!p1 $0x1;
	[sflag:s12] =	ssyncadd.s32 @!p1 $0xFFFFFF80;
	s12 =	simm.s32 @!p1 $0x80  }
0x9c: {  	[spmem:s1] =	stream.indirect.scatter.add.f32 @!p1 [tilespmem:s12], [sflag:$0x1], $0x80, s11, s12, $0xb8;
	[tilespmem:$0x18D00] =	vst v63  }
0x9d: {  	p2 =	por p1, p1;
	s11 =	sadd.s32 s13, s4;
	_ =	swait.ge @!p1 [sflag:s9], $0x4000  }
0x9e: {  	s8 =	sadd.s32 $0x200, s8;
	p1 =	sgt.u32 s11, $0x9C3;
	[sflag:s9] =	ssyncset.done @!p2 $0x0  }
0x9f: {  	s7 =	simm.s32 @!p1 $0x0;
	s11 =	simm.s32 @!p1 $0x2;
	[sflag:s9] =	ssyncadd.s32 @!p2 $0xFFFFC000  }
0xa0: {  	[tilespmem:s7], [sflag:$0x2] =	stream.linear.gather @!p1 [hbm4b:s8+s7], $0x80, $0x38;
	[tilespmem:$0x18D00] =	vst v63  }
0xa1: {  	_ =	swait.ge @!p1 [sflag:s11], $0x80  }
0xa2: {  	[sflag:s11] =	ssyncset.done @!p1 $0x0  }
0xa3: {  	s9 =	simm.s32 @!p1 $0x1;
	s8 =	simm.s32 @!p1 $0x80;
	[sflag:s11] =	ssyncadd.s32 @!p1 $0xFFFFFF80  }
0xa4: {  	[spmem:s1] =	stream.indirect.scatter.add.f32 @!p1 [tilespmem:s8], [sflag:$0x1], $0x80, s7, s8, $0xb8;
	[tilespmem:$0x18D00] =	vst v63  }
0xa5: {  	_ =	swait.ge @!p1 [sflag:s9], $0x4000;
	p1 =	por p1, p1  }
0xa6: {  	s8 =	stileid.u32;
	[sflag:s9] =	ssyncset.done @!p1 $0x0  }
0xa7: {  	s7 =	sshll.u32 s8, $0x6;
	[sflag:s9] =	ssyncadd.s32 @!p1 $0xFFFFC000  }
0xa8: {  	s7 =	sor.u32 $0x1C01, s7;
	s9 =	sshrl.u32 s5, $0x3;
	[bflag:$0x0] =	sbarrier.arrive $0xFFFF  }
0xa9: {  	[hbm:s17], [sflag:s7] =	dma.local [spmem:s9], $0xC80  }
0xaa: {  	_ =	swait.ge [sflag:s6], $0xC80  }
0xab: {  	[sflag:s6] =	ssyncset.done $0x0  }
0xac: {  	s11 =	sshrl.u32 s10, $0x3;
	[sflag:s6] =	ssyncadd.s32 $0xFFFFF380  }
0xad: {  	[hbm:s18], [sflag:s7] =	dma.local [spmem:s11], $0xC80  }
0xae: {  	_ =	swait.ge [sflag:s6], $0xC80  }
0xaf: {  	[sflag:s6] =	ssyncset.done $0x0  }
0xb0: {  	s12 =	sshrl.u32 s16, $0x3;
	[sflag:s6] =	ssyncadd.s32 $0xFFFFF380  }
0xb1: {  	[hbm:s19], [sflag:s7] =	dma.local [spmem:s12], $0xC80  }
0xb2: {  	_ =	swait.ge [sflag:s6], $0xC80  }
0xb3: {  	[sflag:s6] =	ssyncset.done $0x0  }
0xb4: {  	s8 =	sshrl.u32 @!p0 s24, $0x3;
	[sflag:s6] =	ssyncadd.s32 $0xFFFFF380  }
0xb5: {  	[hbm:s20], [sflag:s7] =	dma.local @!p0 [spmem:s8], $0xC80  }
0xb6: {  	s7 =	simm.s32 @!p0 $0x1  }
0xb7: {  	_ =	swait.ge @!p0 [sflag:s7], $0xC80  }
0xb8: {  	s3 =	sadd.s32 $0x1, s3;
	s13 =	rddreg [dreg:$0x3]  }
0xb9: {  	p1 =	sne.s32 s3, s13  }
.Ltmp3:
0xba: {  	_ = 	snop;
	(pc) =	sbr.rel @p1 .LBB2_1-.Ltmp3, $3  }
0xbb: {  	_ =	sdelay $0x1  }
0xbc: {  	[sflag:s7] =	ssyncset.done @!p0 $0x0  }
0xbd: {  	[sflag:s7] =	ssyncadd.s32 @!p0 $0xFFFFF380  }
0xbe: {  	_ =	sfence.sel $0x180000  }
0xbf: {  	[bflag:$0x0] =	sbarrier.arrive $0xFFFF  }
0xc0: {  	_ =	strace $0x9000004A  }
0xc1: {  	s0 =	stileid.u32;
	[bflag:$0x2] =	sbarrier.arrive $0xFFFF  }
0xc2: {  	p0 =	sne.s32 s0, $0x0;
	s0 =	rddreg [dreg:$0x2]  }
0xc3: {  	s0 =	sadd.s32 @!p0 $0x100000, s0  }
0xc4: {  	[sflag:s0] =	ssyncadd.tile.s32 @!p0 $0x1;
	_ =	shalt  }
.Lfunc_end2:
_tile_overlayer_lowered:
.L_overlay_start_2:
0xc5: {  	(tag) =	ssettag $0x2  }
0xc6: {  	s0 =	rddreg [dreg:$0x0];
	s2 =	stileid.u32  }
0xc7: {  	s1 =	rddreg [dreg:$0x1];
	p0 =	sne.s32 s2, $0x0  }
0xc8: {  	s3 =	rddreg [dreg:$0x2];
	[bflag:$0x3] =	sbarrier.arrive $0xFFFF;
	s2 =	simm.s32 @!p0 $0x1C01  }
0xc9: {  	[timem:s3], [sflag:s2] =	dma.local @!p0 [hbm:s0], s1  }
0xca: {  	s0 =	simm.s32 @!p0 $0x1  }
0xcb: {  	_ =	swait.ge @!p0 [sflag:s0], s1  }
0xcc: {  	s1 =	ssub.s32 @!p0 $0x0, s1;
	[sflag:s0] =	ssyncset.done @!p0 $0x0  }
0xcd: {  	[sflag:s0] =	ssyncadd.s32 @!p0 s1  }
0xce: {  	[bflag:$0x3] =	sbarrier.arrive $0xFFFF  }
0xcf: {  	_ =	shalt  }

</sc_bundles>
